<compile_context>
chip_gen: v7x
topology: tpu7x:2x2x1
jax: 0.10.2.dev20260603
libtpu: 0.0.44.dev20260713+nightly
codegen_flags: <defaults>
</compile_context>

<pallas_src>
import jax
import jax.numpy as jnp
from jax import lax
from jax.experimental import pallas as pl
from jax.experimental.pallas import tpu as pltpu
from jax.experimental.pallas import tpu_sc as plsc

IN_C = 384
OUT_C = 192
HW = 224 * 224


def _topk_body(p_row_ref, p_col_ref, vals_ref, idx_ref):
    p_row = p_row_ref[...]
    p_col = p_col_ref[...]
    gt = (p_row > p_col).astype(jnp.int32)
    jj = lax.broadcasted_iota(jnp.int32, (IN_C, IN_C), 1)
    ii = lax.broadcasted_iota(jnp.int32, (IN_C, IN_C), 0)
    tie = ((p_row == p_col) & (jj < ii)).astype(jnp.int32)
    rank = jnp.sum(gt + tie, axis=1, keepdims=True)
    rr = lax.broadcasted_iota(jnp.int32, (IN_C, OUT_C), 1)
    m = rank == rr
    vals_ref[...] = jnp.sum(
        jnp.where(m, p_col, jnp.float32(0)), axis=0, keepdims=True)
    ii_c = lax.broadcasted_iota(jnp.int32, (IN_C, OUT_C), 0)
    idx_ref[...] = jnp.sum(
        jnp.where(m, ii_c, 0), axis=0, keepdims=True)


def _topk(params):
    p_row = params.reshape(1, IN_C)
    p_col = params.reshape(IN_C, 1)
    vals, idx = pl.pallas_call(
        _topk_body,
        out_shape=(
            jax.ShapeDtypeStruct((1, OUT_C), jnp.float32),
            jax.ShapeDtypeStruct((1, OUT_C), jnp.int32),
        ),
    )(p_row, p_col)
    return vals.reshape(OUT_C), idx.reshape(OUT_C)



NW = 32
NCH = 2 * OUT_C // NW
LIST_N = NCH * 8


def _sc_body(x_hbm, idx_hbm, w_hbm, out_hbm,
             sel_idx_v, sel_w_v, idx_list_v, w_list_v,
             buf0, buf1, g_sem0, g_sem1, s_sem0, s_sem1):
    wid = lax.axis_index("s") * 2 + lax.axis_index("c")
    half = wid >> 4
    jbase = (wid & 15) * NCH

    pltpu.sync_copy(idx_hbm, sel_idx_v)
    pltpu.sync_copy(w_hbm, sel_w_v)

    lanes = lax.iota(jnp.int32, 16)
    base_v = jnp.full((16,), jbase * 8, jnp.int32)
    c_outc = jnp.full((16,), OUT_C, jnp.int32)
    for k in range(LIST_N // 16):
        rvec = base_v + jnp.full((16,), k * 16, jnp.int32) + lanes
        j = (rvec >> 3) % c_outc
        ch = plsc.load_gather(sel_idx_v, [j])
        idx_list_v[pl.ds(k * 16, 16)] = jnp.full(
            (16,), half * IN_C, jnp.int32) + ch
        w_list_v[pl.ds(k * 16, 16)] = plsc.load_gather(sel_w_v, [j])

    bufs = (buf0, buf1)
    g_sems = (g_sem0, g_sem1)
    s_sems = (s_sem0, s_sem1)

    def gather(g):
        src = idx_list_v[pl.ds(g * 8, 16)][0]
        return pltpu.async_copy(
            x_hbm.at[pl.ds(src, 1)], bufs[g % 2], g_sems[g % 2])

    def scale_channel(bb, g):
        ws = jnp.full((16,), w_list_v[pl.ds(g * 8, 16)][0], jnp.float32)

        def body(h, _):
            for o in range(0, 224, 16):
                bb[0, h, pl.ds(o, 16)] = bb[0, h, pl.ds(o, 16)] * ws
            return 0

        lax.fori_loop(0, 224, body, 0)

    g_copies = [None] * NCH
    s_copies = [None] * NCH
    g_copies[0] = gather(0)
    for g in range(NCH):
        if g + 1 < NCH:
            if g >= 1:
                s_copies[g - 1].wait()
            g_copies[g + 1] = gather(g + 1)
        g_copies[g].wait()
        bb = bufs[g % 2]
        scale_channel(bb, g)
        s_copies[g] = pltpu.async_copy(
            bb, out_hbm.at[pl.ds(half * OUT_C + jbase + g, 1)],
            s_sems[g % 2])
    s_copies[NCH - 2].wait()
    s_copies[NCH - 1].wait()


def _sc_gather(x3, idx, w):
    mesh = plsc.VectorSubcoreMesh(core_axis_name="c", subcore_axis_name="s")
    f = pl.kernel(
        _sc_body,
        mesh=mesh,
        compiler_params=pltpu.CompilerParams(
            needs_layout_passes=False, use_tc_tiling_on_sc=True),
        out_type=jax.ShapeDtypeStruct((2 * OUT_C, 224, 224), jnp.float32),
        scratch_types=[
            pltpu.VMEM((OUT_C,), jnp.int32),
            pltpu.VMEM((OUT_C,), jnp.float32),
            pltpu.VMEM((LIST_N + 16,), jnp.int32),
            pltpu.VMEM((LIST_N + 16,), jnp.float32),
            pltpu.VMEM((1, 224, 224), jnp.float32),
            pltpu.VMEM((1, 224, 224), jnp.float32),
            pltpu.SemaphoreType.DMA,
            pltpu.SemaphoreType.DMA,
            pltpu.SemaphoreType.DMA,
            pltpu.SemaphoreType.DMA,
        ],
    )
    return f(x3, idx, w)


@jax.jit
def kernel(x, params):
    w, idx = _topk(params)
    x3 = x.reshape(2 * IN_C, 224, 224)
    out = _sc_gather(x3, idx, w)
    return out.reshape(2, OUT_C, 224, 224)

# --- scband reference (transcript-rebuilt; emitter-appended) ---
"""Pipeline reference for scband-channel-pool-19662360281600 (READ-ONLY COPY).

The authoritative reference and input builder live on the scoring server;
editing this copy changes nothing except your own understanding.
"""

import jax, jax.numpy as jnp
import numpy as np

IN_CHANNELS = 384
OUT_CHANNELS = 192

def setup_inputs(seed: int = 0) -> dict:
    key = jax.random.key(seed)
    k1, k2 = jax.random.split(key)
    x = jax.random.normal(k1, (2, IN_CHANNELS, 224, 224), dtype=jnp.float32)
    params = jax.random.normal(k2, (IN_CHANNELS,), dtype=jnp.float32)
    return {"x": x, "params": params}

def reference(x, params):
    # eval-mode path of ChannelPool: deterministic top-k over channel params
    sel_weight, indices = jax.lax.top_k(params, OUT_CHANNELS)
    # gather selected channels and scale
    gathered = jnp.take(x, indices, axis=1)
    result = sel_weight.reshape(1, -1, 1, 1) * gathered
    return result

if __name__ == "__main__":
    import jax
    _d = setup_inputs()
    print(jax.jit(kernel)(*tuple(_d.values())))

</pallas_src>

<mosaic_0001>
#map = affine_map<(d0, d1) -> (0, 0, 0)>
#map1 = affine_map<(d0, d1) -> (0)>
module attributes {stable_mosaic.version = 14 : i64} {
  func.func @_sc_body(%arg0: i32, %arg1: i32, %arg2: memref<768x224x224xf32, #tpu.memory_space<hbm>>, %arg3: memref<192xi32, #tpu.memory_space<hbm>>, %arg4: memref<192xf32, #tpu.memory_space<hbm>>, %arg5: memref<384x224x224xf32, #tpu.memory_space<hbm>>, %arg6: memref<192xi32, #tpu.memory_space<vmem>>, %arg7: memref<192xf32, #tpu.memory_space<vmem>>, %arg8: memref<112xi32, #tpu.memory_space<vmem>>, %arg9: memref<112xf32, #tpu.memory_space<vmem>>, %arg10: memref<1x224x224xf32, #tpu.memory_space<vmem>>, %arg11: memref<1x224x224xf32, #tpu.memory_space<vmem>>, %arg12: memref<!tpu.dma_semaphore, #tpu.memory_space<semaphore_mem>>, %arg13: memref<!tpu.dma_semaphore, #tpu.memory_space<semaphore_mem>>, %arg14: memref<!tpu.dma_semaphore, #tpu.memory_space<semaphore_mem>>, %arg15: memref<!tpu.dma_semaphore, #tpu.memory_space<semaphore_mem>>) attributes {dimension_semantics = [#tpu.dimension_semantics<core_parallel>, #tpu.dimension_semantics<subcore_parallel>], iteration_bounds = array<i64: 2, 16>, scalar_prefetch = 0 : i64, scratch_operands = 10 : i64, tpu.core_type = #tpu.core_type<sc_vector_subcore>, window_params = [{transform_indices = #map}, {transform_indices = #map1}, {transform_indices = #map1}, {transform_indices = #map}]} {
    %mul3A = arith.constant 2 : i32
    %mul3A_0 = arith.muli %arg1, %mul3A : i32
    %add3A = arith.addi %mul3A_0, %arg0 : i32
    %shift_right_arithmetic3A = arith.constant 4 : i32
    %shift_right_arithmetic3A_1 = arith.shrsi %add3A, %shift_right_arithmetic3A : i32
    %and3A = arith.constant 15 : i32
    %and3A_2 = arith.andi %add3A, %and3A : i32
    %mul3A_3 = arith.constant 12 : i32
    %mul3A_4 = arith.muli %and3A_2, %mul3A_3 : i32
    "tpu.region"() ({
      %run_scoped3A = tpu.sem_alloc : memref<!tpu.dma_semaphore, #tpu.memory_space<semaphore_mem>>
      tpu.enqueue_dma source(%arg3 : memref<192xi32, #tpu.memory_space<hbm>>) target(%arg6 : memref<192xi32, #tpu.memory_space<vmem>>) target_semaphore(%run_scoped3A : memref<!tpu.dma_semaphore, #tpu.memory_space<semaphore_mem>>)
      tpu.wait_dma2 semaphore(%run_scoped3A : memref<!tpu.dma_semaphore, #tpu.memory_space<semaphore_mem>>) src(%arg3 : memref<192xi32, #tpu.memory_space<hbm>>) dst(%arg6 : memref<192xi32, #tpu.memory_space<vmem>>)
      tpu.yield
    }) : () -> ()
    "tpu.region"() ({
      %run_scoped3A = tpu.sem_alloc : memref<!tpu.dma_semaphore, #tpu.memory_space<semaphore_mem>>
      tpu.enqueue_dma source(%arg4 : memref<192xf32, #tpu.memory_space<hbm>>) target(%arg7 : memref<192xf32, #tpu.memory_space<vmem>>) target_semaphore(%run_scoped3A : memref<!tpu.dma_semaphore, #tpu.memory_space<semaphore_mem>>)
      tpu.wait_dma2 semaphore(%run_scoped3A : memref<!tpu.dma_semaphore, #tpu.memory_space<semaphore_mem>>) src(%arg4 : memref<192xf32, #tpu.memory_space<hbm>>) dst(%arg7 : memref<192xf32, #tpu.memory_space<vmem>>)
      tpu.yield
    }) : () -> ()
    %iota3A = tpu.iota {dimensions = array<i32: 0>} : vector<16xi32>
    %mul3A_5 = arith.constant 8 : i32
    %mul3A_6 = arith.muli %mul3A_4, %mul3A_5 : i32
    %broadcast_in_dim3A = vector.broadcast %mul3A_6 : i32 to vector<16xi32>
    %broadcast_in_dim3A_7 = arith.constant 192 : i32
    %broadcast_in_dim3A_8 = vector.broadcast %broadcast_in_dim3A_7 : i32 to vector<16xi32>
    %broadcast_in_dim3A_9 = arith.constant 0 : i32
    %broadcast_in_dim3A_10 = vector.broadcast %broadcast_in_dim3A_9 : i32 to vector<16xi32>
    %add3A_11 = arith.addi %broadcast_in_dim3A, %broadcast_in_dim3A_10 : vector<16xi32>
    %add3A_12 = arith.addi %add3A_11, %iota3A : vector<16xi32>
    %shift_right_arithmetic3A_13 = arith.constant 3 : i32
    %shift_right_arithmetic3A_14 = vector.broadcast %shift_right_arithmetic3A_13 : i32 to vector<16xi32>
    %shift_right_arithmetic3A_15 = arith.shrsi %add3A_12, %shift_right_arithmetic3A_14 : vector<16xi32>
    %eq3A = arith.constant 0 : i32
    %eq3A_16 = vector.broadcast %eq3A : i32 to vector<16xi32>
    %eq3A_17 = arith.cmpi eq, %broadcast_in_dim3A_8, %eq3A_16 : vector<16xi32>
    %broadcast_in_dim3A_18 = arith.constant 1 : i32
    %broadcast_in_dim3A_19 = vector.broadcast %broadcast_in_dim3A_18 : i32 to vector<16xi32>
    %select_n3A = arith.select %eq3A_17, %broadcast_in_dim3A_19, %broadcast_in_dim3A_8 : vector<16xi1>, vector<16xi32>
    %rem3A = arith.remsi %shift_right_arithmetic3A_15, %select_n3A : vector<16xi32>
    %ne3A = arith.constant 0 : i32
    %ne3A_20 = vector.broadcast %ne3A : i32 to vector<16xi32>
    %ne3A_21 = arith.cmpi ne, %rem3A, %ne3A_20 : vector<16xi32>
    %lt3A = arith.constant 0 : i32
    %lt3A_22 = vector.broadcast %lt3A : i32 to vector<16xi32>
    %lt3A_23 = arith.cmpi slt, %rem3A, %lt3A_22 : vector<16xi32>
    %lt3A_24 = arith.constant 0 : i32
    %lt3A_25 = vector.broadcast %lt3A_24 : i32 to vector<16xi32>
    %lt3A_26 = arith.cmpi slt, %select_n3A, %lt3A_25 : vector<16xi32>
    %ne3A_27 = arith.xori %lt3A_23, %lt3A_26 : vector<16xi1>
    %and3A_28 = arith.andi %ne3A_27, %ne3A_21 : vector<16xi1>
    %add3A_29 = arith.addi %rem3A, %select_n3A : vector<16xi32>
    %select_n3A_30 = arith.select %and3A_28, %add3A_29, %rem3A : vector<16xi1>, vector<16xi32>
    %gather3A = tpu.vector_load_idx %arg6[%select_n3A_30] : memref<192xi32, #tpu.memory_space<vmem>>[vector<16xi32>], vector<16xi32>,
    %mul3A_31 = arith.constant 384 : i32
    %mul3A_32 = arith.muli %shift_right_arithmetic3A_1, %mul3A_31 : i32
    %broadcast_in_dim3A_33 = vector.broadcast %mul3A_32 : i32 to vector<16xi32>
    %add3A_34 = arith.addi %broadcast_in_dim3A_33, %gather3A : vector<16xi32>
    %swap3A = arith.constant 0 : index
    %swap3A_35 = tpu.vector_load %arg8[%swap3A] {strides = array<i32>} : memref<112xi32, #tpu.memory_space<vmem>>, vector<16xi32>,
    tpu.vector_store %arg8[%swap3A], %add3A_34 {strides = array<i32>} : memref<112xi32, #tpu.memory_space<vmem>>, vector<16xi32>,
    %gather3A_36 = tpu.vector_load_idx %arg7[%select_n3A_30] : memref<192xf32, #tpu.memory_space<vmem>>[vector<16xi32>], vector<16xf32>,
    %swap3A_37 = arith.constant 0 : index
    %swap3A_38 = tpu.vector_load %arg9[%swap3A_37] {strides = array<i32>} : memref<112xf32, #tpu.memory_space<vmem>>, vector<16xf32>,
    tpu.vector_store %arg9[%swap3A_37], %gather3A_36 {strides = array<i32>} : memref<112xf32, #tpu.memory_space<vmem>>, vector<16xf32>,
    %broadcast_in_dim3A_39 = arith.constant 16 : i32
    %broadcast_in_dim3A_40 = vector.broadcast %broadcast_in_dim3A_39 : i32 to vector<16xi32>
    %add3A_41 = arith.addi %broadcast_in_dim3A, %broadcast_in_dim3A_40 : vector<16xi32>
    %add3A_42 = arith.addi %add3A_41, %iota3A : vector<16xi32>
    %shift_right_arithmetic3A_43 = arith.constant 3 : i32
    %shift_right_arithmetic3A_44 = vector.broadcast %shift_right_arithmetic3A_43 : i32 to vector<16xi32>
    %shift_right_arithmetic3A_45 = arith.shrsi %add3A_42, %shift_right_arithmetic3A_44 : vector<16xi32>
    %eq3A_46 = arith.constant 0 : i32
    %eq3A_47 = vector.broadcast %eq3A_46 : i32 to vector<16xi32>
    %eq3A_48 = arith.cmpi eq, %broadcast_in_dim3A_8, %eq3A_47 : vector<16xi32>
    %broadcast_in_dim3A_49 = arith.constant 1 : i32
    %broadcast_in_dim3A_50 = vector.broadcast %broadcast_in_dim3A_49 : i32 to vector<16xi32>
    %select_n3A_51 = arith.select %eq3A_48, %broadcast_in_dim3A_50, %broadcast_in_dim3A_8 : vector<16xi1>, vector<16xi32>
    %rem3A_52 = arith.remsi %shift_right_arithmetic3A_45, %select_n3A_51 : vector<16xi32>
    %ne3A_53 = arith.constant 0 : i32
    %ne3A_54 = vector.broadcast %ne3A_53 : i32 to vector<16xi32>
    %ne3A_55 = arith.cmpi ne, %rem3A_52, %ne3A_54 : vector<16xi32>
    %lt3A_56 = arith.constant 0 : i32
    %lt3A_57 = vector.broadcast %lt3A_56 : i32 to vector<16xi32>
    %lt3A_58 = arith.cmpi slt, %rem3A_52, %lt3A_57 : vector<16xi32>
    %lt3A_59 = arith.constant 0 : i32
    %lt3A_60 = vector.broadcast %lt3A_59 : i32 to vector<16xi32>
    %lt3A_61 = arith.cmpi slt, %select_n3A_51, %lt3A_60 : vector<16xi32>
    %ne3A_62 = arith.xori %lt3A_58, %lt3A_61 : vector<16xi1>
    %and3A_63 = arith.andi %ne3A_62, %ne3A_55 : vector<16xi1>
    %add3A_64 = arith.addi %rem3A_52, %select_n3A_51 : vector<16xi32>
    %select_n3A_65 = arith.select %and3A_63, %add3A_64, %rem3A_52 : vector<16xi1>, vector<16xi32>
    %gather3A_66 = tpu.vector_load_idx %arg6[%select_n3A_65] : memref<192xi32, #tpu.memory_space<vmem>>[vector<16xi32>], vector<16xi32>,
    %mul3A_67 = arith.constant 384 : i32
    %mul3A_68 = arith.muli %shift_right_arithmetic3A_1, %mul3A_67 : i32
    %broadcast_in_dim3A_69 = vector.broadcast %mul3A_68 : i32 to vector<16xi32>
    %add3A_70 = arith.addi %broadcast_in_dim3A_69, %gather3A_66 : vector<16xi32>
    %swap3A_71 = arith.constant 16 : index
    %swap3A_72 = tpu.vector_load %arg8[%swap3A_71] {strides = array<i32>} : memref<112xi32, #tpu.memory_space<vmem>>, vector<16xi32>,
    tpu.vector_store %arg8[%swap3A_71], %add3A_70 {strides = array<i32>} : memref<112xi32, #tpu.memory_space<vmem>>, vector<16xi32>,
    %gather3A_73 = tpu.vector_load_idx %arg7[%select_n3A_65] : memref<192xf32, #tpu.memory_space<vmem>>[vector<16xi32>], vector<16xf32>,
    %swap3A_74 = arith.constant 16 : index
    %swap3A_75 = tpu.vector_load %arg9[%swap3A_74] {strides = array<i32>} : memref<112xf32, #tpu.memory_space<vmem>>, vector<16xf32>,
    tpu.vector_store %arg9[%swap3A_74], %gather3A_73 {strides = array<i32>} : memref<112xf32, #tpu.memory_space<vmem>>, vector<16xf32>,
    %broadcast_in_dim3A_76 = arith.constant 32 : i32
    %broadcast_in_dim3A_77 = vector.broadcast %broadcast_in_dim3A_76 : i32 to vector<16xi32>
    %add3A_78 = arith.addi %broadcast_in_dim3A, %broadcast_in_dim3A_77 : vector<16xi32>
    %add3A_79 = arith.addi %add3A_78, %iota3A : vector<16xi32>
    %shift_right_arithmetic3A_80 = arith.constant 3 : i32
    %shift_right_arithmetic3A_81 = vector.broadcast %shift_right_arithmetic3A_80 : i32 to vector<16xi32>
    %shift_right_arithmetic3A_82 = arith.shrsi %add3A_79, %shift_right_arithmetic3A_81 : vector<16xi32>
    %eq3A_83 = arith.constant 0 : i32
    %eq3A_84 = vector.broadcast %eq3A_83 : i32 to vector<16xi32>
    %eq3A_85 = arith.cmpi eq, %broadcast_in_dim3A_8, %eq3A_84 : vector<16xi32>
    %broadcast_in_dim3A_86 = arith.constant 1 : i32
    %broadcast_in_dim3A_87 = vector.broadcast %broadcast_in_dim3A_86 : i32 to vector<16xi32>
    %select_n3A_88 = arith.select %eq3A_85, %broadcast_in_dim3A_87, %broadcast_in_dim3A_8 : vector<16xi1>, vector<16xi32>
    %rem3A_89 = arith.remsi %shift_right_arithmetic3A_82, %select_n3A_88 : vector<16xi32>
    %ne3A_90 = arith.constant 0 : i32
    %ne3A_91 = vector.broadcast %ne3A_90 : i32 to vector<16xi32>
    %ne3A_92 = arith.cmpi ne, %rem3A_89, %ne3A_91 : vector<16xi32>
    %lt3A_93 = arith.constant 0 : i32
    %lt3A_94 = vector.broadcast %lt3A_93 : i32 to vector<16xi32>
    %lt3A_95 = arith.cmpi slt, %rem3A_89, %lt3A_94 : vector<16xi32>
    %lt3A_96 = arith.constant 0 : i32
    %lt3A_97 = vector.broadcast %lt3A_96 : i32 to vector<16xi32>
    %lt3A_98 = arith.cmpi slt, %select_n3A_88, %lt3A_97 : vector<16xi32>
    %ne3A_99 = arith.xori %lt3A_95, %lt3A_98 : vector<16xi1>
    %and3A_100 = arith.andi %ne3A_99, %ne3A_92 : vector<16xi1>
    %add3A_101 = arith.addi %rem3A_89, %select_n3A_88 : vector<16xi32>
    %select_n3A_102 = arith.select %and3A_100, %add3A_101, %rem3A_89 : vector<16xi1>, vector<16xi32>
    %gather3A_103 = tpu.vector_load_idx %arg6[%select_n3A_102] : memref<192xi32, #tpu.memory_space<vmem>>[vector<16xi32>], vector<16xi32>,
    %mul3A_104 = arith.constant 384 : i32
    %mul3A_105 = arith.muli %shift_right_arithmetic3A_1, %mul3A_104 : i32
    %broadcast_in_dim3A_106 = vector.broadcast %mul3A_105 : i32 to vector<16xi32>
    %add3A_107 = arith.addi %broadcast_in_dim3A_106, %gather3A_103 : vector<16xi32>
    %swap3A_108 = arith.constant 32 : index
    %swap3A_109 = tpu.vector_load %arg8[%swap3A_108] {strides = array<i32>} : memref<112xi32, #tpu.memory_space<vmem>>, vector<16xi32>,
    tpu.vector_store %arg8[%swap3A_108], %add3A_107 {strides = array<i32>} : memref<112xi32, #tpu.memory_space<vmem>>, vector<16xi32>,
    %gather3A_110 = tpu.vector_load_idx %arg7[%select_n3A_102] : memref<192xf32, #tpu.memory_space<vmem>>[vector<16xi32>], vector<16xf32>,
    %swap3A_111 = arith.constant 32 : index
    %swap3A_112 = tpu.vector_load %arg9[%swap3A_111] {strides = array<i32>} : memref<112xf32, #tpu.memory_space<vmem>>, vector<16xf32>,
    tpu.vector_store %arg9[%swap3A_111], %gather3A_110 {strides = array<i32>} : memref<112xf32, #tpu.memory_space<vmem>>, vector<16xf32>,
    %broadcast_in_dim3A_113 = arith.constant 48 : i32
    %broadcast_in_dim3A_114 = vector.broadcast %broadcast_in_dim3A_113 : i32 to vector<16xi32>
    %add3A_115 = arith.addi %broadcast_in_dim3A, %broadcast_in_dim3A_114 : vector<16xi32>
    %add3A_116 = arith.addi %add3A_115, %iota3A : vector<16xi32>
    %shift_right_arithmetic3A_117 = arith.constant 3 : i32
    %shift_right_arithmetic3A_118 = vector.broadcast %shift_right_arithmetic3A_117 : i32 to vector<16xi32>
    %shift_right_arithmetic3A_119 = arith.shrsi %add3A_116, %shift_right_arithmetic3A_118 : vector<16xi32>
    %eq3A_120 = arith.constant 0 : i32
    %eq3A_121 = vector.broadcast %eq3A_120 : i32 to vector<16xi32>
    %eq3A_122 = arith.cmpi eq, %broadcast_in_dim3A_8, %eq3A_121 : vector<16xi32>
    %broadcast_in_dim3A_123 = arith.constant 1 : i32
    %broadcast_in_dim3A_124 = vector.broadcast %broadcast_in_dim3A_123 : i32 to vector<16xi32>
    %select_n3A_125 = arith.select %eq3A_122, %broadcast_in_dim3A_124, %broadcast_in_dim3A_8 : vector<16xi1>, vector<16xi32>
    %rem3A_126 = arith.remsi %shift_right_arithmetic3A_119, %select_n3A_125 : vector<16xi32>
    %ne3A_127 = arith.constant 0 : i32
    %ne3A_128 = vector.broadcast %ne3A_127 : i32 to vector<16xi32>
    %ne3A_129 = arith.cmpi ne, %rem3A_126, %ne3A_128 : vector<16xi32>
    %lt3A_130 = arith.constant 0 : i32
    %lt3A_131 = vector.broadcast %lt3A_130 : i32 to vector<16xi32>
    %lt3A_132 = arith.cmpi slt, %rem3A_126, %lt3A_131 : vector<16xi32>
    %lt3A_133 = arith.constant 0 : i32
    %lt3A_134 = vector.broadcast %lt3A_133 : i32 to vector<16xi32>
    %lt3A_135 = arith.cmpi slt, %select_n3A_125, %lt3A_134 : vector<16xi32>
    %ne3A_136 = arith.xori %lt3A_132, %lt3A_135 : vector<16xi1>
    %and3A_137 = arith.andi %ne3A_136, %ne3A_129 : vector<16xi1>
    %add3A_138 = arith.addi %rem3A_126, %select_n3A_125 : vector<16xi32>
    %select_n3A_139 = arith.select %and3A_137, %add3A_138, %rem3A_126 : vector<16xi1>, vector<16xi32>
    %gather3A_140 = tpu.vector_load_idx %arg6[%select_n3A_139] : memref<192xi32, #tpu.memory_space<vmem>>[vector<16xi32>], vector<16xi32>,
    %mul3A_141 = arith.constant 384 : i32
    %mul3A_142 = arith.muli %shift_right_arithmetic3A_1, %mul3A_141 : i32
    %broadcast_in_dim3A_143 = vector.broadcast %mul3A_142 : i32 to vector<16xi32>
    %add3A_144 = arith.addi %broadcast_in_dim3A_143, %gather3A_140 : vector<16xi32>
    %swap3A_145 = arith.constant 48 : index
    %swap3A_146 = tpu.vector_load %arg8[%swap3A_145] {strides = array<i32>} : memref<112xi32, #tpu.memory_space<vmem>>, vector<16xi32>,
    tpu.vector_store %arg8[%swap3A_145], %add3A_144 {strides = array<i32>} : memref<112xi32, #tpu.memory_space<vmem>>, vector<16xi32>,
    %gather3A_147 = tpu.vector_load_idx %arg7[%select_n3A_139] : memref<192xf32, #tpu.memory_space<vmem>>[vector<16xi32>], vector<16xf32>,
    %swap3A_148 = arith.constant 48 : index
    %swap3A_149 = tpu.vector_load %arg9[%swap3A_148] {strides = array<i32>} : memref<112xf32, #tpu.memory_space<vmem>>, vector<16xf32>,
    tpu.vector_store %arg9[%swap3A_148], %gather3A_147 {strides = array<i32>} : memref<112xf32, #tpu.memory_space<vmem>>, vector<16xf32>,
    %broadcast_in_dim3A_150 = arith.constant 64 : i32
    %broadcast_in_dim3A_151 = vector.broadcast %broadcast_in_dim3A_150 : i32 to vector<16xi32>
    %add3A_152 = arith.addi %broadcast_in_dim3A, %broadcast_in_dim3A_151 : vector<16xi32>
    %add3A_153 = arith.addi %add3A_152, %iota3A : vector<16xi32>
    %shift_right_arithmetic3A_154 = arith.constant 3 : i32
    %shift_right_arithmetic3A_155 = vector.broadcast %shift_right_arithmetic3A_154 : i32 to vector<16xi32>
    %shift_right_arithmetic3A_156 = arith.shrsi %add3A_153, %shift_right_arithmetic3A_155 : vector<16xi32>
    %eq3A_157 = arith.constant 0 : i32
    %eq3A_158 = vector.broadcast %eq3A_157 : i32 to vector<16xi32>
    %eq3A_159 = arith.cmpi eq, %broadcast_in_dim3A_8, %eq3A_158 : vector<16xi32>
    %broadcast_in_dim3A_160 = arith.constant 1 : i32
    %broadcast_in_dim3A_161 = vector.broadcast %broadcast_in_dim3A_160 : i32 to vector<16xi32>
    %select_n3A_162 = arith.select %eq3A_159, %broadcast_in_dim3A_161, %broadcast_in_dim3A_8 : vector<16xi1>, vector<16xi32>
    %rem3A_163 = arith.remsi %shift_right_arithmetic3A_156, %select_n3A_162 : vector<16xi32>
    %ne3A_164 = arith.constant 0 : i32
    %ne3A_165 = vector.broadcast %ne3A_164 : i32 to vector<16xi32>
    %ne3A_166 = arith.cmpi ne, %rem3A_163, %ne3A_165 : vector<16xi32>
    %lt3A_167 = arith.constant 0 : i32
    %lt3A_168 = vector.broadcast %lt3A_167 : i32 to vector<16xi32>
    %lt3A_169 = arith.cmpi slt, %rem3A_163, %lt3A_168 : vector<16xi32>
    %lt3A_170 = arith.constant 0 : i32
    %lt3A_171 = vector.broadcast %lt3A_170 : i32 to vector<16xi32>
    %lt3A_172 = arith.cmpi slt, %select_n3A_162, %lt3A_171 : vector<16xi32>
    %ne3A_173 = arith.xori %lt3A_169, %lt3A_172 : vector<16xi1>
    %and3A_174 = arith.andi %ne3A_173, %ne3A_166 : vector<16xi1>
    %add3A_175 = arith.addi %rem3A_163, %select_n3A_162 : vector<16xi32>
    %select_n3A_176 = arith.select %and3A_174, %add3A_175, %rem3A_163 : vector<16xi1>, vector<16xi32>
    %gather3A_177 = tpu.vector_load_idx %arg6[%select_n3A_176] : memref<192xi32, #tpu.memory_space<vmem>>[vector<16xi32>], vector<16xi32>,
    %mul3A_178 = arith.constant 384 : i32
    %mul3A_179 = arith.muli %shift_right_arithmetic3A_1, %mul3A_178 : i32
    %broadcast_in_dim3A_180 = vector.broadcast %mul3A_179 : i32 to vector<16xi32>
    %add3A_181 = arith.addi %broadcast_in_dim3A_180, %gather3A_177 : vector<16xi32>
    %swap3A_182 = arith.constant 64 : index
    %swap3A_183 = tpu.vector_load %arg8[%swap3A_182] {strides = array<i32>} : memref<112xi32, #tpu.memory_space<vmem>>, vector<16xi32>,
    tpu.vector_store %arg8[%swap3A_182], %add3A_181 {strides = array<i32>} : memref<112xi32, #tpu.memory_space<vmem>>, vector<16xi32>,
    %gather3A_184 = tpu.vector_load_idx %arg7[%select_n3A_176] : memref<192xf32, #tpu.memory_space<vmem>>[vector<16xi32>], vector<16xf32>,
    %swap3A_185 = arith.constant 64 : index
    %swap3A_186 = tpu.vector_load %arg9[%swap3A_185] {strides = array<i32>} : memref<112xf32, #tpu.memory_space<vmem>>, vector<16xf32>,
    tpu.vector_store %arg9[%swap3A_185], %gather3A_184 {strides = array<i32>} : memref<112xf32, #tpu.memory_space<vmem>>, vector<16xf32>,
    %broadcast_in_dim3A_187 = arith.constant 80 : i32
    %broadcast_in_dim3A_188 = vector.broadcast %broadcast_in_dim3A_187 : i32 to vector<16xi32>
    %add3A_189 = arith.addi %broadcast_in_dim3A, %broadcast_in_dim3A_188 : vector<16xi32>
    %add3A_190 = arith.addi %add3A_189, %iota3A : vector<16xi32>
    %shift_right_arithmetic3A_191 = arith.constant 3 : i32
    %shift_right_arithmetic3A_192 = vector.broadcast %shift_right_arithmetic3A_191 : i32 to vector<16xi32>
    %shift_right_arithmetic3A_193 = arith.shrsi %add3A_190, %shift_right_arithmetic3A_192 : vector<16xi32>
    %eq3A_194 = arith.constant 0 : i32
    %eq3A_195 = vector.broadcast %eq3A_194 : i32 to vector<16xi32>
    %eq3A_196 = arith.cmpi eq, %broadcast_in_dim3A_8, %eq3A_195 : vector<16xi32>
    %broadcast_in_dim3A_197 = arith.constant 1 : i32
    %broadcast_in_dim3A_198 = vector.broadcast %broadcast_in_dim3A_197 : i32 to vector<16xi32>
    %select_n3A_199 = arith.select %eq3A_196, %broadcast_in_dim3A_198, %broadcast_in_dim3A_8 : vector<16xi1>, vector<16xi32>
    %rem3A_200 = arith.remsi %shift_right_arithmetic3A_193, %select_n3A_199 : vector<16xi32>
    %ne3A_201 = arith.constant 0 : i32
    %ne3A_202 = vector.broadcast %ne3A_201 : i32 to vector<16xi32>
    %ne3A_203 = arith.cmpi ne, %rem3A_200, %ne3A_202 : vector<16xi32>
    %lt3A_204 = arith.constant 0 : i32
    %lt3A_205 = vector.broadcast %lt3A_204 : i32 to vector<16xi32>
    %lt3A_206 = arith.cmpi slt, %rem3A_200, %lt3A_205 : vector<16xi32>
    %lt3A_207 = arith.constant 0 : i32
    %lt3A_208 = vector.broadcast %lt3A_207 : i32 to vector<16xi32>
    %lt3A_209 = arith.cmpi slt, %select_n3A_199, %lt3A_208 : vector<16xi32>
    %ne3A_210 = arith.xori %lt3A_206, %lt3A_209 : vector<16xi1>
    %and3A_211 = arith.andi %ne3A_210, %ne3A_203 : vector<16xi1>
    %add3A_212 = arith.addi %rem3A_200, %select_n3A_199 : vector<16xi32>
    %select_n3A_213 = arith.select %and3A_211, %add3A_212, %rem3A_200 : vector<16xi1>, vector<16xi32>
    %gather3A_214 = tpu.vector_load_idx %arg6[%select_n3A_213] : memref<192xi32, #tpu.memory_space<vmem>>[vector<16xi32>], vector<16xi32>,
    %mul3A_215 = arith.constant 384 : i32
    %mul3A_216 = arith.muli %shift_right_arithmetic3A_1, %mul3A_215 : i32
    %broadcast_in_dim3A_217 = vector.broadcast %mul3A_216 : i32 to vector<16xi32>
    %add3A_218 = arith.addi %broadcast_in_dim3A_217, %gather3A_214 : vector<16xi32>
    %swap3A_219 = arith.constant 80 : index
    %swap3A_220 = tpu.vector_load %arg8[%swap3A_219] {strides = array<i32>} : memref<112xi32, #tpu.memory_space<vmem>>, vector<16xi32>,
    tpu.vector_store %arg8[%swap3A_219], %add3A_218 {strides = array<i32>} : memref<112xi32, #tpu.memory_space<vmem>>, vector<16xi32>,
    %gather3A_221 = tpu.vector_load_idx %arg7[%select_n3A_213] : memref<192xf32, #tpu.memory_space<vmem>>[vector<16xi32>], vector<16xf32>,
    %swap3A_222 = arith.constant 80 : index
    %swap3A_223 = tpu.vector_load %arg9[%swap3A_222] {strides = array<i32>} : memref<112xf32, #tpu.memory_space<vmem>>, vector<16xf32>,
    tpu.vector_store %arg9[%swap3A_222], %gather3A_221 {strides = array<i32>} : memref<112xf32, #tpu.memory_space<vmem>>, vector<16xf32>,
    %get3A = arith.constant 0 : index
    %get3A_224 = tpu.vector_load %arg8[%get3A] {strides = array<i32>} : memref<112xi32, #tpu.memory_space<vmem>>, vector<16xi32>,
    %slice3A = vector.extract_strided_slice %get3A_224 {offsets = [0], sizes = [1], strides = [1]} : vector<16xi32> to vector<1xi32>
    %squeeze3A = vector.extract %slice3A[0] : i32 from vector<1xi32>
    %dma_start3A = arith.constant 0 : i32
    %dma_start3A_225 = arith.constant 0 : i32
    %dma_start3A_226 = tpu.memref_slice %arg2[%squeeze3A, %dma_start3A, %dma_start3A_225] : memref<768x224x224xf32, #tpu.memory_space<hbm>> -> memref<1x224x224xf32, #tpu.memory_space<hbm>>
    %dma_start3A_227 = arith.constant 0 : i32
    %dma_start3A_228 = arith.constant 0 : i32
    %dma_start3A_229 = tpu.memref_slice %arg2[%squeeze3A, %dma_start3A_227, %dma_start3A_228] : memref<768x224x224xf32, #tpu.memory_space<hbm>> -> memref<1x224x224xf32, #tpu.memory_space<hbm>>
    tpu.enqueue_dma source(%dma_start3A_229 : memref<1x224x224xf32, #tpu.memory_space<hbm>>) target(%arg10 : memref<1x224x224xf32, #tpu.memory_space<vmem>>) target_semaphore(%arg12 : memref<!tpu.dma_semaphore, #tpu.memory_space<semaphore_mem>>)
    %get3A_230 = arith.constant 8 : index
    %get3A_231 = tpu.vector_load %arg8[%get3A_230] {strides = array<i32>} : memref<112xi32, #tpu.memory_space<vmem>>, vector<16xi32>,
    %slice3A_232 = vector.extract_strided_slice %get3A_231 {offsets = [0], sizes = [1], strides = [1]} : vector<16xi32> to vector<1xi32>
    %squeeze3A_233 = vector.extract %slice3A_232[0] : i32 from vector<1xi32>
    %dma_start3A_234 = arith.constant 0 : i32
    %dma_start3A_235 = arith.constant 0 : i32
    %dma_start3A_236 = tpu.memref_slice %arg2[%squeeze3A_233, %dma_start3A_234, %dma_start3A_235] : memref<768x224x224xf32, #tpu.memory_space<hbm>> -> memref<1x224x224xf32, #tpu.memory_space<hbm>>
    %dma_start3A_237 = arith.constant 0 : i32
    %dma_start3A_238 = arith.constant 0 : i32
    %dma_start3A_239 = tpu.memref_slice %arg2[%squeeze3A_233, %dma_start3A_237, %dma_start3A_238] : memref<768x224x224xf32, #tpu.memory_space<hbm>> -> memref<1x224x224xf32, #tpu.memory_space<hbm>>
    tpu.enqueue_dma source(%dma_start3A_239 : memref<1x224x224xf32, #tpu.memory_space<hbm>>) target(%arg11 : memref<1x224x224xf32, #tpu.memory_space<vmem>>) target_semaphore(%arg13 : memref<!tpu.dma_semaphore, #tpu.memory_space<semaphore_mem>>)
    %dma_wait3A = arith.constant 0 : i32
    %dma_wait3A_240 = arith.constant 0 : i32
    %dma_wait3A_241 = tpu.memref_slice %arg2[%squeeze3A, %dma_wait3A, %dma_wait3A_240] : memref<768x224x224xf32, #tpu.memory_space<hbm>> -> memref<1x224x224xf32, #tpu.memory_space<hbm>>
    %dma_wait3A_242 = arith.constant 0 : i32
    %dma_wait3A_243 = arith.constant 0 : i32
    %dma_wait3A_244 = tpu.memref_slice %arg2[%squeeze3A, %dma_wait3A_242, %dma_wait3A_243] : memref<768x224x224xf32, #tpu.memory_space<hbm>> -> memref<1x224x224xf32, #tpu.memory_space<hbm>>
    tpu.wait_dma2 semaphore(%arg12 : memref<!tpu.dma_semaphore, #tpu.memory_space<semaphore_mem>>) src(%dma_wait3A_244 : memref<1x224x224xf32, #tpu.memory_space<hbm>>) dst(%arg10 : memref<1x224x224xf32, #tpu.memory_space<vmem>>)
    %get3A_245 = arith.constant 0 : index
    %get3A_246 = tpu.vector_load %arg9[%get3A_245] {strides = array<i32>} : memref<112xf32, #tpu.memory_space<vmem>>, vector<16xf32>,
    %slice3A_247 = vector.extract_strided_slice %get3A_246 {offsets = [0], sizes = [1], strides = [1]} : vector<16xf32> to vector<1xf32>
    %squeeze3A_248 = vector.extract %slice3A_247[0] : f32 from vector<1xf32>
    %broadcast_in_dim3A_249 = vector.broadcast %squeeze3A_248 : f32 to vector<16xf32>
    %scan3A = arith.constant 0 : i32
    %scan3A_250 = arith.constant 0 : i32
    %scan3A_251 = arith.constant 224 : i32
    %scan3A_252 = arith.addi %scan3A_250, %scan3A_251 : i32
    %scan3A_253 = arith.constant 1 : i32
    %scan3A_254 = scf.for %scan3A_758 = %scan3A_250 to %scan3A_252 step %scan3A_253 iter_args(%scan3A_759 = %scan3A) -> (i32)  : i32 {
      %get3A_760 = arith.constant 0 : i32
      %get3A_761 = arith.index_cast %get3A_760 : i32 to index
      %get3A_762 = arith.index_cast %scan3A_758 : i32 to index
      %get3A_763 = arith.constant 0 : index
      %get3A_764 = tpu.vector_load %arg10[%get3A_761, %get3A_762, %get3A_763] {strides = array<i32>} : memref<1x224x224xf32, #tpu.memory_space<vmem>>, vector<16xf32>,
      %mul3A_765 = arith.mulf %get3A_764, %broadcast_in_dim3A_249 : vector<16xf32>
      %swap3A_766 = arith.constant 0 : i32
      %swap3A_767 = arith.index_cast %swap3A_766 : i32 to index
      %swap3A_768 = arith.index_cast %scan3A_758 : i32 to index
      %swap3A_769 = arith.constant 0 : index
      %swap3A_770 = tpu.vector_load %arg10[%swap3A_767, %swap3A_768, %swap3A_769] {strides = array<i32>} : memref<1x224x224xf32, #tpu.memory_space<vmem>>, vector<16xf32>,
      tpu.vector_store %arg10[%swap3A_767, %swap3A_768, %swap3A_769], %mul3A_765 {strides = array<i32>} : memref<1x224x224xf32, #tpu.memory_space<vmem>>, vector<16xf32>,
      %get3A_771 = arith.constant 0 : i32
      %get3A_772 = arith.index_cast %get3A_771 : i32 to index
      %get3A_773 = arith.index_cast %scan3A_758 : i32 to index
      %get3A_774 = arith.constant 16 : index
      %get3A_775 = tpu.vector_load %arg10[%get3A_772, %get3A_773, %get3A_774] {strides = array<i32>} : memref<1x224x224xf32, #tpu.memory_space<vmem>>, vector<16xf32>,
      %mul3A_776 = arith.mulf %get3A_775, %broadcast_in_dim3A_249 : vector<16xf32>
      %swap3A_777 = arith.constant 0 : i32
      %swap3A_778 = arith.index_cast %swap3A_777 : i32 to index
      %swap3A_779 = arith.index_cast %scan3A_758 : i32 to index
      %swap3A_780 = arith.constant 16 : index
      %swap3A_781 = tpu.vector_load %arg10[%swap3A_778, %swap3A_779, %swap3A_780] {strides = array<i32>} : memref<1x224x224xf32, #tpu.memory_space<vmem>>, vector<16xf32>,
      tpu.vector_store %arg10[%swap3A_778, %swap3A_779, %swap3A_780], %mul3A_776 {strides = array<i32>} : memref<1x224x224xf32, #tpu.memory_space<vmem>>, vector<16xf32>,
      %get3A_782 = arith.constant 0 : i32
      %get3A_783 = arith.index_cast %get3A_782 : i32 to index
      %get3A_784 = arith.index_cast %scan3A_758 : i32 to index
      %get3A_785 = arith.constant 32 : index
      %get3A_786 = tpu.vector_load %arg10[%get3A_783, %get3A_784, %get3A_785] {strides = array<i32>} : memref<1x224x224xf32, #tpu.memory_space<vmem>>, vector<16xf32>,
      %mul3A_787 = arith.mulf %get3A_786, %broadcast_in_dim3A_249 : vector<16xf32>
      %swap3A_788 = arith.constant 0 : i32
      %swap3A_789 = arith.index_cast %swap3A_788 : i32 to index
      %swap3A_790 = arith.index_cast %scan3A_758 : i32 to index
      %swap3A_791 = arith.constant 32 : index
      %swap3A_792 = tpu.vector_load %arg10[%swap3A_789, %swap3A_790, %swap3A_791] {strides = array<i32>} : memref<1x224x224xf32, #tpu.memory_space<vmem>>, vector<16xf32>,
      tpu.vector_store %arg10[%swap3A_789, %swap3A_790, %swap3A_791], %mul3A_787 {strides = array<i32>} : memref<1x224x224xf32, #tpu.memory_space<vmem>>, vector<16xf32>,
      %get3A_793 = arith.constant 0 : i32
      %get3A_794 = arith.index_cast %get3A_793 : i32 to index
      %get3A_795 = arith.index_cast %scan3A_758 : i32 to index
      %get3A_796 = arith.constant 48 : index
      %get3A_797 = tpu.vector_load %arg10[%get3A_794, %get3A_795, %get3A_796] {strides = array<i32>} : memref<1x224x224xf32, #tpu.memory_space<vmem>>, vector<16xf32>,
      %mul3A_798 = arith.mulf %get3A_797, %broadcast_in_dim3A_249 : vector<16xf32>
      %swap3A_799 = arith.constant 0 : i32
      %swap3A_800 = arith.index_cast %swap3A_799 : i32 to index
      %swap3A_801 = arith.index_cast %scan3A_758 : i32 to index
      %swap3A_802 = arith.constant 48 : index
      %swap3A_803 = tpu.vector_load %arg10[%swap3A_800, %swap3A_801, %swap3A_802] {strides = array<i32>} : memref<1x224x224xf32, #tpu.memory_space<vmem>>, vector<16xf32>,
      tpu.vector_store %arg10[%swap3A_800, %swap3A_801, %swap3A_802], %mul3A_798 {strides = array<i32>} : memref<1x224x224xf32, #tpu.memory_space<vmem>>, vector<16xf32>,
      %get3A_804 = arith.constant 0 : i32
      %get3A_805 = arith.index_cast %get3A_804 : i32 to index
      %get3A_806 = arith.index_cast %scan3A_758 : i32 to index
      %get3A_807 = arith.constant 64 : index
      %get3A_808 = tpu.vector_load %arg10[%get3A_805, %get3A_806, %get3A_807] {strides = array<i32>} : memref<1x224x224xf32, #tpu.memory_space<vmem>>, vector<16xf32>,
      %mul3A_809 = arith.mulf %get3A_808, %broadcast_in_dim3A_249 : vector<16xf32>
      %swap3A_810 = arith.constant 0 : i32
      %swap3A_811 = arith.index_cast %swap3A_810 : i32 to index
      %swap3A_812 = arith.index_cast %scan3A_758 : i32 to index
      %swap3A_813 = arith.constant 64 : index
      %swap3A_814 = tpu.vector_load %arg10[%swap3A_811, %swap3A_812, %swap3A_813] {strides = array<i32>} : memref<1x224x224xf32, #tpu.memory_space<vmem>>, vector<16xf32>,
      tpu.vector_store %arg10[%swap3A_811, %swap3A_812, %swap3A_813], %mul3A_809 {strides = array<i32>} : memref<1x224x224xf32, #tpu.memory_space<vmem>>, vector<16xf32>,
      %get3A_815 = arith.constant 0 : i32
      %get3A_816 = arith.index_cast %get3A_815 : i32 to index
      %get3A_817 = arith.index_cast %scan3A_758 : i32 to index
      %get3A_818 = arith.constant 80 : index
      %get3A_819 = tpu.vector_load %arg10[%get3A_816, %get3A_817, %get3A_818] {strides = array<i32>} : memref<1x224x224xf32, #tpu.memory_space<vmem>>, vector<16xf32>,
      %mul3A_820 = arith.mulf %get3A_819, %broadcast_in_dim3A_249 : vector<16xf32>
      %swap3A_821 = arith.constant 0 : i32
      %swap3A_822 = arith.index_cast %swap3A_821 : i32 to index
      %swap3A_823 = arith.index_cast %scan3A_758 : i32 to index
      %swap3A_824 = arith.constant 80 : index
      %swap3A_825 = tpu.vector_load %arg10[%swap3A_822, %swap3A_823, %swap3A_824] {strides = array<i32>} : memref<1x224x224xf32, #tpu.memory_space<vmem>>, vector<16xf32>,
      tpu.vector_store %arg10[%swap3A_822, %swap3A_823, %swap3A_824], %mul3A_820 {strides = array<i32>} : memref<1x224x224xf32, #tpu.memory_space<vmem>>, vector<16xf32>,
      %get3A_826 = arith.constant 0 : i32
      %get3A_827 = arith.index_cast %get3A_826 : i32 to index
      %get3A_828 = arith.index_cast %scan3A_758 : i32 to index
      %get3A_829 = arith.constant 96 : index
      %get3A_830 = tpu.vector_load %arg10[%get3A_827, %get3A_828, %get3A_829] {strides = array<i32>} : memref<1x224x224xf32, #tpu.memory_space<vmem>>, vector<16xf32>,
      %mul3A_831 = arith.mulf %get3A_830, %broadcast_in_dim3A_249 : vector<16xf32>
      %swap3A_832 = arith.constant 0 : i32
      %swap3A_833 = arith.index_cast %swap3A_832 : i32 to index
      %swap3A_834 = arith.index_cast %scan3A_758 : i32 to index
      %swap3A_835 = arith.constant 96 : index
      %swap3A_836 = tpu.vector_load %arg10[%swap3A_833, %swap3A_834, %swap3A_835] {strides = array<i32>} : memref<1x224x224xf32, #tpu.memory_space<vmem>>, vector<16xf32>,
      tpu.vector_store %arg10[%swap3A_833, %swap3A_834, %swap3A_835], %mul3A_831 {strides = array<i32>} : memref<1x224x224xf32, #tpu.memory_space<vmem>>, vector<16xf32>,
      %get3A_837 = arith.constant 0 : i32
      %get3A_838 = arith.index_cast %get3A_837 : i32 to index
      %get3A_839 = arith.index_cast %scan3A_758 : i32 to index
      %get3A_840 = arith.constant 112 : index
      %get3A_841 = tpu.vector_load %arg10[%get3A_838, %get3A_839, %get3A_840] {strides = array<i32>} : memref<1x224x224xf32, #tpu.memory_space<vmem>>, vector<16xf32>,
      %mul3A_842 = arith.mulf %get3A_841, %broadcast_in_dim3A_249 : vector<16xf32>
      %swap3A_843 = arith.constant 0 : i32
      %swap3A_844 = arith.index_cast %swap3A_843 : i32 to index
      %swap3A_845 = arith.index_cast %scan3A_758 : i32 to index
      %swap3A_846 = arith.constant 112 : index
      %swap3A_847 = tpu.vector_load %arg10[%swap3A_844, %swap3A_845, %swap3A_846] {strides = array<i32>} : memref<1x224x224xf32, #tpu.memory_space<vmem>>, vector<16xf32>,
      tpu.vector_store %arg10[%swap3A_844, %swap3A_845, %swap3A_846], %mul3A_842 {strides = array<i32>} : memref<1x224x224xf32, #tpu.memory_space<vmem>>, vector<16xf32>,
      %get3A_848 = arith.constant 0 : i32
      %get3A_849 = arith.index_cast %get3A_848 : i32 to index
      %get3A_850 = arith.index_cast %scan3A_758 : i32 to index
      %get3A_851 = arith.constant 128 : index
      %get3A_852 = tpu.vector_load %arg10[%get3A_849, %get3A_850, %get3A_851] {strides = array<i32>} : memref<1x224x224xf32, #tpu.memory_space<vmem>>, vector<16xf32>,
      %mul3A_853 = arith.mulf %get3A_852, %broadcast_in_dim3A_249 : vector<16xf32>
      %swap3A_854 = arith.constant 0 : i32
      %swap3A_855 = arith.index_cast %swap3A_854 : i32 to index
      %swap3A_856 = arith.index_cast %scan3A_758 : i32 to index
      %swap3A_857 = arith.constant 128 : index
      %swap3A_858 = tpu.vector_load %arg10[%swap3A_855, %swap3A_856, %swap3A_857] {strides = array<i32>} : memref<1x224x224xf32, #tpu.memory_space<vmem>>, vector<16xf32>,
      tpu.vector_store %arg10[%swap3A_855, %swap3A_856, %swap3A_857], %mul3A_853 {strides = array<i32>} : memref<1x224x224xf32, #tpu.memory_space<vmem>>, vector<16xf32>,
      %get3A_859 = arith.constant 0 : i32
      %get3A_860 = arith.index_cast %get3A_859 : i32 to index
      %get3A_861 = arith.index_cast %scan3A_758 : i32 to index
      %get3A_862 = arith.constant 144 : index
      %get3A_863 = tpu.vector_load %arg10[%get3A_860, %get3A_861, %get3A_862] {strides = array<i32>} : memref<1x224x224xf32, #tpu.memory_space<vmem>>, vector<16xf32>,
      %mul3A_864 = arith.mulf %get3A_863, %broadcast_in_dim3A_249 : vector<16xf32>
      %swap3A_865 = arith.constant 0 : i32
      %swap3A_866 = arith.index_cast %swap3A_865 : i32 to index
      %swap3A_867 = arith.index_cast %scan3A_758 : i32 to index
      %swap3A_868 = arith.constant 144 : index
      %swap3A_869 = tpu.vector_load %arg10[%swap3A_866, %swap3A_867, %swap3A_868] {strides = array<i32>} : memref<1x224x224xf32, #tpu.memory_space<vmem>>, vector<16xf32>,
      tpu.vector_store %arg10[%swap3A_866, %swap3A_867, %swap3A_868], %mul3A_864 {strides = array<i32>} : memref<1x224x224xf32, #tpu.memory_space<vmem>>, vector<16xf32>,
      %get3A_870 = arith.constant 0 : i32
      %get3A_871 = arith.index_cast %get3A_870 : i32 to index
      %get3A_872 = arith.index_cast %scan3A_758 : i32 to index
      %get3A_873 = arith.constant 160 : index
      %get3A_874 = tpu.vector_load %arg10[%get3A_871, %get3A_872, %get3A_873] {strides = array<i32>} : memref<1x224x224xf32, #tpu.memory_space<vmem>>, vector<16xf32>,
      %mul3A_875 = arith.mulf %get3A_874, %broadcast_in_dim3A_249 : vector<16xf32>
      %swap3A_876 = arith.constant 0 : i32
      %swap3A_877 = arith.index_cast %swap3A_876 : i32 to index
      %swap3A_878 = arith.index_cast %scan3A_758 : i32 to index
      %swap3A_879 = arith.constant 160 : index
      %swap3A_880 = tpu.vector_load %arg10[%swap3A_877, %swap3A_878, %swap3A_879] {strides = array<i32>} : memref<1x224x224xf32, #tpu.memory_space<vmem>>, vector<16xf32>,
      tpu.vector_store %arg10[%swap3A_877, %swap3A_878, %swap3A_879], %mul3A_875 {strides = array<i32>} : memref<1x224x224xf32, #tpu.memory_space<vmem>>, vector<16xf32>,
      %get3A_881 = arith.constant 0 : i32
      %get3A_882 = arith.index_cast %get3A_881 : i32 to index
      %get3A_883 = arith.index_cast %scan3A_758 : i32 to index
      %get3A_884 = arith.constant 176 : index
      %get3A_885 = tpu.vector_load %arg10[%get3A_882, %get3A_883, %get3A_884] {strides = array<i32>} : memref<1x224x224xf32, #tpu.memory_space<vmem>>, vector<16xf32>,
      %mul3A_886 = arith.mulf %get3A_885, %broadcast_in_dim3A_249 : vector<16xf32>
      %swap3A_887 = arith.constant 0 : i32
      %swap3A_888 = arith.index_cast %swap3A_887 : i32 to index
      %swap3A_889 = arith.index_cast %scan3A_758 : i32 to index
      %swap3A_890 = arith.constant 176 : index
      %swap3A_891 = tpu.vector_load %arg10[%swap3A_888, %swap3A_889, %swap3A_890] {strides = array<i32>} : memref<1x224x224xf32, #tpu.memory_space<vmem>>, vector<16xf32>,
      tpu.vector_store %arg10[%swap3A_888, %swap3A_889, %swap3A_890], %mul3A_886 {strides = array<i32>} : memref<1x224x224xf32, #tpu.memory_space<vmem>>, vector<16xf32>,
      %get3A_892 = arith.constant 0 : i32
      %get3A_893 = arith.index_cast %get3A_892 : i32 to index
      %get3A_894 = arith.index_cast %scan3A_758 : i32 to index
      %get3A_895 = arith.constant 192 : index
      %get3A_896 = tpu.vector_load %arg10[%get3A_893, %get3A_894, %get3A_895] {strides = array<i32>} : memref<1x224x224xf32, #tpu.memory_space<vmem>>, vector<16xf32>,
      %mul3A_897 = arith.mulf %get3A_896, %broadcast_in_dim3A_249 : vector<16xf32>
      %swap3A_898 = arith.constant 0 : i32
      %swap3A_899 = arith.index_cast %swap3A_898 : i32 to index
      %swap3A_900 = arith.index_cast %scan3A_758 : i32 to index
      %swap3A_901 = arith.constant 192 : index
      %swap3A_902 = tpu.vector_load %arg10[%swap3A_899, %swap3A_900, %swap3A_901] {strides = array<i32>} : memref<1x224x224xf32, #tpu.memory_space<vmem>>, vector<16xf32>,
      tpu.vector_store %arg10[%swap3A_899, %swap3A_900, %swap3A_901], %mul3A_897 {strides = array<i32>} : memref<1x224x224xf32, #tpu.memory_space<vmem>>, vector<16xf32>,
      %get3A_903 = arith.constant 0 : i32
      %get3A_904 = arith.index_cast %get3A_903 : i32 to index
      %get3A_905 = arith.index_cast %scan3A_758 : i32 to index
      %get3A_906 = arith.constant 208 : index
      %get3A_907 = tpu.vector_load %arg10[%get3A_904, %get3A_905, %get3A_906] {strides = array<i32>} : memref<1x224x224xf32, #tpu.memory_space<vmem>>, vector<16xf32>,
      %mul3A_908 = arith.mulf %get3A_907, %broadcast_in_dim3A_249 : vector<16xf32>
      %swap3A_909 = arith.constant 0 : i32
      %swap3A_910 = arith.index_cast %swap3A_909 : i32 to index
      %swap3A_911 = arith.index_cast %scan3A_758 : i32 to index
      %swap3A_912 = arith.constant 208 : index
      %swap3A_913 = tpu.vector_load %arg10[%swap3A_910, %swap3A_911, %swap3A_912] {strides = array<i32>} : memref<1x224x224xf32, #tpu.memory_space<vmem>>, vector<16xf32>,
      tpu.vector_store %arg10[%swap3A_910, %swap3A_911, %swap3A_912], %mul3A_908 {strides = array<i32>} : memref<1x224x224xf32, #tpu.memory_space<vmem>>, vector<16xf32>,
      %scan3A_914 = arith.constant 0 : i32
      scf.yield %scan3A_914 : i32
    }
    %scan3A_255 = arith.constant 224 : i32
    %mul3A_256 = arith.constant 192 : i32
    %mul3A_257 = arith.muli %shift_right_arithmetic3A_1, %mul3A_256 : i32
    %add3A_258 = arith.addi %mul3A_257, %mul3A_4 : i32
    %add3A_259 = arith.constant 0 : i32
    %add3A_260 = arith.addi %add3A_258, %add3A_259 : i32
    %dma_start3A_261 = arith.constant 0 : i32
    %dma_start3A_262 = arith.constant 0 : i32
    %dma_start3A_263 = tpu.memref_slice %arg5[%add3A_260, %dma_start3A_261, %dma_start3A_262] : memref<384x224x224xf32, #tpu.memory_space<hbm>> -> memref<1x224x224xf32, #tpu.memory_space<hbm>>
    %dma_start3A_264 = arith.constant 0 : i32
    %dma_start3A_265 = arith.constant 0 : i32
    %dma_start3A_266 = tpu.memref_slice %arg5[%add3A_260, %dma_start3A_264, %dma_start3A_265] : memref<384x224x224xf32, #tpu.memory_space<hbm>> -> memref<1x224x224xf32, #tpu.memory_space<hbm>>
    tpu.enqueue_dma source(%arg10 : memref<1x224x224xf32, #tpu.memory_space<vmem>>) target(%dma_start3A_266 : memref<1x224x224xf32, #tpu.memory_space<hbm>>) target_semaphore(%arg14 : memref<!tpu.dma_semaphore, #tpu.memory_space<semaphore_mem>>)
    %dma_wait3A_267 = arith.constant 0 : i32
    %dma_wait3A_268 = arith.constant 0 : i32
    %dma_wait3A_269 = tpu.memref_slice %arg5[%add3A_260, %dma_wait3A_267, %dma_wait3A_268] : memref<384x224x224xf32, #tpu.memory_space<hbm>> -> memref<1x224x224xf32, #tpu.memory_space<hbm>>
    %dma_wait3A_270 = arith.constant 0 : i32
    %dma_wait3A_271 = arith.constant 0 : i32
    %dma_wait3A_272 = tpu.memref_slice %arg5[%add3A_260, %dma_wait3A_270, %dma_wait3A_271] : memref<384x224x224xf32, #tpu.memory_space<hbm>> -> memref<1x224x224xf32, #tpu.memory_space<hbm>>
    tpu.wait_dma2 semaphore(%arg14 : memref<!tpu.dma_semaphore, #tpu.memory_space<semaphore_mem>>) src(%arg10 : memref<1x224x224xf32, #tpu.memory_space<vmem>>) dst(%dma_wait3A_272 : memref<1x224x224xf32, #tpu.memory_space<hbm>>)
    %get3A_273 = arith.constant 16 : index
    %get3A_274 = tpu.vector_load %arg8[%get3A_273] {strides = array<i32>} : memref<112xi32, #tpu.memory_space<vmem>>, vector<16xi32>,
    %slice3A_275 = vector.extract_strided_slice %get3A_274 {offsets = [0], sizes = [1], strides = [1]} : vector<16xi32> to vector<1xi32>
    %squeeze3A_276 = vector.extract %slice3A_275[0] : i32 from vector<1xi32>
    %dma_start3A_277 = arith.constant 0 : i32
    %dma_start3A_278 = arith.constant 0 : i32
    %dma_start3A_279 = tpu.memref_slice %arg2[%squeeze3A_276, %dma_start3A_277, %dma_start3A_278] : memref<768x224x224xf32, #tpu.memory_space<hbm>> -> memref<1x224x224xf32, #tpu.memory_space<hbm>>
    %dma_start3A_280 = arith.constant 0 : i32
    %dma_start3A_281 = arith.constant 0 : i32
    %dma_start3A_282 = tpu.memref_slice %arg2[%squeeze3A_276, %dma_start3A_280, %dma_start3A_281] : memref<768x224x224xf32, #tpu.memory_space<hbm>> -> memref<1x224x224xf32, #tpu.memory_space<hbm>>
    tpu.enqueue_dma source(%dma_start3A_282 : memref<1x224x224xf32, #tpu.memory_space<hbm>>) target(%arg10 : memref<1x224x224xf32, #tpu.memory_space<vmem>>) target_semaphore(%arg12 : memref<!tpu.dma_semaphore, #tpu.memory_space<semaphore_mem>>)
    %dma_wait3A_283 = arith.constant 0 : i32
    %dma_wait3A_284 = arith.constant 0 : i32
    %dma_wait3A_285 = tpu.memref_slice %arg2[%squeeze3A_233, %dma_wait3A_283, %dma_wait3A_284] : memref<768x224x224xf32, #tpu.memory_space<hbm>> -> memref<1x224x224xf32, #tpu.memory_space<hbm>>
    %dma_wait3A_286 = arith.constant 0 : i32
    %dma_wait3A_287 = arith.constant 0 : i32
    %dma_wait3A_288 = tpu.memref_slice %arg2[%squeeze3A_233, %dma_wait3A_286, %dma_wait3A_287] : memref<768x224x224xf32, #tpu.memory_space<hbm>> -> memref<1x224x224xf32, #tpu.memory_space<hbm>>
    tpu.wait_dma2 semaphore(%arg13 : memref<!tpu.dma_semaphore, #tpu.memory_space<semaphore_mem>>) src(%dma_wait3A_288 : memref<1x224x224xf32, #tpu.memory_space<hbm>>) dst(%arg11 : memref<1x224x224xf32, #tpu.memory_space<vmem>>)
    %get3A_289 = arith.constant 8 : index
    %get3A_290 = tpu.vector_load %arg9[%get3A_289] {strides = array<i32>} : memref<112xf32, #tpu.memory_space<vmem>>, vector<16xf32>,
    %slice3A_291 = vector.extract_strided_slice %get3A_290 {offsets = [0], sizes = [1], strides = [1]} : vector<16xf32> to vector<1xf32>
    %squeeze3A_292 = vector.extract %slice3A_291[0] : f32 from vector<1xf32>
    %broadcast_in_dim3A_293 = vector.broadcast %squeeze3A_292 : f32 to vector<16xf32>
    %scan3A_294 = arith.constant 0 : i32
    %scan3A_295 = arith.constant 0 : i32
    %scan3A_296 = arith.constant 224 : i32
    %scan3A_297 = arith.addi %scan3A_295, %scan3A_296 : i32
    %scan3A_298 = arith.constant 1 : i32
    %scan3A_299 = scf.for %scan3A_758 = %scan3A_295 to %scan3A_297 step %scan3A_298 iter_args(%scan3A_759 = %scan3A_294) -> (i32)  : i32 {
      %get3A_760 = arith.constant 0 : i32
      %get3A_761 = arith.index_cast %get3A_760 : i32 to index
      %get3A_762 = arith.index_cast %scan3A_758 : i32 to index
      %get3A_763 = arith.constant 0 : index
      %get3A_764 = tpu.vector_load %arg11[%get3A_761, %get3A_762, %get3A_763] {strides = array<i32>} : memref<1x224x224xf32, #tpu.memory_space<vmem>>, vector<16xf32>,
      %mul3A_765 = arith.mulf %get3A_764, %broadcast_in_dim3A_293 : vector<16xf32>
      %swap3A_766 = arith.constant 0 : i32
      %swap3A_767 = arith.index_cast %swap3A_766 : i32 to index
      %swap3A_768 = arith.index_cast %scan3A_758 : i32 to index
      %swap3A_769 = arith.constant 0 : index
      %swap3A_770 = tpu.vector_load %arg11[%swap3A_767, %swap3A_768, %swap3A_769] {strides = array<i32>} : memref<1x224x224xf32, #tpu.memory_space<vmem>>, vector<16xf32>,
      tpu.vector_store %arg11[%swap3A_767, %swap3A_768, %swap3A_769], %mul3A_765 {strides = array<i32>} : memref<1x224x224xf32, #tpu.memory_space<vmem>>, vector<16xf32>,
      %get3A_771 = arith.constant 0 : i32
      %get3A_772 = arith.index_cast %get3A_771 : i32 to index
      %get3A_773 = arith.index_cast %scan3A_758 : i32 to index
      %get3A_774 = arith.constant 16 : index
      %get3A_775 = tpu.vector_load %arg11[%get3A_772, %get3A_773, %get3A_774] {strides = array<i32>} : memref<1x224x224xf32, #tpu.memory_space<vmem>>, vector<16xf32>,
      %mul3A_776 = arith.mulf %get3A_775, %broadcast_in_dim3A_293 : vector<16xf32>
      %swap3A_777 = arith.constant 0 : i32
      %swap3A_778 = arith.index_cast %swap3A_777 : i32 to index
      %swap3A_779 = arith.index_cast %scan3A_758 : i32 to index
      %swap3A_780 = arith.constant 16 : index
      %swap3A_781 = tpu.vector_load %arg11[%swap3A_778, %swap3A_779, %swap3A_780] {strides = array<i32>} : memref<1x224x224xf32, #tpu.memory_space<vmem>>, vector<16xf32>,
      tpu.vector_store %arg11[%swap3A_778, %swap3A_779, %swap3A_780], %mul3A_776 {strides = array<i32>} : memref<1x224x224xf32, #tpu.memory_space<vmem>>, vector<16xf32>,
      %get3A_782 = arith.constant 0 : i32
      %get3A_783 = arith.index_cast %get3A_782 : i32 to index
      %get3A_784 = arith.index_cast %scan3A_758 : i32 to index
      %get3A_785 = arith.constant 32 : index
      %get3A_786 = tpu.vector_load %arg11[%get3A_783, %get3A_784, %get3A_785] {strides = array<i32>} : memref<1x224x224xf32, #tpu.memory_space<vmem>>, vector<16xf32>,
      %mul3A_787 = arith.mulf %get3A_786, %broadcast_in_dim3A_293 : vector<16xf32>
      %swap3A_788 = arith.constant 0 : i32
      %swap3A_789 = arith.index_cast %swap3A_788 : i32 to index
      %swap3A_790 = arith.index_cast %scan3A_758 : i32 to index
      %swap3A_791 = arith.constant 32 : index
      %swap3A_792 = tpu.vector_load %arg11[%swap3A_789, %swap3A_790, %swap3A_791] {strides = array<i32>} : memref<1x224x224xf32, #tpu.memory_space<vmem>>, vector<16xf32>,
      tpu.vector_store %arg11[%swap3A_789, %swap3A_790, %swap3A_791], %mul3A_787 {strides = array<i32>} : memref<1x224x224xf32, #tpu.memory_space<vmem>>, vector<16xf32>,
      %get3A_793 = arith.constant 0 : i32
      %get3A_794 = arith.index_cast %get3A_793 : i32 to index
      %get3A_795 = arith.index_cast %scan3A_758 : i32 to index
      %get3A_796 = arith.constant 48 : index
      %get3A_797 = tpu.vector_load %arg11[%get3A_794, %get3A_795, %get3A_796] {strides = array<i32>} : memref<1x224x224xf32, #tpu.memory_space<vmem>>, vector<16xf32>,
      %mul3A_798 = arith.mulf %get3A_797, %broadcast_in_dim3A_293 : vector<16xf32>
      %swap3A_799 = arith.constant 0 : i32
      %swap3A_800 = arith.index_cast %swap3A_799 : i32 to index
      %swap3A_801 = arith.index_cast %scan3A_758 : i32 to index
      %swap3A_802 = arith.constant 48 : index
      %swap3A_803 = tpu.vector_load %arg11[%swap3A_800, %swap3A_801, %swap3A_802] {strides = array<i32>} : memref<1x224x224xf32, #tpu.memory_space<vmem>>, vector<16xf32>,
      tpu.vector_store %arg11[%swap3A_800, %swap3A_801, %swap3A_802], %mul3A_798 {strides = array<i32>} : memref<1x224x224xf32, #tpu.memory_space<vmem>>, vector<16xf32>,
      %get3A_804 = arith.constant 0 : i32
      %get3A_805 = arith.index_cast %get3A_804 : i32 to index
      %get3A_806 = arith.index_cast %scan3A_758 : i32 to index
      %get3A_807 = arith.constant 64 : index
      %get3A_808 = tpu.vector_load %arg11[%get3A_805, %get3A_806, %get3A_807] {strides = array<i32>} : memref<1x224x224xf32, #tpu.memory_space<vmem>>, vector<16xf32>,
      %mul3A_809 = arith.mulf %get3A_808, %broadcast_in_dim3A_293 : vector<16xf32>
      %swap3A_810 = arith.constant 0 : i32
      %swap3A_811 = arith.index_cast %swap3A_810 : i32 to index
      %swap3A_812 = arith.index_cast %scan3A_758 : i32 to index
      %swap3A_813 = arith.constant 64 : index
      %swap3A_814 = tpu.vector_load %arg11[%swap3A_811, %swap3A_812, %swap3A_813] {strides = array<i32>} : memref<1x224x224xf32, #tpu.memory_space<vmem>>, vector<16xf32>,
      tpu.vector_store %arg11[%swap3A_811, %swap3A_812, %swap3A_813], %mul3A_809 {strides = array<i32>} : memref<1x224x224xf32, #tpu.memory_space<vmem>>, vector<16xf32>,
      %get3A_815 = arith.constant 0 : i32
      %get3A_816 = arith.index_cast %get3A_815 : i32 to index
      %get3A_817 = arith.index_cast %scan3A_758 : i32 to index
      %get3A_818 = arith.constant 80 : index
      %get3A_819 = tpu.vector_load %arg11[%get3A_816, %get3A_817, %get3A_818] {strides = array<i32>} : memref<1x224x224xf32, #tpu.memory_space<vmem>>, vector<16xf32>,
      %mul3A_820 = arith.mulf %get3A_819, %broadcast_in_dim3A_293 : vector<16xf32>
      %swap3A_821 = arith.constant 0 : i32
      %swap3A_822 = arith.index_cast %swap3A_821 : i32 to index
      %swap3A_823 = arith.index_cast %scan3A_758 : i32 to index
      %swap3A_824 = arith.constant 80 : index
      %swap3A_825 = tpu.vector_load %arg11[%swap3A_822, %swap3A_823, %swap3A_824] {strides = array<i32>} : memref<1x224x224xf32, #tpu.memory_space<vmem>>, vector<16xf32>,
      tpu.vector_store %arg11[%swap3A_822, %swap3A_823, %swap3A_824], %mul3A_820 {strides = array<i32>} : memref<1x224x224xf32, #tpu.memory_space<vmem>>, vector<16xf32>,
      %get3A_826 = arith.constant 0 : i32
      %get3A_827 = arith.index_cast %get3A_826 : i32 to index
      %get3A_828 = arith.index_cast %scan3A_758 : i32 to index
      %get3A_829 = arith.constant 96 : index
      %get3A_830 = tpu.vector_load %arg11[%get3A_827, %get3A_828, %get3A_829] {strides = array<i32>} : memref<1x224x224xf32, #tpu.memory_space<vmem>>, vector<16xf32>,
      %mul3A_831 = arith.mulf %get3A_830, %broadcast_in_dim3A_293 : vector<16xf32>
      %swap3A_832 = arith.constant 0 : i32
      %swap3A_833 = arith.index_cast %swap3A_832 : i32 to index
      %swap3A_834 = arith.index_cast %scan3A_758 : i32 to index
      %swap3A_835 = arith.constant 96 : index
      %swap3A_836 = tpu.vector_load %arg11[%swap3A_833, %swap3A_834, %swap3A_835] {strides = array<i32>} : memref<1x224x224xf32, #tpu.memory_space<vmem>>, vector<16xf32>,
      tpu.vector_store %arg11[%swap3A_833, %swap3A_834, %swap3A_835], %mul3A_831 {strides = array<i32>} : memref<1x224x224xf32, #tpu.memory_space<vmem>>, vector<16xf32>,
      %get3A_837 = arith.constant 0 : i32
      %get3A_838 = arith.index_cast %get3A_837 : i32 to index
      %get3A_839 = arith.index_cast %scan3A_758 : i32 to index
      %get3A_840 = arith.constant 112 : index
      %get3A_841 = tpu.vector_load %arg11[%get3A_838, %get3A_839, %get3A_840] {strides = array<i32>} : memref<1x224x224xf32, #tpu.memory_space<vmem>>, vector<16xf32>,
      %mul3A_842 = arith.mulf %get3A_841, %broadcast_in_dim3A_293 : vector<16xf32>
      %swap3A_843 = arith.constant 0 : i32
      %swap3A_844 = arith.index_cast %swap3A_843 : i32 to index
      %swap3A_845 = arith.index_cast %scan3A_758 : i32 to index
      %swap3A_846 = arith.constant 112 : index
      %swap3A_847 = tpu.vector_load %arg11[%swap3A_844, %swap3A_845, %swap3A_846] {strides = array<i32>} : memref<1x224x224xf32, #tpu.memory_space<vmem>>, vector<16xf32>,
      tpu.vector_store %arg11[%swap3A_844, %swap3A_845, %swap3A_846], %mul3A_842 {strides = array<i32>} : memref<1x224x224xf32, #tpu.memory_space<vmem>>, vector<16xf32>,
      %get3A_848 = arith.constant 0 : i32
      %get3A_849 = arith.index_cast %get3A_848 : i32 to index
      %get3A_850 = arith.index_cast %scan3A_758 : i32 to index
      %get3A_851 = arith.constant 128 : index
      %get3A_852 = tpu.vector_load %arg11[%get3A_849, %get3A_850, %get3A_851] {strides = array<i32>} : memref<1x224x224xf32, #tpu.memory_space<vmem>>, vector<16xf32>,
      %mul3A_853 = arith.mulf %get3A_852, %broadcast_in_dim3A_293 : vector<16xf32>
      %swap3A_854 = arith.constant 0 : i32
      %swap3A_855 = arith.index_cast %swap3A_854 : i32 to index
      %swap3A_856 = arith.index_cast %scan3A_758 : i32 to index
      %swap3A_857 = arith.constant 128 : index
      %swap3A_858 = tpu.vector_load %arg11[%swap3A_855, %swap3A_856, %swap3A_857] {strides = array<i32>} : memref<1x224x224xf32, #tpu.memory_space<vmem>>, vector<16xf32>,
      tpu.vector_store %arg11[%swap3A_855, %swap3A_856, %swap3A_857], %mul3A_853 {strides = array<i32>} : memref<1x224x224xf32, #tpu.memory_space<vmem>>, vector<16xf32>,
      %get3A_859 = arith.constant 0 : i32
      %get3A_860 = arith.index_cast %get3A_859 : i32 to index
      %get3A_861 = arith.index_cast %scan3A_758 : i32 to index
      %get3A_862 = arith.constant 144 : index
      %get3A_863 = tpu.vector_load %arg11[%get3A_860, %get3A_861, %get3A_862] {strides = array<i32>} : memref<1x224x224xf32, #tpu.memory_space<vmem>>, vector<16xf32>,
      %mul3A_864 = arith.mulf %get3A_863, %broadcast_in_dim3A_293 : vector<16xf32>
      %swap3A_865 = arith.constant 0 : i32
      %swap3A_866 = arith.index_cast %swap3A_865 : i32 to index
      %swap3A_867 = arith.index_cast %scan3A_758 : i32 to index
      %swap3A_868 = arith.constant 144 : index
      %swap3A_869 = tpu.vector_load %arg11[%swap3A_866, %swap3A_867, %swap3A_868] {strides = array<i32>} : memref<1x224x224xf32, #tpu.memory_space<vmem>>, vector<16xf32>,
      tpu.vector_store %arg11[%swap3A_866, %swap3A_867, %swap3A_868], %mul3A_864 {strides = array<i32>} : memref<1x224x224xf32, #tpu.memory_space<vmem>>, vector<16xf32>,
      %get3A_870 = arith.constant 0 : i32
      %get3A_871 = arith.index_cast %get3A_870 : i32 to index
      %get3A_872 = arith.index_cast %scan3A_758 : i32 to index
      %get3A_873 = arith.constant 160 : index
      %get3A_874 = tpu.vector_load %arg11[%get3A_871, %get3A_872, %get3A_873] {strides = array<i32>} : memref<1x224x224xf32, #tpu.memory_space<vmem>>, vector<16xf32>,
      %mul3A_875 = arith.mulf %get3A_874, %broadcast_in_dim3A_293 : vector<16xf32>
      %swap3A_876 = arith.constant 0 : i32
      %swap3A_877 = arith.index_cast %swap3A_876 : i32 to index
      %swap3A_878 = arith.index_cast %scan3A_758 : i32 to index
      %swap3A_879 = arith.constant 160 : index
      %swap3A_880 = tpu.vector_load %arg11[%swap3A_877, %swap3A_878, %swap3A_879] {strides = array<i32>} : memref<1x224x224xf32, #tpu.memory_space<vmem>>, vector<16xf32>,
      tpu.vector_store %arg11[%swap3A_877, %swap3A_878, %swap3A_879], %mul3A_875 {strides = array<i32>} : memref<1x224x224xf32, #tpu.memory_space<vmem>>, vector<16xf32>,
      %get3A_881 = arith.constant 0 : i32
      %get3A_882 = arith.index_cast %get3A_881 : i32 to index
      %get3A_883 = arith.index_cast %scan3A_758 : i32 to index
      %get3A_884 = arith.constant 176 : index
      %get3A_885 = tpu.vector_load %arg11[%get3A_882, %get3A_883, %get3A_884] {strides = array<i32>} : memref<1x224x224xf32, #tpu.memory_space<vmem>>, vector<16xf32>,
      %mul3A_886 = arith.mulf %get3A_885, %broadcast_in_dim3A_293 : vector<16xf32>
      %swap3A_887 = arith.constant 0 : i32
      %swap3A_888 = arith.index_cast %swap3A_887 : i32 to index
      %swap3A_889 = arith.index_cast %scan3A_758 : i32 to index
      %swap3A_890 = arith.constant 176 : index
      %swap3A_891 = tpu.vector_load %arg11[%swap3A_888, %swap3A_889, %swap3A_890] {strides = array<i32>} : memref<1x224x224xf32, #tpu.memory_space<vmem>>, vector<16xf32>,
      tpu.vector_store %arg11[%swap3A_888, %swap3A_889, %swap3A_890], %mul3A_886 {strides = array<i32>} : memref<1x224x224xf32, #tpu.memory_space<vmem>>, vector<16xf32>,
      %get3A_892 = arith.constant 0 : i32
      %get3A_893 = arith.index_cast %get3A_892 : i32 to index
      %get3A_894 = arith.index_cast %scan3A_758 : i32 to index
      %get3A_895 = arith.constant 192 : index
      %get3A_896 = tpu.vector_load %arg11[%get3A_893, %get3A_894, %get3A_895] {strides = array<i32>} : memref<1x224x224xf32, #tpu.memory_space<vmem>>, vector<16xf32>,
      %mul3A_897 = arith.mulf %get3A_896, %broadcast_in_dim3A_293 : vector<16xf32>
      %swap3A_898 = arith.constant 0 : i32
      %swap3A_899 = arith.index_cast %swap3A_898 : i32 to index
      %swap3A_900 = arith.index_cast %scan3A_758 : i32 to index
      %swap3A_901 = arith.constant 192 : index
      %swap3A_902 = tpu.vector_load %arg11[%swap3A_899, %swap3A_900, %swap3A_901] {strides = array<i32>} : memref<1x224x224xf32, #tpu.memory_space<vmem>>, vector<16xf32>,
      tpu.vector_store %arg11[%swap3A_899, %swap3A_900, %swap3A_901], %mul3A_897 {strides = array<i32>} : memref<1x224x224xf32, #tpu.memory_space<vmem>>, vector<16xf32>,
      %get3A_903 = arith.constant 0 : i32
      %get3A_904 = arith.index_cast %get3A_903 : i32 to index
      %get3A_905 = arith.index_cast %scan3A_758 : i32 to index
      %get3A_906 = arith.constant 208 : index
      %get3A_907 = tpu.vector_load %arg11[%get3A_904, %get3A_905, %get3A_906] {strides = array<i32>} : memref<1x224x224xf32, #tpu.memory_space<vmem>>, vector<16xf32>,
      %mul3A_908 = arith.mulf %get3A_907, %broadcast_in_dim3A_293 : vector<16xf32>
      %swap3A_909 = arith.constant 0 : i32
      %swap3A_910 = arith.index_cast %swap3A_909 : i32 to index
      %swap3A_911 = arith.index_cast %scan3A_758 : i32 to index
      %swap3A_912 = arith.constant 208 : index
      %swap3A_913 = tpu.vector_load %arg11[%swap3A_910, %swap3A_911, %swap3A_912] {strides = array<i32>} : memref<1x224x224xf32, #tpu.memory_space<vmem>>, vector<16xf32>,
      tpu.vector_store %arg11[%swap3A_910, %swap3A_911, %swap3A_912], %mul3A_908 {strides = array<i32>} : memref<1x224x224xf32, #tpu.memory_space<vmem>>, vector<16xf32>,
      %scan3A_914 = arith.constant 0 : i32
      scf.yield %scan3A_914 : i32
    }
    %scan3A_300 = arith.constant 224 : i32
    %mul3A_301 = arith.constant 192 : i32
    %mul3A_302 = arith.muli %shift_right_arithmetic3A_1, %mul3A_301 : i32
    %add3A_303 = arith.addi %mul3A_302, %mul3A_4 : i32
    %add3A_304 = arith.constant 1 : i32
    %add3A_305 = arith.addi %add3A_303, %add3A_304 : i32
    %dma_start3A_306 = arith.constant 0 : i32
    %dma_start3A_307 = arith.constant 0 : i32
    %dma_start3A_308 = tpu.memref_slice %arg5[%add3A_305, %dma_start3A_306, %dma_start3A_307] : memref<384x224x224xf32, #tpu.memory_space<hbm>> -> memref<1x224x224xf32, #tpu.memory_space<hbm>>
    %dma_start3A_309 = arith.constant 0 : i32
    %dma_start3A_310 = arith.constant 0 : i32
    %dma_start3A_311 = tpu.memref_slice %arg5[%add3A_305, %dma_start3A_309, %dma_start3A_310] : memref<384x224x224xf32, #tpu.memory_space<hbm>> -> memref<1x224x224xf32, #tpu.memory_space<hbm>>
    tpu.enqueue_dma source(%arg11 : memref<1x224x224xf32, #tpu.memory_space<vmem>>) target(%dma_start3A_311 : memref<1x224x224xf32, #tpu.memory_space<hbm>>) target_semaphore(%arg15 : memref<!tpu.dma_semaphore, #tpu.memory_space<semaphore_mem>>)
    %dma_wait3A_312 = arith.constant 0 : i32
    %dma_wait3A_313 = arith.constant 0 : i32
    %dma_wait3A_314 = tpu.memref_slice %arg5[%add3A_305, %dma_wait3A_312, %dma_wait3A_313] : memref<384x224x224xf32, #tpu.memory_space<hbm>> -> memref<1x224x224xf32, #tpu.memory_space<hbm>>
    %dma_wait3A_315 = arith.constant 0 : i32
    %dma_wait3A_316 = arith.constant 0 : i32
    %dma_wait3A_317 = tpu.memref_slice %arg5[%add3A_305, %dma_wait3A_315, %dma_wait3A_316] : memref<384x224x224xf32, #tpu.memory_space<hbm>> -> memref<1x224x224xf32, #tpu.memory_space<hbm>>
    tpu.wait_dma2 semaphore(%arg15 : memref<!tpu.dma_semaphore, #tpu.memory_space<semaphore_mem>>) src(%arg11 : memref<1x224x224xf32, #tpu.memory_space<vmem>>) dst(%dma_wait3A_317 : memref<1x224x224xf32, #tpu.memory_space<hbm>>)
    %get3A_318 = arith.constant 24 : index
    %get3A_319 = tpu.vector_load %arg8[%get3A_318] {strides = array<i32>} : memref<112xi32, #tpu.memory_space<vmem>>, vector<16xi32>,
    %slice3A_320 = vector.extract_strided_slice %get3A_319 {offsets = [0], sizes = [1], strides = [1]} : vector<16xi32> to vector<1xi32>
    %squeeze3A_321 = vector.extract %slice3A_320[0] : i32 from vector<1xi32>
    %dma_start3A_322 = arith.constant 0 : i32
    %dma_start3A_323 = arith.constant 0 : i32
    %dma_start3A_324 = tpu.memref_slice %arg2[%squeeze3A_321, %dma_start3A_322, %dma_start3A_323] : memref<768x224x224xf32, #tpu.memory_space<hbm>> -> memref<1x224x224xf32, #tpu.memory_space<hbm>>
    %dma_start3A_325 = arith.constant 0 : i32
    %dma_start3A_326 = arith.constant 0 : i32
    %dma_start3A_327 = tpu.memref_slice %arg2[%squeeze3A_321, %dma_start3A_325, %dma_start3A_326] : memref<768x224x224xf32, #tpu.memory_space<hbm>> -> memref<1x224x224xf32, #tpu.memory_space<hbm>>
    tpu.enqueue_dma source(%dma_start3A_327 : memref<1x224x224xf32, #tpu.memory_space<hbm>>) target(%arg11 : memref<1x224x224xf32, #tpu.memory_space<vmem>>) target_semaphore(%arg13 : memref<!tpu.dma_semaphore, #tpu.memory_space<semaphore_mem>>)
    %dma_wait3A_328 = arith.constant 0 : i32
    %dma_wait3A_329 = arith.constant 0 : i32
    %dma_wait3A_330 = tpu.memref_slice %arg2[%squeeze3A_276, %dma_wait3A_328, %dma_wait3A_329] : memref<768x224x224xf32, #tpu.memory_space<hbm>> -> memref<1x224x224xf32, #tpu.memory_space<hbm>>
    %dma_wait3A_331 = arith.constant 0 : i32
    %dma_wait3A_332 = arith.constant 0 : i32
    %dma_wait3A_333 = tpu.memref_slice %arg2[%squeeze3A_276, %dma_wait3A_331, %dma_wait3A_332] : memref<768x224x224xf32, #tpu.memory_space<hbm>> -> memref<1x224x224xf32, #tpu.memory_space<hbm>>
    tpu.wait_dma2 semaphore(%arg12 : memref<!tpu.dma_semaphore, #tpu.memory_space<semaphore_mem>>) src(%dma_wait3A_333 : memref<1x224x224xf32, #tpu.memory_space<hbm>>) dst(%arg10 : memref<1x224x224xf32, #tpu.memory_space<vmem>>)
    %get3A_334 = arith.constant 16 : index
    %get3A_335 = tpu.vector_load %arg9[%get3A_334] {strides = array<i32>} : memref<112xf32, #tpu.memory_space<vmem>>, vector<16xf32>,
    %slice3A_336 = vector.extract_strided_slice %get3A_335 {offsets = [0], sizes = [1], strides = [1]} : vector<16xf32> to vector<1xf32>
    %squeeze3A_337 = vector.extract %slice3A_336[0] : f32 from vector<1xf32>
    %broadcast_in_dim3A_338 = vector.broadcast %squeeze3A_337 : f32 to vector<16xf32>
    %scan3A_339 = arith.constant 0 : i32
    %scan3A_340 = arith.constant 0 : i32
    %scan3A_341 = arith.constant 224 : i32
    %scan3A_342 = arith.addi %scan3A_340, %scan3A_341 : i32
    %scan3A_343 = arith.constant 1 : i32
    %scan3A_344 = scf.for %scan3A_758 = %scan3A_340 to %scan3A_342 step %scan3A_343 iter_args(%scan3A_759 = %scan3A_339) -> (i32)  : i32 {
      %get3A_760 = arith.constant 0 : i32
      %get3A_761 = arith.index_cast %get3A_760 : i32 to index
      %get3A_762 = arith.index_cast %scan3A_758 : i32 to index
      %get3A_763 = arith.constant 0 : index
      %get3A_764 = tpu.vector_load %arg10[%get3A_761, %get3A_762, %get3A_763] {strides = array<i32>} : memref<1x224x224xf32, #tpu.memory_space<vmem>>, vector<16xf32>,
      %mul3A_765 = arith.mulf %get3A_764, %broadcast_in_dim3A_338 : vector<16xf32>
      %swap3A_766 = arith.constant 0 : i32
      %swap3A_767 = arith.index_cast %swap3A_766 : i32 to index
      %swap3A_768 = arith.index_cast %scan3A_758 : i32 to index
      %swap3A_769 = arith.constant 0 : index
      %swap3A_770 = tpu.vector_load %arg10[%swap3A_767, %swap3A_768, %swap3A_769] {strides = array<i32>} : memref<1x224x224xf32, #tpu.memory_space<vmem>>, vector<16xf32>,
      tpu.vector_store %arg10[%swap3A_767, %swap3A_768, %swap3A_769], %mul3A_765 {strides = array<i32>} : memref<1x224x224xf32, #tpu.memory_space<vmem>>, vector<16xf32>,
      %get3A_771 = arith.constant 0 : i32
      %get3A_772 = arith.index_cast %get3A_771 : i32 to index
      %get3A_773 = arith.index_cast %scan3A_758 : i32 to index
      %get3A_774 = arith.constant 16 : index
      %get3A_775 = tpu.vector_load %arg10[%get3A_772, %get3A_773, %get3A_774] {strides = array<i32>} : memref<1x224x224xf32, #tpu.memory_space<vmem>>, vector<16xf32>,
      %mul3A_776 = arith.mulf %get3A_775, %broadcast_in_dim3A_338 : vector<16xf32>
      %swap3A_777 = arith.constant 0 : i32
      %swap3A_778 = arith.index_cast %swap3A_777 : i32 to index
      %swap3A_779 = arith.index_cast %scan3A_758 : i32 to index
      %swap3A_780 = arith.constant 16 : index
      %swap3A_781 = tpu.vector_load %arg10[%swap3A_778, %swap3A_779, %swap3A_780] {strides = array<i32>} : memref<1x224x224xf32, #tpu.memory_space<vmem>>, vector<16xf32>,
      tpu.vector_store %arg10[%swap3A_778, %swap3A_779, %swap3A_780], %mul3A_776 {strides = array<i32>} : memref<1x224x224xf32, #tpu.memory_space<vmem>>, vector<16xf32>,
      %get3A_782 = arith.constant 0 : i32
      %get3A_783 = arith.index_cast %get3A_782 : i32 to index
      %get3A_784 = arith.index_cast %scan3A_758 : i32 to index
      %get3A_785 = arith.constant 32 : index
      %get3A_786 = tpu.vector_load %arg10[%get3A_783, %get3A_784, %get3A_785] {strides = array<i32>} : memref<1x224x224xf32, #tpu.memory_space<vmem>>, vector<16xf32>,
      %mul3A_787 = arith.mulf %get3A_786, %broadcast_in_dim3A_338 : vector<16xf32>
      %swap3A_788 = arith.constant 0 : i32
      %swap3A_789 = arith.index_cast %swap3A_788 : i32 to index
      %swap3A_790 = arith.index_cast %scan3A_758 : i32 to index
      %swap3A_791 = arith.constant 32 : index
      %swap3A_792 = tpu.vector_load %arg10[%swap3A_789, %swap3A_790, %swap3A_791] {strides = array<i32>} : memref<1x224x224xf32, #tpu.memory_space<vmem>>, vector<16xf32>,
      tpu.vector_store %arg10[%swap3A_789, %swap3A_790, %swap3A_791], %mul3A_787 {strides = array<i32>} : memref<1x224x224xf32, #tpu.memory_space<vmem>>, vector<16xf32>,
      %get3A_793 = arith.constant 0 : i32
      %get3A_794 = arith.index_cast %get3A_793 : i32 to index
      %get3A_795 = arith.index_cast %scan3A_758 : i32 to index
      %get3A_796 = arith.constant 48 : index
      %get3A_797 = tpu.vector_load %arg10[%get3A_794, %get3A_795, %get3A_796] {strides = array<i32>} : memref<1x224x224xf32, #tpu.memory_space<vmem>>, vector<16xf32>,
      %mul3A_798 = arith.mulf %get3A_797, %broadcast_in_dim3A_338 : vector<16xf32>
      %swap3A_799 = arith.constant 0 : i32
      %swap3A_800 = arith.index_cast %swap3A_799 : i32 to index
      %swap3A_801 = arith.index_cast %scan3A_758 : i32 to index
      %swap3A_802 = arith.constant 48 : index
      %swap3A_803 = tpu.vector_load %arg10[%swap3A_800, %swap3A_801, %swap3A_802] {strides = array<i32>} : memref<1x224x224xf32, #tpu.memory_space<vmem>>, vector<16xf32>,
      tpu.vector_store %arg10[%swap3A_800, %swap3A_801, %swap3A_802], %mul3A_798 {strides = array<i32>} : memref<1x224x224xf32, #tpu.memory_space<vmem>>, vector<16xf32>,
      %get3A_804 = arith.constant 0 : i32
      %get3A_805 = arith.index_cast %get3A_804 : i32 to index
      %get3A_806 = arith.index_cast %scan3A_758 : i32 to index
      %get3A_807 = arith.constant 64 : index
      %get3A_808 = tpu.vector_load %arg10[%get3A_805, %get3A_806, %get3A_807] {strides = array<i32>} : memref<1x224x224xf32, #tpu.memory_space<vmem>>, vector<16xf32>,
      %mul3A_809 = arith.mulf %get3A_808, %broadcast_in_dim3A_338 : vector<16xf32>
      %swap3A_810 = arith.constant 0 : i32
      %swap3A_811 = arith.index_cast %swap3A_810 : i32 to index
      %swap3A_812 = arith.index_cast %scan3A_758 : i32 to index
      %swap3A_813 = arith.constant 64 : index
      %swap3A_814 = tpu.vector_load %arg10[%swap3A_811, %swap3A_812, %swap3A_813] {strides = array<i32>} : memref<1x224x224xf32, #tpu.memory_space<vmem>>, vector<16xf32>,
      tpu.vector_store %arg10[%swap3A_811, %swap3A_812, %swap3A_813], %mul3A_809 {strides = array<i32>} : memref<1x224x224xf32, #tpu.memory_space<vmem>>, vector<16xf32>,
      %get3A_815 = arith.constant 0 : i32
      %get3A_816 = arith.index_cast %get3A_815 : i32 to index
      %get3A_817 = arith.index_cast %scan3A_758 : i32 to index
      %get3A_818 = arith.constant 80 : index
      %get3A_819 = tpu.vector_load %arg10[%get3A_816, %get3A_817, %get3A_818] {strides = array<i32>} : memref<1x224x224xf32, #tpu.memory_space<vmem>>, vector<16xf32>,
      %mul3A_820 = arith.mulf %get3A_819, %broadcast_in_dim3A_338 : vector<16xf32>
      %swap3A_821 = arith.constant 0 : i32
      %swap3A_822 = arith.index_cast %swap3A_821 : i32 to index
      %swap3A_823 = arith.index_cast %scan3A_758 : i32 to index
      %swap3A_824 = arith.constant 80 : index
      %swap3A_825 = tpu.vector_load %arg10[%swap3A_822, %swap3A_823, %swap3A_824] {strides = array<i32>} : memref<1x224x224xf32, #tpu.memory_space<vmem>>, vector<16xf32>,
      tpu.vector_store %arg10[%swap3A_822, %swap3A_823, %swap3A_824], %mul3A_820 {strides = array<i32>} : memref<1x224x224xf32, #tpu.memory_space<vmem>>, vector<16xf32>,
      %get3A_826 = arith.constant 0 : i32
      %get3A_827 = arith.index_cast %get3A_826 : i32 to index
      %get3A_828 = arith.index_cast %scan3A_758 : i32 to index
      %get3A_829 = arith.constant 96 : index
      %get3A_830 = tpu.vector_load %arg10[%get3A_827, %get3A_828, %get3A_829] {strides = array<i32>} : memref<1x224x224xf32, #tpu.memory_space<vmem>>, vector<16xf32>,
      %mul3A_831 = arith.mulf %get3A_830, %broadcast_in_dim3A_338 : vector<16xf32>
      %swap3A_832 = arith.constant 0 : i32
      %swap3A_833 = arith.index_cast %swap3A_832 : i32 to index
      %swap3A_834 = arith.index_cast %scan3A_758 : i32 to index
      %swap3A_835 = arith.constant 96 : index
      %swap3A_836 = tpu.vector_load %arg10[%swap3A_833, %swap3A_834, %swap3A_835] {strides = array<i32>} : memref<1x224x224xf32, #tpu.memory_space<vmem>>, vector<16xf32>,
      tpu.vector_store %arg10[%swap3A_833, %swap3A_834, %swap3A_835], %mul3A_831 {strides = array<i32>} : memref<1x224x224xf32, #tpu.memory_space<vmem>>, vector<16xf32>,
      %get3A_837 = arith.constant 0 : i32
      %get3A_838 = arith.index_cast %get3A_837 : i32 to index
      %get3A_839 = arith.index_cast %scan3A_758 : i32 to index
      %get3A_840 = arith.constant 112 : index
      %get3A_841 = tpu.vector_load %arg10[%get3A_838, %get3A_839, %get3A_840] {strides = array<i32>} : memref<1x224x224xf32, #tpu.memory_space<vmem>>, vector<16xf32>,
      %mul3A_842 = arith.mulf %get3A_841, %broadcast_in_dim3A_338 : vector<16xf32>
      %swap3A_843 = arith.constant 0 : i32
      %swap3A_844 = arith.index_cast %swap3A_843 : i32 to index
      %swap3A_845 = arith.index_cast %scan3A_758 : i32 to index
      %swap3A_846 = arith.constant 112 : index
      %swap3A_847 = tpu.vector_load %arg10[%swap3A_844, %swap3A_845, %swap3A_846] {strides = array<i32>} : memref<1x224x224xf32, #tpu.memory_space<vmem>>, vector<16xf32>,
      tpu.vector_store %arg10[%swap3A_844, %swap3A_845, %swap3A_846], %mul3A_842 {strides = array<i32>} : memref<1x224x224xf32, #tpu.memory_space<vmem>>, vector<16xf32>,
      %get3A_848 = arith.constant 0 : i32
      %get3A_849 = arith.index_cast %get3A_848 : i32 to index
      %get3A_850 = arith.index_cast %scan3A_758 : i32 to index
      %get3A_851 = arith.constant 128 : index
      %get3A_852 = tpu.vector_load %arg10[%get3A_849, %get3A_850, %get3A_851] {strides = array<i32>} : memref<1x224x224xf32, #tpu.memory_space<vmem>>, vector<16xf32>,
      %mul3A_853 = arith.mulf %get3A_852, %broadcast_in_dim3A_338 : vector<16xf32>
      %swap3A_854 = arith.constant 0 : i32
      %swap3A_855 = arith.index_cast %swap3A_854 : i32 to index
      %swap3A_856 = arith.index_cast %scan3A_758 : i32 to index
      %swap3A_857 = arith.constant 128 : index
      %swap3A_858 = tpu.vector_load %arg10[%swap3A_855, %swap3A_856, %swap3A_857] {strides = array<i32>} : memref<1x224x224xf32, #tpu.memory_space<vmem>>, vector<16xf32>,
      tpu.vector_store %arg10[%swap3A_855, %swap3A_856, %swap3A_857], %mul3A_853 {strides = array<i32>} : memref<1x224x224xf32, #tpu.memory_space<vmem>>, vector<16xf32>,
      %get3A_859 = arith.constant 0 : i32
      %get3A_860 = arith.index_cast %get3A_859 : i32 to index
      %get3A_861 = arith.index_cast %scan3A_758 : i32 to index
      %get3A_862 = arith.constant 144 : index
      %get3A_863 = tpu.vector_load %arg10[%get3A_860, %get3A_861, %get3A_862] {strides = array<i32>} : memref<1x224x224xf32, #tpu.memory_space<vmem>>, vector<16xf32>,
      %mul3A_864 = arith.mulf %get3A_863, %broadcast_in_dim3A_338 : vector<16xf32>
      %swap3A_865 = arith.constant 0 : i32
      %swap3A_866 = arith.index_cast %swap3A_865 : i32 to index
      %swap3A_867 = arith.index_cast %scan3A_758 : i32 to index
      %swap3A_868 = arith.constant 144 : index
      %swap3A_869 = tpu.vector_load %arg10[%swap3A_866, %swap3A_867, %swap3A_868] {strides = array<i32>} : memref<1x224x224xf32, #tpu.memory_space<vmem>>, vector<16xf32>,
      tpu.vector_store %arg10[%swap3A_866, %swap3A_867, %swap3A_868], %mul3A_864 {strides = array<i32>} : memref<1x224x224xf32, #tpu.memory_space<vmem>>, vector<16xf32>,
      %get3A_870 = arith.constant 0 : i32
      %get3A_871 = arith.index_cast %get3A_870 : i32 to index
      %get3A_872 = arith.index_cast %scan3A_758 : i32 to index
      %get3A_873 = arith.constant 160 : index
      %get3A_874 = tpu.vector_load %arg10[%get3A_871, %get3A_872, %get3A_873] {strides = array<i32>} : memref<1x224x224xf32, #tpu.memory_space<vmem>>, vector<16xf32>,
      %mul3A_875 = arith.mulf %get3A_874, %broadcast_in_dim3A_338 : vector<16xf32>
      %swap3A_876 = arith.constant 0 : i32
      %swap3A_877 = arith.index_cast %swap3A_876 : i32 to index
      %swap3A_878 = arith.index_cast %scan3A_758 : i32 to index
      %swap3A_879 = arith.constant 160 : index
      %swap3A_880 = tpu.vector_load %arg10[%swap3A_877, %swap3A_878, %swap3A_879] {strides = array<i32>} : memref<1x224x224xf32, #tpu.memory_space<vmem>>, vector<16xf32>,
      tpu.vector_store %arg10[%swap3A_877, %swap3A_878, %swap3A_879], %mul3A_875 {strides = array<i32>} : memref<1x224x224xf32, #tpu.memory_space<vmem>>, vector<16xf32>,
      %get3A_881 = arith.constant 0 : i32
      %get3A_882 = arith.index_cast %get3A_881 : i32 to index
      %get3A_883 = arith.index_cast %scan3A_758 : i32 to index
      %get3A_884 = arith.constant 176 : index
      %get3A_885 = tpu.vector_load %arg10[%get3A_882, %get3A_883, %get3A_884] {strides = array<i32>} : memref<1x224x224xf32, #tpu.memory_space<vmem>>, vector<16xf32>,
      %mul3A_886 = arith.mulf %get3A_885, %broadcast_in_dim3A_338 : vector<16xf32>
      %swap3A_887 = arith.constant 0 : i32
      %swap3A_888 = arith.index_cast %swap3A_887 : i32 to index
      %swap3A_889 = arith.index_cast %scan3A_758 : i32 to index
      %swap3A_890 = arith.constant 176 : index
      %swap3A_891 = tpu.vector_load %arg10[%swap3A_888, %swap3A_889, %swap3A_890] {strides = array<i32>} : memref<1x224x224xf32, #tpu.memory_space<vmem>>, vector<16xf32>,
      tpu.vector_store %arg10[%swap3A_888, %swap3A_889, %swap3A_890], %mul3A_886 {strides = array<i32>} : memref<1x224x224xf32, #tpu.memory_space<vmem>>, vector<16xf32>,
      %get3A_892 = arith.constant 0 : i32
      %get3A_893 = arith.index_cast %get3A_892 : i32 to index
      %get3A_894 = arith.index_cast %scan3A_758 : i32 to index
      %get3A_895 = arith.constant 192 : index
      %get3A_896 = tpu.vector_load %arg10[%get3A_893, %get3A_894, %get3A_895] {strides = array<i32>} : memref<1x224x224xf32, #tpu.memory_space<vmem>>, vector<16xf32>,
      %mul3A_897 = arith.mulf %get3A_896, %broadcast_in_dim3A_338 : vector<16xf32>
      %swap3A_898 = arith.constant 0 : i32
      %swap3A_899 = arith.index_cast %swap3A_898 : i32 to index
      %swap3A_900 = arith.index_cast %scan3A_758 : i32 to index
      %swap3A_901 = arith.constant 192 : index
      %swap3A_902 = tpu.vector_load %arg10[%swap3A_899, %swap3A_900, %swap3A_901] {strides = array<i32>} : memref<1x224x224xf32, #tpu.memory_space<vmem>>, vector<16xf32>,
      tpu.vector_store %arg10[%swap3A_899, %swap3A_900, %swap3A_901], %mul3A_897 {strides = array<i32>} : memref<1x224x224xf32, #tpu.memory_space<vmem>>, vector<16xf32>,
      %get3A_903 = arith.constant 0 : i32
      %get3A_904 = arith.index_cast %get3A_903 : i32 to index
      %get3A_905 = arith.index_cast %scan3A_758 : i32 to index
      %get3A_906 = arith.constant 208 : index
      %get3A_907 = tpu.vector_load %arg10[%get3A_904, %get3A_905, %get3A_906] {strides = array<i32>} : memref<1x224x224xf32, #tpu.memory_space<vmem>>, vector<16xf32>,
      %mul3A_908 = arith.mulf %get3A_907, %broadcast_in_dim3A_338 : vector<16xf32>
      %swap3A_909 = arith.constant 0 : i32
      %swap3A_910 = arith.index_cast %swap3A_909 : i32 to index
      %swap3A_911 = arith.index_cast %scan3A_758 : i32 to index
      %swap3A_912 = arith.constant 208 : index
      %swap3A_913 = tpu.vector_load %arg10[%swap3A_910, %swap3A_911, %swap3A_912] {strides = array<i32>} : memref<1x224x224xf32, #tpu.memory_space<vmem>>, vector<16xf32>,
      tpu.vector_store %arg10[%swap3A_910, %swap3A_911, %swap3A_912], %mul3A_908 {strides = array<i32>} : memref<1x224x224xf32, #tpu.memory_space<vmem>>, vector<16xf32>,
      %scan3A_914 = arith.constant 0 : i32
      scf.yield %scan3A_914 : i32
    }
    %scan3A_345 = arith.constant 224 : i32
    %mul3A_346 = arith.constant 192 : i32
    %mul3A_347 = arith.muli %shift_right_arithmetic3A_1, %mul3A_346 : i32
    %add3A_348 = arith.addi %mul3A_347, %mul3A_4 : i32
    %add3A_349 = arith.constant 2 : i32
    %add3A_350 = arith.addi %add3A_348, %add3A_349 : i32
    %dma_start3A_351 = arith.constant 0 : i32
    %dma_start3A_352 = arith.constant 0 : i32
    %dma_start3A_353 = tpu.memref_slice %arg5[%add3A_350, %dma_start3A_351, %dma_start3A_352] : memref<384x224x224xf32, #tpu.memory_space<hbm>> -> memref<1x224x224xf32, #tpu.memory_space<hbm>>
    %dma_start3A_354 = arith.constant 0 : i32
    %dma_start3A_355 = arith.constant 0 : i32
    %dma_start3A_356 = tpu.memref_slice %arg5[%add3A_350, %dma_start3A_354, %dma_start3A_355] : memref<384x224x224xf32, #tpu.memory_space<hbm>> -> memref<1x224x224xf32, #tpu.memory_space<hbm>>
    tpu.enqueue_dma source(%arg10 : memref<1x224x224xf32, #tpu.memory_space<vmem>>) target(%dma_start3A_356 : memref<1x224x224xf32, #tpu.memory_space<hbm>>) target_semaphore(%arg14 : memref<!tpu.dma_semaphore, #tpu.memory_space<semaphore_mem>>)
    %dma_wait3A_357 = arith.constant 0 : i32
    %dma_wait3A_358 = arith.constant 0 : i32
    %dma_wait3A_359 = tpu.memref_slice %arg5[%add3A_350, %dma_wait3A_357, %dma_wait3A_358] : memref<384x224x224xf32, #tpu.memory_space<hbm>> -> memref<1x224x224xf32, #tpu.memory_space<hbm>>
    %dma_wait3A_360 = arith.constant 0 : i32
    %dma_wait3A_361 = arith.constant 0 : i32
    %dma_wait3A_362 = tpu.memref_slice %arg5[%add3A_350, %dma_wait3A_360, %dma_wait3A_361] : memref<384x224x224xf32, #tpu.memory_space<hbm>> -> memref<1x224x224xf32, #tpu.memory_space<hbm>>
    tpu.wait_dma2 semaphore(%arg14 : memref<!tpu.dma_semaphore, #tpu.memory_space<semaphore_mem>>) src(%arg10 : memref<1x224x224xf32, #tpu.memory_space<vmem>>) dst(%dma_wait3A_362 : memref<1x224x224xf32, #tpu.memory_space<hbm>>)
    %get3A_363 = arith.constant 32 : index
    %get3A_364 = tpu.vector_load %arg8[%get3A_363] {strides = array<i32>} : memref<112xi32, #tpu.memory_space<vmem>>, vector<16xi32>,
    %slice3A_365 = vector.extract_strided_slice %get3A_364 {offsets = [0], sizes = [1], strides = [1]} : vector<16xi32> to vector<1xi32>
    %squeeze3A_366 = vector.extract %slice3A_365[0] : i32 from vector<1xi32>
    %dma_start3A_367 = arith.constant 0 : i32
    %dma_start3A_368 = arith.constant 0 : i32
    %dma_start3A_369 = tpu.memref_slice %arg2[%squeeze3A_366, %dma_start3A_367, %dma_start3A_368] : memref<768x224x224xf32, #tpu.memory_space<hbm>> -> memref<1x224x224xf32, #tpu.memory_space<hbm>>
    %dma_start3A_370 = arith.constant 0 : i32
    %dma_start3A_371 = arith.constant 0 : i32
    %dma_start3A_372 = tpu.memref_slice %arg2[%squeeze3A_366, %dma_start3A_370, %dma_start3A_371] : memref<768x224x224xf32, #tpu.memory_space<hbm>> -> memref<1x224x224xf32, #tpu.memory_space<hbm>>
    tpu.enqueue_dma source(%dma_start3A_372 : memref<1x224x224xf32, #tpu.memory_space<hbm>>) target(%arg10 : memref<1x224x224xf32, #tpu.memory_space<vmem>>) target_semaphore(%arg12 : memref<!tpu.dma_semaphore, #tpu.memory_space<semaphore_mem>>)
    %dma_wait3A_373 = arith.constant 0 : i32
    %dma_wait3A_374 = arith.constant 0 : i32
    %dma_wait3A_375 = tpu.memref_slice %arg2[%squeeze3A_321, %dma_wait3A_373, %dma_wait3A_374] : memref<768x224x224xf32, #tpu.memory_space<hbm>> -> memref<1x224x224xf32, #tpu.memory_space<hbm>>
    %dma_wait3A_376 = arith.constant 0 : i32
    %dma_wait3A_377 = arith.constant 0 : i32
    %dma_wait3A_378 = tpu.memref_slice %arg2[%squeeze3A_321, %dma_wait3A_376, %dma_wait3A_377] : memref<768x224x224xf32, #tpu.memory_space<hbm>> -> memref<1x224x224xf32, #tpu.memory_space<hbm>>
    tpu.wait_dma2 semaphore(%arg13 : memref<!tpu.dma_semaphore, #tpu.memory_space<semaphore_mem>>) src(%dma_wait3A_378 : memref<1x224x224xf32, #tpu.memory_space<hbm>>) dst(%arg11 : memref<1x224x224xf32, #tpu.memory_space<vmem>>)
    %get3A_379 = arith.constant 24 : index
    %get3A_380 = tpu.vector_load %arg9[%get3A_379] {strides = array<i32>} : memref<112xf32, #tpu.memory_space<vmem>>, vector<16xf32>,
    %slice3A_381 = vector.extract_strided_slice %get3A_380 {offsets = [0], sizes = [1], strides = [1]} : vector<16xf32> to vector<1xf32>
    %squeeze3A_382 = vector.extract %slice3A_381[0] : f32 from vector<1xf32>
    %broadcast_in_dim3A_383 = vector.broadcast %squeeze3A_382 : f32 to vector<16xf32>
    %scan3A_384 = arith.constant 0 : i32
    %scan3A_385 = arith.constant 0 : i32
    %scan3A_386 = arith.constant 224 : i32
    %scan3A_387 = arith.addi %scan3A_385, %scan3A_386 : i32
    %scan3A_388 = arith.constant 1 : i32
    %scan3A_389 = scf.for %scan3A_758 = %scan3A_385 to %scan3A_387 step %scan3A_388 iter_args(%scan3A_759 = %scan3A_384) -> (i32)  : i32 {
      %get3A_760 = arith.constant 0 : i32
      %get3A_761 = arith.index_cast %get3A_760 : i32 to index
      %get3A_762 = arith.index_cast %scan3A_758 : i32 to index
      %get3A_763 = arith.constant 0 : index
      %get3A_764 = tpu.vector_load %arg11[%get3A_761, %get3A_762, %get3A_763] {strides = array<i32>} : memref<1x224x224xf32, #tpu.memory_space<vmem>>, vector<16xf32>,
      %mul3A_765 = arith.mulf %get3A_764, %broadcast_in_dim3A_383 : vector<16xf32>
      %swap3A_766 = arith.constant 0 : i32
      %swap3A_767 = arith.index_cast %swap3A_766 : i32 to index
      %swap3A_768 = arith.index_cast %scan3A_758 : i32 to index
      %swap3A_769 = arith.constant 0 : index
      %swap3A_770 = tpu.vector_load %arg11[%swap3A_767, %swap3A_768, %swap3A_769] {strides = array<i32>} : memref<1x224x224xf32, #tpu.memory_space<vmem>>, vector<16xf32>,
      tpu.vector_store %arg11[%swap3A_767, %swap3A_768, %swap3A_769], %mul3A_765 {strides = array<i32>} : memref<1x224x224xf32, #tpu.memory_space<vmem>>, vector<16xf32>,
      %get3A_771 = arith.constant 0 : i32
      %get3A_772 = arith.index_cast %get3A_771 : i32 to index
      %get3A_773 = arith.index_cast %scan3A_758 : i32 to index
      %get3A_774 = arith.constant 16 : index
      %get3A_775 = tpu.vector_load %arg11[%get3A_772, %get3A_773, %get3A_774] {strides = array<i32>} : memref<1x224x224xf32, #tpu.memory_space<vmem>>, vector<16xf32>,
      %mul3A_776 = arith.mulf %get3A_775, %broadcast_in_dim3A_383 : vector<16xf32>
      %swap3A_777 = arith.constant 0 : i32
      %swap3A_778 = arith.index_cast %swap3A_777 : i32 to index
      %swap3A_779 = arith.index_cast %scan3A_758 : i32 to index
      %swap3A_780 = arith.constant 16 : index
      %swap3A_781 = tpu.vector_load %arg11[%swap3A_778, %swap3A_779, %swap3A_780] {strides = array<i32>} : memref<1x224x224xf32, #tpu.memory_space<vmem>>, vector<16xf32>,
      tpu.vector_store %arg11[%swap3A_778, %swap3A_779, %swap3A_780], %mul3A_776 {strides = array<i32>} : memref<1x224x224xf32, #tpu.memory_space<vmem>>, vector<16xf32>,
      %get3A_782 = arith.constant 0 : i32
      %get3A_783 = arith.index_cast %get3A_782 : i32 to index
      %get3A_784 = arith.index_cast %scan3A_758 : i32 to index
      %get3A_785 = arith.constant 32 : index
      %get3A_786 = tpu.vector_load %arg11[%get3A_783, %get3A_784, %get3A_785] {strides = array<i32>} : memref<1x224x224xf32, #tpu.memory_space<vmem>>, vector<16xf32>,
      %mul3A_787 = arith.mulf %get3A_786, %broadcast_in_dim3A_383 : vector<16xf32>
      %swap3A_788 = arith.constant 0 : i32
      %swap3A_789 = arith.index_cast %swap3A_788 : i32 to index
      %swap3A_790 = arith.index_cast %scan3A_758 : i32 to index
      %swap3A_791 = arith.constant 32 : index
      %swap3A_792 = tpu.vector_load %arg11[%swap3A_789, %swap3A_790, %swap3A_791] {strides = array<i32>} : memref<1x224x224xf32, #tpu.memory_space<vmem>>, vector<16xf32>,
      tpu.vector_store %arg11[%swap3A_789, %swap3A_790, %swap3A_791], %mul3A_787 {strides = array<i32>} : memref<1x224x224xf32, #tpu.memory_space<vmem>>, vector<16xf32>,
      %get3A_793 = arith.constant 0 : i32
      %get3A_794 = arith.index_cast %get3A_793 : i32 to index
      %get3A_795 = arith.index_cast %scan3A_758 : i32 to index
      %get3A_796 = arith.constant 48 : index
      %get3A_797 = tpu.vector_load %arg11[%get3A_794, %get3A_795, %get3A_796] {strides = array<i32>} : memref<1x224x224xf32, #tpu.memory_space<vmem>>, vector<16xf32>,
      %mul3A_798 = arith.mulf %get3A_797, %broadcast_in_dim3A_383 : vector<16xf32>
      %swap3A_799 = arith.constant 0 : i32
      %swap3A_800 = arith.index_cast %swap3A_799 : i32 to index
      %swap3A_801 = arith.index_cast %scan3A_758 : i32 to index
      %swap3A_802 = arith.constant 48 : index
      %swap3A_803 = tpu.vector_load %arg11[%swap3A_800, %swap3A_801, %swap3A_802] {strides = array<i32>} : memref<1x224x224xf32, #tpu.memory_space<vmem>>, vector<16xf32>,
      tpu.vector_store %arg11[%swap3A_800, %swap3A_801, %swap3A_802], %mul3A_798 {strides = array<i32>} : memref<1x224x224xf32, #tpu.memory_space<vmem>>, vector<16xf32>,
      %get3A_804 = arith.constant 0 : i32
      %get3A_805 = arith.index_cast %get3A_804 : i32 to index
      %get3A_806 = arith.index_cast %scan3A_758 : i32 to index
      %get3A_807 = arith.constant 64 : index
      %get3A_808 = tpu.vector_load %arg11[%get3A_805, %get3A_806, %get3A_807] {strides = array<i32>} : memref<1x224x224xf32, #tpu.memory_space<vmem>>, vector<16xf32>,
      %mul3A_809 = arith.mulf %get3A_808, %broadcast_in_dim3A_383 : vector<16xf32>
      %swap3A_810 = arith.constant 0 : i32
      %swap3A_811 = arith.index_cast %swap3A_810 : i32 to index
      %swap3A_812 = arith.index_cast %scan3A_758 : i32 to index
      %swap3A_813 = arith.constant 64 : index
      %swap3A_814 = tpu.vector_load %arg11[%swap3A_811, %swap3A_812, %swap3A_813] {strides = array<i32>} : memref<1x224x224xf32, #tpu.memory_space<vmem>>, vector<16xf32>,
      tpu.vector_store %arg11[%swap3A_811, %swap3A_812, %swap3A_813], %mul3A_809 {strides = array<i32>} : memref<1x224x224xf32, #tpu.memory_space<vmem>>, vector<16xf32>,
      %get3A_815 = arith.constant 0 : i32
      %get3A_816 = arith.index_cast %get3A_815 : i32 to index
      %get3A_817 = arith.index_cast %scan3A_758 : i32 to index
      %get3A_818 = arith.constant 80 : index
      %get3A_819 = tpu.vector_load %arg11[%get3A_816, %get3A_817, %get3A_818] {strides = array<i32>} : memref<1x224x224xf32, #tpu.memory_space<vmem>>, vector<16xf32>,
      %mul3A_820 = arith.mulf %get3A_819, %broadcast_in_dim3A_383 : vector<16xf32>
      %swap3A_821 = arith.constant 0 : i32
      %swap3A_822 = arith.index_cast %swap3A_821 : i32 to index
      %swap3A_823 = arith.index_cast %scan3A_758 : i32 to index
      %swap3A_824 = arith.constant 80 : index
      %swap3A_825 = tpu.vector_load %arg11[%swap3A_822, %swap3A_823, %swap3A_824] {strides = array<i32>} : memref<1x224x224xf32, #tpu.memory_space<vmem>>, vector<16xf32>,
      tpu.vector_store %arg11[%swap3A_822, %swap3A_823, %swap3A_824], %mul3A_820 {strides = array<i32>} : memref<1x224x224xf32, #tpu.memory_space<vmem>>, vector<16xf32>,
      %get3A_826 = arith.constant 0 : i32
      %get3A_827 = arith.index_cast %get3A_826 : i32 to index
      %get3A_828 = arith.index_cast %scan3A_758 : i32 to index
      %get3A_829 = arith.constant 96 : index
      %get3A_830 = tpu.vector_load %arg11[%get3A_827, %get3A_828, %get3A_829] {strides = array<i32>} : memref<1x224x224xf32, #tpu.memory_space<vmem>>, vector<16xf32>,
      %mul3A_831 = arith.mulf %get3A_830, %broadcast_in_dim3A_383 : vector<16xf32>
      %swap3A_832 = arith.constant 0 : i32
      %swap3A_833 = arith.index_cast %swap3A_832 : i32 to index
      %swap3A_834 = arith.index_cast %scan3A_758 : i32 to index
      %swap3A_835 = arith.constant 96 : index
      %swap3A_836 = tpu.vector_load %arg11[%swap3A_833, %swap3A_834, %swap3A_835] {strides = array<i32>} : memref<1x224x224xf32, #tpu.memory_space<vmem>>, vector<16xf32>,
      tpu.vector_store %arg11[%swap3A_833, %swap3A_834, %swap3A_835], %mul3A_831 {strides = array<i32>} : memref<1x224x224xf32, #tpu.memory_space<vmem>>, vector<16xf32>,
      %get3A_837 = arith.constant 0 : i32
      %get3A_838 = arith.index_cast %get3A_837 : i32 to index
      %get3A_839 = arith.index_cast %scan3A_758 : i32 to index
      %get3A_840 = arith.constant 112 : index
      %get3A_841 = tpu.vector_load %arg11[%get3A_838, %get3A_839, %get3A_840] {strides = array<i32>} : memref<1x224x224xf32, #tpu.memory_space<vmem>>, vector<16xf32>,
      %mul3A_842 = arith.mulf %get3A_841, %broadcast_in_dim3A_383 : vector<16xf32>
      %swap3A_843 = arith.constant 0 : i32
      %swap3A_844 = arith.index_cast %swap3A_843 : i32 to index
      %swap3A_845 = arith.index_cast %scan3A_758 : i32 to index
      %swap3A_846 = arith.constant 112 : index
      %swap3A_847 = tpu.vector_load %arg11[%swap3A_844, %swap3A_845, %swap3A_846] {strides = array<i32>} : memref<1x224x224xf32, #tpu.memory_space<vmem>>, vector<16xf32>,
      tpu.vector_store %arg11[%swap3A_844, %swap3A_845, %swap3A_846], %mul3A_842 {strides = array<i32>} : memref<1x224x224xf32, #tpu.memory_space<vmem>>, vector<16xf32>,
      %get3A_848 = arith.constant 0 : i32
      %get3A_849 = arith.index_cast %get3A_848 : i32 to index
      %get3A_850 = arith.index_cast %scan3A_758 : i32 to index
      %get3A_851 = arith.constant 128 : index
      %get3A_852 = tpu.vector_load %arg11[%get3A_849, %get3A_850, %get3A_851] {strides = array<i32>} : memref<1x224x224xf32, #tpu.memory_space<vmem>>, vector<16xf32>,
      %mul3A_853 = arith.mulf %get3A_852, %broadcast_in_dim3A_383 : vector<16xf32>
      %swap3A_854 = arith.constant 0 : i32
      %swap3A_855 = arith.index_cast %swap3A_854 : i32 to index
      %swap3A_856 = arith.index_cast %scan3A_758 : i32 to index
      %swap3A_857 = arith.constant 128 : index
      %swap3A_858 = tpu.vector_load %arg11[%swap3A_855, %swap3A_856, %swap3A_857] {strides = array<i32>} : memref<1x224x224xf32, #tpu.memory_space<vmem>>, vector<16xf32>,
      tpu.vector_store %arg11[%swap3A_855, %swap3A_856, %swap3A_857], %mul3A_853 {strides = array<i32>} : memref<1x224x224xf32, #tpu.memory_space<vmem>>, vector<16xf32>,
      %get3A_859 = arith.constant 0 : i32
      %get3A_860 = arith.index_cast %get3A_859 : i32 to index
      %get3A_861 = arith.index_cast %scan3A_758 : i32 to index
      %get3A_862 = arith.constant 144 : index
      %get3A_863 = tpu.vector_load %arg11[%get3A_860, %get3A_861, %get3A_862] {strides = array<i32>} : memref<1x224x224xf32, #tpu.memory_space<vmem>>, vector<16xf32>,
      %mul3A_864 = arith.mulf %get3A_863, %broadcast_in_dim3A_383 : vector<16xf32>
      %swap3A_865 = arith.constant 0 : i32
      %swap3A_866 = arith.index_cast %swap3A_865 : i32 to index
      %swap3A_867 = arith.index_cast %scan3A_758 : i32 to index
      %swap3A_868 = arith.constant 144 : index
      %swap3A_869 = tpu.vector_load %arg11[%swap3A_866, %swap3A_867, %swap3A_868] {strides = array<i32>} : memref<1x224x224xf32, #tpu.memory_space<vmem>>, vector<16xf32>,
      tpu.vector_store %arg11[%swap3A_866, %swap3A_867, %swap3A_868], %mul3A_864 {strides = array<i32>} : memref<1x224x224xf32, #tpu.memory_space<vmem>>, vector<16xf32>,
      %get3A_870 = arith.constant 0 : i32
      %get3A_871 = arith.index_cast %get3A_870 : i32 to index
      %get3A_872 = arith.index_cast %scan3A_758 : i32 to index
      %get3A_873 = arith.constant 160 : index
      %get3A_874 = tpu.vector_load %arg11[%get3A_871, %get3A_872, %get3A_873] {strides = array<i32>} : memref<1x224x224xf32, #tpu.memory_space<vmem>>, vector<16xf32>,
      %mul3A_875 = arith.mulf %get3A_874, %broadcast_in_dim3A_383 : vector<16xf32>
      %swap3A_876 = arith.constant 0 : i32
      %swap3A_877 = arith.index_cast %swap3A_876 : i32 to index
      %swap3A_878 = arith.index_cast %scan3A_758 : i32 to index
      %swap3A_879 = arith.constant 160 : index
      %swap3A_880 = tpu.vector_load %arg11[%swap3A_877, %swap3A_878, %swap3A_879] {strides = array<i32>} : memref<1x224x224xf32, #tpu.memory_space<vmem>>, vector<16xf32>,
      tpu.vector_store %arg11[%swap3A_877, %swap3A_878, %swap3A_879], %mul3A_875 {strides = array<i32>} : memref<1x224x224xf32, #tpu.memory_space<vmem>>, vector<16xf32>,
      %get3A_881 = arith.constant 0 : i32
      %get3A_882 = arith.index_cast %get3A_881 : i32 to index
      %get3A_883 = arith.index_cast %scan3A_758 : i32 to index
      %get3A_884 = arith.constant 176 : index
      %get3A_885 = tpu.vector_load %arg11[%get3A_882, %get3A_883, %get3A_884] {strides = array<i32>} : memref<1x224x224xf32, #tpu.memory_space<vmem>>, vector<16xf32>,
      %mul3A_886 = arith.mulf %get3A_885, %broadcast_in_dim3A_383 : vector<16xf32>
      %swap3A_887 = arith.constant 0 : i32
      %swap3A_888 = arith.index_cast %swap3A_887 : i32 to index
      %swap3A_889 = arith.index_cast %scan3A_758 : i32 to index
      %swap3A_890 = arith.constant 176 : index
      %swap3A_891 = tpu.vector_load %arg11[%swap3A_888, %swap3A_889, %swap3A_890] {strides = array<i32>} : memref<1x224x224xf32, #tpu.memory_space<vmem>>, vector<16xf32>,
      tpu.vector_store %arg11[%swap3A_888, %swap3A_889, %swap3A_890], %mul3A_886 {strides = array<i32>} : memref<1x224x224xf32, #tpu.memory_space<vmem>>, vector<16xf32>,
      %get3A_892 = arith.constant 0 : i32
      %get3A_893 = arith.index_cast %get3A_892 : i32 to index
      %get3A_894 = arith.index_cast %scan3A_758 : i32 to index
      %get3A_895 = arith.constant 192 : index
      %get3A_896 = tpu.vector_load %arg11[%get3A_893, %get3A_894, %get3A_895] {strides = array<i32>} : memref<1x224x224xf32, #tpu.memory_space<vmem>>, vector<16xf32>,
      %mul3A_897 = arith.mulf %get3A_896, %broadcast_in_dim3A_383 : vector<16xf32>
      %swap3A_898 = arith.constant 0 : i32
      %swap3A_899 = arith.index_cast %swap3A_898 : i32 to index
      %swap3A_900 = arith.index_cast %scan3A_758 : i32 to index
      %swap3A_901 = arith.constant 192 : index
      %swap3A_902 = tpu.vector_load %arg11[%swap3A_899, %swap3A_900, %swap3A_901] {strides = array<i32>} : memref<1x224x224xf32, #tpu.memory_space<vmem>>, vector<16xf32>,
      tpu.vector_store %arg11[%swap3A_899, %swap3A_900, %swap3A_901], %mul3A_897 {strides = array<i32>} : memref<1x224x224xf32, #tpu.memory_space<vmem>>, vector<16xf32>,
      %get3A_903 = arith.constant 0 : i32
      %get3A_904 = arith.index_cast %get3A_903 : i32 to index
      %get3A_905 = arith.index_cast %scan3A_758 : i32 to index
      %get3A_906 = arith.constant 208 : index
      %get3A_907 = tpu.vector_load %arg11[%get3A_904, %get3A_905, %get3A_906] {strides = array<i32>} : memref<1x224x224xf32, #tpu.memory_space<vmem>>, vector<16xf32>,
      %mul3A_908 = arith.mulf %get3A_907, %broadcast_in_dim3A_383 : vector<16xf32>
      %swap3A_909 = arith.constant 0 : i32
      %swap3A_910 = arith.index_cast %swap3A_909 : i32 to index
      %swap3A_911 = arith.index_cast %scan3A_758 : i32 to index
      %swap3A_912 = arith.constant 208 : index
      %swap3A_913 = tpu.vector_load %arg11[%swap3A_910, %swap3A_911, %swap3A_912] {strides = array<i32>} : memref<1x224x224xf32, #tpu.memory_space<vmem>>, vector<16xf32>,
      tpu.vector_store %arg11[%swap3A_910, %swap3A_911, %swap3A_912], %mul3A_908 {strides = array<i32>} : memref<1x224x224xf32, #tpu.memory_space<vmem>>, vector<16xf32>,
      %scan3A_914 = arith.constant 0 : i32
      scf.yield %scan3A_914 : i32
    }
    %scan3A_390 = arith.constant 224 : i32
    %mul3A_391 = arith.constant 192 : i32
    %mul3A_392 = arith.muli %shift_right_arithmetic3A_1, %mul3A_391 : i32
    %add3A_393 = arith.addi %mul3A_392, %mul3A_4 : i32
    %add3A_394 = arith.constant 3 : i32
    %add3A_395 = arith.addi %add3A_393, %add3A_394 : i32
    %dma_start3A_396 = arith.constant 0 : i32
    %dma_start3A_397 = arith.constant 0 : i32
    %dma_start3A_398 = tpu.memref_slice %arg5[%add3A_395, %dma_start3A_396, %dma_start3A_397] : memref<384x224x224xf32, #tpu.memory_space<hbm>> -> memref<1x224x224xf32, #tpu.memory_space<hbm>>
    %dma_start3A_399 = arith.constant 0 : i32
    %dma_start3A_400 = arith.constant 0 : i32
    %dma_start3A_401 = tpu.memref_slice %arg5[%add3A_395, %dma_start3A_399, %dma_start3A_400] : memref<384x224x224xf32, #tpu.memory_space<hbm>> -> memref<1x224x224xf32, #tpu.memory_space<hbm>>
    tpu.enqueue_dma source(%arg11 : memref<1x224x224xf32, #tpu.memory_space<vmem>>) target(%dma_start3A_401 : memref<1x224x224xf32, #tpu.memory_space<hbm>>) target_semaphore(%arg15 : memref<!tpu.dma_semaphore, #tpu.memory_space<semaphore_mem>>)
    %dma_wait3A_402 = arith.constant 0 : i32
    %dma_wait3A_403 = arith.constant 0 : i32
    %dma_wait3A_404 = tpu.memref_slice %arg5[%add3A_395, %dma_wait3A_402, %dma_wait3A_403] : memref<384x224x224xf32, #tpu.memory_space<hbm>> -> memref<1x224x224xf32, #tpu.memory_space<hbm>>
    %dma_wait3A_405 = arith.constant 0 : i32
    %dma_wait3A_406 = arith.constant 0 : i32
    %dma_wait3A_407 = tpu.memref_slice %arg5[%add3A_395, %dma_wait3A_405, %dma_wait3A_406] : memref<384x224x224xf32, #tpu.memory_space<hbm>> -> memref<1x224x224xf32, #tpu.memory_space<hbm>>
    tpu.wait_dma2 semaphore(%arg15 : memref<!tpu.dma_semaphore, #tpu.memory_space<semaphore_mem>>) src(%arg11 : memref<1x224x224xf32, #tpu.memory_space<vmem>>) dst(%dma_wait3A_407 : memref<1x224x224xf32, #tpu.memory_space<hbm>>)
    %get3A_408 = arith.constant 40 : index
    %get3A_409 = tpu.vector_load %arg8[%get3A_408] {strides = array<i32>} : memref<112xi32, #tpu.memory_space<vmem>>, vector<16xi32>,
    %slice3A_410 = vector.extract_strided_slice %get3A_409 {offsets = [0], sizes = [1], strides = [1]} : vector<16xi32> to vector<1xi32>
    %squeeze3A_411 = vector.extract %slice3A_410[0] : i32 from vector<1xi32>
    %dma_start3A_412 = arith.constant 0 : i32
    %dma_start3A_413 = arith.constant 0 : i32
    %dma_start3A_414 = tpu.memref_slice %arg2[%squeeze3A_411, %dma_start3A_412, %dma_start3A_413] : memref<768x224x224xf32, #tpu.memory_space<hbm>> -> memref<1x224x224xf32, #tpu.memory_space<hbm>>
    %dma_start3A_415 = arith.constant 0 : i32
    %dma_start3A_416 = arith.constant 0 : i32
    %dma_start3A_417 = tpu.memref_slice %arg2[%squeeze3A_411, %dma_start3A_415, %dma_start3A_416] : memref<768x224x224xf32, #tpu.memory_space<hbm>> -> memref<1x224x224xf32, #tpu.memory_space<hbm>>
    tpu.enqueue_dma source(%dma_start3A_417 : memref<1x224x224xf32, #tpu.memory_space<hbm>>) target(%arg11 : memref<1x224x224xf32, #tpu.memory_space<vmem>>) target_semaphore(%arg13 : memref<!tpu.dma_semaphore, #tpu.memory_space<semaphore_mem>>)
    %dma_wait3A_418 = arith.constant 0 : i32
    %dma_wait3A_419 = arith.constant 0 : i32
    %dma_wait3A_420 = tpu.memref_slice %arg2[%squeeze3A_366, %dma_wait3A_418, %dma_wait3A_419] : memref<768x224x224xf32, #tpu.memory_space<hbm>> -> memref<1x224x224xf32, #tpu.memory_space<hbm>>
    %dma_wait3A_421 = arith.constant 0 : i32
    %dma_wait3A_422 = arith.constant 0 : i32
    %dma_wait3A_423 = tpu.memref_slice %arg2[%squeeze3A_366, %dma_wait3A_421, %dma_wait3A_422] : memref<768x224x224xf32, #tpu.memory_space<hbm>> -> memref<1x224x224xf32, #tpu.memory_space<hbm>>
    tpu.wait_dma2 semaphore(%arg12 : memref<!tpu.dma_semaphore, #tpu.memory_space<semaphore_mem>>) src(%dma_wait3A_423 : memref<1x224x224xf32, #tpu.memory_space<hbm>>) dst(%arg10 : memref<1x224x224xf32, #tpu.memory_space<vmem>>)
    %get3A_424 = arith.constant 32 : index
    %get3A_425 = tpu.vector_load %arg9[%get3A_424] {strides = array<i32>} : memref<112xf32, #tpu.memory_space<vmem>>, vector<16xf32>,
    %slice3A_426 = vector.extract_strided_slice %get3A_425 {offsets = [0], sizes = [1], strides = [1]} : vector<16xf32> to vector<1xf32>
    %squeeze3A_427 = vector.extract %slice3A_426[0] : f32 from vector<1xf32>
    %broadcast_in_dim3A_428 = vector.broadcast %squeeze3A_427 : f32 to vector<16xf32>
    %scan3A_429 = arith.constant 0 : i32
    %scan3A_430 = arith.constant 0 : i32
    %scan3A_431 = arith.constant 224 : i32
    %scan3A_432 = arith.addi %scan3A_430, %scan3A_431 : i32
    %scan3A_433 = arith.constant 1 : i32
    %scan3A_434 = scf.for %scan3A_758 = %scan3A_430 to %scan3A_432 step %scan3A_433 iter_args(%scan3A_759 = %scan3A_429) -> (i32)  : i32 {
      %get3A_760 = arith.constant 0 : i32
      %get3A_761 = arith.index_cast %get3A_760 : i32 to index
      %get3A_762 = arith.index_cast %scan3A_758 : i32 to index
      %get3A_763 = arith.constant 0 : index
      %get3A_764 = tpu.vector_load %arg10[%get3A_761, %get3A_762, %get3A_763] {strides = array<i32>} : memref<1x224x224xf32, #tpu.memory_space<vmem>>, vector<16xf32>,
      %mul3A_765 = arith.mulf %get3A_764, %broadcast_in_dim3A_428 : vector<16xf32>
      %swap3A_766 = arith.constant 0 : i32
      %swap3A_767 = arith.index_cast %swap3A_766 : i32 to index
      %swap3A_768 = arith.index_cast %scan3A_758 : i32 to index
      %swap3A_769 = arith.constant 0 : index
      %swap3A_770 = tpu.vector_load %arg10[%swap3A_767, %swap3A_768, %swap3A_769] {strides = array<i32>} : memref<1x224x224xf32, #tpu.memory_space<vmem>>, vector<16xf32>,
      tpu.vector_store %arg10[%swap3A_767, %swap3A_768, %swap3A_769], %mul3A_765 {strides = array<i32>} : memref<1x224x224xf32, #tpu.memory_space<vmem>>, vector<16xf32>,
      %get3A_771 = arith.constant 0 : i32
      %get3A_772 = arith.index_cast %get3A_771 : i32 to index
      %get3A_773 = arith.index_cast %scan3A_758 : i32 to index
      %get3A_774 = arith.constant 16 : index
      %get3A_775 = tpu.vector_load %arg10[%get3A_772, %get3A_773, %get3A_774] {strides = array<i32>} : memref<1x224x224xf32, #tpu.memory_space<vmem>>, vector<16xf32>,
      %mul3A_776 = arith.mulf %get3A_775, %broadcast_in_dim3A_428 : vector<16xf32>
      %swap3A_777 = arith.constant 0 : i32
      %swap3A_778 = arith.index_cast %swap3A_777 : i32 to index
      %swap3A_779 = arith.index_cast %scan3A_758 : i32 to index
      %swap3A_780 = arith.constant 16 : index
      %swap3A_781 = tpu.vector_load %arg10[%swap3A_778, %swap3A_779, %swap3A_780] {strides = array<i32>} : memref<1x224x224xf32, #tpu.memory_space<vmem>>, vector<16xf32>,
      tpu.vector_store %arg10[%swap3A_778, %swap3A_779, %swap3A_780], %mul3A_776 {strides = array<i32>} : memref<1x224x224xf32, #tpu.memory_space<vmem>>, vector<16xf32>,
      %get3A_782 = arith.constant 0 : i32
      %get3A_783 = arith.index_cast %get3A_782 : i32 to index
      %get3A_784 = arith.index_cast %scan3A_758 : i32 to index
      %get3A_785 = arith.constant 32 : index
      %get3A_786 = tpu.vector_load %arg10[%get3A_783, %get3A_784, %get3A_785] {strides = array<i32>} : memref<1x224x224xf32, #tpu.memory_space<vmem>>, vector<16xf32>,
      %mul3A_787 = arith.mulf %get3A_786, %broadcast_in_dim3A_428 : vector<16xf32>
      %swap3A_788 = arith.constant 0 : i32
      %swap3A_789 = arith.index_cast %swap3A_788 : i32 to index
      %swap3A_790 = arith.index_cast %scan3A_758 : i32 to index
      %swap3A_791 = arith.constant 32 : index
      %swap3A_792 = tpu.vector_load %arg10[%swap3A_789, %swap3A_790, %swap3A_791] {strides = array<i32>} : memref<1x224x224xf32, #tpu.memory_space<vmem>>, vector<16xf32>,
      tpu.vector_store %arg10[%swap3A_789, %swap3A_790, %swap3A_791], %mul3A_787 {strides = array<i32>} : memref<1x224x224xf32, #tpu.memory_space<vmem>>, vector<16xf32>,
      %get3A_793 = arith.constant 0 : i32
      %get3A_794 = arith.index_cast %get3A_793 : i32 to index
      %get3A_795 = arith.index_cast %scan3A_758 : i32 to index
      %get3A_796 = arith.constant 48 : index
      %get3A_797 = tpu.vector_load %arg10[%get3A_794, %get3A_795, %get3A_796] {strides = array<i32>} : memref<1x224x224xf32, #tpu.memory_space<vmem>>, vector<16xf32>,
      %mul3A_798 = arith.mulf %get3A_797, %broadcast_in_dim3A_428 : vector<16xf32>
      %swap3A_799 = arith.constant 0 : i32
      %swap3A_800 = arith.index_cast %swap3A_799 : i32 to index
      %swap3A_801 = arith.index_cast %scan3A_758 : i32 to index
      %swap3A_802 = arith.constant 48 : index
      %swap3A_803 = tpu.vector_load %arg10[%swap3A_800, %swap3A_801, %swap3A_802] {strides = array<i32>} : memref<1x224x224xf32, #tpu.memory_space<vmem>>, vector<16xf32>,
      tpu.vector_store %arg10[%swap3A_800, %swap3A_801, %swap3A_802], %mul3A_798 {strides = array<i32>} : memref<1x224x224xf32, #tpu.memory_space<vmem>>, vector<16xf32>,
      %get3A_804 = arith.constant 0 : i32
      %get3A_805 = arith.index_cast %get3A_804 : i32 to index
      %get3A_806 = arith.index_cast %scan3A_758 : i32 to index
      %get3A_807 = arith.constant 64 : index
      %get3A_808 = tpu.vector_load %arg10[%get3A_805, %get3A_806, %get3A_807] {strides = array<i32>} : memref<1x224x224xf32, #tpu.memory_space<vmem>>, vector<16xf32>,
      %mul3A_809 = arith.mulf %get3A_808, %broadcast_in_dim3A_428 : vector<16xf32>
      %swap3A_810 = arith.constant 0 : i32
      %swap3A_811 = arith.index_cast %swap3A_810 : i32 to index
      %swap3A_812 = arith.index_cast %scan3A_758 : i32 to index
      %swap3A_813 = arith.constant 64 : index
      %swap3A_814 = tpu.vector_load %arg10[%swap3A_811, %swap3A_812, %swap3A_813] {strides = array<i32>} : memref<1x224x224xf32, #tpu.memory_space<vmem>>, vector<16xf32>,
      tpu.vector_store %arg10[%swap3A_811, %swap3A_812, %swap3A_813], %mul3A_809 {strides = array<i32>} : memref<1x224x224xf32, #tpu.memory_space<vmem>>, vector<16xf32>,
      %get3A_815 = arith.constant 0 : i32
      %get3A_816 = arith.index_cast %get3A_815 : i32 to index
      %get3A_817 = arith.index_cast %scan3A_758 : i32 to index
      %get3A_818 = arith.constant 80 : index
      %get3A_819 = tpu.vector_load %arg10[%get3A_816, %get3A_817, %get3A_818] {strides = array<i32>} : memref<1x224x224xf32, #tpu.memory_space<vmem>>, vector<16xf32>,
      %mul3A_820 = arith.mulf %get3A_819, %broadcast_in_dim3A_428 : vector<16xf32>
      %swap3A_821 = arith.constant 0 : i32
      %swap3A_822 = arith.index_cast %swap3A_821 : i32 to index
      %swap3A_823 = arith.index_cast %scan3A_758 : i32 to index
      %swap3A_824 = arith.constant 80 : index
      %swap3A_825 = tpu.vector_load %arg10[%swap3A_822, %swap3A_823, %swap3A_824] {strides = array<i32>} : memref<1x224x224xf32, #tpu.memory_space<vmem>>, vector<16xf32>,
      tpu.vector_store %arg10[%swap3A_822, %swap3A_823, %swap3A_824], %mul3A_820 {strides = array<i32>} : memref<1x224x224xf32, #tpu.memory_space<vmem>>, vector<16xf32>,
      %get3A_826 = arith.constant 0 : i32
      %get3A_827 = arith.index_cast %get3A_826 : i32 to index
      %get3A_828 = arith.index_cast %scan3A_758 : i32 to index
      %get3A_829 = arith.constant 96 : index
      %get3A_830 = tpu.vector_load %arg10[%get3A_827, %get3A_828, %get3A_829] {strides = array<i32>} : memref<1x224x224xf32, #tpu.memory_space<vmem>>, vector<16xf32>,
      %mul3A_831 = arith.mulf %get3A_830, %broadcast_in_dim3A_428 : vector<16xf32>
      %swap3A_832 = arith.constant 0 : i32
      %swap3A_833 = arith.index_cast %swap3A_832 : i32 to index
      %swap3A_834 = arith.index_cast %scan3A_758 : i32 to index
      %swap3A_835 = arith.constant 96 : index
      %swap3A_836 = tpu.vector_load %arg10[%swap3A_833, %swap3A_834, %swap3A_835] {strides = array<i32>} : memref<1x224x224xf32, #tpu.memory_space<vmem>>, vector<16xf32>,
      tpu.vector_store %arg10[%swap3A_833, %swap3A_834, %swap3A_835], %mul3A_831 {strides = array<i32>} : memref<1x224x224xf32, #tpu.memory_space<vmem>>, vector<16xf32>,
      %get3A_837 = arith.constant 0 : i32
      %get3A_838 = arith.index_cast %get3A_837 : i32 to index
      %get3A_839 = arith.index_cast %scan3A_758 : i32 to index
      %get3A_840 = arith.constant 112 : index
      %get3A_841 = tpu.vector_load %arg10[%get3A_838, %get3A_839, %get3A_840] {strides = array<i32>} : memref<1x224x224xf32, #tpu.memory_space<vmem>>, vector<16xf32>,
      %mul3A_842 = arith.mulf %get3A_841, %broadcast_in_dim3A_428 : vector<16xf32>
      %swap3A_843 = arith.constant 0 : i32
      %swap3A_844 = arith.index_cast %swap3A_843 : i32 to index
      %swap3A_845 = arith.index_cast %scan3A_758 : i32 to index
      %swap3A_846 = arith.constant 112 : index
      %swap3A_847 = tpu.vector_load %arg10[%swap3A_844, %swap3A_845, %swap3A_846] {strides = array<i32>} : memref<1x224x224xf32, #tpu.memory_space<vmem>>, vector<16xf32>,
      tpu.vector_store %arg10[%swap3A_844, %swap3A_845, %swap3A_846], %mul3A_842 {strides = array<i32>} : memref<1x224x224xf32, #tpu.memory_space<vmem>>, vector<16xf32>,
      %get3A_848 = arith.constant 0 : i32
      %get3A_849 = arith.index_cast %get3A_848 : i32 to index
      %get3A_850 = arith.index_cast %scan3A_758 : i32 to index
      %get3A_851 = arith.constant 128 : index
      %get3A_852 = tpu.vector_load %arg10[%get3A_849, %get3A_850, %get3A_851] {strides = array<i32>} : memref<1x224x224xf32, #tpu.memory_space<vmem>>, vector<16xf32>,
      %mul3A_853 = arith.mulf %get3A_852, %broadcast_in_dim3A_428 : vector<16xf32>
      %swap3A_854 = arith.constant 0 : i32
      %swap3A_855 = arith.index_cast %swap3A_854 : i32 to index
      %swap3A_856 = arith.index_cast %scan3A_758 : i32 to index
      %swap3A_857 = arith.constant 128 : index
      %swap3A_858 = tpu.vector_load %arg10[%swap3A_855, %swap3A_856, %swap3A_857] {strides = array<i32>} : memref<1x224x224xf32, #tpu.memory_space<vmem>>, vector<16xf32>,
      tpu.vector_store %arg10[%swap3A_855, %swap3A_856, %swap3A_857], %mul3A_853 {strides = array<i32>} : memref<1x224x224xf32, #tpu.memory_space<vmem>>, vector<16xf32>,
      %get3A_859 = arith.constant 0 : i32
      %get3A_860 = arith.index_cast %get3A_859 : i32 to index
      %get3A_861 = arith.index_cast %scan3A_758 : i32 to index
      %get3A_862 = arith.constant 144 : index
      %get3A_863 = tpu.vector_load %arg10[%get3A_860, %get3A_861, %get3A_862] {strides = array<i32>} : memref<1x224x224xf32, #tpu.memory_space<vmem>>, vector<16xf32>,
      %mul3A_864 = arith.mulf %get3A_863, %broadcast_in_dim3A_428 : vector<16xf32>
      %swap3A_865 = arith.constant 0 : i32
      %swap3A_866 = arith.index_cast %swap3A_865 : i32 to index
      %swap3A_867 = arith.index_cast %scan3A_758 : i32 to index
      %swap3A_868 = arith.constant 144 : index
      %swap3A_869 = tpu.vector_load %arg10[%swap3A_866, %swap3A_867, %swap3A_868] {strides = array<i32>} : memref<1x224x224xf32, #tpu.memory_space<vmem>>, vector<16xf32>,
      tpu.vector_store %arg10[%swap3A_866, %swap3A_867, %swap3A_868], %mul3A_864 {strides = array<i32>} : memref<1x224x224xf32, #tpu.memory_space<vmem>>, vector<16xf32>,
      %get3A_870 = arith.constant 0 : i32
      %get3A_871 = arith.index_cast %get3A_870 : i32 to index
      %get3A_872 = arith.index_cast %scan3A_758 : i32 to index
      %get3A_873 = arith.constant 160 : index
      %get3A_874 = tpu.vector_load %arg10[%get3A_871, %get3A_872, %get3A_873] {strides = array<i32>} : memref<1x224x224xf32, #tpu.memory_space<vmem>>, vector<16xf32>,
      %mul3A_875 = arith.mulf %get3A_874, %broadcast_in_dim3A_428 : vector<16xf32>
      %swap3A_876 = arith.constant 0 : i32
      %swap3A_877 = arith.index_cast %swap3A_876 : i32 to index
      %swap3A_878 = arith.index_cast %scan3A_758 : i32 to index
      %swap3A_879 = arith.constant 160 : index
      %swap3A_880 = tpu.vector_load %arg10[%swap3A_877, %swap3A_878, %swap3A_879] {strides = array<i32>} : memref<1x224x224xf32, #tpu.memory_space<vmem>>, vector<16xf32>,
      tpu.vector_store %arg10[%swap3A_877, %swap3A_878, %swap3A_879], %mul3A_875 {strides = array<i32>} : memref<1x224x224xf32, #tpu.memory_space<vmem>>, vector<16xf32>,
      %get3A_881 = arith.constant 0 : i32
      %get3A_882 = arith.index_cast %get3A_881 : i32 to index
      %get3A_883 = arith.index_cast %scan3A_758 : i32 to index
      %get3A_884 = arith.constant 176 : index
      %get3A_885 = tpu.vector_load %arg10[%get3A_882, %get3A_883, %get3A_884] {strides = array<i32>} : memref<1x224x224xf32, #tpu.memory_space<vmem>>, vector<16xf32>,
      %mul3A_886 = arith.mulf %get3A_885, %broadcast_in_dim3A_428 : vector<16xf32>
      %swap3A_887 = arith.constant 0 : i32
      %swap3A_888 = arith.index_cast %swap3A_887 : i32 to index
      %swap3A_889 = arith.index_cast %scan3A_758 : i32 to index
      %swap3A_890 = arith.constant 176 : index
      %swap3A_891 = tpu.vector_load %arg10[%swap3A_888, %swap3A_889, %swap3A_890] {strides = array<i32>} : memref<1x224x224xf32, #tpu.memory_space<vmem>>, vector<16xf32>,
      tpu.vector_store %arg10[%swap3A_888, %swap3A_889, %swap3A_890], %mul3A_886 {strides = array<i32>} : memref<1x224x224xf32, #tpu.memory_space<vmem>>, vector<16xf32>,
      %get3A_892 = arith.constant 0 : i32
      %get3A_893 = arith.index_cast %get3A_892 : i32 to index
      %get3A_894 = arith.index_cast %scan3A_758 : i32 to index
      %get3A_895 = arith.constant 192 : index
      %get3A_896 = tpu.vector_load %arg10[%get3A_893, %get3A_894, %get3A_895] {strides = array<i32>} : memref<1x224x224xf32, #tpu.memory_space<vmem>>, vector<16xf32>,
      %mul3A_897 = arith.mulf %get3A_896, %broadcast_in_dim3A_428 : vector<16xf32>
      %swap3A_898 = arith.constant 0 : i32
      %swap3A_899 = arith.index_cast %swap3A_898 : i32 to index
      %swap3A_900 = arith.index_cast %scan3A_758 : i32 to index
      %swap3A_901 = arith.constant 192 : index
      %swap3A_902 = tpu.vector_load %arg10[%swap3A_899, %swap3A_900, %swap3A_901] {strides = array<i32>} : memref<1x224x224xf32, #tpu.memory_space<vmem>>, vector<16xf32>,
      tpu.vector_store %arg10[%swap3A_899, %swap3A_900, %swap3A_901], %mul3A_897 {strides = array<i32>} : memref<1x224x224xf32, #tpu.memory_space<vmem>>, vector<16xf32>,
      %get3A_903 = arith.constant 0 : i32
      %get3A_904 = arith.index_cast %get3A_903 : i32 to index
      %get3A_905 = arith.index_cast %scan3A_758 : i32 to index
      %get3A_906 = arith.constant 208 : index
      %get3A_907 = tpu.vector_load %arg10[%get3A_904, %get3A_905, %get3A_906] {strides = array<i32>} : memref<1x224x224xf32, #tpu.memory_space<vmem>>, vector<16xf32>,
      %mul3A_908 = arith.mulf %get3A_907, %broadcast_in_dim3A_428 : vector<16xf32>
      %swap3A_909 = arith.constant 0 : i32
      %swap3A_910 = arith.index_cast %swap3A_909 : i32 to index
      %swap3A_911 = arith.index_cast %scan3A_758 : i32 to index
      %swap3A_912 = arith.constant 208 : index
      %swap3A_913 = tpu.vector_load %arg10[%swap3A_910, %swap3A_911, %swap3A_912] {strides = array<i32>} : memref<1x224x224xf32, #tpu.memory_space<vmem>>, vector<16xf32>,
      tpu.vector_store %arg10[%swap3A_910, %swap3A_911, %swap3A_912], %mul3A_908 {strides = array<i32>} : memref<1x224x224xf32, #tpu.memory_space<vmem>>, vector<16xf32>,
      %scan3A_914 = arith.constant 0 : i32
      scf.yield %scan3A_914 : i32
    }
    %scan3A_435 = arith.constant 224 : i32
    %mul3A_436 = arith.constant 192 : i32
    %mul3A_437 = arith.muli %shift_right_arithmetic3A_1, %mul3A_436 : i32
    %add3A_438 = arith.addi %mul3A_437, %mul3A_4 : i32
    %add3A_439 = arith.constant 4 : i32
    %add3A_440 = arith.addi %add3A_438, %add3A_439 : i32
    %dma_start3A_441 = arith.constant 0 : i32
    %dma_start3A_442 = arith.constant 0 : i32
    %dma_start3A_443 = tpu.memref_slice %arg5[%add3A_440, %dma_start3A_441, %dma_start3A_442] : memref<384x224x224xf32, #tpu.memory_space<hbm>> -> memref<1x224x224xf32, #tpu.memory_space<hbm>>
    %dma_start3A_444 = arith.constant 0 : i32
    %dma_start3A_445 = arith.constant 0 : i32
    %dma_start3A_446 = tpu.memref_slice %arg5[%add3A_440, %dma_start3A_444, %dma_start3A_445] : memref<384x224x224xf32, #tpu.memory_space<hbm>> -> memref<1x224x224xf32, #tpu.memory_space<hbm>>
    tpu.enqueue_dma source(%arg10 : memref<1x224x224xf32, #tpu.memory_space<vmem>>) target(%dma_start3A_446 : memref<1x224x224xf32, #tpu.memory_space<hbm>>) target_semaphore(%arg14 : memref<!tpu.dma_semaphore, #tpu.memory_space<semaphore_mem>>)
    %dma_wait3A_447 = arith.constant 0 : i32
    %dma_wait3A_448 = arith.constant 0 : i32
    %dma_wait3A_449 = tpu.memref_slice %arg5[%add3A_440, %dma_wait3A_447, %dma_wait3A_448] : memref<384x224x224xf32, #tpu.memory_space<hbm>> -> memref<1x224x224xf32, #tpu.memory_space<hbm>>
    %dma_wait3A_450 = arith.constant 0 : i32
    %dma_wait3A_451 = arith.constant 0 : i32
    %dma_wait3A_452 = tpu.memref_slice %arg5[%add3A_440, %dma_wait3A_450, %dma_wait3A_451] : memref<384x224x224xf32, #tpu.memory_space<hbm>> -> memref<1x224x224xf32, #tpu.memory_space<hbm>>
    tpu.wait_dma2 semaphore(%arg14 : memref<!tpu.dma_semaphore, #tpu.memory_space<semaphore_mem>>) src(%arg10 : memref<1x224x224xf32, #tpu.memory_space<vmem>>) dst(%dma_wait3A_452 : memref<1x224x224xf32, #tpu.memory_space<hbm>>)
    %get3A_453 = arith.constant 48 : index
    %get3A_454 = tpu.vector_load %arg8[%get3A_453] {strides = array<i32>} : memref<112xi32, #tpu.memory_space<vmem>>, vector<16xi32>,
    %slice3A_455 = vector.extract_strided_slice %get3A_454 {offsets = [0], sizes = [1], strides = [1]} : vector<16xi32> to vector<1xi32>
    %squeeze3A_456 = vector.extract %slice3A_455[0] : i32 from vector<1xi32>
    %dma_start3A_457 = arith.constant 0 : i32
    %dma_start3A_458 = arith.constant 0 : i32
    %dma_start3A_459 = tpu.memref_slice %arg2[%squeeze3A_456, %dma_start3A_457, %dma_start3A_458] : memref<768x224x224xf32, #tpu.memory_space<hbm>> -> memref<1x224x224xf32, #tpu.memory_space<hbm>>
    %dma_start3A_460 = arith.constant 0 : i32
    %dma_start3A_461 = arith.constant 0 : i32
    %dma_start3A_462 = tpu.memref_slice %arg2[%squeeze3A_456, %dma_start3A_460, %dma_start3A_461] : memref<768x224x224xf32, #tpu.memory_space<hbm>> -> memref<1x224x224xf32, #tpu.memory_space<hbm>>
    tpu.enqueue_dma source(%dma_start3A_462 : memref<1x224x224xf32, #tpu.memory_space<hbm>>) target(%arg10 : memref<1x224x224xf32, #tpu.memory_space<vmem>>) target_semaphore(%arg12 : memref<!tpu.dma_semaphore, #tpu.memory_space<semaphore_mem>>)
    %dma_wait3A_463 = arith.constant 0 : i32
    %dma_wait3A_464 = arith.constant 0 : i32
    %dma_wait3A_465 = tpu.memref_slice %arg2[%squeeze3A_411, %dma_wait3A_463, %dma_wait3A_464] : memref<768x224x224xf32, #tpu.memory_space<hbm>> -> memref<1x224x224xf32, #tpu.memory_space<hbm>>
    %dma_wait3A_466 = arith.constant 0 : i32
    %dma_wait3A_467 = arith.constant 0 : i32
    %dma_wait3A_468 = tpu.memref_slice %arg2[%squeeze3A_411, %dma_wait3A_466, %dma_wait3A_467] : memref<768x224x224xf32, #tpu.memory_space<hbm>> -> memref<1x224x224xf32, #tpu.memory_space<hbm>>
    tpu.wait_dma2 semaphore(%arg13 : memref<!tpu.dma_semaphore, #tpu.memory_space<semaphore_mem>>) src(%dma_wait3A_468 : memref<1x224x224xf32, #tpu.memory_space<hbm>>) dst(%arg11 : memref<1x224x224xf32, #tpu.memory_space<vmem>>)
    %get3A_469 = arith.constant 40 : index
    %get3A_470 = tpu.vector_load %arg9[%get3A_469] {strides = array<i32>} : memref<112xf32, #tpu.memory_space<vmem>>, vector<16xf32>,
    %slice3A_471 = vector.extract_strided_slice %get3A_470 {offsets = [0], sizes = [1], strides = [1]} : vector<16xf32> to vector<1xf32>
    %squeeze3A_472 = vector.extract %slice3A_471[0] : f32 from vector<1xf32>
    %broadcast_in_dim3A_473 = vector.broadcast %squeeze3A_472 : f32 to vector<16xf32>
    %scan3A_474 = arith.constant 0 : i32
    %scan3A_475 = arith.constant 0 : i32
    %scan3A_476 = arith.constant 224 : i32
    %scan3A_477 = arith.addi %scan3A_475, %scan3A_476 : i32
    %scan3A_478 = arith.constant 1 : i32
    %scan3A_479 = scf.for %scan3A_758 = %scan3A_475 to %scan3A_477 step %scan3A_478 iter_args(%scan3A_759 = %scan3A_474) -> (i32)  : i32 {
      %get3A_760 = arith.constant 0 : i32
      %get3A_761 = arith.index_cast %get3A_760 : i32 to index
      %get3A_762 = arith.index_cast %scan3A_758 : i32 to index
      %get3A_763 = arith.constant 0 : index
      %get3A_764 = tpu.vector_load %arg11[%get3A_761, %get3A_762, %get3A_763] {strides = array<i32>} : memref<1x224x224xf32, #tpu.memory_space<vmem>>, vector<16xf32>,
      %mul3A_765 = arith.mulf %get3A_764, %broadcast_in_dim3A_473 : vector<16xf32>
      %swap3A_766 = arith.constant 0 : i32
      %swap3A_767 = arith.index_cast %swap3A_766 : i32 to index
      %swap3A_768 = arith.index_cast %scan3A_758 : i32 to index
      %swap3A_769 = arith.constant 0 : index
      %swap3A_770 = tpu.vector_load %arg11[%swap3A_767, %swap3A_768, %swap3A_769] {strides = array<i32>} : memref<1x224x224xf32, #tpu.memory_space<vmem>>, vector<16xf32>,
      tpu.vector_store %arg11[%swap3A_767, %swap3A_768, %swap3A_769], %mul3A_765 {strides = array<i32>} : memref<1x224x224xf32, #tpu.memory_space<vmem>>, vector<16xf32>,
      %get3A_771 = arith.constant 0 : i32
      %get3A_772 = arith.index_cast %get3A_771 : i32 to index
      %get3A_773 = arith.index_cast %scan3A_758 : i32 to index
      %get3A_774 = arith.constant 16 : index
      %get3A_775 = tpu.vector_load %arg11[%get3A_772, %get3A_773, %get3A_774] {strides = array<i32>} : memref<1x224x224xf32, #tpu.memory_space<vmem>>, vector<16xf32>,
      %mul3A_776 = arith.mulf %get3A_775, %broadcast_in_dim3A_473 : vector<16xf32>
      %swap3A_777 = arith.constant 0 : i32
      %swap3A_778 = arith.index_cast %swap3A_777 : i32 to index
      %swap3A_779 = arith.index_cast %scan3A_758 : i32 to index
      %swap3A_780 = arith.constant 16 : index
      %swap3A_781 = tpu.vector_load %arg11[%swap3A_778, %swap3A_779, %swap3A_780] {strides = array<i32>} : memref<1x224x224xf32, #tpu.memory_space<vmem>>, vector<16xf32>,
      tpu.vector_store %arg11[%swap3A_778, %swap3A_779, %swap3A_780], %mul3A_776 {strides = array<i32>} : memref<1x224x224xf32, #tpu.memory_space<vmem>>, vector<16xf32>,
      %get3A_782 = arith.constant 0 : i32
      %get3A_783 = arith.index_cast %get3A_782 : i32 to index
      %get3A_784 = arith.index_cast %scan3A_758 : i32 to index
      %get3A_785 = arith.constant 32 : index
      %get3A_786 = tpu.vector_load %arg11[%get3A_783, %get3A_784, %get3A_785] {strides = array<i32>} : memref<1x224x224xf32, #tpu.memory_space<vmem>>, vector<16xf32>,
      %mul3A_787 = arith.mulf %get3A_786, %broadcast_in_dim3A_473 : vector<16xf32>
      %swap3A_788 = arith.constant 0 : i32
      %swap3A_789 = arith.index_cast %swap3A_788 : i32 to index
      %swap3A_790 = arith.index_cast %scan3A_758 : i32 to index
      %swap3A_791 = arith.constant 32 : index
      %swap3A_792 = tpu.vector_load %arg11[%swap3A_789, %swap3A_790, %swap3A_791] {strides = array<i32>} : memref<1x224x224xf32, #tpu.memory_space<vmem>>, vector<16xf32>,
      tpu.vector_store %arg11[%swap3A_789, %swap3A_790, %swap3A_791], %mul3A_787 {strides = array<i32>} : memref<1x224x224xf32, #tpu.memory_space<vmem>>, vector<16xf32>,
      %get3A_793 = arith.constant 0 : i32
      %get3A_794 = arith.index_cast %get3A_793 : i32 to index
      %get3A_795 = arith.index_cast %scan3A_758 : i32 to index
      %get3A_796 = arith.constant 48 : index
      %get3A_797 = tpu.vector_load %arg11[%get3A_794, %get3A_795, %get3A_796] {strides = array<i32>} : memref<1x224x224xf32, #tpu.memory_space<vmem>>, vector<16xf32>,
      %mul3A_798 = arith.mulf %get3A_797, %broadcast_in_dim3A_473 : vector<16xf32>
      %swap3A_799 = arith.constant 0 : i32
      %swap3A_800 = arith.index_cast %swap3A_799 : i32 to index
      %swap3A_801 = arith.index_cast %scan3A_758 : i32 to index
      %swap3A_802 = arith.constant 48 : index
      %swap3A_803 = tpu.vector_load %arg11[%swap3A_800, %swap3A_801, %swap3A_802] {strides = array<i32>} : memref<1x224x224xf32, #tpu.memory_space<vmem>>, vector<16xf32>,
      tpu.vector_store %arg11[%swap3A_800, %swap3A_801, %swap3A_802], %mul3A_798 {strides = array<i32>} : memref<1x224x224xf32, #tpu.memory_space<vmem>>, vector<16xf32>,
      %get3A_804 = arith.constant 0 : i32
      %get3A_805 = arith.index_cast %get3A_804 : i32 to index
      %get3A_806 = arith.index_cast %scan3A_758 : i32 to index
      %get3A_807 = arith.constant 64 : index
      %get3A_808 = tpu.vector_load %arg11[%get3A_805, %get3A_806, %get3A_807] {strides = array<i32>} : memref<1x224x224xf32, #tpu.memory_space<vmem>>, vector<16xf32>,
      %mul3A_809 = arith.mulf %get3A_808, %broadcast_in_dim3A_473 : vector<16xf32>
      %swap3A_810 = arith.constant 0 : i32
      %swap3A_811 = arith.index_cast %swap3A_810 : i32 to index
      %swap3A_812 = arith.index_cast %scan3A_758 : i32 to index
      %swap3A_813 = arith.constant 64 : index
      %swap3A_814 = tpu.vector_load %arg11[%swap3A_811, %swap3A_812, %swap3A_813] {strides = array<i32>} : memref<1x224x224xf32, #tpu.memory_space<vmem>>, vector<16xf32>,
      tpu.vector_store %arg11[%swap3A_811, %swap3A_812, %swap3A_813], %mul3A_809 {strides = array<i32>} : memref<1x224x224xf32, #tpu.memory_space<vmem>>, vector<16xf32>,
      %get3A_815 = arith.constant 0 : i32
      %get3A_816 = arith.index_cast %get3A_815 : i32 to index
      %get3A_817 = arith.index_cast %scan3A_758 : i32 to index
      %get3A_818 = arith.constant 80 : index
      %get3A_819 = tpu.vector_load %arg11[%get3A_816, %get3A_817, %get3A_818] {strides = array<i32>} : memref<1x224x224xf32, #tpu.memory_space<vmem>>, vector<16xf32>,
      %mul3A_820 = arith.mulf %get3A_819, %broadcast_in_dim3A_473 : vector<16xf32>
      %swap3A_821 = arith.constant 0 : i32
      %swap3A_822 = arith.index_cast %swap3A_821 : i32 to index
      %swap3A_823 = arith.index_cast %scan3A_758 : i32 to index
      %swap3A_824 = arith.constant 80 : index
      %swap3A_825 = tpu.vector_load %arg11[%swap3A_822, %swap3A_823, %swap3A_824] {strides = array<i32>} : memref<1x224x224xf32, #tpu.memory_space<vmem>>, vector<16xf32>,
      tpu.vector_store %arg11[%swap3A_822, %swap3A_823, %swap3A_824], %mul3A_820 {strides = array<i32>} : memref<1x224x224xf32, #tpu.memory_space<vmem>>, vector<16xf32>,
      %get3A_826 = arith.constant 0 : i32
      %get3A_827 = arith.index_cast %get3A_826 : i32 to index
      %get3A_828 = arith.index_cast %scan3A_758 : i32 to index
      %get3A_829 = arith.constant 96 : index
      %get3A_830 = tpu.vector_load %arg11[%get3A_827, %get3A_828, %get3A_829] {strides = array<i32>} : memref<1x224x224xf32, #tpu.memory_space<vmem>>, vector<16xf32>,
      %mul3A_831 = arith.mulf %get3A_830, %broadcast_in_dim3A_473 : vector<16xf32>
      %swap3A_832 = arith.constant 0 : i32
      %swap3A_833 = arith.index_cast %swap3A_832 : i32 to index
      %swap3A_834 = arith.index_cast %scan3A_758 : i32 to index
      %swap3A_835 = arith.constant 96 : index
      %swap3A_836 = tpu.vector_load %arg11[%swap3A_833, %swap3A_834, %swap3A_835] {strides = array<i32>} : memref<1x224x224xf32, #tpu.memory_space<vmem>>, vector<16xf32>,
      tpu.vector_store %arg11[%swap3A_833, %swap3A_834, %swap3A_835], %mul3A_831 {strides = array<i32>} : memref<1x224x224xf32, #tpu.memory_space<vmem>>, vector<16xf32>,
      %get3A_837 = arith.constant 0 : i32
      %get3A_838 = arith.index_cast %get3A_837 : i32 to index
      %get3A_839 = arith.index_cast %scan3A_758 : i32 to index
      %get3A_840 = arith.constant 112 : index
      %get3A_841 = tpu.vector_load %arg11[%get3A_838, %get3A_839, %get3A_840] {strides = array<i32>} : memref<1x224x224xf32, #tpu.memory_space<vmem>>, vector<16xf32>,
      %mul3A_842 = arith.mulf %get3A_841, %broadcast_in_dim3A_473 : vector<16xf32>
      %swap3A_843 = arith.constant 0 : i32
      %swap3A_844 = arith.index_cast %swap3A_843 : i32 to index
      %swap3A_845 = arith.index_cast %scan3A_758 : i32 to index
      %swap3A_846 = arith.constant 112 : index
      %swap3A_847 = tpu.vector_load %arg11[%swap3A_844, %swap3A_845, %swap3A_846] {strides = array<i32>} : memref<1x224x224xf32, #tpu.memory_space<vmem>>, vector<16xf32>,
      tpu.vector_store %arg11[%swap3A_844, %swap3A_845, %swap3A_846], %mul3A_842 {strides = array<i32>} : memref<1x224x224xf32, #tpu.memory_space<vmem>>, vector<16xf32>,
      %get3A_848 = arith.constant 0 : i32
      %get3A_849 = arith.index_cast %get3A_848 : i32 to index
      %get3A_850 = arith.index_cast %scan3A_758 : i32 to index
      %get3A_851 = arith.constant 128 : index
      %get3A_852 = tpu.vector_load %arg11[%get3A_849, %get3A_850, %get3A_851] {strides = array<i32>} : memref<1x224x224xf32, #tpu.memory_space<vmem>>, vector<16xf32>,
      %mul3A_853 = arith.mulf %get3A_852, %broadcast_in_dim3A_473 : vector<16xf32>
      %swap3A_854 = arith.constant 0 : i32
      %swap3A_855 = arith.index_cast %swap3A_854 : i32 to index
      %swap3A_856 = arith.index_cast %scan3A_758 : i32 to index
      %swap3A_857 = arith.constant 128 : index
      %swap3A_858 = tpu.vector_load %arg11[%swap3A_855, %swap3A_856, %swap3A_857] {strides = array<i32>} : memref<1x224x224xf32, #tpu.memory_space<vmem>>, vector<16xf32>,
      tpu.vector_store %arg11[%swap3A_855, %swap3A_856, %swap3A_857], %mul3A_853 {strides = array<i32>} : memref<1x224x224xf32, #tpu.memory_space<vmem>>, vector<16xf32>,
      %get3A_859 = arith.constant 0 : i32
      %get3A_860 = arith.index_cast %get3A_859 : i32 to index
      %get3A_861 = arith.index_cast %scan3A_758 : i32 to index
      %get3A_862 = arith.constant 144 : index
      %get3A_863 = tpu.vector_load %arg11[%get3A_860, %get3A_861, %get3A_862] {strides = array<i32>} : memref<1x224x224xf32, #tpu.memory_space<vmem>>, vector<16xf32>,
      %mul3A_864 = arith.mulf %get3A_863, %broadcast_in_dim3A_473 : vector<16xf32>
      %swap3A_865 = arith.constant 0 : i32
      %swap3A_866 = arith.index_cast %swap3A_865 : i32 to index
      %swap3A_867 = arith.index_cast %scan3A_758 : i32 to index
      %swap3A_868 = arith.constant 144 : index
      %swap3A_869 = tpu.vector_load %arg11[%swap3A_866, %swap3A_867, %swap3A_868] {strides = array<i32>} : memref<1x224x224xf32, #tpu.memory_space<vmem>>, vector<16xf32>,
      tpu.vector_store %arg11[%swap3A_866, %swap3A_867, %swap3A_868], %mul3A_864 {strides = array<i32>} : memref<1x224x224xf32, #tpu.memory_space<vmem>>, vector<16xf32>,
      %get3A_870 = arith.constant 0 : i32
      %get3A_871 = arith.index_cast %get3A_870 : i32 to index
      %get3A_872 = arith.index_cast %scan3A_758 : i32 to index
      %get3A_873 = arith.constant 160 : index
      %get3A_874 = tpu.vector_load %arg11[%get3A_871, %get3A_872, %get3A_873] {strides = array<i32>} : memref<1x224x224xf32, #tpu.memory_space<vmem>>, vector<16xf32>,
      %mul3A_875 = arith.mulf %get3A_874, %broadcast_in_dim3A_473 : vector<16xf32>
      %swap3A_876 = arith.constant 0 : i32
      %swap3A_877 = arith.index_cast %swap3A_876 : i32 to index
      %swap3A_878 = arith.index_cast %scan3A_758 : i32 to index
      %swap3A_879 = arith.constant 160 : index
      %swap3A_880 = tpu.vector_load %arg11[%swap3A_877, %swap3A_878, %swap3A_879] {strides = array<i32>} : memref<1x224x224xf32, #tpu.memory_space<vmem>>, vector<16xf32>,
      tpu.vector_store %arg11[%swap3A_877, %swap3A_878, %swap3A_879], %mul3A_875 {strides = array<i32>} : memref<1x224x224xf32, #tpu.memory_space<vmem>>, vector<16xf32>,
      %get3A_881 = arith.constant 0 : i32
      %get3A_882 = arith.index_cast %get3A_881 : i32 to index
      %get3A_883 = arith.index_cast %scan3A_758 : i32 to index
      %get3A_884 = arith.constant 176 : index
      %get3A_885 = tpu.vector_load %arg11[%get3A_882, %get3A_883, %get3A_884] {strides = array<i32>} : memref<1x224x224xf32, #tpu.memory_space<vmem>>, vector<16xf32>,
      %mul3A_886 = arith.mulf %get3A_885, %broadcast_in_dim3A_473 : vector<16xf32>
      %swap3A_887 = arith.constant 0 : i32
      %swap3A_888 = arith.index_cast %swap3A_887 : i32 to index
      %swap3A_889 = arith.index_cast %scan3A_758 : i32 to index
      %swap3A_890 = arith.constant 176 : index
      %swap3A_891 = tpu.vector_load %arg11[%swap3A_888, %swap3A_889, %swap3A_890] {strides = array<i32>} : memref<1x224x224xf32, #tpu.memory_space<vmem>>, vector<16xf32>,
      tpu.vector_store %arg11[%swap3A_888, %swap3A_889, %swap3A_890], %mul3A_886 {strides = array<i32>} : memref<1x224x224xf32, #tpu.memory_space<vmem>>, vector<16xf32>,
      %get3A_892 = arith.constant 0 : i32
      %get3A_893 = arith.index_cast %get3A_892 : i32 to index
      %get3A_894 = arith.index_cast %scan3A_758 : i32 to index
      %get3A_895 = arith.constant 192 : index
      %get3A_896 = tpu.vector_load %arg11[%get3A_893, %get3A_894, %get3A_895] {strides = array<i32>} : memref<1x224x224xf32, #tpu.memory_space<vmem>>, vector<16xf32>,
      %mul3A_897 = arith.mulf %get3A_896, %broadcast_in_dim3A_473 : vector<16xf32>
      %swap3A_898 = arith.constant 0 : i32
      %swap3A_899 = arith.index_cast %swap3A_898 : i32 to index
      %swap3A_900 = arith.index_cast %scan3A_758 : i32 to index
      %swap3A_901 = arith.constant 192 : index
      %swap3A_902 = tpu.vector_load %arg11[%swap3A_899, %swap3A_900, %swap3A_901] {strides = array<i32>} : memref<1x224x224xf32, #tpu.memory_space<vmem>>, vector<16xf32>,
      tpu.vector_store %arg11[%swap3A_899, %swap3A_900, %swap3A_901], %mul3A_897 {strides = array<i32>} : memref<1x224x224xf32, #tpu.memory_space<vmem>>, vector<16xf32>,
      %get3A_903 = arith.constant 0 : i32
      %get3A_904 = arith.index_cast %get3A_903 : i32 to index
      %get3A_905 = arith.index_cast %scan3A_758 : i32 to index
      %get3A_906 = arith.constant 208 : index
      %get3A_907 = tpu.vector_load %arg11[%get3A_904, %get3A_905, %get3A_906] {strides = array<i32>} : memref<1x224x224xf32, #tpu.memory_space<vmem>>, vector<16xf32>,
      %mul3A_908 = arith.mulf %get3A_907, %broadcast_in_dim3A_473 : vector<16xf32>
      %swap3A_909 = arith.constant 0 : i32
      %swap3A_910 = arith.index_cast %swap3A_909 : i32 to index
      %swap3A_911 = arith.index_cast %scan3A_758 : i32 to index
      %swap3A_912 = arith.constant 208 : index
      %swap3A_913 = tpu.vector_load %arg11[%swap3A_910, %swap3A_911, %swap3A_912] {strides = array<i32>} : memref<1x224x224xf32, #tpu.memory_space<vmem>>, vector<16xf32>,
      tpu.vector_store %arg11[%swap3A_910, %swap3A_911, %swap3A_912], %mul3A_908 {strides = array<i32>} : memref<1x224x224xf32, #tpu.memory_space<vmem>>, vector<16xf32>,
      %scan3A_914 = arith.constant 0 : i32
      scf.yield %scan3A_914 : i32
    }
    %scan3A_480 = arith.constant 224 : i32
    %mul3A_481 = arith.constant 192 : i32
    %mul3A_482 = arith.muli %shift_right_arithmetic3A_1, %mul3A_481 : i32
    %add3A_483 = arith.addi %mul3A_482, %mul3A_4 : i32
    %add3A_484 = arith.constant 5 : i32
    %add3A_485 = arith.addi %add3A_483, %add3A_484 : i32
    %dma_start3A_486 = arith.constant 0 : i32
    %dma_start3A_487 = arith.constant 0 : i32
    %dma_start3A_488 = tpu.memref_slice %arg5[%add3A_485, %dma_start3A_486, %dma_start3A_487] : memref<384x224x224xf32, #tpu.memory_space<hbm>> -> memref<1x224x224xf32, #tpu.memory_space<hbm>>
    %dma_start3A_489 = arith.constant 0 : i32
    %dma_start3A_490 = arith.constant 0 : i32
    %dma_start3A_491 = tpu.memref_slice %arg5[%add3A_485, %dma_start3A_489, %dma_start3A_490] : memref<384x224x224xf32, #tpu.memory_space<hbm>> -> memref<1x224x224xf32, #tpu.memory_space<hbm>>
    tpu.enqueue_dma source(%arg11 : memref<1x224x224xf32, #tpu.memory_space<vmem>>) target(%dma_start3A_491 : memref<1x224x224xf32, #tpu.memory_space<hbm>>) target_semaphore(%arg15 : memref<!tpu.dma_semaphore, #tpu.memory_space<semaphore_mem>>)
    %dma_wait3A_492 = arith.constant 0 : i32
    %dma_wait3A_493 = arith.constant 0 : i32
    %dma_wait3A_494 = tpu.memref_slice %arg5[%add3A_485, %dma_wait3A_492, %dma_wait3A_493] : memref<384x224x224xf32, #tpu.memory_space<hbm>> -> memref<1x224x224xf32, #tpu.memory_space<hbm>>
    %dma_wait3A_495 = arith.constant 0 : i32
    %dma_wait3A_496 = arith.constant 0 : i32
    %dma_wait3A_497 = tpu.memref_slice %arg5[%add3A_485, %dma_wait3A_495, %dma_wait3A_496] : memref<384x224x224xf32, #tpu.memory_space<hbm>> -> memref<1x224x224xf32, #tpu.memory_space<hbm>>
    tpu.wait_dma2 semaphore(%arg15 : memref<!tpu.dma_semaphore, #tpu.memory_space<semaphore_mem>>) src(%arg11 : memref<1x224x224xf32, #tpu.memory_space<vmem>>) dst(%dma_wait3A_497 : memref<1x224x224xf32, #tpu.memory_space<hbm>>)
    %get3A_498 = arith.constant 56 : index
    %get3A_499 = tpu.vector_load %arg8[%get3A_498] {strides = array<i32>} : memref<112xi32, #tpu.memory_space<vmem>>, vector<16xi32>,
    %slice3A_500 = vector.extract_strided_slice %get3A_499 {offsets = [0], sizes = [1], strides = [1]} : vector<16xi32> to vector<1xi32>
    %squeeze3A_501 = vector.extract %slice3A_500[0] : i32 from vector<1xi32>
    %dma_start3A_502 = arith.constant 0 : i32
    %dma_start3A_503 = arith.constant 0 : i32
    %dma_start3A_504 = tpu.memref_slice %arg2[%squeeze3A_501, %dma_start3A_502, %dma_start3A_503] : memref<768x224x224xf32, #tpu.memory_space<hbm>> -> memref<1x224x224xf32, #tpu.memory_space<hbm>>
    %dma_start3A_505 = arith.constant 0 : i32
    %dma_start3A_506 = arith.constant 0 : i32
    %dma_start3A_507 = tpu.memref_slice %arg2[%squeeze3A_501, %dma_start3A_505, %dma_start3A_506] : memref<768x224x224xf32, #tpu.memory_space<hbm>> -> memref<1x224x224xf32, #tpu.memory_space<hbm>>
    tpu.enqueue_dma source(%dma_start3A_507 : memref<1x224x224xf32, #tpu.memory_space<hbm>>) target(%arg11 : memref<1x224x224xf32, #tpu.memory_space<vmem>>) target_semaphore(%arg13 : memref<!tpu.dma_semaphore, #tpu.memory_space<semaphore_mem>>)
    %dma_wait3A_508 = arith.constant 0 : i32
    %dma_wait3A_509 = arith.constant 0 : i32
    %dma_wait3A_510 = tpu.memref_slice %arg2[%squeeze3A_456, %dma_wait3A_508, %dma_wait3A_509] : memref<768x224x224xf32, #tpu.memory_space<hbm>> -> memref<1x224x224xf32, #tpu.memory_space<hbm>>
    %dma_wait3A_511 = arith.constant 0 : i32
    %dma_wait3A_512 = arith.constant 0 : i32
    %dma_wait3A_513 = tpu.memref_slice %arg2[%squeeze3A_456, %dma_wait3A_511, %dma_wait3A_512] : memref<768x224x224xf32, #tpu.memory_space<hbm>> -> memref<1x224x224xf32, #tpu.memory_space<hbm>>
    tpu.wait_dma2 semaphore(%arg12 : memref<!tpu.dma_semaphore, #tpu.memory_space<semaphore_mem>>) src(%dma_wait3A_513 : memref<1x224x224xf32, #tpu.memory_space<hbm>>) dst(%arg10 : memref<1x224x224xf32, #tpu.memory_space<vmem>>)
    %get3A_514 = arith.constant 48 : index
    %get3A_515 = tpu.vector_load %arg9[%get3A_514] {strides = array<i32>} : memref<112xf32, #tpu.memory_space<vmem>>, vector<16xf32>,
    %slice3A_516 = vector.extract_strided_slice %get3A_515 {offsets = [0], sizes = [1], strides = [1]} : vector<16xf32> to vector<1xf32>
    %squeeze3A_517 = vector.extract %slice3A_516[0] : f32 from vector<1xf32>
    %broadcast_in_dim3A_518 = vector.broadcast %squeeze3A_517 : f32 to vector<16xf32>
    %scan3A_519 = arith.constant 0 : i32
    %scan3A_520 = arith.constant 0 : i32
    %scan3A_521 = arith.constant 224 : i32
    %scan3A_522 = arith.addi %scan3A_520, %scan3A_521 : i32
    %scan3A_523 = arith.constant 1 : i32
    %scan3A_524 = scf.for %scan3A_758 = %scan3A_520 to %scan3A_522 step %scan3A_523 iter_args(%scan3A_759 = %scan3A_519) -> (i32)  : i32 {
      %get3A_760 = arith.constant 0 : i32
      %get3A_761 = arith.index_cast %get3A_760 : i32 to index
      %get3A_762 = arith.index_cast %scan3A_758 : i32 to index
      %get3A_763 = arith.constant 0 : index
      %get3A_764 = tpu.vector_load %arg10[%get3A_761, %get3A_762, %get3A_763] {strides = array<i32>} : memref<1x224x224xf32, #tpu.memory_space<vmem>>, vector<16xf32>,
      %mul3A_765 = arith.mulf %get3A_764, %broadcast_in_dim3A_518 : vector<16xf32>
      %swap3A_766 = arith.constant 0 : i32
      %swap3A_767 = arith.index_cast %swap3A_766 : i32 to index
      %swap3A_768 = arith.index_cast %scan3A_758 : i32 to index
      %swap3A_769 = arith.constant 0 : index
      %swap3A_770 = tpu.vector_load %arg10[%swap3A_767, %swap3A_768, %swap3A_769] {strides = array<i32>} : memref<1x224x224xf32, #tpu.memory_space<vmem>>, vector<16xf32>,
      tpu.vector_store %arg10[%swap3A_767, %swap3A_768, %swap3A_769], %mul3A_765 {strides = array<i32>} : memref<1x224x224xf32, #tpu.memory_space<vmem>>, vector<16xf32>,
      %get3A_771 = arith.constant 0 : i32
      %get3A_772 = arith.index_cast %get3A_771 : i32 to index
      %get3A_773 = arith.index_cast %scan3A_758 : i32 to index
      %get3A_774 = arith.constant 16 : index
      %get3A_775 = tpu.vector_load %arg10[%get3A_772, %get3A_773, %get3A_774] {strides = array<i32>} : memref<1x224x224xf32, #tpu.memory_space<vmem>>, vector<16xf32>,
      %mul3A_776 = arith.mulf %get3A_775, %broadcast_in_dim3A_518 : vector<16xf32>
      %swap3A_777 = arith.constant 0 : i32
      %swap3A_778 = arith.index_cast %swap3A_777 : i32 to index
      %swap3A_779 = arith.index_cast %scan3A_758 : i32 to index
      %swap3A_780 = arith.constant 16 : index
      %swap3A_781 = tpu.vector_load %arg10[%swap3A_778, %swap3A_779, %swap3A_780] {strides = array<i32>} : memref<1x224x224xf32, #tpu.memory_space<vmem>>, vector<16xf32>,
      tpu.vector_store %arg10[%swap3A_778, %swap3A_779, %swap3A_780], %mul3A_776 {strides = array<i32>} : memref<1x224x224xf32, #tpu.memory_space<vmem>>, vector<16xf32>,
      %get3A_782 = arith.constant 0 : i32
      %get3A_783 = arith.index_cast %get3A_782 : i32 to index
      %get3A_784 = arith.index_cast %scan3A_758 : i32 to index
      %get3A_785 = arith.constant 32 : index
      %get3A_786 = tpu.vector_load %arg10[%get3A_783, %get3A_784, %get3A_785] {strides = array<i32>} : memref<1x224x224xf32, #tpu.memory_space<vmem>>, vector<16xf32>,
      %mul3A_787 = arith.mulf %get3A_786, %broadcast_in_dim3A_518 : vector<16xf32>
      %swap3A_788 = arith.constant 0 : i32
      %swap3A_789 = arith.index_cast %swap3A_788 : i32 to index
      %swap3A_790 = arith.index_cast %scan3A_758 : i32 to index
      %swap3A_791 = arith.constant 32 : index
      %swap3A_792 = tpu.vector_load %arg10[%swap3A_789, %swap3A_790, %swap3A_791] {strides = array<i32>} : memref<1x224x224xf32, #tpu.memory_space<vmem>>, vector<16xf32>,
      tpu.vector_store %arg10[%swap3A_789, %swap3A_790, %swap3A_791], %mul3A_787 {strides = array<i32>} : memref<1x224x224xf32, #tpu.memory_space<vmem>>, vector<16xf32>,
      %get3A_793 = arith.constant 0 : i32
      %get3A_794 = arith.index_cast %get3A_793 : i32 to index
      %get3A_795 = arith.index_cast %scan3A_758 : i32 to index
      %get3A_796 = arith.constant 48 : index
      %get3A_797 = tpu.vector_load %arg10[%get3A_794, %get3A_795, %get3A_796] {strides = array<i32>} : memref<1x224x224xf32, #tpu.memory_space<vmem>>, vector<16xf32>,
      %mul3A_798 = arith.mulf %get3A_797, %broadcast_in_dim3A_518 : vector<16xf32>
      %swap3A_799 = arith.constant 0 : i32
      %swap3A_800 = arith.index_cast %swap3A_799 : i32 to index
      %swap3A_801 = arith.index_cast %scan3A_758 : i32 to index
      %swap3A_802 = arith.constant 48 : index
      %swap3A_803 = tpu.vector_load %arg10[%swap3A_800, %swap3A_801, %swap3A_802] {strides = array<i32>} : memref<1x224x224xf32, #tpu.memory_space<vmem>>, vector<16xf32>,
      tpu.vector_store %arg10[%swap3A_800, %swap3A_801, %swap3A_802], %mul3A_798 {strides = array<i32>} : memref<1x224x224xf32, #tpu.memory_space<vmem>>, vector<16xf32>,
      %get3A_804 = arith.constant 0 : i32
      %get3A_805 = arith.index_cast %get3A_804 : i32 to index
      %get3A_806 = arith.index_cast %scan3A_758 : i32 to index
      %get3A_807 = arith.constant 64 : index
      %get3A_808 = tpu.vector_load %arg10[%get3A_805, %get3A_806, %get3A_807] {strides = array<i32>} : memref<1x224x224xf32, #tpu.memory_space<vmem>>, vector<16xf32>,
      %mul3A_809 = arith.mulf %get3A_808, %broadcast_in_dim3A_518 : vector<16xf32>
      %swap3A_810 = arith.constant 0 : i32
      %swap3A_811 = arith.index_cast %swap3A_810 : i32 to index
      %swap3A_812 = arith.index_cast %scan3A_758 : i32 to index
      %swap3A_813 = arith.constant 64 : index
      %swap3A_814 = tpu.vector_load %arg10[%swap3A_811, %swap3A_812, %swap3A_813] {strides = array<i32>} : memref<1x224x224xf32, #tpu.memory_space<vmem>>, vector<16xf32>,
      tpu.vector_store %arg10[%swap3A_811, %swap3A_812, %swap3A_813], %mul3A_809 {strides = array<i32>} : memref<1x224x224xf32, #tpu.memory_space<vmem>>, vector<16xf32>,
      %get3A_815 = arith.constant 0 : i32
      %get3A_816 = arith.index_cast %get3A_815 : i32 to index
      %get3A_817 = arith.index_cast %scan3A_758 : i32 to index
      %get3A_818 = arith.constant 80 : index
      %get3A_819 = tpu.vector_load %arg10[%get3A_816, %get3A_817, %get3A_818] {strides = array<i32>} : memref<1x224x224xf32, #tpu.memory_space<vmem>>, vector<16xf32>,
      %mul3A_820 = arith.mulf %get3A_819, %broadcast_in_dim3A_518 : vector<16xf32>
      %swap3A_821 = arith.constant 0 : i32
      %swap3A_822 = arith.index_cast %swap3A_821 : i32 to index
      %swap3A_823 = arith.index_cast %scan3A_758 : i32 to index
      %swap3A_824 = arith.constant 80 : index
      %swap3A_825 = tpu.vector_load %arg10[%swap3A_822, %swap3A_823, %swap3A_824] {strides = array<i32>} : memref<1x224x224xf32, #tpu.memory_space<vmem>>, vector<16xf32>,
      tpu.vector_store %arg10[%swap3A_822, %swap3A_823, %swap3A_824], %mul3A_820 {strides = array<i32>} : memref<1x224x224xf32, #tpu.memory_space<vmem>>, vector<16xf32>,
      %get3A_826 = arith.constant 0 : i32
      %get3A_827 = arith.index_cast %get3A_826 : i32 to index
      %get3A_828 = arith.index_cast %scan3A_758 : i32 to index
      %get3A_829 = arith.constant 96 : index
      %get3A_830 = tpu.vector_load %arg10[%get3A_827, %get3A_828, %get3A_829] {strides = array<i32>} : memref<1x224x224xf32, #tpu.memory_space<vmem>>, vector<16xf32>,
      %mul3A_831 = arith.mulf %get3A_830, %broadcast_in_dim3A_518 : vector<16xf32>
      %swap3A_832 = arith.constant 0 : i32
      %swap3A_833 = arith.index_cast %swap3A_832 : i32 to index
      %swap3A_834 = arith.index_cast %scan3A_758 : i32 to index
      %swap3A_835 = arith.constant 96 : index
      %swap3A_836 = tpu.vector_load %arg10[%swap3A_833, %swap3A_834, %swap3A_835] {strides = array<i32>} : memref<1x224x224xf32, #tpu.memory_space<vmem>>, vector<16xf32>,
      tpu.vector_store %arg10[%swap3A_833, %swap3A_834, %swap3A_835], %mul3A_831 {strides = array<i32>} : memref<1x224x224xf32, #tpu.memory_space<vmem>>, vector<16xf32>,
      %get3A_837 = arith.constant 0 : i32
      %get3A_838 = arith.index_cast %get3A_837 : i32 to index
      %get3A_839 = arith.index_cast %scan3A_758 : i32 to index
      %get3A_840 = arith.constant 112 : index
      %get3A_841 = tpu.vector_load %arg10[%get3A_838, %get3A_839, %get3A_840] {strides = array<i32>} : memref<1x224x224xf32, #tpu.memory_space<vmem>>, vector<16xf32>,
      %mul3A_842 = arith.mulf %get3A_841, %broadcast_in_dim3A_518 : vector<16xf32>
      %swap3A_843 = arith.constant 0 : i32
      %swap3A_844 = arith.index_cast %swap3A_843 : i32 to index
      %swap3A_845 = arith.index_cast %scan3A_758 : i32 to index
      %swap3A_846 = arith.constant 112 : index
      %swap3A_847 = tpu.vector_load %arg10[%swap3A_844, %swap3A_845, %swap3A_846] {strides = array<i32>} : memref<1x224x224xf32, #tpu.memory_space<vmem>>, vector<16xf32>,
      tpu.vector_store %arg10[%swap3A_844, %swap3A_845, %swap3A_846], %mul3A_842 {strides = array<i32>} : memref<1x224x224xf32, #tpu.memory_space<vmem>>, vector<16xf32>,
      %get3A_848 = arith.constant 0 : i32
      %get3A_849 = arith.index_cast %get3A_848 : i32 to index
      %get3A_850 = arith.index_cast %scan3A_758 : i32 to index
      %get3A_851 = arith.constant 128 : index
      %get3A_852 = tpu.vector_load %arg10[%get3A_849, %get3A_850, %get3A_851] {strides = array<i32>} : memref<1x224x224xf32, #tpu.memory_space<vmem>>, vector<16xf32>,
      %mul3A_853 = arith.mulf %get3A_852, %broadcast_in_dim3A_518 : vector<16xf32>
      %swap3A_854 = arith.constant 0 : i32
      %swap3A_855 = arith.index_cast %swap3A_854 : i32 to index
      %swap3A_856 = arith.index_cast %scan3A_758 : i32 to index
      %swap3A_857 = arith.constant 128 : index
      %swap3A_858 = tpu.vector_load %arg10[%swap3A_855, %swap3A_856, %swap3A_857] {strides = array<i32>} : memref<1x224x224xf32, #tpu.memory_space<vmem>>, vector<16xf32>,
      tpu.vector_store %arg10[%swap3A_855, %swap3A_856, %swap3A_857], %mul3A_853 {strides = array<i32>} : memref<1x224x224xf32, #tpu.memory_space<vmem>>, vector<16xf32>,
      %get3A_859 = arith.constant 0 : i32
      %get3A_860 = arith.index_cast %get3A_859 : i32 to index
      %get3A_861 = arith.index_cast %scan3A_758 : i32 to index
      %get3A_862 = arith.constant 144 : index
      %get3A_863 = tpu.vector_load %arg10[%get3A_860, %get3A_861, %get3A_862] {strides = array<i32>} : memref<1x224x224xf32, #tpu.memory_space<vmem>>, vector<16xf32>,
      %mul3A_864 = arith.mulf %get3A_863, %broadcast_in_dim3A_518 : vector<16xf32>
      %swap3A_865 = arith.constant 0 : i32
      %swap3A_866 = arith.index_cast %swap3A_865 : i32 to index
      %swap3A_867 = arith.index_cast %scan3A_758 : i32 to index
      %swap3A_868 = arith.constant 144 : index
      %swap3A_869 = tpu.vector_load %arg10[%swap3A_866, %swap3A_867, %swap3A_868] {strides = array<i32>} : memref<1x224x224xf32, #tpu.memory_space<vmem>>, vector<16xf32>,
      tpu.vector_store %arg10[%swap3A_866, %swap3A_867, %swap3A_868], %mul3A_864 {strides = array<i32>} : memref<1x224x224xf32, #tpu.memory_space<vmem>>, vector<16xf32>,
      %get3A_870 = arith.constant 0 : i32
      %get3A_871 = arith.index_cast %get3A_870 : i32 to index
      %get3A_872 = arith.index_cast %scan3A_758 : i32 to index
      %get3A_873 = arith.constant 160 : index
      %get3A_874 = tpu.vector_load %arg10[%get3A_871, %get3A_872, %get3A_873] {strides = array<i32>} : memref<1x224x224xf32, #tpu.memory_space<vmem>>, vector<16xf32>,
      %mul3A_875 = arith.mulf %get3A_874, %broadcast_in_dim3A_518 : vector<16xf32>
      %swap3A_876 = arith.constant 0 : i32
      %swap3A_877 = arith.index_cast %swap3A_876 : i32 to index
      %swap3A_878 = arith.index_cast %scan3A_758 : i32 to index
      %swap3A_879 = arith.constant 160 : index
      %swap3A_880 = tpu.vector_load %arg10[%swap3A_877, %swap3A_878, %swap3A_879] {strides = array<i32>} : memref<1x224x224xf32, #tpu.memory_space<vmem>>, vector<16xf32>,
      tpu.vector_store %arg10[%swap3A_877, %swap3A_878, %swap3A_879], %mul3A_875 {strides = array<i32>} : memref<1x224x224xf32, #tpu.memory_space<vmem>>, vector<16xf32>,
      %get3A_881 = arith.constant 0 : i32
      %get3A_882 = arith.index_cast %get3A_881 : i32 to index
      %get3A_883 = arith.index_cast %scan3A_758 : i32 to index
      %get3A_884 = arith.constant 176 : index
      %get3A_885 = tpu.vector_load %arg10[%get3A_882, %get3A_883, %get3A_884] {strides = array<i32>} : memref<1x224x224xf32, #tpu.memory_space<vmem>>, vector<16xf32>,
      %mul3A_886 = arith.mulf %get3A_885, %broadcast_in_dim3A_518 : vector<16xf32>
      %swap3A_887 = arith.constant 0 : i32
      %swap3A_888 = arith.index_cast %swap3A_887 : i32 to index
      %swap3A_889 = arith.index_cast %scan3A_758 : i32 to index
      %swap3A_890 = arith.constant 176 : index
      %swap3A_891 = tpu.vector_load %arg10[%swap3A_888, %swap3A_889, %swap3A_890] {strides = array<i32>} : memref<1x224x224xf32, #tpu.memory_space<vmem>>, vector<16xf32>,
      tpu.vector_store %arg10[%swap3A_888, %swap3A_889, %swap3A_890], %mul3A_886 {strides = array<i32>} : memref<1x224x224xf32, #tpu.memory_space<vmem>>, vector<16xf32>,
      %get3A_892 = arith.constant 0 : i32
      %get3A_893 = arith.index_cast %get3A_892 : i32 to index
      %get3A_894 = arith.index_cast %scan3A_758 : i32 to index
      %get3A_895 = arith.constant 192 : index
      %get3A_896 = tpu.vector_load %arg10[%get3A_893, %get3A_894, %get3A_895] {strides = array<i32>} : memref<1x224x224xf32, #tpu.memory_space<vmem>>, vector<16xf32>,
      %mul3A_897 = arith.mulf %get3A_896, %broadcast_in_dim3A_518 : vector<16xf32>
      %swap3A_898 = arith.constant 0 : i32
      %swap3A_899 = arith.index_cast %swap3A_898 : i32 to index
      %swap3A_900 = arith.index_cast %scan3A_758 : i32 to index
      %swap3A_901 = arith.constant 192 : index
      %swap3A_902 = tpu.vector_load %arg10[%swap3A_899, %swap3A_900, %swap3A_901] {strides = array<i32>} : memref<1x224x224xf32, #tpu.memory_space<vmem>>, vector<16xf32>,
      tpu.vector_store %arg10[%swap3A_899, %swap3A_900, %swap3A_901], %mul3A_897 {strides = array<i32>} : memref<1x224x224xf32, #tpu.memory_space<vmem>>, vector<16xf32>,
      %get3A_903 = arith.constant 0 : i32
      %get3A_904 = arith.index_cast %get3A_903 : i32 to index
      %get3A_905 = arith.index_cast %scan3A_758 : i32 to index
      %get3A_906 = arith.constant 208 : index
      %get3A_907 = tpu.vector_load %arg10[%get3A_904, %get3A_905, %get3A_906] {strides = array<i32>} : memref<1x224x224xf32, #tpu.memory_space<vmem>>, vector<16xf32>,
      %mul3A_908 = arith.mulf %get3A_907, %broadcast_in_dim3A_518 : vector<16xf32>
      %swap3A_909 = arith.constant 0 : i32
      %swap3A_910 = arith.index_cast %swap3A_909 : i32 to index
      %swap3A_911 = arith.index_cast %scan3A_758 : i32 to index
      %swap3A_912 = arith.constant 208 : index
      %swap3A_913 = tpu.vector_load %arg10[%swap3A_910, %swap3A_911, %swap3A_912] {strides = array<i32>} : memref<1x224x224xf32, #tpu.memory_space<vmem>>, vector<16xf32>,
      tpu.vector_store %arg10[%swap3A_910, %swap3A_911, %swap3A_912], %mul3A_908 {strides = array<i32>} : memref<1x224x224xf32, #tpu.memory_space<vmem>>, vector<16xf32>,
      %scan3A_914 = arith.constant 0 : i32
      scf.yield %scan3A_914 : i32
    }
    %scan3A_525 = arith.constant 224 : i32
    %mul3A_526 = arith.constant 192 : i32
    %mul3A_527 = arith.muli %shift_right_arithmetic3A_1, %mul3A_526 : i32
    %add3A_528 = arith.addi %mul3A_527, %mul3A_4 : i32
    %add3A_529 = arith.constant 6 : i32
    %add3A_530 = arith.addi %add3A_528, %add3A_529 : i32
    %dma_start3A_531 = arith.constant 0 : i32
    %dma_start3A_532 = arith.constant 0 : i32
    %dma_start3A_533 = tpu.memref_slice %arg5[%add3A_530, %dma_start3A_531, %dma_start3A_532] : memref<384x224x224xf32, #tpu.memory_space<hbm>> -> memref<1x224x224xf32, #tpu.memory_space<hbm>>
    %dma_start3A_534 = arith.constant 0 : i32
    %dma_start3A_535 = arith.constant 0 : i32
    %dma_start3A_536 = tpu.memref_slice %arg5[%add3A_530, %dma_start3A_534, %dma_start3A_535] : memref<384x224x224xf32, #tpu.memory_space<hbm>> -> memref<1x224x224xf32, #tpu.memory_space<hbm>>
    tpu.enqueue_dma source(%arg10 : memref<1x224x224xf32, #tpu.memory_space<vmem>>) target(%dma_start3A_536 : memref<1x224x224xf32, #tpu.memory_space<hbm>>) target_semaphore(%arg14 : memref<!tpu.dma_semaphore, #tpu.memory_space<semaphore_mem>>)
    %dma_wait3A_537 = arith.constant 0 : i32
    %dma_wait3A_538 = arith.constant 0 : i32
    %dma_wait3A_539 = tpu.memref_slice %arg5[%add3A_530, %dma_wait3A_537, %dma_wait3A_538] : memref<384x224x224xf32, #tpu.memory_space<hbm>> -> memref<1x224x224xf32, #tpu.memory_space<hbm>>
    %dma_wait3A_540 = arith.constant 0 : i32
    %dma_wait3A_541 = arith.constant 0 : i32
    %dma_wait3A_542 = tpu.memref_slice %arg5[%add3A_530, %dma_wait3A_540, %dma_wait3A_541] : memref<384x224x224xf32, #tpu.memory_space<hbm>> -> memref<1x224x224xf32, #tpu.memory_space<hbm>>
    tpu.wait_dma2 semaphore(%arg14 : memref<!tpu.dma_semaphore, #tpu.memory_space<semaphore_mem>>) src(%arg10 : memref<1x224x224xf32, #tpu.memory_space<vmem>>) dst(%dma_wait3A_542 : memref<1x224x224xf32, #tpu.memory_space<hbm>>)
    %get3A_543 = arith.constant 64 : index
    %get3A_544 = tpu.vector_load %arg8[%get3A_543] {strides = array<i32>} : memref<112xi32, #tpu.memory_space<vmem>>, vector<16xi32>,
    %slice3A_545 = vector.extract_strided_slice %get3A_544 {offsets = [0], sizes = [1], strides = [1]} : vector<16xi32> to vector<1xi32>
    %squeeze3A_546 = vector.extract %slice3A_545[0] : i32 from vector<1xi32>
    %dma_start3A_547 = arith.constant 0 : i32
    %dma_start3A_548 = arith.constant 0 : i32
    %dma_start3A_549 = tpu.memref_slice %arg2[%squeeze3A_546, %dma_start3A_547, %dma_start3A_548] : memref<768x224x224xf32, #tpu.memory_space<hbm>> -> memref<1x224x224xf32, #tpu.memory_space<hbm>>
    %dma_start3A_550 = arith.constant 0 : i32
    %dma_start3A_551 = arith.constant 0 : i32
    %dma_start3A_552 = tpu.memref_slice %arg2[%squeeze3A_546, %dma_start3A_550, %dma_start3A_551] : memref<768x224x224xf32, #tpu.memory_space<hbm>> -> memref<1x224x224xf32, #tpu.memory_space<hbm>>
    tpu.enqueue_dma source(%dma_start3A_552 : memref<1x224x224xf32, #tpu.memory_space<hbm>>) target(%arg10 : memref<1x224x224xf32, #tpu.memory_space<vmem>>) target_semaphore(%arg12 : memref<!tpu.dma_semaphore, #tpu.memory_space<semaphore_mem>>)
    %dma_wait3A_553 = arith.constant 0 : i32
    %dma_wait3A_554 = arith.constant 0 : i32
    %dma_wait3A_555 = tpu.memref_slice %arg2[%squeeze3A_501, %dma_wait3A_553, %dma_wait3A_554] : memref<768x224x224xf32, #tpu.memory_space<hbm>> -> memref<1x224x224xf32, #tpu.memory_space<hbm>>
    %dma_wait3A_556 = arith.constant 0 : i32
    %dma_wait3A_557 = arith.constant 0 : i32
    %dma_wait3A_558 = tpu.memref_slice %arg2[%squeeze3A_501, %dma_wait3A_556, %dma_wait3A_557] : memref<768x224x224xf32, #tpu.memory_space<hbm>> -> memref<1x224x224xf32, #tpu.memory_space<hbm>>
    tpu.wait_dma2 semaphore(%arg13 : memref<!tpu.dma_semaphore, #tpu.memory_space<semaphore_mem>>) src(%dma_wait3A_558 : memref<1x224x224xf32, #tpu.memory_space<hbm>>) dst(%arg11 : memref<1x224x224xf32, #tpu.memory_space<vmem>>)
    %get3A_559 = arith.constant 56 : index
    %get3A_560 = tpu.vector_load %arg9[%get3A_559] {strides = array<i32>} : memref<112xf32, #tpu.memory_space<vmem>>, vector<16xf32>,
    %slice3A_561 = vector.extract_strided_slice %get3A_560 {offsets = [0], sizes = [1], strides = [1]} : vector<16xf32> to vector<1xf32>
    %squeeze3A_562 = vector.extract %slice3A_561[0] : f32 from vector<1xf32>
    %broadcast_in_dim3A_563 = vector.broadcast %squeeze3A_562 : f32 to vector<16xf32>
    %scan3A_564 = arith.constant 0 : i32
    %scan3A_565 = arith.constant 0 : i32
    %scan3A_566 = arith.constant 224 : i32
    %scan3A_567 = arith.addi %scan3A_565, %scan3A_566 : i32
    %scan3A_568 = arith.constant 1 : i32
    %scan3A_569 = scf.for %scan3A_758 = %scan3A_565 to %scan3A_567 step %scan3A_568 iter_args(%scan3A_759 = %scan3A_564) -> (i32)  : i32 {
      %get3A_760 = arith.constant 0 : i32
      %get3A_761 = arith.index_cast %get3A_760 : i32 to index
      %get3A_762 = arith.index_cast %scan3A_758 : i32 to index
      %get3A_763 = arith.constant 0 : index
      %get3A_764 = tpu.vector_load %arg11[%get3A_761, %get3A_762, %get3A_763] {strides = array<i32>} : memref<1x224x224xf32, #tpu.memory_space<vmem>>, vector<16xf32>,
      %mul3A_765 = arith.mulf %get3A_764, %broadcast_in_dim3A_563 : vector<16xf32>
      %swap3A_766 = arith.constant 0 : i32
      %swap3A_767 = arith.index_cast %swap3A_766 : i32 to index
      %swap3A_768 = arith.index_cast %scan3A_758 : i32 to index
      %swap3A_769 = arith.constant 0 : index
      %swap3A_770 = tpu.vector_load %arg11[%swap3A_767, %swap3A_768, %swap3A_769] {strides = array<i32>} : memref<1x224x224xf32, #tpu.memory_space<vmem>>, vector<16xf32>,
      tpu.vector_store %arg11[%swap3A_767, %swap3A_768, %swap3A_769], %mul3A_765 {strides = array<i32>} : memref<1x224x224xf32, #tpu.memory_space<vmem>>, vector<16xf32>,
      %get3A_771 = arith.constant 0 : i32
      %get3A_772 = arith.index_cast %get3A_771 : i32 to index
      %get3A_773 = arith.index_cast %scan3A_758 : i32 to index
      %get3A_774 = arith.constant 16 : index
      %get3A_775 = tpu.vector_load %arg11[%get3A_772, %get3A_773, %get3A_774] {strides = array<i32>} : memref<1x224x224xf32, #tpu.memory_space<vmem>>, vector<16xf32>,
      %mul3A_776 = arith.mulf %get3A_775, %broadcast_in_dim3A_563 : vector<16xf32>
      %swap3A_777 = arith.constant 0 : i32
      %swap3A_778 = arith.index_cast %swap3A_777 : i32 to index
      %swap3A_779 = arith.index_cast %scan3A_758 : i32 to index
      %swap3A_780 = arith.constant 16 : index
      %swap3A_781 = tpu.vector_load %arg11[%swap3A_778, %swap3A_779, %swap3A_780] {strides = array<i32>} : memref<1x224x224xf32, #tpu.memory_space<vmem>>, vector<16xf32>,
      tpu.vector_store %arg11[%swap3A_778, %swap3A_779, %swap3A_780], %mul3A_776 {strides = array<i32>} : memref<1x224x224xf32, #tpu.memory_space<vmem>>, vector<16xf32>,
      %get3A_782 = arith.constant 0 : i32
      %get3A_783 = arith.index_cast %get3A_782 : i32 to index
      %get3A_784 = arith.index_cast %scan3A_758 : i32 to index
      %get3A_785 = arith.constant 32 : index
      %get3A_786 = tpu.vector_load %arg11[%get3A_783, %get3A_784, %get3A_785] {strides = array<i32>} : memref<1x224x224xf32, #tpu.memory_space<vmem>>, vector<16xf32>,
      %mul3A_787 = arith.mulf %get3A_786, %broadcast_in_dim3A_563 : vector<16xf32>
      %swap3A_788 = arith.constant 0 : i32
      %swap3A_789 = arith.index_cast %swap3A_788 : i32 to index
      %swap3A_790 = arith.index_cast %scan3A_758 : i32 to index
      %swap3A_791 = arith.constant 32 : index
      %swap3A_792 = tpu.vector_load %arg11[%swap3A_789, %swap3A_790, %swap3A_791] {strides = array<i32>} : memref<1x224x224xf32, #tpu.memory_space<vmem>>, vector<16xf32>,
      tpu.vector_store %arg11[%swap3A_789, %swap3A_790, %swap3A_791], %mul3A_787 {strides = array<i32>} : memref<1x224x224xf32, #tpu.memory_space<vmem>>, vector<16xf32>,
      %get3A_793 = arith.constant 0 : i32
      %get3A_794 = arith.index_cast %get3A_793 : i32 to index
      %get3A_795 = arith.index_cast %scan3A_758 : i32 to index
      %get3A_796 = arith.constant 48 : index
      %get3A_797 = tpu.vector_load %arg11[%get3A_794, %get3A_795, %get3A_796] {strides = array<i32>} : memref<1x224x224xf32, #tpu.memory_space<vmem>>, vector<16xf32>,
      %mul3A_798 = arith.mulf %get3A_797, %broadcast_in_dim3A_563 : vector<16xf32>
      %swap3A_799 = arith.constant 0 : i32
      %swap3A_800 = arith.index_cast %swap3A_799 : i32 to index
      %swap3A_801 = arith.index_cast %scan3A_758 : i32 to index
      %swap3A_802 = arith.constant 48 : index
      %swap3A_803 = tpu.vector_load %arg11[%swap3A_800, %swap3A_801, %swap3A_802] {strides = array<i32>} : memref<1x224x224xf32, #tpu.memory_space<vmem>>, vector<16xf32>,
      tpu.vector_store %arg11[%swap3A_800, %swap3A_801, %swap3A_802], %mul3A_798 {strides = array<i32>} : memref<1x224x224xf32, #tpu.memory_space<vmem>>, vector<16xf32>,
      %get3A_804 = arith.constant 0 : i32
      %get3A_805 = arith.index_cast %get3A_804 : i32 to index
      %get3A_806 = arith.index_cast %scan3A_758 : i32 to index
      %get3A_807 = arith.constant 64 : index
      %get3A_808 = tpu.vector_load %arg11[%get3A_805, %get3A_806, %get3A_807] {strides = array<i32>} : memref<1x224x224xf32, #tpu.memory_space<vmem>>, vector<16xf32>,
      %mul3A_809 = arith.mulf %get3A_808, %broadcast_in_dim3A_563 : vector<16xf32>
      %swap3A_810 = arith.constant 0 : i32
      %swap3A_811 = arith.index_cast %swap3A_810 : i32 to index
      %swap3A_812 = arith.index_cast %scan3A_758 : i32 to index
      %swap3A_813 = arith.constant 64 : index
      %swap3A_814 = tpu.vector_load %arg11[%swap3A_811, %swap3A_812, %swap3A_813] {strides = array<i32>} : memref<1x224x224xf32, #tpu.memory_space<vmem>>, vector<16xf32>,
      tpu.vector_store %arg11[%swap3A_811, %swap3A_812, %swap3A_813], %mul3A_809 {strides = array<i32>} : memref<1x224x224xf32, #tpu.memory_space<vmem>>, vector<16xf32>,
      %get3A_815 = arith.constant 0 : i32
      %get3A_816 = arith.index_cast %get3A_815 : i32 to index
      %get3A_817 = arith.index_cast %scan3A_758 : i32 to index
      %get3A_818 = arith.constant 80 : index
      %get3A_819 = tpu.vector_load %arg11[%get3A_816, %get3A_817, %get3A_818] {strides = array<i32>} : memref<1x224x224xf32, #tpu.memory_space<vmem>>, vector<16xf32>,
      %mul3A_820 = arith.mulf %get3A_819, %broadcast_in_dim3A_563 : vector<16xf32>
      %swap3A_821 = arith.constant 0 : i32
      %swap3A_822 = arith.index_cast %swap3A_821 : i32 to index
      %swap3A_823 = arith.index_cast %scan3A_758 : i32 to index
      %swap3A_824 = arith.constant 80 : index
      %swap3A_825 = tpu.vector_load %arg11[%swap3A_822, %swap3A_823, %swap3A_824] {strides = array<i32>} : memref<1x224x224xf32, #tpu.memory_space<vmem>>, vector<16xf32>,
      tpu.vector_store %arg11[%swap3A_822, %swap3A_823, %swap3A_824], %mul3A_820 {strides = array<i32>} : memref<1x224x224xf32, #tpu.memory_space<vmem>>, vector<16xf32>,
      %get3A_826 = arith.constant 0 : i32
      %get3A_827 = arith.index_cast %get3A_826 : i32 to index
      %get3A_828 = arith.index_cast %scan3A_758 : i32 to index
      %get3A_829 = arith.constant 96 : index
      %get3A_830 = tpu.vector_load %arg11[%get3A_827, %get3A_828, %get3A_829] {strides = array<i32>} : memref<1x224x224xf32, #tpu.memory_space<vmem>>, vector<16xf32>,
      %mul3A_831 = arith.mulf %get3A_830, %broadcast_in_dim3A_563 : vector<16xf32>
      %swap3A_832 = arith.constant 0 : i32
      %swap3A_833 = arith.index_cast %swap3A_832 : i32 to index
      %swap3A_834 = arith.index_cast %scan3A_758 : i32 to index
      %swap3A_835 = arith.constant 96 : index
      %swap3A_836 = tpu.vector_load %arg11[%swap3A_833, %swap3A_834, %swap3A_835] {strides = array<i32>} : memref<1x224x224xf32, #tpu.memory_space<vmem>>, vector<16xf32>,
      tpu.vector_store %arg11[%swap3A_833, %swap3A_834, %swap3A_835], %mul3A_831 {strides = array<i32>} : memref<1x224x224xf32, #tpu.memory_space<vmem>>, vector<16xf32>,
      %get3A_837 = arith.constant 0 : i32
      %get3A_838 = arith.index_cast %get3A_837 : i32 to index
      %get3A_839 = arith.index_cast %scan3A_758 : i32 to index
      %get3A_840 = arith.constant 112 : index
      %get3A_841 = tpu.vector_load %arg11[%get3A_838, %get3A_839, %get3A_840] {strides = array<i32>} : memref<1x224x224xf32, #tpu.memory_space<vmem>>, vector<16xf32>,
      %mul3A_842 = arith.mulf %get3A_841, %broadcast_in_dim3A_563 : vector<16xf32>
      %swap3A_843 = arith.constant 0 : i32
      %swap3A_844 = arith.index_cast %swap3A_843 : i32 to index
      %swap3A_845 = arith.index_cast %scan3A_758 : i32 to index
      %swap3A_846 = arith.constant 112 : index
      %swap3A_847 = tpu.vector_load %arg11[%swap3A_844, %swap3A_845, %swap3A_846] {strides = array<i32>} : memref<1x224x224xf32, #tpu.memory_space<vmem>>, vector<16xf32>,
      tpu.vector_store %arg11[%swap3A_844, %swap3A_845, %swap3A_846], %mul3A_842 {strides = array<i32>} : memref<1x224x224xf32, #tpu.memory_space<vmem>>, vector<16xf32>,
      %get3A_848 = arith.constant 0 : i32
      %get3A_849 = arith.index_cast %get3A_848 : i32 to index
      %get3A_850 = arith.index_cast %scan3A_758 : i32 to index
      %get3A_851 = arith.constant 128 : index
      %get3A_852 = tpu.vector_load %arg11[%get3A_849, %get3A_850, %get3A_851] {strides = array<i32>} : memref<1x224x224xf32, #tpu.memory_space<vmem>>, vector<16xf32>,
      %mul3A_853 = arith.mulf %get3A_852, %broadcast_in_dim3A_563 : vector<16xf32>
      %swap3A_854 = arith.constant 0 : i32
      %swap3A_855 = arith.index_cast %swap3A_854 : i32 to index
      %swap3A_856 = arith.index_cast %scan3A_758 : i32 to index
      %swap3A_857 = arith.constant 128 : index
      %swap3A_858 = tpu.vector_load %arg11[%swap3A_855, %swap3A_856, %swap3A_857] {strides = array<i32>} : memref<1x224x224xf32, #tpu.memory_space<vmem>>, vector<16xf32>,
      tpu.vector_store %arg11[%swap3A_855, %swap3A_856, %swap3A_857], %mul3A_853 {strides = array<i32>} : memref<1x224x224xf32, #tpu.memory_space<vmem>>, vector<16xf32>,
      %get3A_859 = arith.constant 0 : i32
      %get3A_860 = arith.index_cast %get3A_859 : i32 to index
      %get3A_861 = arith.index_cast %scan3A_758 : i32 to index
      %get3A_862 = arith.constant 144 : index
      %get3A_863 = tpu.vector_load %arg11[%get3A_860, %get3A_861, %get3A_862] {strides = array<i32>} : memref<1x224x224xf32, #tpu.memory_space<vmem>>, vector<16xf32>,
      %mul3A_864 = arith.mulf %get3A_863, %broadcast_in_dim3A_563 : vector<16xf32>
      %swap3A_865 = arith.constant 0 : i32
      %swap3A_866 = arith.index_cast %swap3A_865 : i32 to index
      %swap3A_867 = arith.index_cast %scan3A_758 : i32 to index
      %swap3A_868 = arith.constant 144 : index
      %swap3A_869 = tpu.vector_load %arg11[%swap3A_866, %swap3A_867, %swap3A_868] {strides = array<i32>} : memref<1x224x224xf32, #tpu.memory_space<vmem>>, vector<16xf32>,
      tpu.vector_store %arg11[%swap3A_866, %swap3A_867, %swap3A_868], %mul3A_864 {strides = array<i32>} : memref<1x224x224xf32, #tpu.memory_space<vmem>>, vector<16xf32>,
      %get3A_870 = arith.constant 0 : i32
      %get3A_871 = arith.index_cast %get3A_870 : i32 to index
      %get3A_872 = arith.index_cast %scan3A_758 : i32 to index
      %get3A_873 = arith.constant 160 : index
      %get3A_874 = tpu.vector_load %arg11[%get3A_871, %get3A_872, %get3A_873] {strides = array<i32>} : memref<1x224x224xf32, #tpu.memory_space<vmem>>, vector<16xf32>,
      %mul3A_875 = arith.mulf %get3A_874, %broadcast_in_dim3A_563 : vector<16xf32>
      %swap3A_876 = arith.constant 0 : i32
      %swap3A_877 = arith.index_cast %swap3A_876 : i32 to index
      %swap3A_878 = arith.index_cast %scan3A_758 : i32 to index
      %swap3A_879 = arith.constant 160 : index
      %swap3A_880 = tpu.vector_load %arg11[%swap3A_877, %swap3A_878, %swap3A_879] {strides = array<i32>} : memref<1x224x224xf32, #tpu.memory_space<vmem>>, vector<16xf32>,
      tpu.vector_store %arg11[%swap3A_877, %swap3A_878, %swap3A_879], %mul3A_875 {strides = array<i32>} : memref<1x224x224xf32, #tpu.memory_space<vmem>>, vector<16xf32>,
      %get3A_881 = arith.constant 0 : i32
      %get3A_882 = arith.index_cast %get3A_881 : i32 to index
      %get3A_883 = arith.index_cast %scan3A_758 : i32 to index
      %get3A_884 = arith.constant 176 : index
      %get3A_885 = tpu.vector_load %arg11[%get3A_882, %get3A_883, %get3A_884] {strides = array<i32>} : memref<1x224x224xf32, #tpu.memory_space<vmem>>, vector<16xf32>,
      %mul3A_886 = arith.mulf %get3A_885, %broadcast_in_dim3A_563 : vector<16xf32>
      %swap3A_887 = arith.constant 0 : i32
      %swap3A_888 = arith.index_cast %swap3A_887 : i32 to index
      %swap3A_889 = arith.index_cast %scan3A_758 : i32 to index
      %swap3A_890 = arith.constant 176 : index
      %swap3A_891 = tpu.vector_load %arg11[%swap3A_888, %swap3A_889, %swap3A_890] {strides = array<i32>} : memref<1x224x224xf32, #tpu.memory_space<vmem>>, vector<16xf32>,
      tpu.vector_store %arg11[%swap3A_888, %swap3A_889, %swap3A_890], %mul3A_886 {strides = array<i32>} : memref<1x224x224xf32, #tpu.memory_space<vmem>>, vector<16xf32>,
      %get3A_892 = arith.constant 0 : i32
      %get3A_893 = arith.index_cast %get3A_892 : i32 to index
      %get3A_894 = arith.index_cast %scan3A_758 : i32 to index
      %get3A_895 = arith.constant 192 : index
      %get3A_896 = tpu.vector_load %arg11[%get3A_893, %get3A_894, %get3A_895] {strides = array<i32>} : memref<1x224x224xf32, #tpu.memory_space<vmem>>, vector<16xf32>,
      %mul3A_897 = arith.mulf %get3A_896, %broadcast_in_dim3A_563 : vector<16xf32>
      %swap3A_898 = arith.constant 0 : i32
      %swap3A_899 = arith.index_cast %swap3A_898 : i32 to index
      %swap3A_900 = arith.index_cast %scan3A_758 : i32 to index
      %swap3A_901 = arith.constant 192 : index
      %swap3A_902 = tpu.vector_load %arg11[%swap3A_899, %swap3A_900, %swap3A_901] {strides = array<i32>} : memref<1x224x224xf32, #tpu.memory_space<vmem>>, vector<16xf32>,
      tpu.vector_store %arg11[%swap3A_899, %swap3A_900, %swap3A_901], %mul3A_897 {strides = array<i32>} : memref<1x224x224xf32, #tpu.memory_space<vmem>>, vector<16xf32>,
      %get3A_903 = arith.constant 0 : i32
      %get3A_904 = arith.index_cast %get3A_903 : i32 to index
      %get3A_905 = arith.index_cast %scan3A_758 : i32 to index
      %get3A_906 = arith.constant 208 : index
      %get3A_907 = tpu.vector_load %arg11[%get3A_904, %get3A_905, %get3A_906] {strides = array<i32>} : memref<1x224x224xf32, #tpu.memory_space<vmem>>, vector<16xf32>,
      %mul3A_908 = arith.mulf %get3A_907, %broadcast_in_dim3A_563 : vector<16xf32>
      %swap3A_909 = arith.constant 0 : i32
      %swap3A_910 = arith.index_cast %swap3A_909 : i32 to index
      %swap3A_911 = arith.index_cast %scan3A_758 : i32 to index
      %swap3A_912 = arith.constant 208 : index
      %swap3A_913 = tpu.vector_load %arg11[%swap3A_910, %swap3A_911, %swap3A_912] {strides = array<i32>} : memref<1x224x224xf32, #tpu.memory_space<vmem>>, vector<16xf32>,
      tpu.vector_store %arg11[%swap3A_910, %swap3A_911, %swap3A_912], %mul3A_908 {strides = array<i32>} : memref<1x224x224xf32, #tpu.memory_space<vmem>>, vector<16xf32>,
      %scan3A_914 = arith.constant 0 : i32
      scf.yield %scan3A_914 : i32
    }
    %scan3A_570 = arith.constant 224 : i32
    %mul3A_571 = arith.constant 192 : i32
    %mul3A_572 = arith.muli %shift_right_arithmetic3A_1, %mul3A_571 : i32
    %add3A_573 = arith.addi %mul3A_572, %mul3A_4 : i32
    %add3A_574 = arith.constant 7 : i32
    %add3A_575 = arith.addi %add3A_573, %add3A_574 : i32
    %dma_start3A_576 = arith.constant 0 : i32
    %dma_start3A_577 = arith.constant 0 : i32
    %dma_start3A_578 = tpu.memref_slice %arg5[%add3A_575, %dma_start3A_576, %dma_start3A_577] : memref<384x224x224xf32, #tpu.memory_space<hbm>> -> memref<1x224x224xf32, #tpu.memory_space<hbm>>
    %dma_start3A_579 = arith.constant 0 : i32
    %dma_start3A_580 = arith.constant 0 : i32
    %dma_start3A_581 = tpu.memref_slice %arg5[%add3A_575, %dma_start3A_579, %dma_start3A_580] : memref<384x224x224xf32, #tpu.memory_space<hbm>> -> memref<1x224x224xf32, #tpu.memory_space<hbm>>
    tpu.enqueue_dma source(%arg11 : memref<1x224x224xf32, #tpu.memory_space<vmem>>) target(%dma_start3A_581 : memref<1x224x224xf32, #tpu.memory_space<hbm>>) target_semaphore(%arg15 : memref<!tpu.dma_semaphore, #tpu.memory_space<semaphore_mem>>)
    %dma_wait3A_582 = arith.constant 0 : i32
    %dma_wait3A_583 = arith.constant 0 : i32
    %dma_wait3A_584 = tpu.memref_slice %arg5[%add3A_575, %dma_wait3A_582, %dma_wait3A_583] : memref<384x224x224xf32, #tpu.memory_space<hbm>> -> memref<1x224x224xf32, #tpu.memory_space<hbm>>
    %dma_wait3A_585 = arith.constant 0 : i32
    %dma_wait3A_586 = arith.constant 0 : i32
    %dma_wait3A_587 = tpu.memref_slice %arg5[%add3A_575, %dma_wait3A_585, %dma_wait3A_586] : memref<384x224x224xf32, #tpu.memory_space<hbm>> -> memref<1x224x224xf32, #tpu.memory_space<hbm>>
    tpu.wait_dma2 semaphore(%arg15 : memref<!tpu.dma_semaphore, #tpu.memory_space<semaphore_mem>>) src(%arg11 : memref<1x224x224xf32, #tpu.memory_space<vmem>>) dst(%dma_wait3A_587 : memref<1x224x224xf32, #tpu.memory_space<hbm>>)
    %get3A_588 = arith.constant 72 : index
    %get3A_589 = tpu.vector_load %arg8[%get3A_588] {strides = array<i32>} : memref<112xi32, #tpu.memory_space<vmem>>, vector<16xi32>,
    %slice3A_590 = vector.extract_strided_slice %get3A_589 {offsets = [0], sizes = [1], strides = [1]} : vector<16xi32> to vector<1xi32>
    %squeeze3A_591 = vector.extract %slice3A_590[0] : i32 from vector<1xi32>
    %dma_start3A_592 = arith.constant 0 : i32
    %dma_start3A_593 = arith.constant 0 : i32
    %dma_start3A_594 = tpu.memref_slice %arg2[%squeeze3A_591, %dma_start3A_592, %dma_start3A_593] : memref<768x224x224xf32, #tpu.memory_space<hbm>> -> memref<1x224x224xf32, #tpu.memory_space<hbm>>
    %dma_start3A_595 = arith.constant 0 : i32
    %dma_start3A_596 = arith.constant 0 : i32
    %dma_start3A_597 = tpu.memref_slice %arg2[%squeeze3A_591, %dma_start3A_595, %dma_start3A_596] : memref<768x224x224xf32, #tpu.memory_space<hbm>> -> memref<1x224x224xf32, #tpu.memory_space<hbm>>
    tpu.enqueue_dma source(%dma_start3A_597 : memref<1x224x224xf32, #tpu.memory_space<hbm>>) target(%arg11 : memref<1x224x224xf32, #tpu.memory_space<vmem>>) target_semaphore(%arg13 : memref<!tpu.dma_semaphore, #tpu.memory_space<semaphore_mem>>)
    %dma_wait3A_598 = arith.constant 0 : i32
    %dma_wait3A_599 = arith.constant 0 : i32
    %dma_wait3A_600 = tpu.memref_slice %arg2[%squeeze3A_546, %dma_wait3A_598, %dma_wait3A_599] : memref<768x224x224xf32, #tpu.memory_space<hbm>> -> memref<1x224x224xf32, #tpu.memory_space<hbm>>
    %dma_wait3A_601 = arith.constant 0 : i32
    %dma_wait3A_602 = arith.constant 0 : i32
    %dma_wait3A_603 = tpu.memref_slice %arg2[%squeeze3A_546, %dma_wait3A_601, %dma_wait3A_602] : memref<768x224x224xf32, #tpu.memory_space<hbm>> -> memref<1x224x224xf32, #tpu.memory_space<hbm>>
    tpu.wait_dma2 semaphore(%arg12 : memref<!tpu.dma_semaphore, #tpu.memory_space<semaphore_mem>>) src(%dma_wait3A_603 : memref<1x224x224xf32, #tpu.memory_space<hbm>>) dst(%arg10 : memref<1x224x224xf32, #tpu.memory_space<vmem>>)
    %get3A_604 = arith.constant 64 : index
    %get3A_605 = tpu.vector_load %arg9[%get3A_604] {strides = array<i32>} : memref<112xf32, #tpu.memory_space<vmem>>, vector<16xf32>,
    %slice3A_606 = vector.extract_strided_slice %get3A_605 {offsets = [0], sizes = [1], strides = [1]} : vector<16xf32> to vector<1xf32>
    %squeeze3A_607 = vector.extract %slice3A_606[0] : f32 from vector<1xf32>
    %broadcast_in_dim3A_608 = vector.broadcast %squeeze3A_607 : f32 to vector<16xf32>
    %scan3A_609 = arith.constant 0 : i32
    %scan3A_610 = arith.constant 0 : i32
    %scan3A_611 = arith.constant 224 : i32
    %scan3A_612 = arith.addi %scan3A_610, %scan3A_611 : i32
    %scan3A_613 = arith.constant 1 : i32
    %scan3A_614 = scf.for %scan3A_758 = %scan3A_610 to %scan3A_612 step %scan3A_613 iter_args(%scan3A_759 = %scan3A_609) -> (i32)  : i32 {
      %get3A_760 = arith.constant 0 : i32
      %get3A_761 = arith.index_cast %get3A_760 : i32 to index
      %get3A_762 = arith.index_cast %scan3A_758 : i32 to index
      %get3A_763 = arith.constant 0 : index
      %get3A_764 = tpu.vector_load %arg10[%get3A_761, %get3A_762, %get3A_763] {strides = array<i32>} : memref<1x224x224xf32, #tpu.memory_space<vmem>>, vector<16xf32>,
      %mul3A_765 = arith.mulf %get3A_764, %broadcast_in_dim3A_608 : vector<16xf32>
      %swap3A_766 = arith.constant 0 : i32
      %swap3A_767 = arith.index_cast %swap3A_766 : i32 to index
      %swap3A_768 = arith.index_cast %scan3A_758 : i32 to index
      %swap3A_769 = arith.constant 0 : index
      %swap3A_770 = tpu.vector_load %arg10[%swap3A_767, %swap3A_768, %swap3A_769] {strides = array<i32>} : memref<1x224x224xf32, #tpu.memory_space<vmem>>, vector<16xf32>,
      tpu.vector_store %arg10[%swap3A_767, %swap3A_768, %swap3A_769], %mul3A_765 {strides = array<i32>} : memref<1x224x224xf32, #tpu.memory_space<vmem>>, vector<16xf32>,
      %get3A_771 = arith.constant 0 : i32
      %get3A_772 = arith.index_cast %get3A_771 : i32 to index
      %get3A_773 = arith.index_cast %scan3A_758 : i32 to index
      %get3A_774 = arith.constant 16 : index
      %get3A_775 = tpu.vector_load %arg10[%get3A_772, %get3A_773, %get3A_774] {strides = array<i32>} : memref<1x224x224xf32, #tpu.memory_space<vmem>>, vector<16xf32>,
      %mul3A_776 = arith.mulf %get3A_775, %broadcast_in_dim3A_608 : vector<16xf32>
      %swap3A_777 = arith.constant 0 : i32
      %swap3A_778 = arith.index_cast %swap3A_777 : i32 to index
      %swap3A_779 = arith.index_cast %scan3A_758 : i32 to index
      %swap3A_780 = arith.constant 16 : index
      %swap3A_781 = tpu.vector_load %arg10[%swap3A_778, %swap3A_779, %swap3A_780] {strides = array<i32>} : memref<1x224x224xf32, #tpu.memory_space<vmem>>, vector<16xf32>,
      tpu.vector_store %arg10[%swap3A_778, %swap3A_779, %swap3A_780], %mul3A_776 {strides = array<i32>} : memref<1x224x224xf32, #tpu.memory_space<vmem>>, vector<16xf32>,
      %get3A_782 = arith.constant 0 : i32
      %get3A_783 = arith.index_cast %get3A_782 : i32 to index
      %get3A_784 = arith.index_cast %scan3A_758 : i32 to index
      %get3A_785 = arith.constant 32 : index
      %get3A_786 = tpu.vector_load %arg10[%get3A_783, %get3A_784, %get3A_785] {strides = array<i32>} : memref<1x224x224xf32, #tpu.memory_space<vmem>>, vector<16xf32>,
      %mul3A_787 = arith.mulf %get3A_786, %broadcast_in_dim3A_608 : vector<16xf32>
      %swap3A_788 = arith.constant 0 : i32
      %swap3A_789 = arith.index_cast %swap3A_788 : i32 to index
      %swap3A_790 = arith.index_cast %scan3A_758 : i32 to index
      %swap3A_791 = arith.constant 32 : index
      %swap3A_792 = tpu.vector_load %arg10[%swap3A_789, %swap3A_790, %swap3A_791] {strides = array<i32>} : memref<1x224x224xf32, #tpu.memory_space<vmem>>, vector<16xf32>,
      tpu.vector_store %arg10[%swap3A_789, %swap3A_790, %swap3A_791], %mul3A_787 {strides = array<i32>} : memref<1x224x224xf32, #tpu.memory_space<vmem>>, vector<16xf32>,
      %get3A_793 = arith.constant 0 : i32
      %get3A_794 = arith.index_cast %get3A_793 : i32 to index
      %get3A_795 = arith.index_cast %scan3A_758 : i32 to index
      %get3A_796 = arith.constant 48 : index
      %get3A_797 = tpu.vector_load %arg10[%get3A_794, %get3A_795, %get3A_796] {strides = array<i32>} : memref<1x224x224xf32, #tpu.memory_space<vmem>>, vector<16xf32>,
      %mul3A_798 = arith.mulf %get3A_797, %broadcast_in_dim3A_608 : vector<16xf32>
      %swap3A_799 = arith.constant 0 : i32
      %swap3A_800 = arith.index_cast %swap3A_799 : i32 to index
      %swap3A_801 = arith.index_cast %scan3A_758 : i32 to index
      %swap3A_802 = arith.constant 48 : index
      %swap3A_803 = tpu.vector_load %arg10[%swap3A_800, %swap3A_801, %swap3A_802] {strides = array<i32>} : memref<1x224x224xf32, #tpu.memory_space<vmem>>, vector<16xf32>,
      tpu.vector_store %arg10[%swap3A_800, %swap3A_801, %swap3A_802], %mul3A_798 {strides = array<i32>} : memref<1x224x224xf32, #tpu.memory_space<vmem>>, vector<16xf32>,
      %get3A_804 = arith.constant 0 : i32
      %get3A_805 = arith.index_cast %get3A_804 : i32 to index
      %get3A_806 = arith.index_cast %scan3A_758 : i32 to index
      %get3A_807 = arith.constant 64 : index
      %get3A_808 = tpu.vector_load %arg10[%get3A_805, %get3A_806, %get3A_807] {strides = array<i32>} : memref<1x224x224xf32, #tpu.memory_space<vmem>>, vector<16xf32>,
      %mul3A_809 = arith.mulf %get3A_808, %broadcast_in_dim3A_608 : vector<16xf32>
      %swap3A_810 = arith.constant 0 : i32
      %swap3A_811 = arith.index_cast %swap3A_810 : i32 to index
      %swap3A_812 = arith.index_cast %scan3A_758 : i32 to index
      %swap3A_813 = arith.constant 64 : index
      %swap3A_814 = tpu.vector_load %arg10[%swap3A_811, %swap3A_812, %swap3A_813] {strides = array<i32>} : memref<1x224x224xf32, #tpu.memory_space<vmem>>, vector<16xf32>,
      tpu.vector_store %arg10[%swap3A_811, %swap3A_812, %swap3A_813], %mul3A_809 {strides = array<i32>} : memref<1x224x224xf32, #tpu.memory_space<vmem>>, vector<16xf32>,
      %get3A_815 = arith.constant 0 : i32
      %get3A_816 = arith.index_cast %get3A_815 : i32 to index
      %get3A_817 = arith.index_cast %scan3A_758 : i32 to index
      %get3A_818 = arith.constant 80 : index
      %get3A_819 = tpu.vector_load %arg10[%get3A_816, %get3A_817, %get3A_818] {strides = array<i32>} : memref<1x224x224xf32, #tpu.memory_space<vmem>>, vector<16xf32>,
      %mul3A_820 = arith.mulf %get3A_819, %broadcast_in_dim3A_608 : vector<16xf32>
      %swap3A_821 = arith.constant 0 : i32
      %swap3A_822 = arith.index_cast %swap3A_821 : i32 to index
      %swap3A_823 = arith.index_cast %scan3A_758 : i32 to index
      %swap3A_824 = arith.constant 80 : index
      %swap3A_825 = tpu.vector_load %arg10[%swap3A_822, %swap3A_823, %swap3A_824] {strides = array<i32>} : memref<1x224x224xf32, #tpu.memory_space<vmem>>, vector<16xf32>,
      tpu.vector_store %arg10[%swap3A_822, %swap3A_823, %swap3A_824], %mul3A_820 {strides = array<i32>} : memref<1x224x224xf32, #tpu.memory_space<vmem>>, vector<16xf32>,
      %get3A_826 = arith.constant 0 : i32
      %get3A_827 = arith.index_cast %get3A_826 : i32 to index
      %get3A_828 = arith.index_cast %scan3A_758 : i32 to index
      %get3A_829 = arith.constant 96 : index
      %get3A_830 = tpu.vector_load %arg10[%get3A_827, %get3A_828, %get3A_829] {strides = array<i32>} : memref<1x224x224xf32, #tpu.memory_space<vmem>>, vector<16xf32>,
      %mul3A_831 = arith.mulf %get3A_830, %broadcast_in_dim3A_608 : vector<16xf32>
      %swap3A_832 = arith.constant 0 : i32
      %swap3A_833 = arith.index_cast %swap3A_832 : i32 to index
      %swap3A_834 = arith.index_cast %scan3A_758 : i32 to index
      %swap3A_835 = arith.constant 96 : index
      %swap3A_836 = tpu.vector_load %arg10[%swap3A_833, %swap3A_834, %swap3A_835] {strides = array<i32>} : memref<1x224x224xf32, #tpu.memory_space<vmem>>, vector<16xf32>,
      tpu.vector_store %arg10[%swap3A_833, %swap3A_834, %swap3A_835], %mul3A_831 {strides = array<i32>} : memref<1x224x224xf32, #tpu.memory_space<vmem>>, vector<16xf32>,
      %get3A_837 = arith.constant 0 : i32
      %get3A_838 = arith.index_cast %get3A_837 : i32 to index
      %get3A_839 = arith.index_cast %scan3A_758 : i32 to index
      %get3A_840 = arith.constant 112 : index
      %get3A_841 = tpu.vector_load %arg10[%get3A_838, %get3A_839, %get3A_840] {strides = array<i32>} : memref<1x224x224xf32, #tpu.memory_space<vmem>>, vector<16xf32>,
      %mul3A_842 = arith.mulf %get3A_841, %broadcast_in_dim3A_608 : vector<16xf32>
      %swap3A_843 = arith.constant 0 : i32
      %swap3A_844 = arith.index_cast %swap3A_843 : i32 to index
      %swap3A_845 = arith.index_cast %scan3A_758 : i32 to index
      %swap3A_846 = arith.constant 112 : index
      %swap3A_847 = tpu.vector_load %arg10[%swap3A_844, %swap3A_845, %swap3A_846] {strides = array<i32>} : memref<1x224x224xf32, #tpu.memory_space<vmem>>, vector<16xf32>,
      tpu.vector_store %arg10[%swap3A_844, %swap3A_845, %swap3A_846], %mul3A_842 {strides = array<i32>} : memref<1x224x224xf32, #tpu.memory_space<vmem>>, vector<16xf32>,
      %get3A_848 = arith.constant 0 : i32
      %get3A_849 = arith.index_cast %get3A_848 : i32 to index
      %get3A_850 = arith.index_cast %scan3A_758 : i32 to index
      %get3A_851 = arith.constant 128 : index
      %get3A_852 = tpu.vector_load %arg10[%get3A_849, %get3A_850, %get3A_851] {strides = array<i32>} : memref<1x224x224xf32, #tpu.memory_space<vmem>>, vector<16xf32>,
      %mul3A_853 = arith.mulf %get3A_852, %broadcast_in_dim3A_608 : vector<16xf32>
      %swap3A_854 = arith.constant 0 : i32
      %swap3A_855 = arith.index_cast %swap3A_854 : i32 to index
      %swap3A_856 = arith.index_cast %scan3A_758 : i32 to index
      %swap3A_857 = arith.constant 128 : index
      %swap3A_858 = tpu.vector_load %arg10[%swap3A_855, %swap3A_856, %swap3A_857] {strides = array<i32>} : memref<1x224x224xf32, #tpu.memory_space<vmem>>, vector<16xf32>,
      tpu.vector_store %arg10[%swap3A_855, %swap3A_856, %swap3A_857], %mul3A_853 {strides = array<i32>} : memref<1x224x224xf32, #tpu.memory_space<vmem>>, vector<16xf32>,
      %get3A_859 = arith.constant 0 : i32
      %get3A_860 = arith.index_cast %get3A_859 : i32 to index
      %get3A_861 = arith.index_cast %scan3A_758 : i32 to index
      %get3A_862 = arith.constant 144 : index
      %get3A_863 = tpu.vector_load %arg10[%get3A_860, %get3A_861, %get3A_862] {strides = array<i32>} : memref<1x224x224xf32, #tpu.memory_space<vmem>>, vector<16xf32>,
      %mul3A_864 = arith.mulf %get3A_863, %broadcast_in_dim3A_608 : vector<16xf32>
      %swap3A_865 = arith.constant 0 : i32
      %swap3A_866 = arith.index_cast %swap3A_865 : i32 to index
      %swap3A_867 = arith.index_cast %scan3A_758 : i32 to index
      %swap3A_868 = arith.constant 144 : index
      %swap3A_869 = tpu.vector_load %arg10[%swap3A_866, %swap3A_867, %swap3A_868] {strides = array<i32>} : memref<1x224x224xf32, #tpu.memory_space<vmem>>, vector<16xf32>,
      tpu.vector_store %arg10[%swap3A_866, %swap3A_867, %swap3A_868], %mul3A_864 {strides = array<i32>} : memref<1x224x224xf32, #tpu.memory_space<vmem>>, vector<16xf32>,
      %get3A_870 = arith.constant 0 : i32
      %get3A_871 = arith.index_cast %get3A_870 : i32 to index
      %get3A_872 = arith.index_cast %scan3A_758 : i32 to index
      %get3A_873 = arith.constant 160 : index
      %get3A_874 = tpu.vector_load %arg10[%get3A_871, %get3A_872, %get3A_873] {strides = array<i32>} : memref<1x224x224xf32, #tpu.memory_space<vmem>>, vector<16xf32>,
      %mul3A_875 = arith.mulf %get3A_874, %broadcast_in_dim3A_608 : vector<16xf32>
      %swap3A_876 = arith.constant 0 : i32
      %swap3A_877 = arith.index_cast %swap3A_876 : i32 to index
      %swap3A_878 = arith.index_cast %scan3A_758 : i32 to index
      %swap3A_879 = arith.constant 160 : index
      %swap3A_880 = tpu.vector_load %arg10[%swap3A_877, %swap3A_878, %swap3A_879] {strides = array<i32>} : memref<1x224x224xf32, #tpu.memory_space<vmem>>, vector<16xf32>,
      tpu.vector_store %arg10[%swap3A_877, %swap3A_878, %swap3A_879], %mul3A_875 {strides = array<i32>} : memref<1x224x224xf32, #tpu.memory_space<vmem>>, vector<16xf32>,
      %get3A_881 = arith.constant 0 : i32
      %get3A_882 = arith.index_cast %get3A_881 : i32 to index
      %get3A_883 = arith.index_cast %scan3A_758 : i32 to index
      %get3A_884 = arith.constant 176 : index
      %get3A_885 = tpu.vector_load %arg10[%get3A_882, %get3A_883, %get3A_884] {strides = array<i32>} : memref<1x224x224xf32, #tpu.memory_space<vmem>>, vector<16xf32>,
      %mul3A_886 = arith.mulf %get3A_885, %broadcast_in_dim3A_608 : vector<16xf32>
      %swap3A_887 = arith.constant 0 : i32
      %swap3A_888 = arith.index_cast %swap3A_887 : i32 to index
      %swap3A_889 = arith.index_cast %scan3A_758 : i32 to index
      %swap3A_890 = arith.constant 176 : index
      %swap3A_891 = tpu.vector_load %arg10[%swap3A_888, %swap3A_889, %swap3A_890] {strides = array<i32>} : memref<1x224x224xf32, #tpu.memory_space<vmem>>, vector<16xf32>,
      tpu.vector_store %arg10[%swap3A_888, %swap3A_889, %swap3A_890], %mul3A_886 {strides = array<i32>} : memref<1x224x224xf32, #tpu.memory_space<vmem>>, vector<16xf32>,
      %get3A_892 = arith.constant 0 : i32
      %get3A_893 = arith.index_cast %get3A_892 : i32 to index
      %get3A_894 = arith.index_cast %scan3A_758 : i32 to index
      %get3A_895 = arith.constant 192 : index
      %get3A_896 = tpu.vector_load %arg10[%get3A_893, %get3A_894, %get3A_895] {strides = array<i32>} : memref<1x224x224xf32, #tpu.memory_space<vmem>>, vector<16xf32>,
      %mul3A_897 = arith.mulf %get3A_896, %broadcast_in_dim3A_608 : vector<16xf32>
      %swap3A_898 = arith.constant 0 : i32
      %swap3A_899 = arith.index_cast %swap3A_898 : i32 to index
      %swap3A_900 = arith.index_cast %scan3A_758 : i32 to index
      %swap3A_901 = arith.constant 192 : index
      %swap3A_902 = tpu.vector_load %arg10[%swap3A_899, %swap3A_900, %swap3A_901] {strides = array<i32>} : memref<1x224x224xf32, #tpu.memory_space<vmem>>, vector<16xf32>,
      tpu.vector_store %arg10[%swap3A_899, %swap3A_900, %swap3A_901], %mul3A_897 {strides = array<i32>} : memref<1x224x224xf32, #tpu.memory_space<vmem>>, vector<16xf32>,
      %get3A_903 = arith.constant 0 : i32
      %get3A_904 = arith.index_cast %get3A_903 : i32 to index
      %get3A_905 = arith.index_cast %scan3A_758 : i32 to index
      %get3A_906 = arith.constant 208 : index
      %get3A_907 = tpu.vector_load %arg10[%get3A_904, %get3A_905, %get3A_906] {strides = array<i32>} : memref<1x224x224xf32, #tpu.memory_space<vmem>>, vector<16xf32>,
      %mul3A_908 = arith.mulf %get3A_907, %broadcast_in_dim3A_608 : vector<16xf32>
      %swap3A_909 = arith.constant 0 : i32
      %swap3A_910 = arith.index_cast %swap3A_909 : i32 to index
      %swap3A_911 = arith.index_cast %scan3A_758 : i32 to index
      %swap3A_912 = arith.constant 208 : index
      %swap3A_913 = tpu.vector_load %arg10[%swap3A_910, %swap3A_911, %swap3A_912] {strides = array<i32>} : memref<1x224x224xf32, #tpu.memory_space<vmem>>, vector<16xf32>,
      tpu.vector_store %arg10[%swap3A_910, %swap3A_911, %swap3A_912], %mul3A_908 {strides = array<i32>} : memref<1x224x224xf32, #tpu.memory_space<vmem>>, vector<16xf32>,
      %scan3A_914 = arith.constant 0 : i32
      scf.yield %scan3A_914 : i32
    }
    %scan3A_615 = arith.constant 224 : i32
    %mul3A_616 = arith.constant 192 : i32
    %mul3A_617 = arith.muli %shift_right_arithmetic3A_1, %mul3A_616 : i32
    %add3A_618 = arith.addi %mul3A_617, %mul3A_4 : i32
    %add3A_619 = arith.constant 8 : i32
    %add3A_620 = arith.addi %add3A_618, %add3A_619 : i32
    %dma_start3A_621 = arith.constant 0 : i32
    %dma_start3A_622 = arith.constant 0 : i32
    %dma_start3A_623 = tpu.memref_slice %arg5[%add3A_620, %dma_start3A_621, %dma_start3A_622] : memref<384x224x224xf32, #tpu.memory_space<hbm>> -> memref<1x224x224xf32, #tpu.memory_space<hbm>>
    %dma_start3A_624 = arith.constant 0 : i32
    %dma_start3A_625 = arith.constant 0 : i32
    %dma_start3A_626 = tpu.memref_slice %arg5[%add3A_620, %dma_start3A_624, %dma_start3A_625] : memref<384x224x224xf32, #tpu.memory_space<hbm>> -> memref<1x224x224xf32, #tpu.memory_space<hbm>>
    tpu.enqueue_dma source(%arg10 : memref<1x224x224xf32, #tpu.memory_space<vmem>>) target(%dma_start3A_626 : memref<1x224x224xf32, #tpu.memory_space<hbm>>) target_semaphore(%arg14 : memref<!tpu.dma_semaphore, #tpu.memory_space<semaphore_mem>>)
    %dma_wait3A_627 = arith.constant 0 : i32
    %dma_wait3A_628 = arith.constant 0 : i32
    %dma_wait3A_629 = tpu.memref_slice %arg5[%add3A_620, %dma_wait3A_627, %dma_wait3A_628] : memref<384x224x224xf32, #tpu.memory_space<hbm>> -> memref<1x224x224xf32, #tpu.memory_space<hbm>>
    %dma_wait3A_630 = arith.constant 0 : i32
    %dma_wait3A_631 = arith.constant 0 : i32
    %dma_wait3A_632 = tpu.memref_slice %arg5[%add3A_620, %dma_wait3A_630, %dma_wait3A_631] : memref<384x224x224xf32, #tpu.memory_space<hbm>> -> memref<1x224x224xf32, #tpu.memory_space<hbm>>
    tpu.wait_dma2 semaphore(%arg14 : memref<!tpu.dma_semaphore, #tpu.memory_space<semaphore_mem>>) src(%arg10 : memref<1x224x224xf32, #tpu.memory_space<vmem>>) dst(%dma_wait3A_632 : memref<1x224x224xf32, #tpu.memory_space<hbm>>)
    %get3A_633 = arith.constant 80 : index
    %get3A_634 = tpu.vector_load %arg8[%get3A_633] {strides = array<i32>} : memref<112xi32, #tpu.memory_space<vmem>>, vector<16xi32>,
    %slice3A_635 = vector.extract_strided_slice %get3A_634 {offsets = [0], sizes = [1], strides = [1]} : vector<16xi32> to vector<1xi32>
    %squeeze3A_636 = vector.extract %slice3A_635[0] : i32 from vector<1xi32>
    %dma_start3A_637 = arith.constant 0 : i32
    %dma_start3A_638 = arith.constant 0 : i32
    %dma_start3A_639 = tpu.memref_slice %arg2[%squeeze3A_636, %dma_start3A_637, %dma_start3A_638] : memref<768x224x224xf32, #tpu.memory_space<hbm>> -> memref<1x224x224xf32, #tpu.memory_space<hbm>>
    %dma_start3A_640 = arith.constant 0 : i32
    %dma_start3A_641 = arith.constant 0 : i32
    %dma_start3A_642 = tpu.memref_slice %arg2[%squeeze3A_636, %dma_start3A_640, %dma_start3A_641] : memref<768x224x224xf32, #tpu.memory_space<hbm>> -> memref<1x224x224xf32, #tpu.memory_space<hbm>>
    tpu.enqueue_dma source(%dma_start3A_642 : memref<1x224x224xf32, #tpu.memory_space<hbm>>) target(%arg10 : memref<1x224x224xf32, #tpu.memory_space<vmem>>) target_semaphore(%arg12 : memref<!tpu.dma_semaphore, #tpu.memory_space<semaphore_mem>>)
    %dma_wait3A_643 = arith.constant 0 : i32
    %dma_wait3A_644 = arith.constant 0 : i32
    %dma_wait3A_645 = tpu.memref_slice %arg2[%squeeze3A_591, %dma_wait3A_643, %dma_wait3A_644] : memref<768x224x224xf32, #tpu.memory_space<hbm>> -> memref<1x224x224xf32, #tpu.memory_space<hbm>>
    %dma_wait3A_646 = arith.constant 0 : i32
    %dma_wait3A_647 = arith.constant 0 : i32
    %dma_wait3A_648 = tpu.memref_slice %arg2[%squeeze3A_591, %dma_wait3A_646, %dma_wait3A_647] : memref<768x224x224xf32, #tpu.memory_space<hbm>> -> memref<1x224x224xf32, #tpu.memory_space<hbm>>
    tpu.wait_dma2 semaphore(%arg13 : memref<!tpu.dma_semaphore, #tpu.memory_space<semaphore_mem>>) src(%dma_wait3A_648 : memref<1x224x224xf32, #tpu.memory_space<hbm>>) dst(%arg11 : memref<1x224x224xf32, #tpu.memory_space<vmem>>)
    %get3A_649 = arith.constant 72 : index
    %get3A_650 = tpu.vector_load %arg9[%get3A_649] {strides = array<i32>} : memref<112xf32, #tpu.memory_space<vmem>>, vector<16xf32>,
    %slice3A_651 = vector.extract_strided_slice %get3A_650 {offsets = [0], sizes = [1], strides = [1]} : vector<16xf32> to vector<1xf32>
    %squeeze3A_652 = vector.extract %slice3A_651[0] : f32 from vector<1xf32>
    %broadcast_in_dim3A_653 = vector.broadcast %squeeze3A_652 : f32 to vector<16xf32>
    %scan3A_654 = arith.constant 0 : i32
    %scan3A_655 = arith.constant 0 : i32
    %scan3A_656 = arith.constant 224 : i32
    %scan3A_657 = arith.addi %scan3A_655, %scan3A_656 : i32
    %scan3A_658 = arith.constant 1 : i32
    %scan3A_659 = scf.for %scan3A_758 = %scan3A_655 to %scan3A_657 step %scan3A_658 iter_args(%scan3A_759 = %scan3A_654) -> (i32)  : i32 {
      %get3A_760 = arith.constant 0 : i32
      %get3A_761 = arith.index_cast %get3A_760 : i32 to index
      %get3A_762 = arith.index_cast %scan3A_758 : i32 to index
      %get3A_763 = arith.constant 0 : index
      %get3A_764 = tpu.vector_load %arg11[%get3A_761, %get3A_762, %get3A_763] {strides = array<i32>} : memref<1x224x224xf32, #tpu.memory_space<vmem>>, vector<16xf32>,
      %mul3A_765 = arith.mulf %get3A_764, %broadcast_in_dim3A_653 : vector<16xf32>
      %swap3A_766 = arith.constant 0 : i32
      %swap3A_767 = arith.index_cast %swap3A_766 : i32 to index
      %swap3A_768 = arith.index_cast %scan3A_758 : i32 to index
      %swap3A_769 = arith.constant 0 : index
      %swap3A_770 = tpu.vector_load %arg11[%swap3A_767, %swap3A_768, %swap3A_769] {strides = array<i32>} : memref<1x224x224xf32, #tpu.memory_space<vmem>>, vector<16xf32>,
      tpu.vector_store %arg11[%swap3A_767, %swap3A_768, %swap3A_769], %mul3A_765 {strides = array<i32>} : memref<1x224x224xf32, #tpu.memory_space<vmem>>, vector<16xf32>,
      %get3A_771 = arith.constant 0 : i32
      %get3A_772 = arith.index_cast %get3A_771 : i32 to index
      %get3A_773 = arith.index_cast %scan3A_758 : i32 to index
      %get3A_774 = arith.constant 16 : index
      %get3A_775 = tpu.vector_load %arg11[%get3A_772, %get3A_773, %get3A_774] {strides = array<i32>} : memref<1x224x224xf32, #tpu.memory_space<vmem>>, vector<16xf32>,
      %mul3A_776 = arith.mulf %get3A_775, %broadcast_in_dim3A_653 : vector<16xf32>
      %swap3A_777 = arith.constant 0 : i32
      %swap3A_778 = arith.index_cast %swap3A_777 : i32 to index
      %swap3A_779 = arith.index_cast %scan3A_758 : i32 to index
      %swap3A_780 = arith.constant 16 : index
      %swap3A_781 = tpu.vector_load %arg11[%swap3A_778, %swap3A_779, %swap3A_780] {strides = array<i32>} : memref<1x224x224xf32, #tpu.memory_space<vmem>>, vector<16xf32>,
      tpu.vector_store %arg11[%swap3A_778, %swap3A_779, %swap3A_780], %mul3A_776 {strides = array<i32>} : memref<1x224x224xf32, #tpu.memory_space<vmem>>, vector<16xf32>,
      %get3A_782 = arith.constant 0 : i32
      %get3A_783 = arith.index_cast %get3A_782 : i32 to index
      %get3A_784 = arith.index_cast %scan3A_758 : i32 to index
      %get3A_785 = arith.constant 32 : index
      %get3A_786 = tpu.vector_load %arg11[%get3A_783, %get3A_784, %get3A_785] {strides = array<i32>} : memref<1x224x224xf32, #tpu.memory_space<vmem>>, vector<16xf32>,
      %mul3A_787 = arith.mulf %get3A_786, %broadcast_in_dim3A_653 : vector<16xf32>
      %swap3A_788 = arith.constant 0 : i32
      %swap3A_789 = arith.index_cast %swap3A_788 : i32 to index
      %swap3A_790 = arith.index_cast %scan3A_758 : i32 to index
      %swap3A_791 = arith.constant 32 : index
      %swap3A_792 = tpu.vector_load %arg11[%swap3A_789, %swap3A_790, %swap3A_791] {strides = array<i32>} : memref<1x224x224xf32, #tpu.memory_space<vmem>>, vector<16xf32>,
      tpu.vector_store %arg11[%swap3A_789, %swap3A_790, %swap3A_791], %mul3A_787 {strides = array<i32>} : memref<1x224x224xf32, #tpu.memory_space<vmem>>, vector<16xf32>,
      %get3A_793 = arith.constant 0 : i32
      %get3A_794 = arith.index_cast %get3A_793 : i32 to index
      %get3A_795 = arith.index_cast %scan3A_758 : i32 to index
      %get3A_796 = arith.constant 48 : index
      %get3A_797 = tpu.vector_load %arg11[%get3A_794, %get3A_795, %get3A_796] {strides = array<i32>} : memref<1x224x224xf32, #tpu.memory_space<vmem>>, vector<16xf32>,
      %mul3A_798 = arith.mulf %get3A_797, %broadcast_in_dim3A_653 : vector<16xf32>
      %swap3A_799 = arith.constant 0 : i32
      %swap3A_800 = arith.index_cast %swap3A_799 : i32 to index
      %swap3A_801 = arith.index_cast %scan3A_758 : i32 to index
      %swap3A_802 = arith.constant 48 : index
      %swap3A_803 = tpu.vector_load %arg11[%swap3A_800, %swap3A_801, %swap3A_802] {strides = array<i32>} : memref<1x224x224xf32, #tpu.memory_space<vmem>>, vector<16xf32>,
      tpu.vector_store %arg11[%swap3A_800, %swap3A_801, %swap3A_802], %mul3A_798 {strides = array<i32>} : memref<1x224x224xf32, #tpu.memory_space<vmem>>, vector<16xf32>,
      %get3A_804 = arith.constant 0 : i32
      %get3A_805 = arith.index_cast %get3A_804 : i32 to index
      %get3A_806 = arith.index_cast %scan3A_758 : i32 to index
      %get3A_807 = arith.constant 64 : index
      %get3A_808 = tpu.vector_load %arg11[%get3A_805, %get3A_806, %get3A_807] {strides = array<i32>} : memref<1x224x224xf32, #tpu.memory_space<vmem>>, vector<16xf32>,
      %mul3A_809 = arith.mulf %get3A_808, %broadcast_in_dim3A_653 : vector<16xf32>
      %swap3A_810 = arith.constant 0 : i32
      %swap3A_811 = arith.index_cast %swap3A_810 : i32 to index
      %swap3A_812 = arith.index_cast %scan3A_758 : i32 to index
      %swap3A_813 = arith.constant 64 : index
      %swap3A_814 = tpu.vector_load %arg11[%swap3A_811, %swap3A_812, %swap3A_813] {strides = array<i32>} : memref<1x224x224xf32, #tpu.memory_space<vmem>>, vector<16xf32>,
      tpu.vector_store %arg11[%swap3A_811, %swap3A_812, %swap3A_813], %mul3A_809 {strides = array<i32>} : memref<1x224x224xf32, #tpu.memory_space<vmem>>, vector<16xf32>,
      %get3A_815 = arith.constant 0 : i32
      %get3A_816 = arith.index_cast %get3A_815 : i32 to index
      %get3A_817 = arith.index_cast %scan3A_758 : i32 to index
      %get3A_818 = arith.constant 80 : index
      %get3A_819 = tpu.vector_load %arg11[%get3A_816, %get3A_817, %get3A_818] {strides = array<i32>} : memref<1x224x224xf32, #tpu.memory_space<vmem>>, vector<16xf32>,
      %mul3A_820 = arith.mulf %get3A_819, %broadcast_in_dim3A_653 : vector<16xf32>
      %swap3A_821 = arith.constant 0 : i32
      %swap3A_822 = arith.index_cast %swap3A_821 : i32 to index
      %swap3A_823 = arith.index_cast %scan3A_758 : i32 to index
      %swap3A_824 = arith.constant 80 : index
      %swap3A_825 = tpu.vector_load %arg11[%swap3A_822, %swap3A_823, %swap3A_824] {strides = array<i32>} : memref<1x224x224xf32, #tpu.memory_space<vmem>>, vector<16xf32>,
      tpu.vector_store %arg11[%swap3A_822, %swap3A_823, %swap3A_824], %mul3A_820 {strides = array<i32>} : memref<1x224x224xf32, #tpu.memory_space<vmem>>, vector<16xf32>,
      %get3A_826 = arith.constant 0 : i32
      %get3A_827 = arith.index_cast %get3A_826 : i32 to index
      %get3A_828 = arith.index_cast %scan3A_758 : i32 to index
      %get3A_829 = arith.constant 96 : index
      %get3A_830 = tpu.vector_load %arg11[%get3A_827, %get3A_828, %get3A_829] {strides = array<i32>} : memref<1x224x224xf32, #tpu.memory_space<vmem>>, vector<16xf32>,
      %mul3A_831 = arith.mulf %get3A_830, %broadcast_in_dim3A_653 : vector<16xf32>
      %swap3A_832 = arith.constant 0 : i32
      %swap3A_833 = arith.index_cast %swap3A_832 : i32 to index
      %swap3A_834 = arith.index_cast %scan3A_758 : i32 to index
      %swap3A_835 = arith.constant 96 : index
      %swap3A_836 = tpu.vector_load %arg11[%swap3A_833, %swap3A_834, %swap3A_835] {strides = array<i32>} : memref<1x224x224xf32, #tpu.memory_space<vmem>>, vector<16xf32>,
      tpu.vector_store %arg11[%swap3A_833, %swap3A_834, %swap3A_835], %mul3A_831 {strides = array<i32>} : memref<1x224x224xf32, #tpu.memory_space<vmem>>, vector<16xf32>,
      %get3A_837 = arith.constant 0 : i32
      %get3A_838 = arith.index_cast %get3A_837 : i32 to index
      %get3A_839 = arith.index_cast %scan3A_758 : i32 to index
      %get3A_840 = arith.constant 112 : index
      %get3A_841 = tpu.vector_load %arg11[%get3A_838, %get3A_839, %get3A_840] {strides = array<i32>} : memref<1x224x224xf32, #tpu.memory_space<vmem>>, vector<16xf32>,
      %mul3A_842 = arith.mulf %get3A_841, %broadcast_in_dim3A_653 : vector<16xf32>
      %swap3A_843 = arith.constant 0 : i32
      %swap3A_844 = arith.index_cast %swap3A_843 : i32 to index
      %swap3A_845 = arith.index_cast %scan3A_758 : i32 to index
      %swap3A_846 = arith.constant 112 : index
      %swap3A_847 = tpu.vector_load %arg11[%swap3A_844, %swap3A_845, %swap3A_846] {strides = array<i32>} : memref<1x224x224xf32, #tpu.memory_space<vmem>>, vector<16xf32>,
      tpu.vector_store %arg11[%swap3A_844, %swap3A_845, %swap3A_846], %mul3A_842 {strides = array<i32>} : memref<1x224x224xf32, #tpu.memory_space<vmem>>, vector<16xf32>,
      %get3A_848 = arith.constant 0 : i32
      %get3A_849 = arith.index_cast %get3A_848 : i32 to index
      %get3A_850 = arith.index_cast %scan3A_758 : i32 to index
      %get3A_851 = arith.constant 128 : index
      %get3A_852 = tpu.vector_load %arg11[%get3A_849, %get3A_850, %get3A_851] {strides = array<i32>} : memref<1x224x224xf32, #tpu.memory_space<vmem>>, vector<16xf32>,
      %mul3A_853 = arith.mulf %get3A_852, %broadcast_in_dim3A_653 : vector<16xf32>
      %swap3A_854 = arith.constant 0 : i32
      %swap3A_855 = arith.index_cast %swap3A_854 : i32 to index
      %swap3A_856 = arith.index_cast %scan3A_758 : i32 to index
      %swap3A_857 = arith.constant 128 : index
      %swap3A_858 = tpu.vector_load %arg11[%swap3A_855, %swap3A_856, %swap3A_857] {strides = array<i32>} : memref<1x224x224xf32, #tpu.memory_space<vmem>>, vector<16xf32>,
      tpu.vector_store %arg11[%swap3A_855, %swap3A_856, %swap3A_857], %mul3A_853 {strides = array<i32>} : memref<1x224x224xf32, #tpu.memory_space<vmem>>, vector<16xf32>,
      %get3A_859 = arith.constant 0 : i32
      %get3A_860 = arith.index_cast %get3A_859 : i32 to index
      %get3A_861 = arith.index_cast %scan3A_758 : i32 to index
      %get3A_862 = arith.constant 144 : index
      %get3A_863 = tpu.vector_load %arg11[%get3A_860, %get3A_861, %get3A_862] {strides = array<i32>} : memref<1x224x224xf32, #tpu.memory_space<vmem>>, vector<16xf32>,
      %mul3A_864 = arith.mulf %get3A_863, %broadcast_in_dim3A_653 : vector<16xf32>
      %swap3A_865 = arith.constant 0 : i32
      %swap3A_866 = arith.index_cast %swap3A_865 : i32 to index
      %swap3A_867 = arith.index_cast %scan3A_758 : i32 to index
      %swap3A_868 = arith.constant 144 : index
      %swap3A_869 = tpu.vector_load %arg11[%swap3A_866, %swap3A_867, %swap3A_868] {strides = array<i32>} : memref<1x224x224xf32, #tpu.memory_space<vmem>>, vector<16xf32>,
      tpu.vector_store %arg11[%swap3A_866, %swap3A_867, %swap3A_868], %mul3A_864 {strides = array<i32>} : memref<1x224x224xf32, #tpu.memory_space<vmem>>, vector<16xf32>,
      %get3A_870 = arith.constant 0 : i32
      %get3A_871 = arith.index_cast %get3A_870 : i32 to index
      %get3A_872 = arith.index_cast %scan3A_758 : i32 to index
      %get3A_873 = arith.constant 160 : index
      %get3A_874 = tpu.vector_load %arg11[%get3A_871, %get3A_872, %get3A_873] {strides = array<i32>} : memref<1x224x224xf32, #tpu.memory_space<vmem>>, vector<16xf32>,
      %mul3A_875 = arith.mulf %get3A_874, %broadcast_in_dim3A_653 : vector<16xf32>
      %swap3A_876 = arith.constant 0 : i32
      %swap3A_877 = arith.index_cast %swap3A_876 : i32 to index
      %swap3A_878 = arith.index_cast %scan3A_758 : i32 to index
      %swap3A_879 = arith.constant 160 : index
      %swap3A_880 = tpu.vector_load %arg11[%swap3A_877, %swap3A_878, %swap3A_879] {strides = array<i32>} : memref<1x224x224xf32, #tpu.memory_space<vmem>>, vector<16xf32>,
      tpu.vector_store %arg11[%swap3A_877, %swap3A_878, %swap3A_879], %mul3A_875 {strides = array<i32>} : memref<1x224x224xf32, #tpu.memory_space<vmem>>, vector<16xf32>,
      %get3A_881 = arith.constant 0 : i32
      %get3A_882 = arith.index_cast %get3A_881 : i32 to index
      %get3A_883 = arith.index_cast %scan3A_758 : i32 to index
      %get3A_884 = arith.constant 176 : index
      %get3A_885 = tpu.vector_load %arg11[%get3A_882, %get3A_883, %get3A_884] {strides = array<i32>} : memref<1x224x224xf32, #tpu.memory_space<vmem>>, vector<16xf32>,
      %mul3A_886 = arith.mulf %get3A_885, %broadcast_in_dim3A_653 : vector<16xf32>
      %swap3A_887 = arith.constant 0 : i32
      %swap3A_888 = arith.index_cast %swap3A_887 : i32 to index
      %swap3A_889 = arith.index_cast %scan3A_758 : i32 to index
      %swap3A_890 = arith.constant 176 : index
      %swap3A_891 = tpu.vector_load %arg11[%swap3A_888, %swap3A_889, %swap3A_890] {strides = array<i32>} : memref<1x224x224xf32, #tpu.memory_space<vmem>>, vector<16xf32>,
      tpu.vector_store %arg11[%swap3A_888, %swap3A_889, %swap3A_890], %mul3A_886 {strides = array<i32>} : memref<1x224x224xf32, #tpu.memory_space<vmem>>, vector<16xf32>,
      %get3A_892 = arith.constant 0 : i32
      %get3A_893 = arith.index_cast %get3A_892 : i32 to index
      %get3A_894 = arith.index_cast %scan3A_758 : i32 to index
      %get3A_895 = arith.constant 192 : index
      %get3A_896 = tpu.vector_load %arg11[%get3A_893, %get3A_894, %get3A_895] {strides = array<i32>} : memref<1x224x224xf32, #tpu.memory_space<vmem>>, vector<16xf32>,
      %mul3A_897 = arith.mulf %get3A_896, %broadcast_in_dim3A_653 : vector<16xf32>
      %swap3A_898 = arith.constant 0 : i32
      %swap3A_899 = arith.index_cast %swap3A_898 : i32 to index
      %swap3A_900 = arith.index_cast %scan3A_758 : i32 to index
      %swap3A_901 = arith.constant 192 : index
      %swap3A_902 = tpu.vector_load %arg11[%swap3A_899, %swap3A_900, %swap3A_901] {strides = array<i32>} : memref<1x224x224xf32, #tpu.memory_space<vmem>>, vector<16xf32>,
      tpu.vector_store %arg11[%swap3A_899, %swap3A_900, %swap3A_901], %mul3A_897 {strides = array<i32>} : memref<1x224x224xf32, #tpu.memory_space<vmem>>, vector<16xf32>,
      %get3A_903 = arith.constant 0 : i32
      %get3A_904 = arith.index_cast %get3A_903 : i32 to index
      %get3A_905 = arith.index_cast %scan3A_758 : i32 to index
      %get3A_906 = arith.constant 208 : index
      %get3A_907 = tpu.vector_load %arg11[%get3A_904, %get3A_905, %get3A_906] {strides = array<i32>} : memref<1x224x224xf32, #tpu.memory_space<vmem>>, vector<16xf32>,
      %mul3A_908 = arith.mulf %get3A_907, %broadcast_in_dim3A_653 : vector<16xf32>
      %swap3A_909 = arith.constant 0 : i32
      %swap3A_910 = arith.index_cast %swap3A_909 : i32 to index
      %swap3A_911 = arith.index_cast %scan3A_758 : i32 to index
      %swap3A_912 = arith.constant 208 : index
      %swap3A_913 = tpu.vector_load %arg11[%swap3A_910, %swap3A_911, %swap3A_912] {strides = array<i32>} : memref<1x224x224xf32, #tpu.memory_space<vmem>>, vector<16xf32>,
      tpu.vector_store %arg11[%swap3A_910, %swap3A_911, %swap3A_912], %mul3A_908 {strides = array<i32>} : memref<1x224x224xf32, #tpu.memory_space<vmem>>, vector<16xf32>,
      %scan3A_914 = arith.constant 0 : i32
      scf.yield %scan3A_914 : i32
    }
    %scan3A_660 = arith.constant 224 : i32
    %mul3A_661 = arith.constant 192 : i32
    %mul3A_662 = arith.muli %shift_right_arithmetic3A_1, %mul3A_661 : i32
    %add3A_663 = arith.addi %mul3A_662, %mul3A_4 : i32
    %add3A_664 = arith.constant 9 : i32
    %add3A_665 = arith.addi %add3A_663, %add3A_664 : i32
    %dma_start3A_666 = arith.constant 0 : i32
    %dma_start3A_667 = arith.constant 0 : i32
    %dma_start3A_668 = tpu.memref_slice %arg5[%add3A_665, %dma_start3A_666, %dma_start3A_667] : memref<384x224x224xf32, #tpu.memory_space<hbm>> -> memref<1x224x224xf32, #tpu.memory_space<hbm>>
    %dma_start3A_669 = arith.constant 0 : i32
    %dma_start3A_670 = arith.constant 0 : i32
    %dma_start3A_671 = tpu.memref_slice %arg5[%add3A_665, %dma_start3A_669, %dma_start3A_670] : memref<384x224x224xf32, #tpu.memory_space<hbm>> -> memref<1x224x224xf32, #tpu.memory_space<hbm>>
    tpu.enqueue_dma source(%arg11 : memref<1x224x224xf32, #tpu.memory_space<vmem>>) target(%dma_start3A_671 : memref<1x224x224xf32, #tpu.memory_space<hbm>>) target_semaphore(%arg15 : memref<!tpu.dma_semaphore, #tpu.memory_space<semaphore_mem>>)
    %dma_wait3A_672 = arith.constant 0 : i32
    %dma_wait3A_673 = arith.constant 0 : i32
    %dma_wait3A_674 = tpu.memref_slice %arg5[%add3A_665, %dma_wait3A_672, %dma_wait3A_673] : memref<384x224x224xf32, #tpu.memory_space<hbm>> -> memref<1x224x224xf32, #tpu.memory_space<hbm>>
    %dma_wait3A_675 = arith.constant 0 : i32
    %dma_wait3A_676 = arith.constant 0 : i32
    %dma_wait3A_677 = tpu.memref_slice %arg5[%add3A_665, %dma_wait3A_675, %dma_wait3A_676] : memref<384x224x224xf32, #tpu.memory_space<hbm>> -> memref<1x224x224xf32, #tpu.memory_space<hbm>>
    tpu.wait_dma2 semaphore(%arg15 : memref<!tpu.dma_semaphore, #tpu.memory_space<semaphore_mem>>) src(%arg11 : memref<1x224x224xf32, #tpu.memory_space<vmem>>) dst(%dma_wait3A_677 : memref<1x224x224xf32, #tpu.memory_space<hbm>>)
    %get3A_678 = arith.constant 88 : index
    %get3A_679 = tpu.vector_load %arg8[%get3A_678] {strides = array<i32>} : memref<112xi32, #tpu.memory_space<vmem>>, vector<16xi32>,
    %slice3A_680 = vector.extract_strided_slice %get3A_679 {offsets = [0], sizes = [1], strides = [1]} : vector<16xi32> to vector<1xi32>
    %squeeze3A_681 = vector.extract %slice3A_680[0] : i32 from vector<1xi32>
    %dma_start3A_682 = arith.constant 0 : i32
    %dma_start3A_683 = arith.constant 0 : i32
    %dma_start3A_684 = tpu.memref_slice %arg2[%squeeze3A_681, %dma_start3A_682, %dma_start3A_683] : memref<768x224x224xf32, #tpu.memory_space<hbm>> -> memref<1x224x224xf32, #tpu.memory_space<hbm>>
    %dma_start3A_685 = arith.constant 0 : i32
    %dma_start3A_686 = arith.constant 0 : i32
    %dma_start3A_687 = tpu.memref_slice %arg2[%squeeze3A_681, %dma_start3A_685, %dma_start3A_686] : memref<768x224x224xf32, #tpu.memory_space<hbm>> -> memref<1x224x224xf32, #tpu.memory_space<hbm>>
    tpu.enqueue_dma source(%dma_start3A_687 : memref<1x224x224xf32, #tpu.memory_space<hbm>>) target(%arg11 : memref<1x224x224xf32, #tpu.memory_space<vmem>>) target_semaphore(%arg13 : memref<!tpu.dma_semaphore, #tpu.memory_space<semaphore_mem>>)
    %dma_wait3A_688 = arith.constant 0 : i32
    %dma_wait3A_689 = arith.constant 0 : i32
    %dma_wait3A_690 = tpu.memref_slice %arg2[%squeeze3A_636, %dma_wait3A_688, %dma_wait3A_689] : memref<768x224x224xf32, #tpu.memory_space<hbm>> -> memref<1x224x224xf32, #tpu.memory_space<hbm>>
    %dma_wait3A_691 = arith.constant 0 : i32
    %dma_wait3A_692 = arith.constant 0 : i32
    %dma_wait3A_693 = tpu.memref_slice %arg2[%squeeze3A_636, %dma_wait3A_691, %dma_wait3A_692] : memref<768x224x224xf32, #tpu.memory_space<hbm>> -> memref<1x224x224xf32, #tpu.memory_space<hbm>>
    tpu.wait_dma2 semaphore(%arg12 : memref<!tpu.dma_semaphore, #tpu.memory_space<semaphore_mem>>) src(%dma_wait3A_693 : memref<1x224x224xf32, #tpu.memory_space<hbm>>) dst(%arg10 : memref<1x224x224xf32, #tpu.memory_space<vmem>>)
    %get3A_694 = arith.constant 80 : index
    %get3A_695 = tpu.vector_load %arg9[%get3A_694] {strides = array<i32>} : memref<112xf32, #tpu.memory_space<vmem>>, vector<16xf32>,
    %slice3A_696 = vector.extract_strided_slice %get3A_695 {offsets = [0], sizes = [1], strides = [1]} : vector<16xf32> to vector<1xf32>
    %squeeze3A_697 = vector.extract %slice3A_696[0] : f32 from vector<1xf32>
    %broadcast_in_dim3A_698 = vector.broadcast %squeeze3A_697 : f32 to vector<16xf32>
    %scan3A_699 = arith.constant 0 : i32
    %scan3A_700 = arith.constant 0 : i32
    %scan3A_701 = arith.constant 224 : i32
    %scan3A_702 = arith.addi %scan3A_700, %scan3A_701 : i32
    %scan3A_703 = arith.constant 1 : i32
    %scan3A_704 = scf.for %scan3A_758 = %scan3A_700 to %scan3A_702 step %scan3A_703 iter_args(%scan3A_759 = %scan3A_699) -> (i32)  : i32 {
      %get3A_760 = arith.constant 0 : i32
      %get3A_761 = arith.index_cast %get3A_760 : i32 to index
      %get3A_762 = arith.index_cast %scan3A_758 : i32 to index
      %get3A_763 = arith.constant 0 : index
      %get3A_764 = tpu.vector_load %arg10[%get3A_761, %get3A_762, %get3A_763] {strides = array<i32>} : memref<1x224x224xf32, #tpu.memory_space<vmem>>, vector<16xf32>,
      %mul3A_765 = arith.mulf %get3A_764, %broadcast_in_dim3A_698 : vector<16xf32>
      %swap3A_766 = arith.constant 0 : i32
      %swap3A_767 = arith.index_cast %swap3A_766 : i32 to index
      %swap3A_768 = arith.index_cast %scan3A_758 : i32 to index
      %swap3A_769 = arith.constant 0 : index
      %swap3A_770 = tpu.vector_load %arg10[%swap3A_767, %swap3A_768, %swap3A_769] {strides = array<i32>} : memref<1x224x224xf32, #tpu.memory_space<vmem>>, vector<16xf32>,
      tpu.vector_store %arg10[%swap3A_767, %swap3A_768, %swap3A_769], %mul3A_765 {strides = array<i32>} : memref<1x224x224xf32, #tpu.memory_space<vmem>>, vector<16xf32>,
      %get3A_771 = arith.constant 0 : i32
      %get3A_772 = arith.index_cast %get3A_771 : i32 to index
      %get3A_773 = arith.index_cast %scan3A_758 : i32 to index
      %get3A_774 = arith.constant 16 : index
      %get3A_775 = tpu.vector_load %arg10[%get3A_772, %get3A_773, %get3A_774] {strides = array<i32>} : memref<1x224x224xf32, #tpu.memory_space<vmem>>, vector<16xf32>,
      %mul3A_776 = arith.mulf %get3A_775, %broadcast_in_dim3A_698 : vector<16xf32>
      %swap3A_777 = arith.constant 0 : i32
      %swap3A_778 = arith.index_cast %swap3A_777 : i32 to index
      %swap3A_779 = arith.index_cast %scan3A_758 : i32 to index
      %swap3A_780 = arith.constant 16 : index
      %swap3A_781 = tpu.vector_load %arg10[%swap3A_778, %swap3A_779, %swap3A_780] {strides = array<i32>} : memref<1x224x224xf32, #tpu.memory_space<vmem>>, vector<16xf32>,
      tpu.vector_store %arg10[%swap3A_778, %swap3A_779, %swap3A_780], %mul3A_776 {strides = array<i32>} : memref<1x224x224xf32, #tpu.memory_space<vmem>>, vector<16xf32>,
      %get3A_782 = arith.constant 0 : i32
      %get3A_783 = arith.index_cast %get3A_782 : i32 to index
      %get3A_784 = arith.index_cast %scan3A_758 : i32 to index
      %get3A_785 = arith.constant 32 : index
      %get3A_786 = tpu.vector_load %arg10[%get3A_783, %get3A_784, %get3A_785] {strides = array<i32>} : memref<1x224x224xf32, #tpu.memory_space<vmem>>, vector<16xf32>,
      %mul3A_787 = arith.mulf %get3A_786, %broadcast_in_dim3A_698 : vector<16xf32>
      %swap3A_788 = arith.constant 0 : i32
      %swap3A_789 = arith.index_cast %swap3A_788 : i32 to index
      %swap3A_790 = arith.index_cast %scan3A_758 : i32 to index
      %swap3A_791 = arith.constant 32 : index
      %swap3A_792 = tpu.vector_load %arg10[%swap3A_789, %swap3A_790, %swap3A_791] {strides = array<i32>} : memref<1x224x224xf32, #tpu.memory_space<vmem>>, vector<16xf32>,
      tpu.vector_store %arg10[%swap3A_789, %swap3A_790, %swap3A_791], %mul3A_787 {strides = array<i32>} : memref<1x224x224xf32, #tpu.memory_space<vmem>>, vector<16xf32>,
      %get3A_793 = arith.constant 0 : i32
      %get3A_794 = arith.index_cast %get3A_793 : i32 to index
      %get3A_795 = arith.index_cast %scan3A_758 : i32 to index
      %get3A_796 = arith.constant 48 : index
      %get3A_797 = tpu.vector_load %arg10[%get3A_794, %get3A_795, %get3A_796] {strides = array<i32>} : memref<1x224x224xf32, #tpu.memory_space<vmem>>, vector<16xf32>,
      %mul3A_798 = arith.mulf %get3A_797, %broadcast_in_dim3A_698 : vector<16xf32>
      %swap3A_799 = arith.constant 0 : i32
      %swap3A_800 = arith.index_cast %swap3A_799 : i32 to index
      %swap3A_801 = arith.index_cast %scan3A_758 : i32 to index
      %swap3A_802 = arith.constant 48 : index
      %swap3A_803 = tpu.vector_load %arg10[%swap3A_800, %swap3A_801, %swap3A_802] {strides = array<i32>} : memref<1x224x224xf32, #tpu.memory_space<vmem>>, vector<16xf32>,
      tpu.vector_store %arg10[%swap3A_800, %swap3A_801, %swap3A_802], %mul3A_798 {strides = array<i32>} : memref<1x224x224xf32, #tpu.memory_space<vmem>>, vector<16xf32>,
      %get3A_804 = arith.constant 0 : i32
      %get3A_805 = arith.index_cast %get3A_804 : i32 to index
      %get3A_806 = arith.index_cast %scan3A_758 : i32 to index
      %get3A_807 = arith.constant 64 : index
      %get3A_808 = tpu.vector_load %arg10[%get3A_805, %get3A_806, %get3A_807] {strides = array<i32>} : memref<1x224x224xf32, #tpu.memory_space<vmem>>, vector<16xf32>,
      %mul3A_809 = arith.mulf %get3A_808, %broadcast_in_dim3A_698 : vector<16xf32>
      %swap3A_810 = arith.constant 0 : i32
      %swap3A_811 = arith.index_cast %swap3A_810 : i32 to index
      %swap3A_812 = arith.index_cast %scan3A_758 : i32 to index
      %swap3A_813 = arith.constant 64 : index
      %swap3A_814 = tpu.vector_load %arg10[%swap3A_811, %swap3A_812, %swap3A_813] {strides = array<i32>} : memref<1x224x224xf32, #tpu.memory_space<vmem>>, vector<16xf32>,
      tpu.vector_store %arg10[%swap3A_811, %swap3A_812, %swap3A_813], %mul3A_809 {strides = array<i32>} : memref<1x224x224xf32, #tpu.memory_space<vmem>>, vector<16xf32>,
      %get3A_815 = arith.constant 0 : i32
      %get3A_816 = arith.index_cast %get3A_815 : i32 to index
      %get3A_817 = arith.index_cast %scan3A_758 : i32 to index
      %get3A_818 = arith.constant 80 : index
      %get3A_819 = tpu.vector_load %arg10[%get3A_816, %get3A_817, %get3A_818] {strides = array<i32>} : memref<1x224x224xf32, #tpu.memory_space<vmem>>, vector<16xf32>,
      %mul3A_820 = arith.mulf %get3A_819, %broadcast_in_dim3A_698 : vector<16xf32>
      %swap3A_821 = arith.constant 0 : i32
      %swap3A_822 = arith.index_cast %swap3A_821 : i32 to index
      %swap3A_823 = arith.index_cast %scan3A_758 : i32 to index
      %swap3A_824 = arith.constant 80 : index
      %swap3A_825 = tpu.vector_load %arg10[%swap3A_822, %swap3A_823, %swap3A_824] {strides = array<i32>} : memref<1x224x224xf32, #tpu.memory_space<vmem>>, vector<16xf32>,
      tpu.vector_store %arg10[%swap3A_822, %swap3A_823, %swap3A_824], %mul3A_820 {strides = array<i32>} : memref<1x224x224xf32, #tpu.memory_space<vmem>>, vector<16xf32>,
      %get3A_826 = arith.constant 0 : i32
      %get3A_827 = arith.index_cast %get3A_826 : i32 to index
      %get3A_828 = arith.index_cast %scan3A_758 : i32 to index
      %get3A_829 = arith.constant 96 : index
      %get3A_830 = tpu.vector_load %arg10[%get3A_827, %get3A_828, %get3A_829] {strides = array<i32>} : memref<1x224x224xf32, #tpu.memory_space<vmem>>, vector<16xf32>,
      %mul3A_831 = arith.mulf %get3A_830, %broadcast_in_dim3A_698 : vector<16xf32>
      %swap3A_832 = arith.constant 0 : i32
      %swap3A_833 = arith.index_cast %swap3A_832 : i32 to index
      %swap3A_834 = arith.index_cast %scan3A_758 : i32 to index
      %swap3A_835 = arith.constant 96 : index
      %swap3A_836 = tpu.vector_load %arg10[%swap3A_833, %swap3A_834, %swap3A_835] {strides = array<i32>} : memref<1x224x224xf32, #tpu.memory_space<vmem>>, vector<16xf32>,
      tpu.vector_store %arg10[%swap3A_833, %swap3A_834, %swap3A_835], %mul3A_831 {strides = array<i32>} : memref<1x224x224xf32, #tpu.memory_space<vmem>>, vector<16xf32>,
      %get3A_837 = arith.constant 0 : i32
      %get3A_838 = arith.index_cast %get3A_837 : i32 to index
      %get3A_839 = arith.index_cast %scan3A_758 : i32 to index
      %get3A_840 = arith.constant 112 : index
      %get3A_841 = tpu.vector_load %arg10[%get3A_838, %get3A_839, %get3A_840] {strides = array<i32>} : memref<1x224x224xf32, #tpu.memory_space<vmem>>, vector<16xf32>,
      %mul3A_842 = arith.mulf %get3A_841, %broadcast_in_dim3A_698 : vector<16xf32>
      %swap3A_843 = arith.constant 0 : i32
      %swap3A_844 = arith.index_cast %swap3A_843 : i32 to index
      %swap3A_845 = arith.index_cast %scan3A_758 : i32 to index
      %swap3A_846 = arith.constant 112 : index
      %swap3A_847 = tpu.vector_load %arg10[%swap3A_844, %swap3A_845, %swap3A_846] {strides = array<i32>} : memref<1x224x224xf32, #tpu.memory_space<vmem>>, vector<16xf32>,
      tpu.vector_store %arg10[%swap3A_844, %swap3A_845, %swap3A_846], %mul3A_842 {strides = array<i32>} : memref<1x224x224xf32, #tpu.memory_space<vmem>>, vector<16xf32>,
      %get3A_848 = arith.constant 0 : i32
      %get3A_849 = arith.index_cast %get3A_848 : i32 to index
      %get3A_850 = arith.index_cast %scan3A_758 : i32 to index
      %get3A_851 = arith.constant 128 : index
      %get3A_852 = tpu.vector_load %arg10[%get3A_849, %get3A_850, %get3A_851] {strides = array<i32>} : memref<1x224x224xf32, #tpu.memory_space<vmem>>, vector<16xf32>,
      %mul3A_853 = arith.mulf %get3A_852, %broadcast_in_dim3A_698 : vector<16xf32>
      %swap3A_854 = arith.constant 0 : i32
      %swap3A_855 = arith.index_cast %swap3A_854 : i32 to index
      %swap3A_856 = arith.index_cast %scan3A_758 : i32 to index
      %swap3A_857 = arith.constant 128 : index
      %swap3A_858 = tpu.vector_load %arg10[%swap3A_855, %swap3A_856, %swap3A_857] {strides = array<i32>} : memref<1x224x224xf32, #tpu.memory_space<vmem>>, vector<16xf32>,
      tpu.vector_store %arg10[%swap3A_855, %swap3A_856, %swap3A_857], %mul3A_853 {strides = array<i32>} : memref<1x224x224xf32, #tpu.memory_space<vmem>>, vector<16xf32>,
      %get3A_859 = arith.constant 0 : i32
      %get3A_860 = arith.index_cast %get3A_859 : i32 to index
      %get3A_861 = arith.index_cast %scan3A_758 : i32 to index
      %get3A_862 = arith.constant 144 : index
      %get3A_863 = tpu.vector_load %arg10[%get3A_860, %get3A_861, %get3A_862] {strides = array<i32>} : memref<1x224x224xf32, #tpu.memory_space<vmem>>, vector<16xf32>,
      %mul3A_864 = arith.mulf %get3A_863, %broadcast_in_dim3A_698 : vector<16xf32>
      %swap3A_865 = arith.constant 0 : i32
      %swap3A_866 = arith.index_cast %swap3A_865 : i32 to index
      %swap3A_867 = arith.index_cast %scan3A_758 : i32 to index
      %swap3A_868 = arith.constant 144 : index
      %swap3A_869 = tpu.vector_load %arg10[%swap3A_866, %swap3A_867, %swap3A_868] {strides = array<i32>} : memref<1x224x224xf32, #tpu.memory_space<vmem>>, vector<16xf32>,
      tpu.vector_store %arg10[%swap3A_866, %swap3A_867, %swap3A_868], %mul3A_864 {strides = array<i32>} : memref<1x224x224xf32, #tpu.memory_space<vmem>>, vector<16xf32>,
      %get3A_870 = arith.constant 0 : i32
      %get3A_871 = arith.index_cast %get3A_870 : i32 to index
      %get3A_872 = arith.index_cast %scan3A_758 : i32 to index
      %get3A_873 = arith.constant 160 : index
      %get3A_874 = tpu.vector_load %arg10[%get3A_871, %get3A_872, %get3A_873] {strides = array<i32>} : memref<1x224x224xf32, #tpu.memory_space<vmem>>, vector<16xf32>,
      %mul3A_875 = arith.mulf %get3A_874, %broadcast_in_dim3A_698 : vector<16xf32>
      %swap3A_876 = arith.constant 0 : i32
      %swap3A_877 = arith.index_cast %swap3A_876 : i32 to index
      %swap3A_878 = arith.index_cast %scan3A_758 : i32 to index
      %swap3A_879 = arith.constant 160 : index
      %swap3A_880 = tpu.vector_load %arg10[%swap3A_877, %swap3A_878, %swap3A_879] {strides = array<i32>} : memref<1x224x224xf32, #tpu.memory_space<vmem>>, vector<16xf32>,
      tpu.vector_store %arg10[%swap3A_877, %swap3A_878, %swap3A_879], %mul3A_875 {strides = array<i32>} : memref<1x224x224xf32, #tpu.memory_space<vmem>>, vector<16xf32>,
      %get3A_881 = arith.constant 0 : i32
      %get3A_882 = arith.index_cast %get3A_881 : i32 to index
      %get3A_883 = arith.index_cast %scan3A_758 : i32 to index
      %get3A_884 = arith.constant 176 : index
      %get3A_885 = tpu.vector_load %arg10[%get3A_882, %get3A_883, %get3A_884] {strides = array<i32>} : memref<1x224x224xf32, #tpu.memory_space<vmem>>, vector<16xf32>,
      %mul3A_886 = arith.mulf %get3A_885, %broadcast_in_dim3A_698 : vector<16xf32>
      %swap3A_887 = arith.constant 0 : i32
      %swap3A_888 = arith.index_cast %swap3A_887 : i32 to index
      %swap3A_889 = arith.index_cast %scan3A_758 : i32 to index
      %swap3A_890 = arith.constant 176 : index
      %swap3A_891 = tpu.vector_load %arg10[%swap3A_888, %swap3A_889, %swap3A_890] {strides = array<i32>} : memref<1x224x224xf32, #tpu.memory_space<vmem>>, vector<16xf32>,
      tpu.vector_store %arg10[%swap3A_888, %swap3A_889, %swap3A_890], %mul3A_886 {strides = array<i32>} : memref<1x224x224xf32, #tpu.memory_space<vmem>>, vector<16xf32>,
      %get3A_892 = arith.constant 0 : i32
      %get3A_893 = arith.index_cast %get3A_892 : i32 to index
      %get3A_894 = arith.index_cast %scan3A_758 : i32 to index
      %get3A_895 = arith.constant 192 : index
      %get3A_896 = tpu.vector_load %arg10[%get3A_893, %get3A_894, %get3A_895] {strides = array<i32>} : memref<1x224x224xf32, #tpu.memory_space<vmem>>, vector<16xf32>,
      %mul3A_897 = arith.mulf %get3A_896, %broadcast_in_dim3A_698 : vector<16xf32>
      %swap3A_898 = arith.constant 0 : i32
      %swap3A_899 = arith.index_cast %swap3A_898 : i32 to index
      %swap3A_900 = arith.index_cast %scan3A_758 : i32 to index
      %swap3A_901 = arith.constant 192 : index
      %swap3A_902 = tpu.vector_load %arg10[%swap3A_899, %swap3A_900, %swap3A_901] {strides = array<i32>} : memref<1x224x224xf32, #tpu.memory_space<vmem>>, vector<16xf32>,
      tpu.vector_store %arg10[%swap3A_899, %swap3A_900, %swap3A_901], %mul3A_897 {strides = array<i32>} : memref<1x224x224xf32, #tpu.memory_space<vmem>>, vector<16xf32>,
      %get3A_903 = arith.constant 0 : i32
      %get3A_904 = arith.index_cast %get3A_903 : i32 to index
      %get3A_905 = arith.index_cast %scan3A_758 : i32 to index
      %get3A_906 = arith.constant 208 : index
      %get3A_907 = tpu.vector_load %arg10[%get3A_904, %get3A_905, %get3A_906] {strides = array<i32>} : memref<1x224x224xf32, #tpu.memory_space<vmem>>, vector<16xf32>,
      %mul3A_908 = arith.mulf %get3A_907, %broadcast_in_dim3A_698 : vector<16xf32>
      %swap3A_909 = arith.constant 0 : i32
      %swap3A_910 = arith.index_cast %swap3A_909 : i32 to index
      %swap3A_911 = arith.index_cast %scan3A_758 : i32 to index
      %swap3A_912 = arith.constant 208 : index
      %swap3A_913 = tpu.vector_load %arg10[%swap3A_910, %swap3A_911, %swap3A_912] {strides = array<i32>} : memref<1x224x224xf32, #tpu.memory_space<vmem>>, vector<16xf32>,
      tpu.vector_store %arg10[%swap3A_910, %swap3A_911, %swap3A_912], %mul3A_908 {strides = array<i32>} : memref<1x224x224xf32, #tpu.memory_space<vmem>>, vector<16xf32>,
      %scan3A_914 = arith.constant 0 : i32
      scf.yield %scan3A_914 : i32
    }
    %scan3A_705 = arith.constant 224 : i32
    %mul3A_706 = arith.constant 192 : i32
    %mul3A_707 = arith.muli %shift_right_arithmetic3A_1, %mul3A_706 : i32
    %add3A_708 = arith.addi %mul3A_707, %mul3A_4 : i32
    %add3A_709 = arith.constant 10 : i32
    %add3A_710 = arith.addi %add3A_708, %add3A_709 : i32
    %dma_start3A_711 = arith.constant 0 : i32
    %dma_start3A_712 = arith.constant 0 : i32
    %dma_start3A_713 = tpu.memref_slice %arg5[%add3A_710, %dma_start3A_711, %dma_start3A_712] : memref<384x224x224xf32, #tpu.memory_space<hbm>> -> memref<1x224x224xf32, #tpu.memory_space<hbm>>
    %dma_start3A_714 = arith.constant 0 : i32
    %dma_start3A_715 = arith.constant 0 : i32
    %dma_start3A_716 = tpu.memref_slice %arg5[%add3A_710, %dma_start3A_714, %dma_start3A_715] : memref<384x224x224xf32, #tpu.memory_space<hbm>> -> memref<1x224x224xf32, #tpu.memory_space<hbm>>
    tpu.enqueue_dma source(%arg10 : memref<1x224x224xf32, #tpu.memory_space<vmem>>) target(%dma_start3A_716 : memref<1x224x224xf32, #tpu.memory_space<hbm>>) target_semaphore(%arg14 : memref<!tpu.dma_semaphore, #tpu.memory_space<semaphore_mem>>)
    %dma_wait3A_717 = arith.constant 0 : i32
    %dma_wait3A_718 = arith.constant 0 : i32
    %dma_wait3A_719 = tpu.memref_slice %arg2[%squeeze3A_681, %dma_wait3A_717, %dma_wait3A_718] : memref<768x224x224xf32, #tpu.memory_space<hbm>> -> memref<1x224x224xf32, #tpu.memory_space<hbm>>
    %dma_wait3A_720 = arith.constant 0 : i32
    %dma_wait3A_721 = arith.constant 0 : i32
    %dma_wait3A_722 = tpu.memref_slice %arg2[%squeeze3A_681, %dma_wait3A_720, %dma_wait3A_721] : memref<768x224x224xf32, #tpu.memory_space<hbm>> -> memref<1x224x224xf32, #tpu.memory_space<hbm>>
    tpu.wait_dma2 semaphore(%arg13 : memref<!tpu.dma_semaphore, #tpu.memory_space<semaphore_mem>>) src(%dma_wait3A_722 : memref<1x224x224xf32, #tpu.memory_space<hbm>>) dst(%arg11 : memref<1x224x224xf32, #tpu.memory_space<vmem>>)
    %get3A_723 = arith.constant 88 : index
    %get3A_724 = tpu.vector_load %arg9[%get3A_723] {strides = array<i32>} : memref<112xf32, #tpu.memory_space<vmem>>, vector<16xf32>,
    %slice3A_725 = vector.extract_strided_slice %get3A_724 {offsets = [0], sizes = [1], strides = [1]} : vector<16xf32> to vector<1xf32>
    %squeeze3A_726 = vector.extract %slice3A_725[0] : f32 from vector<1xf32>
    %broadcast_in_dim3A_727 = vector.broadcast %squeeze3A_726 : f32 to vector<16xf32>
    %scan3A_728 = arith.constant 0 : i32
    %scan3A_729 = arith.constant 0 : i32
    %scan3A_730 = arith.constant 224 : i32
    %scan3A_731 = arith.addi %scan3A_729, %scan3A_730 : i32
    %scan3A_732 = arith.constant 1 : i32
    %scan3A_733 = scf.for %scan3A_758 = %scan3A_729 to %scan3A_731 step %scan3A_732 iter_args(%scan3A_759 = %scan3A_728) -> (i32)  : i32 {
      %get3A_760 = arith.constant 0 : i32
      %get3A_761 = arith.index_cast %get3A_760 : i32 to index
      %get3A_762 = arith.index_cast %scan3A_758 : i32 to index
      %get3A_763 = arith.constant 0 : index
      %get3A_764 = tpu.vector_load %arg11[%get3A_761, %get3A_762, %get3A_763] {strides = array<i32>} : memref<1x224x224xf32, #tpu.memory_space<vmem>>, vector<16xf32>,
      %mul3A_765 = arith.mulf %get3A_764, %broadcast_in_dim3A_727 : vector<16xf32>
      %swap3A_766 = arith.constant 0 : i32
      %swap3A_767 = arith.index_cast %swap3A_766 : i32 to index
      %swap3A_768 = arith.index_cast %scan3A_758 : i32 to index
      %swap3A_769 = arith.constant 0 : index
      %swap3A_770 = tpu.vector_load %arg11[%swap3A_767, %swap3A_768, %swap3A_769] {strides = array<i32>} : memref<1x224x224xf32, #tpu.memory_space<vmem>>, vector<16xf32>,
      tpu.vector_store %arg11[%swap3A_767, %swap3A_768, %swap3A_769], %mul3A_765 {strides = array<i32>} : memref<1x224x224xf32, #tpu.memory_space<vmem>>, vector<16xf32>,
      %get3A_771 = arith.constant 0 : i32
      %get3A_772 = arith.index_cast %get3A_771 : i32 to index
      %get3A_773 = arith.index_cast %scan3A_758 : i32 to index
      %get3A_774 = arith.constant 16 : index
      %get3A_775 = tpu.vector_load %arg11[%get3A_772, %get3A_773, %get3A_774] {strides = array<i32>} : memref<1x224x224xf32, #tpu.memory_space<vmem>>, vector<16xf32>,
      %mul3A_776 = arith.mulf %get3A_775, %broadcast_in_dim3A_727 : vector<16xf32>
      %swap3A_777 = arith.constant 0 : i32
      %swap3A_778 = arith.index_cast %swap3A_777 : i32 to index
      %swap3A_779 = arith.index_cast %scan3A_758 : i32 to index
      %swap3A_780 = arith.constant 16 : index
      %swap3A_781 = tpu.vector_load %arg11[%swap3A_778, %swap3A_779, %swap3A_780] {strides = array<i32>} : memref<1x224x224xf32, #tpu.memory_space<vmem>>, vector<16xf32>,
      tpu.vector_store %arg11[%swap3A_778, %swap3A_779, %swap3A_780], %mul3A_776 {strides = array<i32>} : memref<1x224x224xf32, #tpu.memory_space<vmem>>, vector<16xf32>,
      %get3A_782 = arith.constant 0 : i32
      %get3A_783 = arith.index_cast %get3A_782 : i32 to index
      %get3A_784 = arith.index_cast %scan3A_758 : i32 to index
      %get3A_785 = arith.constant 32 : index
      %get3A_786 = tpu.vector_load %arg11[%get3A_783, %get3A_784, %get3A_785] {strides = array<i32>} : memref<1x224x224xf32, #tpu.memory_space<vmem>>, vector<16xf32>,
      %mul3A_787 = arith.mulf %get3A_786, %broadcast_in_dim3A_727 : vector<16xf32>
      %swap3A_788 = arith.constant 0 : i32
      %swap3A_789 = arith.index_cast %swap3A_788 : i32 to index
      %swap3A_790 = arith.index_cast %scan3A_758 : i32 to index
      %swap3A_791 = arith.constant 32 : index
      %swap3A_792 = tpu.vector_load %arg11[%swap3A_789, %swap3A_790, %swap3A_791] {strides = array<i32>} : memref<1x224x224xf32, #tpu.memory_space<vmem>>, vector<16xf32>,
      tpu.vector_store %arg11[%swap3A_789, %swap3A_790, %swap3A_791], %mul3A_787 {strides = array<i32>} : memref<1x224x224xf32, #tpu.memory_space<vmem>>, vector<16xf32>,
      %get3A_793 = arith.constant 0 : i32
      %get3A_794 = arith.index_cast %get3A_793 : i32 to index
      %get3A_795 = arith.index_cast %scan3A_758 : i32 to index
      %get3A_796 = arith.constant 48 : index
      %get3A_797 = tpu.vector_load %arg11[%get3A_794, %get3A_795, %get3A_796] {strides = array<i32>} : memref<1x224x224xf32, #tpu.memory_space<vmem>>, vector<16xf32>,
      %mul3A_798 = arith.mulf %get3A_797, %broadcast_in_dim3A_727 : vector<16xf32>
      %swap3A_799 = arith.constant 0 : i32
      %swap3A_800 = arith.index_cast %swap3A_799 : i32 to index
      %swap3A_801 = arith.index_cast %scan3A_758 : i32 to index
      %swap3A_802 = arith.constant 48 : index
      %swap3A_803 = tpu.vector_load %arg11[%swap3A_800, %swap3A_801, %swap3A_802] {strides = array<i32>} : memref<1x224x224xf32, #tpu.memory_space<vmem>>, vector<16xf32>,
      tpu.vector_store %arg11[%swap3A_800, %swap3A_801, %swap3A_802], %mul3A_798 {strides = array<i32>} : memref<1x224x224xf32, #tpu.memory_space<vmem>>, vector<16xf32>,
      %get3A_804 = arith.constant 0 : i32
      %get3A_805 = arith.index_cast %get3A_804 : i32 to index
      %get3A_806 = arith.index_cast %scan3A_758 : i32 to index
      %get3A_807 = arith.constant 64 : index
      %get3A_808 = tpu.vector_load %arg11[%get3A_805, %get3A_806, %get3A_807] {strides = array<i32>} : memref<1x224x224xf32, #tpu.memory_space<vmem>>, vector<16xf32>,
      %mul3A_809 = arith.mulf %get3A_808, %broadcast_in_dim3A_727 : vector<16xf32>
      %swap3A_810 = arith.constant 0 : i32
      %swap3A_811 = arith.index_cast %swap3A_810 : i32 to index
      %swap3A_812 = arith.index_cast %scan3A_758 : i32 to index
      %swap3A_813 = arith.constant 64 : index
      %swap3A_814 = tpu.vector_load %arg11[%swap3A_811, %swap3A_812, %swap3A_813] {strides = array<i32>} : memref<1x224x224xf32, #tpu.memory_space<vmem>>, vector<16xf32>,
      tpu.vector_store %arg11[%swap3A_811, %swap3A_812, %swap3A_813], %mul3A_809 {strides = array<i32>} : memref<1x224x224xf32, #tpu.memory_space<vmem>>, vector<16xf32>,
      %get3A_815 = arith.constant 0 : i32
      %get3A_816 = arith.index_cast %get3A_815 : i32 to index
      %get3A_817 = arith.index_cast %scan3A_758 : i32 to index
      %get3A_818 = arith.constant 80 : index
      %get3A_819 = tpu.vector_load %arg11[%get3A_816, %get3A_817, %get3A_818] {strides = array<i32>} : memref<1x224x224xf32, #tpu.memory_space<vmem>>, vector<16xf32>,
      %mul3A_820 = arith.mulf %get3A_819, %broadcast_in_dim3A_727 : vector<16xf32>
      %swap3A_821 = arith.constant 0 : i32
      %swap3A_822 = arith.index_cast %swap3A_821 : i32 to index
      %swap3A_823 = arith.index_cast %scan3A_758 : i32 to index
      %swap3A_824 = arith.constant 80 : index
      %swap3A_825 = tpu.vector_load %arg11[%swap3A_822, %swap3A_823, %swap3A_824] {strides = array<i32>} : memref<1x224x224xf32, #tpu.memory_space<vmem>>, vector<16xf32>,
      tpu.vector_store %arg11[%swap3A_822, %swap3A_823, %swap3A_824], %mul3A_820 {strides = array<i32>} : memref<1x224x224xf32, #tpu.memory_space<vmem>>, vector<16xf32>,
      %get3A_826 = arith.constant 0 : i32
      %get3A_827 = arith.index_cast %get3A_826 : i32 to index
      %get3A_828 = arith.index_cast %scan3A_758 : i32 to index
      %get3A_829 = arith.constant 96 : index
      %get3A_830 = tpu.vector_load %arg11[%get3A_827, %get3A_828, %get3A_829] {strides = array<i32>} : memref<1x224x224xf32, #tpu.memory_space<vmem>>, vector<16xf32>,
      %mul3A_831 = arith.mulf %get3A_830, %broadcast_in_dim3A_727 : vector<16xf32>
      %swap3A_832 = arith.constant 0 : i32
      %swap3A_833 = arith.index_cast %swap3A_832 : i32 to index
      %swap3A_834 = arith.index_cast %scan3A_758 : i32 to index
      %swap3A_835 = arith.constant 96 : index
      %swap3A_836 = tpu.vector_load %arg11[%swap3A_833, %swap3A_834, %swap3A_835] {strides = array<i32>} : memref<1x224x224xf32, #tpu.memory_space<vmem>>, vector<16xf32>,
      tpu.vector_store %arg11[%swap3A_833, %swap3A_834, %swap3A_835], %mul3A_831 {strides = array<i32>} : memref<1x224x224xf32, #tpu.memory_space<vmem>>, vector<16xf32>,
      %get3A_837 = arith.constant 0 : i32
      %get3A_838 = arith.index_cast %get3A_837 : i32 to index
      %get3A_839 = arith.index_cast %scan3A_758 : i32 to index
      %get3A_840 = arith.constant 112 : index
      %get3A_841 = tpu.vector_load %arg11[%get3A_838, %get3A_839, %get3A_840] {strides = array<i32>} : memref<1x224x224xf32, #tpu.memory_space<vmem>>, vector<16xf32>,
      %mul3A_842 = arith.mulf %get3A_841, %broadcast_in_dim3A_727 : vector<16xf32>
      %swap3A_843 = arith.constant 0 : i32
      %swap3A_844 = arith.index_cast %swap3A_843 : i32 to index
      %swap3A_845 = arith.index_cast %scan3A_758 : i32 to index
      %swap3A_846 = arith.constant 112 : index
      %swap3A_847 = tpu.vector_load %arg11[%swap3A_844, %swap3A_845, %swap3A_846] {strides = array<i32>} : memref<1x224x224xf32, #tpu.memory_space<vmem>>, vector<16xf32>,
      tpu.vector_store %arg11[%swap3A_844, %swap3A_845, %swap3A_846], %mul3A_842 {strides = array<i32>} : memref<1x224x224xf32, #tpu.memory_space<vmem>>, vector<16xf32>,
      %get3A_848 = arith.constant 0 : i32
      %get3A_849 = arith.index_cast %get3A_848 : i32 to index
      %get3A_850 = arith.index_cast %scan3A_758 : i32 to index
      %get3A_851 = arith.constant 128 : index
      %get3A_852 = tpu.vector_load %arg11[%get3A_849, %get3A_850, %get3A_851] {strides = array<i32>} : memref<1x224x224xf32, #tpu.memory_space<vmem>>, vector<16xf32>,
      %mul3A_853 = arith.mulf %get3A_852, %broadcast_in_dim3A_727 : vector<16xf32>
      %swap3A_854 = arith.constant 0 : i32
      %swap3A_855 = arith.index_cast %swap3A_854 : i32 to index
      %swap3A_856 = arith.index_cast %scan3A_758 : i32 to index
      %swap3A_857 = arith.constant 128 : index
      %swap3A_858 = tpu.vector_load %arg11[%swap3A_855, %swap3A_856, %swap3A_857] {strides = array<i32>} : memref<1x224x224xf32, #tpu.memory_space<vmem>>, vector<16xf32>,
      tpu.vector_store %arg11[%swap3A_855, %swap3A_856, %swap3A_857], %mul3A_853 {strides = array<i32>} : memref<1x224x224xf32, #tpu.memory_space<vmem>>, vector<16xf32>,
      %get3A_859 = arith.constant 0 : i32
      %get3A_860 = arith.index_cast %get3A_859 : i32 to index
      %get3A_861 = arith.index_cast %scan3A_758 : i32 to index
      %get3A_862 = arith.constant 144 : index
      %get3A_863 = tpu.vector_load %arg11[%get3A_860, %get3A_861, %get3A_862] {strides = array<i32>} : memref<1x224x224xf32, #tpu.memory_space<vmem>>, vector<16xf32>,
      %mul3A_864 = arith.mulf %get3A_863, %broadcast_in_dim3A_727 : vector<16xf32>
      %swap3A_865 = arith.constant 0 : i32
      %swap3A_866 = arith.index_cast %swap3A_865 : i32 to index
      %swap3A_867 = arith.index_cast %scan3A_758 : i32 to index
      %swap3A_868 = arith.constant 144 : index
      %swap3A_869 = tpu.vector_load %arg11[%swap3A_866, %swap3A_867, %swap3A_868] {strides = array<i32>} : memref<1x224x224xf32, #tpu.memory_space<vmem>>, vector<16xf32>,
      tpu.vector_store %arg11[%swap3A_866, %swap3A_867, %swap3A_868], %mul3A_864 {strides = array<i32>} : memref<1x224x224xf32, #tpu.memory_space<vmem>>, vector<16xf32>,
      %get3A_870 = arith.constant 0 : i32
      %get3A_871 = arith.index_cast %get3A_870 : i32 to index
      %get3A_872 = arith.index_cast %scan3A_758 : i32 to index
      %get3A_873 = arith.constant 160 : index
      %get3A_874 = tpu.vector_load %arg11[%get3A_871, %get3A_872, %get3A_873] {strides = array<i32>} : memref<1x224x224xf32, #tpu.memory_space<vmem>>, vector<16xf32>,
      %mul3A_875 = arith.mulf %get3A_874, %broadcast_in_dim3A_727 : vector<16xf32>
      %swap3A_876 = arith.constant 0 : i32
      %swap3A_877 = arith.index_cast %swap3A_876 : i32 to index
      %swap3A_878 = arith.index_cast %scan3A_758 : i32 to index
      %swap3A_879 = arith.constant 160 : index
      %swap3A_880 = tpu.vector_load %arg11[%swap3A_877, %swap3A_878, %swap3A_879] {strides = array<i32>} : memref<1x224x224xf32, #tpu.memory_space<vmem>>, vector<16xf32>,
      tpu.vector_store %arg11[%swap3A_877, %swap3A_878, %swap3A_879], %mul3A_875 {strides = array<i32>} : memref<1x224x224xf32, #tpu.memory_space<vmem>>, vector<16xf32>,
      %get3A_881 = arith.constant 0 : i32
      %get3A_882 = arith.index_cast %get3A_881 : i32 to index
      %get3A_883 = arith.index_cast %scan3A_758 : i32 to index
      %get3A_884 = arith.constant 176 : index
      %get3A_885 = tpu.vector_load %arg11[%get3A_882, %get3A_883, %get3A_884] {strides = array<i32>} : memref<1x224x224xf32, #tpu.memory_space<vmem>>, vector<16xf32>,
      %mul3A_886 = arith.mulf %get3A_885, %broadcast_in_dim3A_727 : vector<16xf32>
      %swap3A_887 = arith.constant 0 : i32
      %swap3A_888 = arith.index_cast %swap3A_887 : i32 to index
      %swap3A_889 = arith.index_cast %scan3A_758 : i32 to index
      %swap3A_890 = arith.constant 176 : index
      %swap3A_891 = tpu.vector_load %arg11[%swap3A_888, %swap3A_889, %swap3A_890] {strides = array<i32>} : memref<1x224x224xf32, #tpu.memory_space<vmem>>, vector<16xf32>,
      tpu.vector_store %arg11[%swap3A_888, %swap3A_889, %swap3A_890], %mul3A_886 {strides = array<i32>} : memref<1x224x224xf32, #tpu.memory_space<vmem>>, vector<16xf32>,
      %get3A_892 = arith.constant 0 : i32
      %get3A_893 = arith.index_cast %get3A_892 : i32 to index
      %get3A_894 = arith.index_cast %scan3A_758 : i32 to index
      %get3A_895 = arith.constant 192 : index
      %get3A_896 = tpu.vector_load %arg11[%get3A_893, %get3A_894, %get3A_895] {strides = array<i32>} : memref<1x224x224xf32, #tpu.memory_space<vmem>>, vector<16xf32>,
      %mul3A_897 = arith.mulf %get3A_896, %broadcast_in_dim3A_727 : vector<16xf32>
      %swap3A_898 = arith.constant 0 : i32
      %swap3A_899 = arith.index_cast %swap3A_898 : i32 to index
      %swap3A_900 = arith.index_cast %scan3A_758 : i32 to index
      %swap3A_901 = arith.constant 192 : index
      %swap3A_902 = tpu.vector_load %arg11[%swap3A_899, %swap3A_900, %swap3A_901] {strides = array<i32>} : memref<1x224x224xf32, #tpu.memory_space<vmem>>, vector<16xf32>,
      tpu.vector_store %arg11[%swap3A_899, %swap3A_900, %swap3A_901], %mul3A_897 {strides = array<i32>} : memref<1x224x224xf32, #tpu.memory_space<vmem>>, vector<16xf32>,
      %get3A_903 = arith.constant 0 : i32
      %get3A_904 = arith.index_cast %get3A_903 : i32 to index
      %get3A_905 = arith.index_cast %scan3A_758 : i32 to index
      %get3A_906 = arith.constant 208 : index
      %get3A_907 = tpu.vector_load %arg11[%get3A_904, %get3A_905, %get3A_906] {strides = array<i32>} : memref<1x224x224xf32, #tpu.memory_space<vmem>>, vector<16xf32>,
      %mul3A_908 = arith.mulf %get3A_907, %broadcast_in_dim3A_727 : vector<16xf32>
      %swap3A_909 = arith.constant 0 : i32
      %swap3A_910 = arith.index_cast %swap3A_909 : i32 to index
      %swap3A_911 = arith.index_cast %scan3A_758 : i32 to index
      %swap3A_912 = arith.constant 208 : index
      %swap3A_913 = tpu.vector_load %arg11[%swap3A_910, %swap3A_911, %swap3A_912] {strides = array<i32>} : memref<1x224x224xf32, #tpu.memory_space<vmem>>, vector<16xf32>,
      tpu.vector_store %arg11[%swap3A_910, %swap3A_911, %swap3A_912], %mul3A_908 {strides = array<i32>} : memref<1x224x224xf32, #tpu.memory_space<vmem>>, vector<16xf32>,
      %scan3A_914 = arith.constant 0 : i32
      scf.yield %scan3A_914 : i32
    }
    %scan3A_734 = arith.constant 224 : i32
    %mul3A_735 = arith.constant 192 : i32
    %mul3A_736 = arith.muli %shift_right_arithmetic3A_1, %mul3A_735 : i32
    %add3A_737 = arith.addi %mul3A_736, %mul3A_4 : i32
    %add3A_738 = arith.constant 11 : i32
    %add3A_739 = arith.addi %add3A_737, %add3A_738 : i32
    %dma_start3A_740 = arith.constant 0 : i32
    %dma_start3A_741 = arith.constant 0 : i32
    %dma_start3A_742 = tpu.memref_slice %arg5[%add3A_739, %dma_start3A_740, %dma_start3A_741] : memref<384x224x224xf32, #tpu.memory_space<hbm>> -> memref<1x224x224xf32, #tpu.memory_space<hbm>>
    %dma_start3A_743 = arith.constant 0 : i32
    %dma_start3A_744 = arith.constant 0 : i32
    %dma_start3A_745 = tpu.memref_slice %arg5[%add3A_739, %dma_start3A_743, %dma_start3A_744] : memref<384x224x224xf32, #tpu.memory_space<hbm>> -> memref<1x224x224xf32, #tpu.memory_space<hbm>>
    tpu.enqueue_dma source(%arg11 : memref<1x224x224xf32, #tpu.memory_space<vmem>>) target(%dma_start3A_745 : memref<1x224x224xf32, #tpu.memory_space<hbm>>) target_semaphore(%arg15 : memref<!tpu.dma_semaphore, #tpu.memory_space<semaphore_mem>>)
    %dma_wait3A_746 = arith.constant 0 : i32
    %dma_wait3A_747 = arith.constant 0 : i32
    %dma_wait3A_748 = tpu.memref_slice %arg5[%add3A_710, %dma_wait3A_746, %dma_wait3A_747] : memref<384x224x224xf32, #tpu.memory_space<hbm>> -> memref<1x224x224xf32, #tpu.memory_space<hbm>>
    %dma_wait3A_749 = arith.constant 0 : i32
    %dma_wait3A_750 = arith.constant 0 : i32
    %dma_wait3A_751 = tpu.memref_slice %arg5[%add3A_710, %dma_wait3A_749, %dma_wait3A_750] : memref<384x224x224xf32, #tpu.memory_space<hbm>> -> memref<1x224x224xf32, #tpu.memory_space<hbm>>
    tpu.wait_dma2 semaphore(%arg14 : memref<!tpu.dma_semaphore, #tpu.memory_space<semaphore_mem>>) src(%arg10 : memref<1x224x224xf32, #tpu.memory_space<vmem>>) dst(%dma_wait3A_751 : memref<1x224x224xf32, #tpu.memory_space<hbm>>)
    %dma_wait3A_752 = arith.constant 0 : i32
    %dma_wait3A_753 = arith.constant 0 : i32
    %dma_wait3A_754 = tpu.memref_slice %arg5[%add3A_739, %dma_wait3A_752, %dma_wait3A_753] : memref<384x224x224xf32, #tpu.memory_space<hbm>> -> memref<1x224x224xf32, #tpu.memory_space<hbm>>
    %dma_wait3A_755 = arith.constant 0 : i32
    %dma_wait3A_756 = arith.constant 0 : i32
    %dma_wait3A_757 = tpu.memref_slice %arg5[%add3A_739, %dma_wait3A_755, %dma_wait3A_756] : memref<384x224x224xf32, #tpu.memory_space<hbm>> -> memref<1x224x224xf32, #tpu.memory_space<hbm>>
    tpu.wait_dma2 semaphore(%arg15 : memref<!tpu.dma_semaphore, #tpu.memory_space<semaphore_mem>>) src(%arg11 : memref<1x224x224xf32, #tpu.memory_space<vmem>>) dst(%dma_wait3A_757 : memref<1x224x224xf32, #tpu.memory_space<hbm>>)
    return
  }
}

module attributes {stable_mosaic.version = 14 : i64} {
  func.func @_topk_body(%arg0: memref<1x384xf32, #tpu.memory_space<vmem>>, %arg1: memref<384x1xf32, #tpu.memory_space<vmem>>, %arg2: memref<1x192xf32, #tpu.memory_space<vmem>>, %arg3: memref<1x192xi32, #tpu.memory_space<vmem>>) attributes {dimension_semantics = [], scalar_prefetch = 0 : i64, scratch_operands = 0 : i64, tpu.core_type = #tpu.core_type<tc>} {
    %get3A = arith.constant 0 : index
    %get3A_0 = arith.constant 0 : index
    %get3A_1 = vector.load %arg0[%get3A, %get3A_0] : memref<1x384xf32, #tpu.memory_space<vmem>>, vector<1x384xf32>
    %get3A_2 = arith.constant 0 : index
    %get3A_3 = arith.constant 0 : index
    %get3A_4 = vector.load %arg1[%get3A_2, %get3A_3] : memref<384x1xf32, #tpu.memory_space<vmem>>, vector<384x1xf32>
    %gt3A = vector.broadcast %get3A_1 : vector<1x384xf32> to vector<384x384xf32>
    %gt3A_5 = vector.broadcast %get3A_4 : vector<384x1xf32> to vector<384x384xf32>
    %gt3A_6 = arith.cmpf ogt, %gt3A, %gt3A_5 : vector<384x384xf32>
    %convert_element_type3A = arith.extui %gt3A_6 : vector<384x384xi1> to vector<384x384xi32>
    %iota3A = tpu.iota {dimensions = array<i32: 1>} : vector<384x384xi32>
    %iota3A_7 = tpu.iota {dimensions = array<i32: 0>} : vector<384x384xi32>
    %eq3A = vector.broadcast %get3A_1 : vector<1x384xf32> to vector<384x384xf32>
    %eq3A_8 = vector.broadcast %get3A_4 : vector<384x1xf32> to vector<384x384xf32>
    %eq3A_9 = arith.cmpf oeq, %eq3A, %eq3A_8 : vector<384x384xf32>
    %lt3A = arith.cmpi slt, %iota3A, %iota3A_7 : vector<384x384xi32>
    %and3A = arith.andi %eq3A_9, %lt3A : vector<384x384xi1>
    %convert_element_type3A_10 = arith.extui %and3A : vector<384x384xi1> to vector<384x384xi32>
    %add3A = arith.addi %convert_element_type3A, %convert_element_type3A_10 : vector<384x384xi32>
    %reduce_sum3A = arith.constant dense<0> : vector<384xi32>
    %reduce_sum3A_11 = vector.multi_reduction <add>, %add3A, %reduce_sum3A [1] : vector<384x384xi32> to vector<384xi32>
    %broadcast_in_dim3A = vector.shape_cast %reduce_sum3A_11 : vector<384xi32> to vector<384x1xi32>
    %iota3A_12 = tpu.iota {dimensions = array<i32: 1>} : vector<384x192xi32>
    %eq3A_13 = vector.broadcast %broadcast_in_dim3A : vector<384x1xi32> to vector<384x192xi32>
    %eq3A_14 = arith.cmpi eq, %eq3A_13, %iota3A_12 : vector<384x192xi32>
    %jit3A = arith.constant 0.000000e+00 : f32
    %broadcast_in_dim3A_15 = vector.shape_cast %get3A_4 : vector<384x1xf32> to vector<384x1xf32>
    %broadcast_in_dim3A_16 = vector.broadcast %broadcast_in_dim3A_15 : vector<384x1xf32> to vector<384x192xf32>
    %broadcast_in_dim3A_17 = vector.broadcast %jit3A : f32 to vector<384x192xf32>
    %select_n3A = arith.select %eq3A_14, %broadcast_in_dim3A_16, %broadcast_in_dim3A_17 : vector<384x192xi1>, vector<384x192xf32>
    %reduce_sum3A_18 = arith.constant dense<0.000000e+00> : vector<192xf32>
    %reduce_sum3A_19 = vector.multi_reduction <add>, %select_n3A, %reduce_sum3A_18 [0] : vector<384x192xf32> to vector<192xf32>
    %broadcast_in_dim3A_20 = vector.shape_cast %reduce_sum3A_19 : vector<192xf32> to vector<1x192xf32>
    %swap3A = arith.constant 0 : index
    %swap3A_21 = arith.constant 0 : index
    %swap3A_22 = vector.load %arg2[%swap3A, %swap3A_21] : memref<1x192xf32, #tpu.memory_space<vmem>>, vector<1x192xf32>
    tpu.vector_store %arg2[%swap3A, %swap3A_21], %broadcast_in_dim3A_20 {strides = array<i32>} : memref<1x192xf32, #tpu.memory_space<vmem>>, vector<1x192xf32>,
    %iota3A_23 = tpu.iota {dimensions = array<i32: 0>} : vector<384x192xi32>
    %jit3A_24 = arith.constant 0 : i32
    %broadcast_in_dim3A_25 = vector.broadcast %jit3A_24 : i32 to vector<384x192xi32>
    %select_n3A_26 = arith.select %eq3A_14, %iota3A_23, %broadcast_in_dim3A_25 : vector<384x192xi1>, vector<384x192xi32>
    %reduce_sum3A_27 = arith.constant dense<0> : vector<192xi32>
    %reduce_sum3A_28 = vector.multi_reduction <add>, %select_n3A_26, %reduce_sum3A_27 [0] : vector<384x192xi32> to vector<192xi32>
    %broadcast_in_dim3A_29 = vector.shape_cast %reduce_sum3A_28 : vector<192xi32> to vector<1x192xi32>
    %swap3A_30 = arith.constant 0 : index
    %swap3A_31 = arith.constant 0 : index
    %swap3A_32 = vector.load %arg3[%swap3A_30, %swap3A_31] : memref<1x192xi32, #tpu.memory_space<vmem>>, vector<1x192xi32>
    tpu.vector_store %arg3[%swap3A_30, %swap3A_31], %broadcast_in_dim3A_29 {strides = array<i32>} : memref<1x192xi32, #tpu.memory_space<vmem>>, vector<1x192xi32>,
    return
  }
}

</mosaic_0001>

<sc_bundles>
// kernel: kernel.4.cloned.1.call-start
scs
__scs_entry_jumppad:
0x0: {  	(pc) =	sbr.rel $0x88, $3  }
0x1: {  	(tag) =	ssettag $0x0;
	lr =	simm.s32 $0x1  }
0x2: {  	[smem:$0x3F9F] =	sst lr;
	_ =	strace $0xD0000000  }
0x3: {  	_ = 	snop  }
0x4: {  	_ = 	snop  }
0x5: {  	_ = 	snop  }
0x6: {  	_ = 	snop  }
0x7: {  	_ = 	snop  }
__scs_overlays_trampoline_lowered:
0x8: {  	[smem:$0x3FAE] =	sst s0  }
0x9: {  	[smem:$0x3FAF] =	sst s1  }
0xa: {  	[smem:$0x3FB0] =	sst s2  }
0xb: {  	[smem:$0x3FB1] =	sst s3  }
0xc: {  	[smem:$0x3FB2] =	sst s4  }
0xd: {  	[smem:$0x3FB3] =	sst s5  }
0xe: {  	[smem:$0x3FB4] =	sst s6  }
0xf: {  	[smem:$0x3FB5] =	sst s7  }
0x10: {  	[smem:$0x3FB6] =	sst s8  }
0x11: {  	[smem:$0x3FB7] =	sst s9;
	s0 =	simm.s32 @!p0 $0x0  }
0x12: {  	s1 =	sld [smem:$0x3F9D];
	s0 =	simm.s32 @p0 $0x1  }
0x13: {  	[smem:$0x3FB8] =	sst s0;
	s0 =	simm.s32 @!p1 $0x0  }
0x14: {  	s2 =	sld [smem:$0x3F9C];
	s0 =	simm.s32 @p1 $0x1  }
0x15: {  	[smem:$0x3FB9] =	sst s0;
	s0 =	simm.s32 @!p2 $0x0  }
0x16: {  	s3 =	sld [smem:$0x3FDB];
	s0 =	simm.s32 @p2 $0x1  }
0x17: {  	s4 =	simm.s32 $0x1BF5;
	[smem:$0x3FBB] =	sst s0  }
0x18: {  	s0 =	sld [smem:$0x3F9E];
	_ =	swait.ge [sflag:s4], $0x0  }
0x19: {  	s7 =	sld [smem:$0x3F9F]  }
0x1a: {  	s8 =	sadd.s32 $0xFFFFE003, lr  }
0x1b: {  	s9 =	sadd.s32 $0xFFFFFEF7, lr;
	s5 =	simm.s32 $0xFFFFFFFF;
	p2 =	slt.u32 s8, $0xFFFFF086  }
0x1c: {  	p1 =	slt.u32 s9, $0xF7A;
	s5 =	simm.s32 @!p2 $0x0  }
0x1d: {  	s5 =	simm.s32 @p1 $0x1;
	p0 =	seq.s32 s7, s2  }
0x1e: {  	s7 =	smul.u32 @!p0 $0xF7A, s2;
	p2 =	seq.s32 @!p0 s5, $0x0  }
0x1f: {  	s9 =	smul.u32 $0xF7A, s1;
	s8 =	simm.s32 @!p0 $0x1BF5;
	p2 =	por !p2, p0  }
0x20: {  	[sflag:s8] =	ssyncset.s32 @!p0 $0xFFFFF086;
	s6 =	sadd.s32 @!p0 s3, s7;
	s7 =	simm.s32 @!p0 $0x108  }
0x21: {  	s3 =	sadd.s32 s3, s9;
	s6 =	sadd.s32 @!p0 $0x88, s6;
	s7 =	simm.s32 @p2 $0x1082  }
0x22: {  	[simem:s7], [sflag:s8] =	dma.local @!p0 [hbm:s6], $0xF7A  }
0x23: {  	s9 =	sor.u32 $0xD0000000, s2;
	s6 =	simm.s32 $0x108;
	_ =	swait.ge @!p0 [sflag:s8], $0x0  }
0x24: {  	s3 =	sadd.s32 $0x88, s3;
	s6 =	simm.s32 @!p1 $0x1082;
	[sflag:s4] =	ssyncset.s32 $0xFFFFF086  }
0x25: {  	[simem:s6], [sflag:s4] =	dma.local [hbm:s3], $0xF7A  }
0x26: {  	[smem:$0x3F9F] =	sst s1;
	(tag) =	ssettag s2;
	_ =	strace s9  }
0x27: {  	s1 =	sld [smem:$0x3FAF]  }
0x28: {  	s2 =	sld [smem:$0x3FB0]  }
0x29: {  	s4 =	sld [smem:$0x3FB2]  }
0x2a: {  	p0 =	seq.s32 s5, $0x0;
	s5 =	sld [smem:$0x3FB3]  }
0x2b: {  	s6 =	sld [smem:$0x3FB4]  }
0x2c: {  	s7 =	sld [smem:$0x3FB5]  }
0x2d: {  	s3 =	simm.s32 $0x108;
	s8 =	sld [smem:$0x3FB6]  }
0x2e: {  	s3 =	simm.s32 @!p0 $0x1082;
	s9 =	sld [smem:$0x3FB7]  }
0x2f: {  	lr =	sadd.s32 s0, s3;
	s0 =	sld [smem:$0x3FAE]  }
0x30: {  	s3 =	sld [smem:$0x3FB1]  }
0x31: {  	[smem:$0x3FBA] =	sst s10  }
0x32: {  	s10 =	sld [smem:$0x3FB8];
	_ =	sdelay $0x3  }
0x33: {  	p0 =	seq.s32 s10, $0x1;
	s10 =	sld [smem:$0x3FBA];
	_ =	sdelay $0x3  }
0x34: {  	[smem:$0x3FBA] =	sst s10  }
0x35: {  	s10 =	sld [smem:$0x3FB9];
	_ =	sdelay $0x3  }
0x36: {  	p1 =	seq.s32 s10, $0x1;
	s10 =	sld [smem:$0x3FBA];
	_ =	sdelay $0x3  }
0x37: {  	[smem:$0x3FBA] =	sst s10  }
0x38: {  	s10 =	sld [smem:$0x3FBB]  }
0x39: {  	_ = 	snop;
	(pc) =	sbr.ind lr, $3  }
0x3a: {  	_ = 	snop  }
0x3b: {  	_ = 	snop  }
0x3c: {  	p2 =	seq.s32 s10, $0x1;
	s10 =	sld [smem:$0x3FBA]  }
0x3d: {  	_ =	shalt  }
0x3e: {  	_ =	shalt  }
0x3f: {  	_ =	shalt  }
0x40: {  	_ =	shalt  }
0x41: {  	_ =	shalt  }
0x42: {  	_ =	shalt  }
0x43: {  	_ =	shalt  }
0x44: {  	_ =	shalt  }
0x45: {  	_ =	shalt  }
0x46: {  	_ =	shalt  }
0x47: {  	_ =	shalt  }
0x48: {  	_ =	shalt  }
0x49: {  	_ =	shalt  }
0x4a: {  	_ =	shalt  }
0x4b: {  	_ =	shalt  }
0x4c: {  	_ =	shalt  }
0x4d: {  	_ =	shalt  }
0x4e: {  	_ =	shalt  }
0x4f: {  	_ =	shalt  }
0x50: {  	_ =	shalt  }
0x51: {  	_ =	shalt  }
0x52: {  	_ =	shalt  }
0x53: {  	_ =	shalt  }
0x54: {  	_ =	shalt  }
0x55: {  	_ =	shalt  }
0x56: {  	_ =	shalt  }
0x57: {  	_ =	shalt  }
0x58: {  	_ =	shalt  }
0x59: {  	_ =	shalt  }
0x5a: {  	_ =	shalt  }
0x5b: {  	_ =	shalt  }
0x5c: {  	_ =	shalt  }
0x5d: {  	_ =	shalt  }
0x5e: {  	_ =	shalt  }
0x5f: {  	_ =	shalt  }
0x60: {  	_ =	shalt  }
0x61: {  	_ =	shalt  }
0x62: {  	_ =	shalt  }
0x63: {  	_ =	shalt  }
0x64: {  	_ =	shalt  }
0x65: {  	_ =	shalt  }
0x66: {  	_ =	shalt  }
0x67: {  	_ =	shalt  }
0x68: {  	_ =	shalt  }
0x69: {  	_ =	shalt  }
0x6a: {  	_ =	shalt  }
0x6b: {  	_ =	shalt  }
0x6c: {  	_ =	shalt  }
0x6d: {  	_ =	shalt  }
0x6e: {  	_ =	shalt  }
0x6f: {  	_ =	shalt  }
0x70: {  	_ =	shalt  }
0x71: {  	_ =	shalt  }
0x72: {  	_ =	shalt  }
0x73: {  	_ =	shalt  }
0x74: {  	_ =	shalt  }
0x75: {  	_ =	shalt  }
0x76: {  	_ =	shalt  }
0x77: {  	_ =	shalt  }
0x78: {  	_ =	shalt  }
0x79: {  	_ =	shalt  }
0x7a: {  	_ =	shalt  }
0x7b: {  	_ =	shalt  }
0x7c: {  	_ =	shalt  }
0x7d: {  	_ =	shalt  }
0x7e: {  	_ =	shalt  }
0x7f: {  	_ =	shalt  }
0x80: {  	_ =	shalt  }
0x81: {  	_ =	shalt  }
0x82: {  	_ =	shalt  }
0x83: {  	_ =	shalt  }
0x84: {  	_ =	shalt  }
0x85: {  	_ =	shalt  }
0x86: {  	_ =	shalt  }
0x87: {  	_ =	shalt  }
.Lfunc_end0:
.L_simem_size_0:
called_computation_lowered:
.L_overlay_start_0:
0x88: {  	s2 =	sld [smem:$0x3FD9]  }
0x89: {  	s3 =	sld [smem:$0x3FFE];
	_ =	sdelay $0x1  }
0x8a: {  	s1 =	srdreg.scid  }
0x8b: {  	s0 =	sand.u32 $0x1, s1  }
0x8c: {  	s17 =	sshll.u32 s0, $0xA;
	s2 =	sadd.s32 s3, s2  }
0x8d: {  	s2 =	sadd.s32 s2, s17  }
0x8e: {  	[smem:$0x3FC6] =	sst s2  }
0x8f: {  	_ = 	snop  }
0x90: {  	s2 =	sld [smem:$0x3FD0];
	(tm) =	ssettm $0x1  }
0x91: {  	s18 =	sld [smem:$0x3FFB];
	_ =	sdelay $0x3  }
0x92: {  	_ =	strace s18  }
0x93: {  	s3 =	sld [smem:$0x3FFC];
	_ =	sdelay $0x3  }
0x94: {  	_ =	strace s3  }
0x95: {  	s3 =	sld [smem:$0x3FFD];
	_ =	sdelay $0x3  }
0x96: {  	_ =	strace s3  }
0x97: {  	_ =	strace $0x8FFFFFFF  }
0x98: {  	s19 =	sld [smem:$0x3FDB];
	_ =	sdelay $0x1  }
0x99: {  	s4 =	simm.s32 $_scs_section_size  }
0x9a: {  	s5 =	simm.s32 $_size__tile_overlayer_lowered;
	s6 =	simm.s32 $_tile_overlayer_lowered  }
0x9b: {  	s22 =	simm.s32 $0x1BFF;
	s21 =	sshll.u32 s6, $0x1;
	s3 =	sadd.s32 s4, s19  }
0x9c: {  	s7 =	simm.s32 $0x0;
	s20 =	sshll.u32 s5, $0x1;
	s5 =	sadd.s32 s21, s3  }
0x9d: {  	[timem:s7], [sflag:s22] =	dma.local [hbm:s5], s20  }
0x9e: {  	_ =	swait.ge [sflag:s22], s20  }
0x9f: {  	s4 =	ssub.s32 $0x0, s20;
	[sflag:s22] =	ssyncset.done $0x0  }
0xa0: {  	[sflag:s22] =	ssyncadd.s32 s4;
	_ =	sdelay $0x1  }
0xa1: {  	s23 =	simm.s32 $0x1B8B  }
0xa2: {  	_ =	swait.ge [sflag:s23], $0x1  }
0xa3: {  	[sflag:s23] =	ssyncset.done $0x0  }
0xa4: {  	s25 =	simm.s32 $0x1B8E;
	s24 =	sld [smem:$0x3FFE];
	[sflag:s23] =	ssyncadd.s32 $0xFFFFFFFF  }
0xa5: {  	s26 =	simm.s32 $execute0_lowered;
	[smem:$0x3FD2] =	sst s25  }
0xa6: {  	s5 =	sshll.u32 s26, $0x1;
	_ =	strace $0x80000046;
	[dreg:$0x1] =	wrdreg $0xFFFFFFFF  }
0xa7: {  	s28 =	simm.s32 $_size_execute0_lowered;
	s3 =	sadd.s32 s3, s5;
	[dreg:$0x0] =	wrdreg $0x0  }
0xa8: {  	s5 =	sshll.u32 s28, $0x1;
	[dreg:$0x2] =	wrdreg s3  }
0xa9: {  	[dreg:$0x3] =	wrdreg s5  }
0xaa: {  	[dreg:$0x4] =	wrdreg $0xC0  }
0xab: {  	_ =	task [dreg:s7], $0x5FFFF  }
0xac: {  	[dreg:$0x1] =	wrdreg $0xFFFFFFFF  }
0xad: {  	[dreg:$0x0] =	wrdreg $0x60  }
0xae: {  	[dreg:$0x2] =	wrdreg s24  }
0xaf: {  	[dreg:$0x3] =	wrdreg s2  }
0xb0: {  	[dreg:$0x4] =	wrdreg $0x9  }
0xb1: {  	_ =	task.clear_ibuf [dreg:s7], $0x5FFFF;
	_ =	strace $0x90000046  }
0xb2: {  	s29 =	simm.s32 $0x9;
	_ =	strace $0x80000048  }
0xb3: {  	_ =	swait.ge [sflag:s29], $0x1  }
0xb4: {  	[sflag:s29] =	ssyncadd.s32 $0xFFFFFFFF  }
0xb5: {  	_ =	strace $0x90000048  }
0xb6: {  	_ =	sfence  }
0xb7: {  	s30 =	sld [smem:$0x0];
	_ =	sdelay $0x2  }
0xb8: {  	s31 =	sshll.u32 s1, $0xD;
	s1 =	sshrl.u32 s1, $0x2  }
0xb9: {  	s3 =	sand.u32 $0x4000, s31;
	s1 =	sadd.s32 s1, s30  }
0xba: {  	s0 =	sor.u32 s3, s0;
	s1 =	sshll.u32 s1, $0x11  }
0xbb: {  	s0 =	sor.u32 s1, s0  }
0xbc: {  	s0 =	sadd.s32 $0x8F2B, s0  }
0xbd: {  	[sflag:s0] =	ssyncadd.remote.s32 $0x1  }
0xbe: {  	_ =	sfence.sel $0xFFFF  }
0xbf: {  	[dreg:$0x0] =	wrdreg $0xFFFFFFFF;
	(pc) =	sbr.abs _section_cstart, $3  }
0xc0: {  	[dreg:$0x1] =	wrdreg $0xFFFFFFFF  }
0xc1: {  	_ =	task.clear_ibuf [dreg:s7], $0x2FFFF;
	_ =	strace $0x9FFFFFFF  }
0xc2: {  	(tm) =	ssettm $0x7FFFFFFF  }
0xc3: {  	_ =	shalt  }
tec
execute0_lowered:
.L_overlay_start_1:
0x0: {  	(tag) =	ssettag $0x1  }
0x1: {  	s0 =	stileid.u32  }
0x2: {  	s1 =	srdreg.scid;
	s2 =	sshll.u32 s0, $0x1  }
0x3: {  	s4 =	sand.u32 $0x1, s1;
	s29 =	sand.u32 $0xE, s2  }
0x4: {  	s1 =	sor.u32 s4, s29  }
0x5: {  	v0 =	vlaneseq.u32;
	s6 =	smul.u32 $0x60, s1  }
0x6: {  	s5 =	rddreg [dreg:$0x0];
	v3 =	vor.u32 $0x10, v0  }
0x7: {  	s7 =	rddreg [dreg:$0x1];
	s19 =	simm.s32 $0x5;
	v4 =	vor.u32 $0x20, v0;
	v6 =	vor.u32 $0x30, v0;
	v1 =	vor.u32 s6, v0  }
0x8: {  	s20 =	simm.s32 $0x100;
	s21 =	simm.s32 $0x300;
	s8 =	sshrl.u32 s0, $0x3;
	v8 =	vor.u32 $0x40, v0;
	v3 =	vor.u32 s6, v3;
	v1 =	vshrl.u32 v1, $0x3  }
0x9: {  	s22 =	simm.s32 $0xE300;
	s23 =	simm.s32 $0x1;
	s10 =	smul.u32 $0xC0, s8;
	v4 =	vadd.s32 s6, v4;
	v3 =	vshrl.u32 v3, $0x3;
	v2 =	vmulhi.u32 $0xAAAAAAB, v1  }
0xa: {  	s24 =	simm.s32 $0x3;
	s26 =	simm.s32 $0x4;
	s9 =	smul.u32 $0xC, s1;
	v6 =	vadd.s32 s6, v6;
	v4 =	vshrl.u32 v4, $0x3;
	v5 =	vmulhi.u32 $0xAAAAAAB, v3  }
0xb: {  	s28 =	simm.s32 $0x0;
	s3 =	sadd.s32 $0x540C00, s5;
	s2 =	simm.s32 $0x0;
	v8 =	vadd.s32 s6, v8;
	v6 =	vshrl.u32 v6, $0x3;
	v7 =	vmulhi.u32 $0xAAAAAAB, v4  }
0xc: {  	s30 =	ssub.s32 $0x2, s4;
	s25 =	smul.u32 $0x180, s8;
	s9 =	sadd.s32 s10, s9;
	v0 =	vor.u32 $0x50, v0;
	v8 =	vshrl.u32 v8, $0x3;
	v9 =	vmulhi.u32 $0xAAAAAAB, v6  }
0xd: {  	[smem:$0x7FF] =	sst s2;
	s4 =	sadd.s32 $0xA00, s5;
	s11 =	smul.u32 $0xE000, s9;
	v0 =	vadd.s32 s6, v0;
	v10 =	vmulhi.u32 $0xAAAAAAB, v8  }
0xe: {  	s12 =	sshrl.u32 s30, $0x1;
	s5 =	sadd.s32 $0x540A00, s5;
	s9 =	smul.u32 $0x1C00, s9;
	v11 =	vshrl.u32 v0, $0x3;
	v2 =	vshrl.u32 v2, $0x3;
	v0 =	vshrl.u32 v5, $0x3  }
0xf: {  	_ =	strace $0x80000047;
	s18 =	ssub.s32 s30, s12;
	s31 =	sshrl.u32 s11, $0x3;
	v5 =	vshrl.u32 v7, $0x3;
	v7 =	vmulhi.u32 $0xAAAAAAB, v11;
	v10 =	vshrl.u32 v10, $0x3  }
0x10: {  	s18 =	smax.u32 s18, $0x1;
	s6 =	sadd.s32 s7, s9;
	s17 =	sadd.s32 s7, s31;
	v2 =	vmul.u32 $0xC0, v2;
	v12 =	vmul.u32 $0xC0, v0;
	v5 =	vmul.u32 $0xC0, v5  }
0x11: {  	s7 =	sadd.s32 $0x1C00, s17;
	s8 =	sadd.s32 $0x3800, s17;
	s9 =	sadd.s32 $0x5400, s17;
	v0 =	vshrl.u32 v9, $0x3;
	v10 =	vmul.u32 $0xC0, v10;
	v7 =	vshrl.u32 v7, $0x3  }
0x12: {  	s10 =	sadd.s32 $0x7000, s17;
	s11 =	sadd.s32 $0x8C00, s17;
	s12 =	sadd.s32 $0xA800, s17;
	v9 =	vmul.u32 $0xC0, v0;
	v0 =	vsub.s32 v1, v2;
	v7 =	vmul.u32 $0xC0, v7  }
0x13: {  	s13 =	sadd.s32 $0xC400, s17;
	s14 =	sadd.s32 $0xE000, s17;
	s15 =	sadd.s32 $0xFC00, s17;
	v1 =	vsub.s32 v3, v12;
	v2 =	vsub.s32 v4, v5;
	v4 =	vsub.s32 v8, v10  }
0x14: {  	s16 =	sadd.s32 $0x11800, s17;
	s17 =	sadd.s32 $0x13400, s17;
	v5 =	vmov s25;
	s25 =	simm.s32 $0x2;
	v3 =	vsub.s32 v6, v9;
	v6 =	vsub.s32 v11, v7  }
.LBB2_1:
0x15: {  	[tilespmem:s2], [sflag:$0x5] =	stream.linear.gather [hbm4b:s3+s2], $0x100, $0x38;
	[tilespmem:$0x1C300] =	vst v63  }
0x16: {  	_ =	swait.ge [sflag:s19], $0x100  }
0x17: {  	[sflag:s19] =	ssyncset.done $0x0  }
0x18: {  	[sflag:s19] =	ssyncadd.s32 $0xFFFFFF00  }
0x19: {  	[tilespmem:s20], [sflag:$0x5] =	stream.linear.gather [hbm4b:s5+s2], $0x100, $0x38;
	[tilespmem:$0x1C300] =	vst v63  }
0x1a: {  	_ =	swait.ge [sflag:s19], $0x100  }
0x1b: {  	[sflag:s19] =	ssyncset.done $0x0  }
0x1c: {  	[sflag:s19] =	ssyncadd.s32 $0xFFFFFF00  }
0x1d: {  	v7 =	vld.idx.msk [tilespmem:v0+s2+$0x0], $0xffff;
	_ =	sdelay $0x4  }
0x1e: {  	v7 =	vadd.s32 v5, v7  }
0x1f: {  	[tilespmem:$0x200] =	vst v7  }
0x20: {  	v7 =	vld.idx.msk [tilespmem:v0+s20+$0x0], $0xffff;
	_ =	sdelay $0x4  }
0x21: {  	[tilespmem:$0x280] =	vst v7  }
0x22: {  	v7 =	vld.idx.msk [tilespmem:v1+s2+$0x0], $0xffff;
	_ =	sdelay $0x4  }
0x23: {  	v7 =	vadd.s32 v5, v7  }
0x24: {  	[tilespmem:$0x210] =	vst v7  }
0x25: {  	v7 =	vld.idx.msk [tilespmem:v1+s20+$0x0], $0xffff;
	_ =	sdelay $0x4  }
0x26: {  	[tilespmem:$0x290] =	vst v7  }
0x27: {  	v7 =	vld.idx.msk [tilespmem:v2+s2+$0x0], $0xffff;
	_ =	sdelay $0x4  }
0x28: {  	v7 =	vadd.s32 v5, v7  }
0x29: {  	[tilespmem:$0x220] =	vst v7  }
0x2a: {  	v7 =	vld.idx.msk [tilespmem:v2+s20+$0x0], $0xffff;
	_ =	sdelay $0x4  }
0x2b: {  	[tilespmem:$0x2A0] =	vst v7  }
0x2c: {  	v7 =	vld.idx.msk [tilespmem:v3+s2+$0x0], $0xffff;
	_ =	sdelay $0x4  }
0x2d: {  	v7 =	vadd.s32 v5, v7  }
0x2e: {  	[tilespmem:$0x230] =	vst v7  }
0x2f: {  	v7 =	vld.idx.msk [tilespmem:v3+s20+$0x0], $0xffff;
	_ =	sdelay $0x4  }
0x30: {  	[tilespmem:$0x2B0] =	vst v7  }
0x31: {  	v7 =	vld.idx.msk [tilespmem:v4+s2+$0x0], $0xffff  }
0x32: {  	v8 =	vld [tilespmem:$0x200];
	_ =	sdelay $0x3  }
0x33: {  	v7 =	vadd.s32 v5, v7  }
0x34: {  	(v2sf) =	vpush v8, $0x0;
	[tilespmem:$0x240] =	vst v7  }
0x35: {  	v7 =	vld.idx.msk [tilespmem:v4+s20+$0x0], $0xffff;
	_ =	sdelay $0x4  }
0x36: {  	[tilespmem:$0x2C0] =	vst v7  }
0x37: {  	v7 =	vld.idx.msk [tilespmem:v6+s2+$0x0], $0xffff;
	_ =	sdelay $0x4  }
0x38: {  	v7 =	vadd.s32 v5, v7  }
0x39: {  	[tilespmem:$0x250] =	vst v7  }
0x3a: {  	v7 =	vld.idx.msk [tilespmem:v6+s20+$0x0], $0xffff  }
0x3b: {  	s29 =	spop (v2sf)  }
0x3c: {  	s29 =	smul.u32 $0xE000, s29;
	_ =	sdelay $0x1  }
0x3d: {  	s29 =	sshrl.u32 s29, $0x3  }
0x3e: {  	s29 =	sadd.s32 s4, s29;
	[tilespmem:$0x2D0] =	vst v7  }
0x3f: {  	[tilespmem:s21], [sflag:$0x1] =	stream.linear.gather [hbm4b:s29+s2], $0xE000, $0x38;
	[tilespmem:$0x1C300] =	vst v63  }
0x40: {  	v7 =	vld [tilespmem:$0x208];
	_ =	sdelay $0x4  }
0x41: {  	(v2sf) =	vpush v7, $0x0;
	_ =	sdelay $0xe  }
0x42: {  	s29 =	spop (v2sf)  }
0x43: {  	s29 =	smul.u32 $0xE000, s29;
	_ =	sdelay $0x1  }
0x44: {  	s29 =	sshrl.u32 s29, $0x3  }
0x45: {  	s29 =	sadd.s32 s4, s29  }
0x46: {  	[tilespmem:s22], [sflag:$0x2] =	stream.linear.gather [hbm4b:s29+s2], $0xE000, $0x38;
	[tilespmem:$0x1C300] =	vst v63  }
0x47: {  	_ =	swait.ge [sflag:s23], $0xE000  }
0x48: {  	[sflag:s23] =	ssyncset.done $0x0  }
0x49: {  	s30 =	sand.u32 $0x380, s2;
	s29 =	sand.u32 $0xF800, s2;
	[sflag:s23] =	ssyncadd.s32 $0xFFFF2000  }
0x4a: {  	s29 =	sor.u32 s30, s29;
	v7 =	vld.msk [tilespmem:$0x280 ss:$0x0], $0xffff  }
0x4b: {  	v8 =	vld [tilespmem:s29+$0x300]  }
0x4c: {  	v9 =	vld [tilespmem:s29+$0x310]  }
0x4d: {  	v10 =	vld [tilespmem:s29+$0x320]  }
0x4e: {  	v12 =	vld [tilespmem:s29+$0x330]  }
0x4f: {  	v13 =	vld [tilespmem:s29+$0x340]  }
0x50: {  	v14 =	vld [tilespmem:s29+$0x350];
	v8 =	vmul.f32 v8, v7  }
0x51: {  	v15 =	vld [tilespmem:s29+$0x360];
	v9 =	vmul.f32 v9, v7  }
0x52: {  	v11 =	vld [tilespmem:s29+$0x370];
	[tilespmem:s29+$0x300] =	vst v8;
	v8 =	vmul.f32 v10, v7  }
0x53: {  	[tilespmem:s29+$0x310] =	vst v9;
	v9 =	vmul.f32 v12, v7;
	v10 =	vld [tilespmem:s29+$0x700]  }
0x54: {  	v12 =	vmul.f32 v13, v7;
	[tilespmem:s29+$0x320] =	vst v8;
	v8 =	vld [tilespmem:s29+$0x710]  }
0x55: {  	v14 =	vmul.f32 v14, v7;
	[tilespmem:s29+$0x330] =	vst v9;
	v9 =	vld [tilespmem:s29+$0x720]  }
0x56: {  	s31 =	simm.s32 $0x100;
	s30 =	simm.s32 $0x80;
	v13 =	vmul.f32 v15, v7;
	[tilespmem:s29+$0x340] =	vst v12;
	v12 =	vld [tilespmem:s29+$0x730]  }
.LBB2_2:
0x57: {  	s1 =	sand.u32 $0xF800, s31;
	s0 =	sand.u32 $0x380, s30;
	p0 =	sne.s32 s31, $0xDF00;
	[tilespmem:s29+$0x350] =	vst v14;
	v11 =	vmul.f32 v11, v7;
	v14 =	vld [tilespmem:s29+$0x740]  }
0x58: {  	s0 =	sor.u32 s0, s1;
	[tilespmem:s29+$0x360] =	vst v13;
	v10 =	vmul.f32 v10, v7;
	v13 =	vld [tilespmem:s29+$0x750]  }
0x59: {  	v15 =	vld [tilespmem:s0+$0x300];
	[tilespmem:s29+$0x370] =	vst v11;
	v8 =	vmul.f32 v8, v7  }
0x5a: {  	v11 =	vld [tilespmem:s0+$0x310];
	[tilespmem:s29+$0x700] =	vst v10;
	v9 =	vmul.f32 v9, v7  }
0x5b: {  	v10 =	vld [tilespmem:s0+$0x320];
	[tilespmem:s29+$0x710] =	vst v8;
	v8 =	vmul.f32 v12, v7  }
0x5c: {  	v12 =	vld [tilespmem:s0+$0x330];
	[tilespmem:s29+$0x720] =	vst v9;
	v9 =	vmul.f32 v14, v7  }
0x5d: {  	v14 =	vld [tilespmem:s0+$0x340];
	[tilespmem:s29+$0x730] =	vst v8;
	v8 =	vmul.f32 v13, v7  }
0x5e: {  	v13 =	vmul.f32 v15, v7;
	v15 =	vld [tilespmem:s0+$0x350];
	[tilespmem:s29+$0x740] =	vst v9  }
0x5f: {  	v9 =	vmul.f32 v11, v7;
	v16 =	vld [tilespmem:s0+$0x360];
	[tilespmem:s29+$0x750] =	vst v8;
	s29 =	smov.u32 s0  }
.Ltmp0:
0x60: {  	[tilespmem:s29+$0x300] =	vst v13;
	v8 =	vmul.f32 v10, v7;
	v11 =	vld [tilespmem:s29+$0x370];
	(pc) =	sbr.rel @p0 .LBB2_2-.Ltmp0, $4  }
0x61: {  	[tilespmem:s29+$0x310] =	vst v9;
	v9 =	vmul.f32 v12, v7;
	v10 =	vld [tilespmem:s29+$0x700]  }
0x62: {  	[tilespmem:s29+$0x320] =	vst v8;
	v12 =	vmul.f32 v14, v7;
	v8 =	vld [tilespmem:s29+$0x710]  }
0x63: {  	[tilespmem:s29+$0x330] =	vst v9;
	v14 =	vmul.f32 v15, v7;
	v9 =	vld [tilespmem:s29+$0x720]  }
0x64: {  	s30 =	sadd.s32 $0x80, s30;
	s31 =	sadd.s32 $0x100, s31;
	[tilespmem:s29+$0x340] =	vst v12;
	v13 =	vmul.f32 v16, v7;
	v12 =	vld [tilespmem:s29+$0x730]  }
0x65: {  	[tilespmem:s29+$0x350] =	vst v14;
	v11 =	vmul.f32 v11, v7;
	v14 =	vld [tilespmem:s29+$0x740]  }
0x66: {  	[tilespmem:s29+$0x360] =	vst v13;
	v10 =	vmul.f32 v10, v7;
	v13 =	vld [tilespmem:s29+$0x750]  }
0x67: {  	[tilespmem:s29+$0x370] =	vst v11;
	v8 =	vmul.f32 v8, v7  }
0x68: {  	[tilespmem:s29+$0x700] =	vst v10;
	v9 =	vmul.f32 v9, v7  }
0x69: {  	[tilespmem:s29+$0x710] =	vst v8;
	v8 =	vmul.f32 v12, v7  }
0x6a: {  	[tilespmem:s29+$0x720] =	vst v9;
	v9 =	vmul.f32 v14, v7  }
0x6b: {  	[tilespmem:s29+$0x730] =	vst v8;
	v7 =	vmul.f32 v13, v7  }
0x6c: {  	[tilespmem:s29+$0x740] =	vst v9  }
0x6d: {  	s0 =	simm.s32 $0x0;
	[tilespmem:s29+$0x750] =	vst v7  }
0x6e: {  	[hbm4b:s6+s0] =	stream.linear.scatter [tilespmem:s21], [sflag:$0x3], $0xE000, $0x38;
	[tilespmem:$0x1C300] =	vst v63  }
0x6f: {  	_ =	swait.ge [sflag:s24], $0xE000  }
0x70: {  	[sflag:s24] =	ssyncset.done $0x0  }
0x71: {  	[sflag:s24] =	ssyncadd.s32 $0xFFFF2000  }
0x72: {  	v7 =	vld [tilespmem:$0x210];
	_ =	sdelay $0x4  }
0x73: {  	(v2sf) =	vpush v7, $0x0;
	_ =	sdelay $0xe  }
0x74: {  	s1 =	spop (v2sf)  }
0x75: {  	s1 =	smul.u32 $0xE000, s1;
	_ =	sdelay $0x1  }
0x76: {  	s1 =	sshrl.u32 s1, $0x3  }
0x77: {  	s1 =	sadd.s32 s4, s1  }
0x78: {  	[tilespmem:s21], [sflag:$0x1] =	stream.linear.gather [hbm4b:s1+s0], $0xE000, $0x38;
	[tilespmem:$0x1C300] =	vst v63  }
0x79: {  	_ =	swait.ge [sflag:s25], $0xE000  }
0x7a: {  	[sflag:s25] =	ssyncset.done $0x0  }
0x7b: {  	s1 =	sand.u32 $0xF800, s0;
	s0 =	sand.u32 $0x380, s0;
	[sflag:s25] =	ssyncadd.s32 $0xFFFF2000  }
0x7c: {  	s29 =	sor.u32 s0, s1;
	v7 =	vld.msk [tilespmem:$0x288 ss:$0x0], $0xffff  }
0x7d: {  	v8 =	vld [tilespmem:s29+$0xE300]  }
0x7e: {  	v9 =	vld [tilespmem:s29+$0xE310]  }
0x7f: {  	v10 =	vld [tilespmem:s29+$0xE320]  }
0x80: {  	v12 =	vld [tilespmem:s29+$0xE330]  }
0x81: {  	v13 =	vld [tilespmem:s29+$0xE340]  }
0x82: {  	v14 =	vld [tilespmem:s29+$0xE350];
	v8 =	vmul.f32 v8, v7  }
0x83: {  	v15 =	vld [tilespmem:s29+$0xE360];
	v9 =	vmul.f32 v9, v7  }
0x84: {  	v11 =	vld [tilespmem:s29+$0xE370];
	[tilespmem:s29+$0xE300] =	vst v8;
	v8 =	vmul.f32 v10, v7  }
0x85: {  	[tilespmem:s29+$0xE310] =	vst v9;
	v9 =	vmul.f32 v12, v7;
	v10 =	vld [tilespmem:s29+$0xE700]  }
0x86: {  	v12 =	vmul.f32 v13, v7;
	[tilespmem:s29+$0xE320] =	vst v8;
	v8 =	vld [tilespmem:s29+$0xE710]  }
0x87: {  	v14 =	vmul.f32 v14, v7;
	[tilespmem:s29+$0xE330] =	vst v9;
	v9 =	vld [tilespmem:s29+$0xE720]  }
0x88: {  	s30 =	simm.s32 $0x80;
	s31 =	simm.s32 $0x100;
	v13 =	vmul.f32 v15, v7;
	[tilespmem:s29+$0xE340] =	vst v12;
	v12 =	vld [tilespmem:s29+$0xE730]  }
.LBB2_4:
0x89: {  	s0 =	sand.u32 $0xF800, s31;
	s1 =	sand.u32 $0x380, s30;
	p0 =	sne.s32 s31, $0xDF00;
	[tilespmem:s29+$0xE350] =	vst v14;
	v11 =	vmul.f32 v11, v7;
	v14 =	vld [tilespmem:s29+$0xE740]  }
0x8a: {  	s0 =	sor.u32 s1, s0;
	[tilespmem:s29+$0xE360] =	vst v13;
	v10 =	vmul.f32 v10, v7;
	v13 =	vld [tilespmem:s29+$0xE750]  }
0x8b: {  	v15 =	vld [tilespmem:s0+$0xE300];
	[tilespmem:s29+$0xE370] =	vst v11;
	v8 =	vmul.f32 v8, v7  }
0x8c: {  	v11 =	vld [tilespmem:s0+$0xE310];
	[tilespmem:s29+$0xE700] =	vst v10;
	v9 =	vmul.f32 v9, v7  }
0x8d: {  	v10 =	vld [tilespmem:s0+$0xE320];
	[tilespmem:s29+$0xE710] =	vst v8;
	v8 =	vmul.f32 v12, v7  }
0x8e: {  	v12 =	vld [tilespmem:s0+$0xE330];
	[tilespmem:s29+$0xE720] =	vst v9;
	v9 =	vmul.f32 v14, v7  }
0x8f: {  	v14 =	vld [tilespmem:s0+$0xE340];
	[tilespmem:s29+$0xE730] =	vst v8;
	v8 =	vmul.f32 v13, v7  }
0x90: {  	v13 =	vmul.f32 v15, v7;
	v15 =	vld [tilespmem:s0+$0xE350];
	[tilespmem:s29+$0xE740] =	vst v9  }
0x91: {  	v9 =	vmul.f32 v11, v7;
	v16 =	vld [tilespmem:s0+$0xE360];
	[tilespmem:s29+$0xE750] =	vst v8;
	s29 =	smov.u32 s0  }
.Ltmp1:
0x92: {  	[tilespmem:s29+$0xE300] =	vst v13;
	v8 =	vmul.f32 v10, v7;
	v11 =	vld [tilespmem:s29+$0xE370];
	(pc) =	sbr.rel @p0 .LBB2_4-.Ltmp1, $4  }
0x93: {  	[tilespmem:s29+$0xE310] =	vst v9;
	v9 =	vmul.f32 v12, v7;
	v10 =	vld [tilespmem:s29+$0xE700]  }
0x94: {  	[tilespmem:s29+$0xE320] =	vst v8;
	v12 =	vmul.f32 v14, v7;
	v8 =	vld [tilespmem:s29+$0xE710]  }
0x95: {  	[tilespmem:s29+$0xE330] =	vst v9;
	v14 =	vmul.f32 v15, v7;
	v9 =	vld [tilespmem:s29+$0xE720]  }
0x96: {  	s30 =	sadd.s32 $0x80, s30;
	s31 =	sadd.s32 $0x100, s31;
	[tilespmem:s29+$0xE340] =	vst v12;
	v13 =	vmul.f32 v16, v7;
	v12 =	vld [tilespmem:s29+$0xE730]  }
0x97: {  	[tilespmem:s29+$0xE350] =	vst v14;
	v11 =	vmul.f32 v11, v7;
	v14 =	vld [tilespmem:s29+$0xE740]  }
0x98: {  	[tilespmem:s29+$0xE360] =	vst v13;
	v10 =	vmul.f32 v10, v7;
	v13 =	vld [tilespmem:s29+$0xE750]  }
0x99: {  	[tilespmem:s29+$0xE370] =	vst v11;
	v8 =	vmul.f32 v8, v7  }
0x9a: {  	[tilespmem:s29+$0xE700] =	vst v10;
	v9 =	vmul.f32 v9, v7  }
0x9b: {  	[tilespmem:s29+$0xE710] =	vst v8;
	v8 =	vmul.f32 v12, v7  }
0x9c: {  	[tilespmem:s29+$0xE720] =	vst v9;
	v9 =	vmul.f32 v14, v7  }
0x9d: {  	[tilespmem:s29+$0xE730] =	vst v8;
	v7 =	vmul.f32 v13, v7  }
0x9e: {  	[tilespmem:s29+$0xE740] =	vst v9  }
0x9f: {  	s0 =	simm.s32 $0x0;
	[tilespmem:s29+$0xE750] =	vst v7  }
0xa0: {  	[hbm4b:s7+s0] =	stream.linear.scatter [tilespmem:s22], [sflag:$0x4], $0xE000, $0x38;
	[tilespmem:$0x1C300] =	vst v63  }
0xa1: {  	_ =	swait.ge [sflag:s26], $0xE000  }
0xa2: {  	[sflag:s26] =	ssyncset.done $0x0  }
0xa3: {  	[sflag:s26] =	ssyncadd.s32 $0xFFFF2000  }
0xa4: {  	v7 =	vld [tilespmem:$0x218];
	_ =	sdelay $0x4  }
0xa5: {  	(v2sf) =	vpush v7, $0x0;
	_ =	sdelay $0xe  }
0xa6: {  	s1 =	spop (v2sf)  }
0xa7: {  	s1 =	smul.u32 $0xE000, s1;
	_ =	sdelay $0x1  }
0xa8: {  	s1 =	sshrl.u32 s1, $0x3  }
0xa9: {  	s1 =	sadd.s32 s4, s1  }
0xaa: {  	[tilespmem:s22], [sflag:$0x2] =	stream.linear.gather [hbm4b:s1+s0], $0xE000, $0x38;
	[tilespmem:$0x1C300] =	vst v63  }
0xab: {  	_ =	swait.ge [sflag:s23], $0xE000  }
0xac: {  	[sflag:s23] =	ssyncset.done $0x0  }
0xad: {  	s1 =	sand.u32 $0xF800, s0;
	s0 =	sand.u32 $0x380, s0;
	[sflag:s23] =	ssyncadd.s32 $0xFFFF2000  }
0xae: {  	s29 =	sor.u32 s0, s1;
	v7 =	vld.msk [tilespmem:$0x290 ss:$0x0], $0xffff  }
0xaf: {  	v8 =	vld [tilespmem:s29+$0x300]  }
0xb0: {  	v9 =	vld [tilespmem:s29+$0x310]  }
0xb1: {  	v10 =	vld [tilespmem:s29+$0x320]  }
0xb2: {  	v12 =	vld [tilespmem:s29+$0x330]  }
0xb3: {  	v13 =	vld [tilespmem:s29+$0x340]  }
0xb4: {  	v14 =	vld [tilespmem:s29+$0x350];
	v8 =	vmul.f32 v8, v7  }
0xb5: {  	v15 =	vld [tilespmem:s29+$0x360];
	v9 =	vmul.f32 v9, v7  }
0xb6: {  	v11 =	vld [tilespmem:s29+$0x370];
	[tilespmem:s29+$0x300] =	vst v8;
	v8 =	vmul.f32 v10, v7  }
0xb7: {  	[tilespmem:s29+$0x310] =	vst v9;
	v9 =	vmul.f32 v12, v7;
	v10 =	vld [tilespmem:s29+$0x700]  }
0xb8: {  	v12 =	vmul.f32 v13, v7;
	[tilespmem:s29+$0x320] =	vst v8;
	v8 =	vld [tilespmem:s29+$0x710]  }
0xb9: {  	v14 =	vmul.f32 v14, v7;
	[tilespmem:s29+$0x330] =	vst v9;
	v9 =	vld [tilespmem:s29+$0x720]  }
0xba: {  	s30 =	simm.s32 $0x80;
	s31 =	simm.s32 $0x100;
	v13 =	vmul.f32 v15, v7;
	[tilespmem:s29+$0x340] =	vst v12;
	v12 =	vld [tilespmem:s29+$0x730]  }
.LBB2_6:
0xbb: {  	s0 =	sand.u32 $0xF800, s31;
	s1 =	sand.u32 $0x380, s30;
	p0 =	sne.s32 s31, $0xDF00;
	[tilespmem:s29+$0x350] =	vst v14;
	v11 =	vmul.f32 v11, v7;
	v14 =	vld [tilespmem:s29+$0x740]  }
0xbc: {  	s0 =	sor.u32 s1, s0;
	[tilespmem:s29+$0x360] =	vst v13;
	v10 =	vmul.f32 v10, v7;
	v13 =	vld [tilespmem:s29+$0x750]  }
0xbd: {  	v15 =	vld [tilespmem:s0+$0x300];
	[tilespmem:s29+$0x370] =	vst v11;
	v8 =	vmul.f32 v8, v7  }
0xbe: {  	v11 =	vld [tilespmem:s0+$0x310];
	[tilespmem:s29+$0x700] =	vst v10;
	v9 =	vmul.f32 v9, v7  }
0xbf: {  	v10 =	vld [tilespmem:s0+$0x320];
	[tilespmem:s29+$0x710] =	vst v8;
	v8 =	vmul.f32 v12, v7  }
0xc0: {  	v12 =	vld [tilespmem:s0+$0x330];
	[tilespmem:s29+$0x720] =	vst v9;
	v9 =	vmul.f32 v14, v7  }
0xc1: {  	v14 =	vld [tilespmem:s0+$0x340];
	[tilespmem:s29+$0x730] =	vst v8;
	v8 =	vmul.f32 v13, v7  }
0xc2: {  	v13 =	vmul.f32 v15, v7;
	v15 =	vld [tilespmem:s0+$0x350];
	[tilespmem:s29+$0x740] =	vst v9  }
0xc3: {  	v9 =	vmul.f32 v11, v7;
	v16 =	vld [tilespmem:s0+$0x360];
	[tilespmem:s29+$0x750] =	vst v8;
	s29 =	smov.u32 s0  }
.Ltmp2:
0xc4: {  	[tilespmem:s29+$0x300] =	vst v13;
	v8 =	vmul.f32 v10, v7;
	v11 =	vld [tilespmem:s29+$0x370];
	(pc) =	sbr.rel @p0 .LBB2_6-.Ltmp2, $4  }
0xc5: {  	[tilespmem:s29+$0x310] =	vst v9;
	v9 =	vmul.f32 v12, v7;
	v10 =	vld [tilespmem:s29+$0x700]  }
0xc6: {  	[tilespmem:s29+$0x320] =	vst v8;
	v12 =	vmul.f32 v14, v7;
	v8 =	vld [tilespmem:s29+$0x710]  }
0xc7: {  	[tilespmem:s29+$0x330] =	vst v9;
	v14 =	vmul.f32 v15, v7;
	v9 =	vld [tilespmem:s29+$0x720]  }
0xc8: {  	s30 =	sadd.s32 $0x80, s30;
	s31 =	sadd.s32 $0x100, s31;
	[tilespmem:s29+$0x340] =	vst v12;
	v13 =	vmul.f32 v16, v7;
	v12 =	vld [tilespmem:s29+$0x730]  }
0xc9: {  	[tilespmem:s29+$0x350] =	vst v14;
	v11 =	vmul.f32 v11, v7;
	v14 =	vld [tilespmem:s29+$0x740]  }
0xca: {  	[tilespmem:s29+$0x360] =	vst v13;
	v10 =	vmul.f32 v10, v7;
	v13 =	vld [tilespmem:s29+$0x750]  }
0xcb: {  	[tilespmem:s29+$0x370] =	vst v11;
	v8 =	vmul.f32 v8, v7  }
0xcc: {  	[tilespmem:s29+$0x700] =	vst v10;
	v9 =	vmul.f32 v9, v7  }
0xcd: {  	[tilespmem:s29+$0x710] =	vst v8;
	v8 =	vmul.f32 v12, v7  }
0xce: {  	[tilespmem:s29+$0x720] =	vst v9;
	v9 =	vmul.f32 v14, v7  }
0xcf: {  	[tilespmem:s29+$0x730] =	vst v8;
	v7 =	vmul.f32 v13, v7  }
0xd0: {  	[tilespmem:s29+$0x740] =	vst v9  }
0xd1: {  	s0 =	simm.s32 $0x0;
	[tilespmem:s29+$0x750] =	vst v7  }
0xd2: {  	[hbm4b:s8+s0] =	stream.linear.scatter [tilespmem:s21], [sflag:$0x3], $0xE000, $0x38;
	[tilespmem:$0x1C300] =	vst v63  }
0xd3: {  	_ =	swait.ge [sflag:s24], $0xE000  }
0xd4: {  	[sflag:s24] =	ssyncset.done $0x0  }
0xd5: {  	[sflag:s24] =	ssyncadd.s32 $0xFFFF2000  }
0xd6: {  	v7 =	vld [tilespmem:$0x220];
	_ =	sdelay $0x4  }
0xd7: {  	(v2sf) =	vpush v7, $0x0;
	_ =	sdelay $0xe  }
0xd8: {  	s1 =	spop (v2sf)  }
0xd9: {  	s1 =	smul.u32 $0xE000, s1;
	_ =	sdelay $0x1  }
0xda: {  	s1 =	sshrl.u32 s1, $0x3  }
0xdb: {  	s1 =	sadd.s32 s4, s1  }
0xdc: {  	[tilespmem:s21], [sflag:$0x1] =	stream.linear.gather [hbm4b:s1+s0], $0xE000, $0x38;
	[tilespmem:$0x1C300] =	vst v63  }
0xdd: {  	_ =	swait.ge [sflag:s25], $0xE000  }
0xde: {  	[sflag:s25] =	ssyncset.done $0x0  }
0xdf: {  	s1 =	sand.u32 $0xF800, s0;
	s0 =	sand.u32 $0x380, s0;
	[sflag:s25] =	ssyncadd.s32 $0xFFFF2000  }
0xe0: {  	s29 =	sor.u32 s0, s1;
	v7 =	vld.msk [tilespmem:$0x298 ss:$0x0], $0xffff  }
0xe1: {  	v8 =	vld [tilespmem:s29+$0xE300]  }
0xe2: {  	v9 =	vld [tilespmem:s29+$0xE310]  }
0xe3: {  	v10 =	vld [tilespmem:s29+$0xE320]  }
0xe4: {  	v12 =	vld [tilespmem:s29+$0xE330]  }
0xe5: {  	v13 =	vld [tilespmem:s29+$0xE340]  }
0xe6: {  	v14 =	vld [tilespmem:s29+$0xE350];
	v8 =	vmul.f32 v8, v7  }
0xe7: {  	v15 =	vld [tilespmem:s29+$0xE360];
	v9 =	vmul.f32 v9, v7  }
0xe8: {  	v11 =	vld [tilespmem:s29+$0xE370];
	[tilespmem:s29+$0xE300] =	vst v8;
	v8 =	vmul.f32 v10, v7  }
0xe9: {  	[tilespmem:s29+$0xE310] =	vst v9;
	v9 =	vmul.f32 v12, v7;
	v10 =	vld [tilespmem:s29+$0xE700]  }
0xea: {  	v12 =	vmul.f32 v13, v7;
	[tilespmem:s29+$0xE320] =	vst v8;
	v8 =	vld [tilespmem:s29+$0xE710]  }
0xeb: {  	v14 =	vmul.f32 v14, v7;
	[tilespmem:s29+$0xE330] =	vst v9;
	v9 =	vld [tilespmem:s29+$0xE720]  }
0xec: {  	s30 =	simm.s32 $0x80;
	s31 =	simm.s32 $0x100;
	v13 =	vmul.f32 v15, v7;
	[tilespmem:s29+$0xE340] =	vst v12;
	v12 =	vld [tilespmem:s29+$0xE730]  }
.LBB2_8:
0xed: {  	s0 =	sand.u32 $0xF800, s31;
	s1 =	sand.u32 $0x380, s30;
	p0 =	sne.s32 s31, $0xDF00;
	[tilespmem:s29+$0xE350] =	vst v14;
	v11 =	vmul.f32 v11, v7;
	v14 =	vld [tilespmem:s29+$0xE740]  }
0xee: {  	s0 =	sor.u32 s1, s0;
	[tilespmem:s29+$0xE360] =	vst v13;
	v10 =	vmul.f32 v10, v7;
	v13 =	vld [tilespmem:s29+$0xE750]  }
0xef: {  	v15 =	vld [tilespmem:s0+$0xE300];
	[tilespmem:s29+$0xE370] =	vst v11;
	v8 =	vmul.f32 v8, v7  }
0xf0: {  	v11 =	vld [tilespmem:s0+$0xE310];
	[tilespmem:s29+$0xE700] =	vst v10;
	v9 =	vmul.f32 v9, v7  }
0xf1: {  	v10 =	vld [tilespmem:s0+$0xE320];
	[tilespmem:s29+$0xE710] =	vst v8;
	v8 =	vmul.f32 v12, v7  }
0xf2: {  	v12 =	vld [tilespmem:s0+$0xE330];
	[tilespmem:s29+$0xE720] =	vst v9;
	v9 =	vmul.f32 v14, v7  }
0xf3: {  	v14 =	vld [tilespmem:s0+$0xE340];
	[tilespmem:s29+$0xE730] =	vst v8;
	v8 =	vmul.f32 v13, v7  }
0xf4: {  	v13 =	vmul.f32 v15, v7;
	v15 =	vld [tilespmem:s0+$0xE350];
	[tilespmem:s29+$0xE740] =	vst v9  }
0xf5: {  	v9 =	vmul.f32 v11, v7;
	v16 =	vld [tilespmem:s0+$0xE360];
	[tilespmem:s29+$0xE750] =	vst v8;
	s29 =	smov.u32 s0  }
.Ltmp3:
0xf6: {  	[tilespmem:s29+$0xE300] =	vst v13;
	v8 =	vmul.f32 v10, v7;
	v11 =	vld [tilespmem:s29+$0xE370];
	(pc) =	sbr.rel @p0 .LBB2_8-.Ltmp3, $4  }
0xf7: {  	[tilespmem:s29+$0xE310] =	vst v9;
	v9 =	vmul.f32 v12, v7;
	v10 =	vld [tilespmem:s29+$0xE700]  }
0xf8: {  	[tilespmem:s29+$0xE320] =	vst v8;
	v12 =	vmul.f32 v14, v7;
	v8 =	vld [tilespmem:s29+$0xE710]  }
0xf9: {  	[tilespmem:s29+$0xE330] =	vst v9;
	v14 =	vmul.f32 v15, v7;
	v9 =	vld [tilespmem:s29+$0xE720]  }
0xfa: {  	s30 =	sadd.s32 $0x80, s30;
	s31 =	sadd.s32 $0x100, s31;
	[tilespmem:s29+$0xE340] =	vst v12;
	v13 =	vmul.f32 v16, v7;
	v12 =	vld [tilespmem:s29+$0xE730]  }
0xfb: {  	[tilespmem:s29+$0xE350] =	vst v14;
	v11 =	vmul.f32 v11, v7;
	v14 =	vld [tilespmem:s29+$0xE740]  }
0xfc: {  	[tilespmem:s29+$0xE360] =	vst v13;
	v10 =	vmul.f32 v10, v7;
	v13 =	vld [tilespmem:s29+$0xE750]  }
0xfd: {  	[tilespmem:s29+$0xE370] =	vst v11;
	v8 =	vmul.f32 v8, v7  }
0xfe: {  	[tilespmem:s29+$0xE700] =	vst v10;
	v9 =	vmul.f32 v9, v7  }
0xff: {  	[tilespmem:s29+$0xE710] =	vst v8;
	v8 =	vmul.f32 v12, v7  }
0x100: {  	[tilespmem:s29+$0xE720] =	vst v9;
	v9 =	vmul.f32 v14, v7  }
0x101: {  	[tilespmem:s29+$0xE730] =	vst v8;
	v7 =	vmul.f32 v13, v7  }
0x102: {  	[tilespmem:s29+$0xE740] =	vst v9  }
0x103: {  	s0 =	simm.s32 $0x0;
	[tilespmem:s29+$0xE750] =	vst v7  }
0x104: {  	[hbm4b:s9+s0] =	stream.linear.scatter [tilespmem:s22], [sflag:$0x4], $0xE000, $0x38;
	[tilespmem:$0x1C300] =	vst v63  }
0x105: {  	_ =	swait.ge [sflag:s26], $0xE000  }
0x106: {  	[sflag:s26] =	ssyncset.done $0x0  }
0x107: {  	[sflag:s26] =	ssyncadd.s32 $0xFFFF2000  }
0x108: {  	v7 =	vld [tilespmem:$0x228];
	_ =	sdelay $0x4  }
0x109: {  	(v2sf) =	vpush v7, $0x0;
	_ =	sdelay $0xe  }
0x10a: {  	s1 =	spop (v2sf)  }
0x10b: {  	s1 =	smul.u32 $0xE000, s1;
	_ =	sdelay $0x1  }
0x10c: {  	s1 =	sshrl.u32 s1, $0x3  }
0x10d: {  	s1 =	sadd.s32 s4, s1  }
0x10e: {  	[tilespmem:s22], [sflag:$0x2] =	stream.linear.gather [hbm4b:s1+s0], $0xE000, $0x38;
	[tilespmem:$0x1C300] =	vst v63  }
0x10f: {  	_ =	swait.ge [sflag:s23], $0xE000  }
0x110: {  	[sflag:s23] =	ssyncset.done $0x0  }
0x111: {  	s1 =	sand.u32 $0xF800, s0;
	s0 =	sand.u32 $0x380, s0;
	[sflag:s23] =	ssyncadd.s32 $0xFFFF2000  }
0x112: {  	s29 =	sor.u32 s0, s1;
	v7 =	vld.msk [tilespmem:$0x2A0 ss:$0x0], $0xffff  }
0x113: {  	v8 =	vld [tilespmem:s29+$0x300]  }
0x114: {  	v9 =	vld [tilespmem:s29+$0x310]  }
0x115: {  	v10 =	vld [tilespmem:s29+$0x320]  }
0x116: {  	v12 =	vld [tilespmem:s29+$0x330]  }
0x117: {  	v13 =	vld [tilespmem:s29+$0x340]  }
0x118: {  	v14 =	vld [tilespmem:s29+$0x350];
	v8 =	vmul.f32 v8, v7  }
0x119: {  	v15 =	vld [tilespmem:s29+$0x360];
	v9 =	vmul.f32 v9, v7  }
0x11a: {  	v11 =	vld [tilespmem:s29+$0x370];
	[tilespmem:s29+$0x300] =	vst v8;
	v8 =	vmul.f32 v10, v7  }
0x11b: {  	[tilespmem:s29+$0x310] =	vst v9;
	v9 =	vmul.f32 v12, v7;
	v10 =	vld [tilespmem:s29+$0x700]  }
0x11c: {  	v12 =	vmul.f32 v13, v7;
	[tilespmem:s29+$0x320] =	vst v8;
	v8 =	vld [tilespmem:s29+$0x710]  }
0x11d: {  	v14 =	vmul.f32 v14, v7;
	[tilespmem:s29+$0x330] =	vst v9;
	v9 =	vld [tilespmem:s29+$0x720]  }
0x11e: {  	s30 =	simm.s32 $0x80;
	s31 =	simm.s32 $0x100;
	v13 =	vmul.f32 v15, v7;
	[tilespmem:s29+$0x340] =	vst v12;
	v12 =	vld [tilespmem:s29+$0x730]  }
.LBB2_10:
0x11f: {  	s0 =	sand.u32 $0xF800, s31;
	s1 =	sand.u32 $0x380, s30;
	p0 =	sne.s32 s31, $0xDF00;
	[tilespmem:s29+$0x350] =	vst v14;
	v11 =	vmul.f32 v11, v7;
	v14 =	vld [tilespmem:s29+$0x740]  }
0x120: {  	s0 =	sor.u32 s1, s0;
	[tilespmem:s29+$0x360] =	vst v13;
	v10 =	vmul.f32 v10, v7;
	v13 =	vld [tilespmem:s29+$0x750]  }
0x121: {  	v15 =	vld [tilespmem:s0+$0x300];
	[tilespmem:s29+$0x370] =	vst v11;
	v8 =	vmul.f32 v8, v7  }
0x122: {  	v11 =	vld [tilespmem:s0+$0x310];
	[tilespmem:s29+$0x700] =	vst v10;
	v9 =	vmul.f32 v9, v7  }
0x123: {  	v10 =	vld [tilespmem:s0+$0x320];
	[tilespmem:s29+$0x710] =	vst v8;
	v8 =	vmul.f32 v12, v7  }
0x124: {  	v12 =	vld [tilespmem:s0+$0x330];
	[tilespmem:s29+$0x720] =	vst v9;
	v9 =	vmul.f32 v14, v7  }
0x125: {  	v14 =	vld [tilespmem:s0+$0x340];
	[tilespmem:s29+$0x730] =	vst v8;
	v8 =	vmul.f32 v13, v7  }
0x126: {  	v13 =	vmul.f32 v15, v7;
	v15 =	vld [tilespmem:s0+$0x350];
	[tilespmem:s29+$0x740] =	vst v9  }
0x127: {  	v9 =	vmul.f32 v11, v7;
	v16 =	vld [tilespmem:s0+$0x360];
	[tilespmem:s29+$0x750] =	vst v8;
	s29 =	smov.u32 s0  }
.Ltmp4:
0x128: {  	[tilespmem:s29+$0x300] =	vst v13;
	v8 =	vmul.f32 v10, v7;
	v11 =	vld [tilespmem:s29+$0x370];
	(pc) =	sbr.rel @p0 .LBB2_10-.Ltmp4, $4  }
0x129: {  	[tilespmem:s29+$0x310] =	vst v9;
	v9 =	vmul.f32 v12, v7;
	v10 =	vld [tilespmem:s29+$0x700]  }
0x12a: {  	[tilespmem:s29+$0x320] =	vst v8;
	v12 =	vmul.f32 v14, v7;
	v8 =	vld [tilespmem:s29+$0x710]  }
0x12b: {  	[tilespmem:s29+$0x330] =	vst v9;
	v14 =	vmul.f32 v15, v7;
	v9 =	vld [tilespmem:s29+$0x720]  }
0x12c: {  	s30 =	sadd.s32 $0x80, s30;
	s31 =	sadd.s32 $0x100, s31;
	[tilespmem:s29+$0x340] =	vst v12;
	v13 =	vmul.f32 v16, v7;
	v12 =	vld [tilespmem:s29+$0x730]  }
0x12d: {  	[tilespmem:s29+$0x350] =	vst v14;
	v11 =	vmul.f32 v11, v7;
	v14 =	vld [tilespmem:s29+$0x740]  }
0x12e: {  	[tilespmem:s29+$0x360] =	vst v13;
	v10 =	vmul.f32 v10, v7;
	v13 =	vld [tilespmem:s29+$0x750]  }
0x12f: {  	[tilespmem:s29+$0x370] =	vst v11;
	v8 =	vmul.f32 v8, v7  }
0x130: {  	[tilespmem:s29+$0x700] =	vst v10;
	v9 =	vmul.f32 v9, v7  }
0x131: {  	[tilespmem:s29+$0x710] =	vst v8;
	v8 =	vmul.f32 v12, v7  }
0x132: {  	[tilespmem:s29+$0x720] =	vst v9;
	v9 =	vmul.f32 v14, v7  }
0x133: {  	[tilespmem:s29+$0x730] =	vst v8;
	v7 =	vmul.f32 v13, v7  }
0x134: {  	[tilespmem:s29+$0x740] =	vst v9  }
0x135: {  	s0 =	simm.s32 $0x0;
	[tilespmem:s29+$0x750] =	vst v7  }
0x136: {  	[hbm4b:s10+s0] =	stream.linear.scatter [tilespmem:s21], [sflag:$0x3], $0xE000, $0x38;
	[tilespmem:$0x1C300] =	vst v63  }
0x137: {  	_ =	swait.ge [sflag:s24], $0xE000  }
0x138: {  	[sflag:s24] =	ssyncset.done $0x0  }
0x139: {  	[sflag:s24] =	ssyncadd.s32 $0xFFFF2000  }
0x13a: {  	v7 =	vld [tilespmem:$0x230];
	_ =	sdelay $0x4  }
0x13b: {  	(v2sf) =	vpush v7, $0x0;
	_ =	sdelay $0xe  }
0x13c: {  	s1 =	spop (v2sf)  }
0x13d: {  	s1 =	smul.u32 $0xE000, s1;
	_ =	sdelay $0x1  }
0x13e: {  	s1 =	sshrl.u32 s1, $0x3  }
0x13f: {  	s1 =	sadd.s32 s4, s1  }
0x140: {  	[tilespmem:s21], [sflag:$0x1] =	stream.linear.gather [hbm4b:s1+s0], $0xE000, $0x38;
	[tilespmem:$0x1C300] =	vst v63  }
0x141: {  	_ =	swait.ge [sflag:s25], $0xE000  }
0x142: {  	[sflag:s25] =	ssyncset.done $0x0  }
0x143: {  	s1 =	sand.u32 $0xF800, s0;
	s0 =	sand.u32 $0x380, s0;
	[sflag:s25] =	ssyncadd.s32 $0xFFFF2000  }
0x144: {  	s29 =	sor.u32 s0, s1;
	v7 =	vld.msk [tilespmem:$0x2A8 ss:$0x0], $0xffff  }
0x145: {  	v8 =	vld [tilespmem:s29+$0xE300]  }
0x146: {  	v9 =	vld [tilespmem:s29+$0xE310]  }
0x147: {  	v10 =	vld [tilespmem:s29+$0xE320]  }
0x148: {  	v12 =	vld [tilespmem:s29+$0xE330]  }
0x149: {  	v13 =	vld [tilespmem:s29+$0xE340]  }
0x14a: {  	v14 =	vld [tilespmem:s29+$0xE350];
	v8 =	vmul.f32 v8, v7  }
0x14b: {  	v15 =	vld [tilespmem:s29+$0xE360];
	v9 =	vmul.f32 v9, v7  }
0x14c: {  	v11 =	vld [tilespmem:s29+$0xE370];
	[tilespmem:s29+$0xE300] =	vst v8;
	v8 =	vmul.f32 v10, v7  }
0x14d: {  	[tilespmem:s29+$0xE310] =	vst v9;
	v9 =	vmul.f32 v12, v7;
	v10 =	vld [tilespmem:s29+$0xE700]  }
0x14e: {  	v12 =	vmul.f32 v13, v7;
	[tilespmem:s29+$0xE320] =	vst v8;
	v8 =	vld [tilespmem:s29+$0xE710]  }
0x14f: {  	v14 =	vmul.f32 v14, v7;
	[tilespmem:s29+$0xE330] =	vst v9;
	v9 =	vld [tilespmem:s29+$0xE720]  }
0x150: {  	s30 =	simm.s32 $0x80;
	s31 =	simm.s32 $0x100;
	v13 =	vmul.f32 v15, v7;
	[tilespmem:s29+$0xE340] =	vst v12;
	v12 =	vld [tilespmem:s29+$0xE730]  }
.LBB2_12:
0x151: {  	s0 =	sand.u32 $0xF800, s31;
	s1 =	sand.u32 $0x380, s30;
	p0 =	sne.s32 s31, $0xDF00;
	[tilespmem:s29+$0xE350] =	vst v14;
	v11 =	vmul.f32 v11, v7;
	v14 =	vld [tilespmem:s29+$0xE740]  }
0x152: {  	s0 =	sor.u32 s1, s0;
	[tilespmem:s29+$0xE360] =	vst v13;
	v10 =	vmul.f32 v10, v7;
	v13 =	vld [tilespmem:s29+$0xE750]  }
0x153: {  	v15 =	vld [tilespmem:s0+$0xE300];
	[tilespmem:s29+$0xE370] =	vst v11;
	v8 =	vmul.f32 v8, v7  }
0x154: {  	v11 =	vld [tilespmem:s0+$0xE310];
	[tilespmem:s29+$0xE700] =	vst v10;
	v9 =	vmul.f32 v9, v7  }
0x155: {  	v10 =	vld [tilespmem:s0+$0xE320];
	[tilespmem:s29+$0xE710] =	vst v8;
	v8 =	vmul.f32 v12, v7  }
0x156: {  	v12 =	vld [tilespmem:s0+$0xE330];
	[tilespmem:s29+$0xE720] =	vst v9;
	v9 =	vmul.f32 v14, v7  }
0x157: {  	v14 =	vld [tilespmem:s0+$0xE340];
	[tilespmem:s29+$0xE730] =	vst v8;
	v8 =	vmul.f32 v13, v7  }
0x158: {  	v13 =	vmul.f32 v15, v7;
	v15 =	vld [tilespmem:s0+$0xE350];
	[tilespmem:s29+$0xE740] =	vst v9  }
0x159: {  	v9 =	vmul.f32 v11, v7;
	v16 =	vld [tilespmem:s0+$0xE360];
	[tilespmem:s29+$0xE750] =	vst v8;
	s29 =	smov.u32 s0  }
.Ltmp5:
0x15a: {  	[tilespmem:s29+$0xE300] =	vst v13;
	v8 =	vmul.f32 v10, v7;
	v11 =	vld [tilespmem:s29+$0xE370];
	(pc) =	sbr.rel @p0 .LBB2_12-.Ltmp5, $4  }
0x15b: {  	[tilespmem:s29+$0xE310] =	vst v9;
	v9 =	vmul.f32 v12, v7;
	v10 =	vld [tilespmem:s29+$0xE700]  }
0x15c: {  	[tilespmem:s29+$0xE320] =	vst v8;
	v12 =	vmul.f32 v14, v7;
	v8 =	vld [tilespmem:s29+$0xE710]  }
0x15d: {  	[tilespmem:s29+$0xE330] =	vst v9;
	v14 =	vmul.f32 v15, v7;
	v9 =	vld [tilespmem:s29+$0xE720]  }
0x15e: {  	s30 =	sadd.s32 $0x80, s30;
	s31 =	sadd.s32 $0x100, s31;
	[tilespmem:s29+$0xE340] =	vst v12;
	v13 =	vmul.f32 v16, v7;
	v12 =	vld [tilespmem:s29+$0xE730]  }
0x15f: {  	[tilespmem:s29+$0xE350] =	vst v14;
	v11 =	vmul.f32 v11, v7;
	v14 =	vld [tilespmem:s29+$0xE740]  }
0x160: {  	[tilespmem:s29+$0xE360] =	vst v13;
	v10 =	vmul.f32 v10, v7;
	v13 =	vld [tilespmem:s29+$0xE750]  }
0x161: {  	[tilespmem:s29+$0xE370] =	vst v11;
	v8 =	vmul.f32 v8, v7  }
0x162: {  	[tilespmem:s29+$0xE700] =	vst v10;
	v9 =	vmul.f32 v9, v7  }
0x163: {  	[tilespmem:s29+$0xE710] =	vst v8;
	v8 =	vmul.f32 v12, v7  }
0x164: {  	[tilespmem:s29+$0xE720] =	vst v9;
	v9 =	vmul.f32 v14, v7  }
0x165: {  	[tilespmem:s29+$0xE730] =	vst v8;
	v7 =	vmul.f32 v13, v7  }
0x166: {  	[tilespmem:s29+$0xE740] =	vst v9  }
0x167: {  	s0 =	simm.s32 $0x0;
	[tilespmem:s29+$0xE750] =	vst v7  }
0x168: {  	[hbm4b:s11+s0] =	stream.linear.scatter [tilespmem:s22], [sflag:$0x4], $0xE000, $0x38;
	[tilespmem:$0x1C300] =	vst v63  }
0x169: {  	_ =	swait.ge [sflag:s26], $0xE000  }
0x16a: {  	[sflag:s26] =	ssyncset.done $0x0  }
0x16b: {  	[sflag:s26] =	ssyncadd.s32 $0xFFFF2000  }
0x16c: {  	v7 =	vld [tilespmem:$0x238];
	_ =	sdelay $0x4  }
0x16d: {  	(v2sf) =	vpush v7, $0x0;
	_ =	sdelay $0xe  }
0x16e: {  	s1 =	spop (v2sf)  }
0x16f: {  	s1 =	smul.u32 $0xE000, s1;
	_ =	sdelay $0x1  }
0x170: {  	s1 =	sshrl.u32 s1, $0x3  }
0x171: {  	s1 =	sadd.s32 s4, s1  }
0x172: {  	[tilespmem:s22], [sflag:$0x2] =	stream.linear.gather [hbm4b:s1+s0], $0xE000, $0x38;
	[tilespmem:$0x1C300] =	vst v63  }
0x173: {  	_ =	swait.ge [sflag:s23], $0xE000  }
0x174: {  	[sflag:s23] =	ssyncset.done $0x0  }
0x175: {  	s1 =	sand.u32 $0xF800, s0;
	s0 =	sand.u32 $0x380, s0;
	[sflag:s23] =	ssyncadd.s32 $0xFFFF2000  }
0x176: {  	s29 =	sor.u32 s0, s1;
	v7 =	vld.msk [tilespmem:$0x2B0 ss:$0x0], $0xffff  }
0x177: {  	v8 =	vld [tilespmem:s29+$0x300]  }
0x178: {  	v9 =	vld [tilespmem:s29+$0x310]  }
0x179: {  	v10 =	vld [tilespmem:s29+$0x320]  }
0x17a: {  	v12 =	vld [tilespmem:s29+$0x330]  }
0x17b: {  	v13 =	vld [tilespmem:s29+$0x340]  }
0x17c: {  	v14 =	vld [tilespmem:s29+$0x350];
	v8 =	vmul.f32 v8, v7  }
0x17d: {  	v15 =	vld [tilespmem:s29+$0x360];
	v9 =	vmul.f32 v9, v7  }
0x17e: {  	v11 =	vld [tilespmem:s29+$0x370];
	[tilespmem:s29+$0x300] =	vst v8;
	v8 =	vmul.f32 v10, v7  }
0x17f: {  	[tilespmem:s29+$0x310] =	vst v9;
	v9 =	vmul.f32 v12, v7;
	v10 =	vld [tilespmem:s29+$0x700]  }
0x180: {  	v12 =	vmul.f32 v13, v7;
	[tilespmem:s29+$0x320] =	vst v8;
	v8 =	vld [tilespmem:s29+$0x710]  }
0x181: {  	v14 =	vmul.f32 v14, v7;
	[tilespmem:s29+$0x330] =	vst v9;
	v9 =	vld [tilespmem:s29+$0x720]  }
0x182: {  	s30 =	simm.s32 $0x80;
	s31 =	simm.s32 $0x100;
	v13 =	vmul.f32 v15, v7;
	[tilespmem:s29+$0x340] =	vst v12;
	v12 =	vld [tilespmem:s29+$0x730]  }
.LBB2_14:
0x183: {  	s0 =	sand.u32 $0xF800, s31;
	s1 =	sand.u32 $0x380, s30;
	p0 =	sne.s32 s31, $0xDF00;
	[tilespmem:s29+$0x350] =	vst v14;
	v11 =	vmul.f32 v11, v7;
	v14 =	vld [tilespmem:s29+$0x740]  }
0x184: {  	s0 =	sor.u32 s1, s0;
	[tilespmem:s29+$0x360] =	vst v13;
	v10 =	vmul.f32 v10, v7;
	v13 =	vld [tilespmem:s29+$0x750]  }
0x185: {  	v15 =	vld [tilespmem:s0+$0x300];
	[tilespmem:s29+$0x370] =	vst v11;
	v8 =	vmul.f32 v8, v7  }
0x186: {  	v11 =	vld [tilespmem:s0+$0x310];
	[tilespmem:s29+$0x700] =	vst v10;
	v9 =	vmul.f32 v9, v7  }
0x187: {  	v10 =	vld [tilespmem:s0+$0x320];
	[tilespmem:s29+$0x710] =	vst v8;
	v8 =	vmul.f32 v12, v7  }
0x188: {  	v12 =	vld [tilespmem:s0+$0x330];
	[tilespmem:s29+$0x720] =	vst v9;
	v9 =	vmul.f32 v14, v7  }
0x189: {  	v14 =	vld [tilespmem:s0+$0x340];
	[tilespmem:s29+$0x730] =	vst v8;
	v8 =	vmul.f32 v13, v7  }
0x18a: {  	v13 =	vmul.f32 v15, v7;
	v15 =	vld [tilespmem:s0+$0x350];
	[tilespmem:s29+$0x740] =	vst v9  }
0x18b: {  	v9 =	vmul.f32 v11, v7;
	v16 =	vld [tilespmem:s0+$0x360];
	[tilespmem:s29+$0x750] =	vst v8;
	s29 =	smov.u32 s0  }
.Ltmp6:
0x18c: {  	[tilespmem:s29+$0x300] =	vst v13;
	v8 =	vmul.f32 v10, v7;
	v11 =	vld [tilespmem:s29+$0x370];
	(pc) =	sbr.rel @p0 .LBB2_14-.Ltmp6, $4  }
0x18d: {  	[tilespmem:s29+$0x310] =	vst v9;
	v9 =	vmul.f32 v12, v7;
	v10 =	vld [tilespmem:s29+$0x700]  }
0x18e: {  	[tilespmem:s29+$0x320] =	vst v8;
	v12 =	vmul.f32 v14, v7;
	v8 =	vld [tilespmem:s29+$0x710]  }
0x18f: {  	[tilespmem:s29+$0x330] =	vst v9;
	v14 =	vmul.f32 v15, v7;
	v9 =	vld [tilespmem:s29+$0x720]  }
0x190: {  	s30 =	sadd.s32 $0x80, s30;
	s31 =	sadd.s32 $0x100, s31;
	[tilespmem:s29+$0x340] =	vst v12;
	v13 =	vmul.f32 v16, v7;
	v12 =	vld [tilespmem:s29+$0x730]  }
0x191: {  	[tilespmem:s29+$0x350] =	vst v14;
	v11 =	vmul.f32 v11, v7;
	v14 =	vld [tilespmem:s29+$0x740]  }
0x192: {  	[tilespmem:s29+$0x360] =	vst v13;
	v10 =	vmul.f32 v10, v7;
	v13 =	vld [tilespmem:s29+$0x750]  }
0x193: {  	[tilespmem:s29+$0x370] =	vst v11;
	v8 =	vmul.f32 v8, v7  }
0x194: {  	[tilespmem:s29+$0x700] =	vst v10;
	v9 =	vmul.f32 v9, v7  }
0x195: {  	[tilespmem:s29+$0x710] =	vst v8;
	v8 =	vmul.f32 v12, v7  }
0x196: {  	[tilespmem:s29+$0x720] =	vst v9;
	v9 =	vmul.f32 v14, v7  }
0x197: {  	[tilespmem:s29+$0x730] =	vst v8;
	v7 =	vmul.f32 v13, v7  }
0x198: {  	[tilespmem:s29+$0x740] =	vst v9  }
0x199: {  	s0 =	simm.s32 $0x0;
	[tilespmem:s29+$0x750] =	vst v7  }
0x19a: {  	[hbm4b:s12+s0] =	stream.linear.scatter [tilespmem:s21], [sflag:$0x3], $0xE000, $0x38;
	[tilespmem:$0x1C300] =	vst v63  }
0x19b: {  	_ =	swait.ge [sflag:s24], $0xE000  }
0x19c: {  	[sflag:s24] =	ssyncset.done $0x0  }
0x19d: {  	[sflag:s24] =	ssyncadd.s32 $0xFFFF2000  }
0x19e: {  	v7 =	vld [tilespmem:$0x240];
	_ =	sdelay $0x4  }
0x19f: {  	(v2sf) =	vpush v7, $0x0;
	_ =	sdelay $0xe  }
0x1a0: {  	s1 =	spop (v2sf)  }
0x1a1: {  	s1 =	smul.u32 $0xE000, s1;
	_ =	sdelay $0x1  }
0x1a2: {  	s1 =	sshrl.u32 s1, $0x3  }
0x1a3: {  	s1 =	sadd.s32 s4, s1  }
0x1a4: {  	[tilespmem:s21], [sflag:$0x1] =	stream.linear.gather [hbm4b:s1+s0], $0xE000, $0x38;
	[tilespmem:$0x1C300] =	vst v63  }
0x1a5: {  	_ =	swait.ge [sflag:s25], $0xE000  }
0x1a6: {  	[sflag:s25] =	ssyncset.done $0x0  }
0x1a7: {  	s1 =	sand.u32 $0xF800, s0;
	s0 =	sand.u32 $0x380, s0;
	[sflag:s25] =	ssyncadd.s32 $0xFFFF2000  }
0x1a8: {  	s29 =	sor.u32 s0, s1;
	v7 =	vld.msk [tilespmem:$0x2B8 ss:$0x0], $0xffff  }
0x1a9: {  	v8 =	vld [tilespmem:s29+$0xE300]  }
0x1aa: {  	v9 =	vld [tilespmem:s29+$0xE310]  }
0x1ab: {  	v10 =	vld [tilespmem:s29+$0xE320]  }
0x1ac: {  	v12 =	vld [tilespmem:s29+$0xE330]  }
0x1ad: {  	v13 =	vld [tilespmem:s29+$0xE340]  }
0x1ae: {  	v14 =	vld [tilespmem:s29+$0xE350];
	v8 =	vmul.f32 v8, v7  }
0x1af: {  	v15 =	vld [tilespmem:s29+$0xE360];
	v9 =	vmul.f32 v9, v7  }
0x1b0: {  	v11 =	vld [tilespmem:s29+$0xE370];
	[tilespmem:s29+$0xE300] =	vst v8;
	v8 =	vmul.f32 v10, v7  }
0x1b1: {  	[tilespmem:s29+$0xE310] =	vst v9;
	v9 =	vmul.f32 v12, v7;
	v10 =	vld [tilespmem:s29+$0xE700]  }
0x1b2: {  	v12 =	vmul.f32 v13, v7;
	[tilespmem:s29+$0xE320] =	vst v8;
	v8 =	vld [tilespmem:s29+$0xE710]  }
0x1b3: {  	v14 =	vmul.f32 v14, v7;
	[tilespmem:s29+$0xE330] =	vst v9;
	v9 =	vld [tilespmem:s29+$0xE720]  }
0x1b4: {  	s30 =	simm.s32 $0x80;
	s31 =	simm.s32 $0x100;
	v13 =	vmul.f32 v15, v7;
	[tilespmem:s29+$0xE340] =	vst v12;
	v12 =	vld [tilespmem:s29+$0xE730]  }
.LBB2_16:
0x1b5: {  	s0 =	sand.u32 $0xF800, s31;
	s1 =	sand.u32 $0x380, s30;
	p0 =	sne.s32 s31, $0xDF00;
	[tilespmem:s29+$0xE350] =	vst v14;
	v11 =	vmul.f32 v11, v7;
	v14 =	vld [tilespmem:s29+$0xE740]  }
0x1b6: {  	s0 =	sor.u32 s1, s0;
	[tilespmem:s29+$0xE360] =	vst v13;
	v10 =	vmul.f32 v10, v7;
	v13 =	vld [tilespmem:s29+$0xE750]  }
0x1b7: {  	v15 =	vld [tilespmem:s0+$0xE300];
	[tilespmem:s29+$0xE370] =	vst v11;
	v8 =	vmul.f32 v8, v7  }
0x1b8: {  	v11 =	vld [tilespmem:s0+$0xE310];
	[tilespmem:s29+$0xE700] =	vst v10;
	v9 =	vmul.f32 v9, v7  }
0x1b9: {  	v10 =	vld [tilespmem:s0+$0xE320];
	[tilespmem:s29+$0xE710] =	vst v8;
	v8 =	vmul.f32 v12, v7  }
0x1ba: {  	v12 =	vld [tilespmem:s0+$0xE330];
	[tilespmem:s29+$0xE720] =	vst v9;
	v9 =	vmul.f32 v14, v7  }
0x1bb: {  	v14 =	vld [tilespmem:s0+$0xE340];
	[tilespmem:s29+$0xE730] =	vst v8;
	v8 =	vmul.f32 v13, v7  }
0x1bc: {  	v13 =	vmul.f32 v15, v7;
	v15 =	vld [tilespmem:s0+$0xE350];
	[tilespmem:s29+$0xE740] =	vst v9  }
0x1bd: {  	v9 =	vmul.f32 v11, v7;
	v16 =	vld [tilespmem:s0+$0xE360];
	[tilespmem:s29+$0xE750] =	vst v8;
	s29 =	smov.u32 s0  }
.Ltmp7:
0x1be: {  	[tilespmem:s29+$0xE300] =	vst v13;
	v8 =	vmul.f32 v10, v7;
	v11 =	vld [tilespmem:s29+$0xE370];
	(pc) =	sbr.rel @p0 .LBB2_16-.Ltmp7, $4  }
0x1bf: {  	[tilespmem:s29+$0xE310] =	vst v9;
	v9 =	vmul.f32 v12, v7;
	v10 =	vld [tilespmem:s29+$0xE700]  }
0x1c0: {  	[tilespmem:s29+$0xE320] =	vst v8;
	v12 =	vmul.f32 v14, v7;
	v8 =	vld [tilespmem:s29+$0xE710]  }
0x1c1: {  	[tilespmem:s29+$0xE330] =	vst v9;
	v14 =	vmul.f32 v15, v7;
	v9 =	vld [tilespmem:s29+$0xE720]  }
0x1c2: {  	s30 =	sadd.s32 $0x80, s30;
	s31 =	sadd.s32 $0x100, s31;
	[tilespmem:s29+$0xE340] =	vst v12;
	v13 =	vmul.f32 v16, v7;
	v12 =	vld [tilespmem:s29+$0xE730]  }
0x1c3: {  	[tilespmem:s29+$0xE350] =	vst v14;
	v11 =	vmul.f32 v11, v7;
	v14 =	vld [tilespmem:s29+$0xE740]  }
0x1c4: {  	[tilespmem:s29+$0xE360] =	vst v13;
	v10 =	vmul.f32 v10, v7;
	v13 =	vld [tilespmem:s29+$0xE750]  }
0x1c5: {  	[tilespmem:s29+$0xE370] =	vst v11;
	v8 =	vmul.f32 v8, v7  }
0x1c6: {  	[tilespmem:s29+$0xE700] =	vst v10;
	v9 =	vmul.f32 v9, v7  }
0x1c7: {  	[tilespmem:s29+$0xE710] =	vst v8;
	v8 =	vmul.f32 v12, v7  }
0x1c8: {  	[tilespmem:s29+$0xE720] =	vst v9;
	v9 =	vmul.f32 v14, v7  }
0x1c9: {  	[tilespmem:s29+$0xE730] =	vst v8;
	v7 =	vmul.f32 v13, v7  }
0x1ca: {  	[tilespmem:s29+$0xE740] =	vst v9  }
0x1cb: {  	s0 =	simm.s32 $0x0;
	[tilespmem:s29+$0xE750] =	vst v7  }
0x1cc: {  	[hbm4b:s13+s0] =	stream.linear.scatter [tilespmem:s22], [sflag:$0x4], $0xE000, $0x38;
	[tilespmem:$0x1C300] =	vst v63  }
0x1cd: {  	_ =	swait.ge [sflag:s26], $0xE000  }
0x1ce: {  	[sflag:s26] =	ssyncset.done $0x0  }
0x1cf: {  	[sflag:s26] =	ssyncadd.s32 $0xFFFF2000  }
0x1d0: {  	v7 =	vld [tilespmem:$0x248];
	_ =	sdelay $0x4  }
0x1d1: {  	(v2sf) =	vpush v7, $0x0;
	_ =	sdelay $0xe  }
0x1d2: {  	s1 =	spop (v2sf)  }
0x1d3: {  	s1 =	smul.u32 $0xE000, s1;
	_ =	sdelay $0x1  }
0x1d4: {  	s1 =	sshrl.u32 s1, $0x3  }
0x1d5: {  	s1 =	sadd.s32 s4, s1  }
0x1d6: {  	[tilespmem:s22], [sflag:$0x2] =	stream.linear.gather [hbm4b:s1+s0], $0xE000, $0x38;
	[tilespmem:$0x1C300] =	vst v63  }
0x1d7: {  	_ =	swait.ge [sflag:s23], $0xE000  }
0x1d8: {  	[sflag:s23] =	ssyncset.done $0x0  }
0x1d9: {  	s1 =	sand.u32 $0xF800, s0;
	s0 =	sand.u32 $0x380, s0;
	[sflag:s23] =	ssyncadd.s32 $0xFFFF2000  }
0x1da: {  	s29 =	sor.u32 s0, s1;
	v7 =	vld.msk [tilespmem:$0x2C0 ss:$0x0], $0xffff  }
0x1db: {  	v8 =	vld [tilespmem:s29+$0x300]  }
0x1dc: {  	v9 =	vld [tilespmem:s29+$0x310]  }
0x1dd: {  	v10 =	vld [tilespmem:s29+$0x320]  }
0x1de: {  	v12 =	vld [tilespmem:s29+$0x330]  }
0x1df: {  	v13 =	vld [tilespmem:s29+$0x340]  }
0x1e0: {  	v14 =	vld [tilespmem:s29+$0x350];
	v8 =	vmul.f32 v8, v7  }
0x1e1: {  	v15 =	vld [tilespmem:s29+$0x360];
	v9 =	vmul.f32 v9, v7  }
0x1e2: {  	v11 =	vld [tilespmem:s29+$0x370];
	[tilespmem:s29+$0x300] =	vst v8;
	v8 =	vmul.f32 v10, v7  }
0x1e3: {  	[tilespmem:s29+$0x310] =	vst v9;
	v9 =	vmul.f32 v12, v7;
	v10 =	vld [tilespmem:s29+$0x700]  }
0x1e4: {  	v12 =	vmul.f32 v13, v7;
	[tilespmem:s29+$0x320] =	vst v8;
	v8 =	vld [tilespmem:s29+$0x710]  }
0x1e5: {  	v14 =	vmul.f32 v14, v7;
	[tilespmem:s29+$0x330] =	vst v9;
	v9 =	vld [tilespmem:s29+$0x720]  }
0x1e6: {  	s30 =	simm.s32 $0x80;
	s31 =	simm.s32 $0x100;
	v13 =	vmul.f32 v15, v7;
	[tilespmem:s29+$0x340] =	vst v12;
	v12 =	vld [tilespmem:s29+$0x730]  }
.LBB2_18:
0x1e7: {  	s0 =	sand.u32 $0xF800, s31;
	s1 =	sand.u32 $0x380, s30;
	p0 =	sne.s32 s31, $0xDF00;
	[tilespmem:s29+$0x350] =	vst v14;
	v11 =	vmul.f32 v11, v7;
	v14 =	vld [tilespmem:s29+$0x740]  }
0x1e8: {  	s0 =	sor.u32 s1, s0;
	[tilespmem:s29+$0x360] =	vst v13;
	v10 =	vmul.f32 v10, v7;
	v13 =	vld [tilespmem:s29+$0x750]  }
0x1e9: {  	v15 =	vld [tilespmem:s0+$0x300];
	[tilespmem:s29+$0x370] =	vst v11;
	v8 =	vmul.f32 v8, v7  }
0x1ea: {  	v11 =	vld [tilespmem:s0+$0x310];
	[tilespmem:s29+$0x700] =	vst v10;
	v9 =	vmul.f32 v9, v7  }
0x1eb: {  	v10 =	vld [tilespmem:s0+$0x320];
	[tilespmem:s29+$0x710] =	vst v8;
	v8 =	vmul.f32 v12, v7  }
0x1ec: {  	v12 =	vld [tilespmem:s0+$0x330];
	[tilespmem:s29+$0x720] =	vst v9;
	v9 =	vmul.f32 v14, v7  }
0x1ed: {  	v14 =	vld [tilespmem:s0+$0x340];
	[tilespmem:s29+$0x730] =	vst v8;
	v8 =	vmul.f32 v13, v7  }
0x1ee: {  	v13 =	vmul.f32 v15, v7;
	v15 =	vld [tilespmem:s0+$0x350];
	[tilespmem:s29+$0x740] =	vst v9  }
0x1ef: {  	v9 =	vmul.f32 v11, v7;
	v16 =	vld [tilespmem:s0+$0x360];
	[tilespmem:s29+$0x750] =	vst v8;
	s29 =	smov.u32 s0  }
.Ltmp8:
0x1f0: {  	[tilespmem:s29+$0x300] =	vst v13;
	v8 =	vmul.f32 v10, v7;
	v11 =	vld [tilespmem:s29+$0x370];
	(pc) =	sbr.rel @p0 .LBB2_18-.Ltmp8, $4  }
0x1f1: {  	[tilespmem:s29+$0x310] =	vst v9;
	v9 =	vmul.f32 v12, v7;
	v10 =	vld [tilespmem:s29+$0x700]  }
0x1f2: {  	[tilespmem:s29+$0x320] =	vst v8;
	v12 =	vmul.f32 v14, v7;
	v8 =	vld [tilespmem:s29+$0x710]  }
0x1f3: {  	[tilespmem:s29+$0x330] =	vst v9;
	v14 =	vmul.f32 v15, v7;
	v9 =	vld [tilespmem:s29+$0x720]  }
0x1f4: {  	s30 =	sadd.s32 $0x80, s30;
	s31 =	sadd.s32 $0x100, s31;
	[tilespmem:s29+$0x340] =	vst v12;
	v13 =	vmul.f32 v16, v7;
	v12 =	vld [tilespmem:s29+$0x730]  }
0x1f5: {  	[tilespmem:s29+$0x350] =	vst v14;
	v11 =	vmul.f32 v11, v7;
	v14 =	vld [tilespmem:s29+$0x740]  }
0x1f6: {  	[tilespmem:s29+$0x360] =	vst v13;
	v10 =	vmul.f32 v10, v7;
	v13 =	vld [tilespmem:s29+$0x750]  }
0x1f7: {  	[tilespmem:s29+$0x370] =	vst v11;
	v8 =	vmul.f32 v8, v7  }
0x1f8: {  	[tilespmem:s29+$0x700] =	vst v10;
	v9 =	vmul.f32 v9, v7  }
0x1f9: {  	[tilespmem:s29+$0x710] =	vst v8;
	v8 =	vmul.f32 v12, v7  }
0x1fa: {  	[tilespmem:s29+$0x720] =	vst v9;
	v9 =	vmul.f32 v14, v7  }
0x1fb: {  	[tilespmem:s29+$0x730] =	vst v8;
	v7 =	vmul.f32 v13, v7  }
0x1fc: {  	[tilespmem:s29+$0x740] =	vst v9  }
0x1fd: {  	s0 =	simm.s32 $0x0;
	[tilespmem:s29+$0x750] =	vst v7  }
0x1fe: {  	[hbm4b:s14+s0] =	stream.linear.scatter [tilespmem:s21], [sflag:$0x3], $0xE000, $0x38;
	[tilespmem:$0x1C300] =	vst v63  }
0x1ff: {  	_ =	swait.ge [sflag:s24], $0xE000  }
0x200: {  	[sflag:s24] =	ssyncset.done $0x0  }
0x201: {  	[sflag:s24] =	ssyncadd.s32 $0xFFFF2000  }
0x202: {  	v7 =	vld [tilespmem:$0x250];
	_ =	sdelay $0x4  }
0x203: {  	(v2sf) =	vpush v7, $0x0;
	_ =	sdelay $0xe  }
0x204: {  	s1 =	spop (v2sf)  }
0x205: {  	s1 =	smul.u32 $0xE000, s1;
	_ =	sdelay $0x1  }
0x206: {  	s1 =	sshrl.u32 s1, $0x3  }
0x207: {  	s1 =	sadd.s32 s4, s1  }
0x208: {  	[tilespmem:s21], [sflag:$0x1] =	stream.linear.gather [hbm4b:s1+s0], $0xE000, $0x38;
	[tilespmem:$0x1C300] =	vst v63  }
0x209: {  	_ =	swait.ge [sflag:s25], $0xE000  }
0x20a: {  	[sflag:s25] =	ssyncset.done $0x0  }
0x20b: {  	s1 =	sand.u32 $0xF800, s0;
	s0 =	sand.u32 $0x380, s0;
	[sflag:s25] =	ssyncadd.s32 $0xFFFF2000  }
0x20c: {  	s29 =	sor.u32 s0, s1;
	v7 =	vld.msk [tilespmem:$0x2C8 ss:$0x0], $0xffff  }
0x20d: {  	v8 =	vld [tilespmem:s29+$0xE300]  }
0x20e: {  	v9 =	vld [tilespmem:s29+$0xE310]  }
0x20f: {  	v10 =	vld [tilespmem:s29+$0xE320]  }
0x210: {  	v12 =	vld [tilespmem:s29+$0xE330]  }
0x211: {  	v13 =	vld [tilespmem:s29+$0xE340]  }
0x212: {  	v14 =	vld [tilespmem:s29+$0xE350];
	v8 =	vmul.f32 v8, v7  }
0x213: {  	v15 =	vld [tilespmem:s29+$0xE360];
	v9 =	vmul.f32 v9, v7  }
0x214: {  	v11 =	vld [tilespmem:s29+$0xE370];
	[tilespmem:s29+$0xE300] =	vst v8;
	v8 =	vmul.f32 v10, v7  }
0x215: {  	[tilespmem:s29+$0xE310] =	vst v9;
	v9 =	vmul.f32 v12, v7;
	v10 =	vld [tilespmem:s29+$0xE700]  }
0x216: {  	v12 =	vmul.f32 v13, v7;
	[tilespmem:s29+$0xE320] =	vst v8;
	v8 =	vld [tilespmem:s29+$0xE710]  }
0x217: {  	v14 =	vmul.f32 v14, v7;
	[tilespmem:s29+$0xE330] =	vst v9;
	v9 =	vld [tilespmem:s29+$0xE720]  }
0x218: {  	s30 =	simm.s32 $0x80;
	s31 =	simm.s32 $0x100;
	v13 =	vmul.f32 v15, v7;
	[tilespmem:s29+$0xE340] =	vst v12;
	v12 =	vld [tilespmem:s29+$0xE730]  }
.LBB2_20:
0x219: {  	s0 =	sand.u32 $0xF800, s31;
	s1 =	sand.u32 $0x380, s30;
	p0 =	sne.s32 s31, $0xDF00;
	[tilespmem:s29+$0xE350] =	vst v14;
	v11 =	vmul.f32 v11, v7;
	v14 =	vld [tilespmem:s29+$0xE740]  }
0x21a: {  	s0 =	sor.u32 s1, s0;
	[tilespmem:s29+$0xE360] =	vst v13;
	v10 =	vmul.f32 v10, v7;
	v13 =	vld [tilespmem:s29+$0xE750]  }
0x21b: {  	v15 =	vld [tilespmem:s0+$0xE300];
	[tilespmem:s29+$0xE370] =	vst v11;
	v8 =	vmul.f32 v8, v7  }
0x21c: {  	v11 =	vld [tilespmem:s0+$0xE310];
	[tilespmem:s29+$0xE700] =	vst v10;
	v9 =	vmul.f32 v9, v7  }
0x21d: {  	v10 =	vld [tilespmem:s0+$0xE320];
	[tilespmem:s29+$0xE710] =	vst v8;
	v8 =	vmul.f32 v12, v7  }
0x21e: {  	v12 =	vld [tilespmem:s0+$0xE330];
	[tilespmem:s29+$0xE720] =	vst v9;
	v9 =	vmul.f32 v14, v7  }
0x21f: {  	v14 =	vld [tilespmem:s0+$0xE340];
	[tilespmem:s29+$0xE730] =	vst v8;
	v8 =	vmul.f32 v13, v7  }
0x220: {  	v13 =	vmul.f32 v15, v7;
	v15 =	vld [tilespmem:s0+$0xE350];
	[tilespmem:s29+$0xE740] =	vst v9  }
0x221: {  	v9 =	vmul.f32 v11, v7;
	v16 =	vld [tilespmem:s0+$0xE360];
	[tilespmem:s29+$0xE750] =	vst v8;
	s29 =	smov.u32 s0  }
.Ltmp9:
0x222: {  	[tilespmem:s29+$0xE300] =	vst v13;
	v8 =	vmul.f32 v10, v7;
	v11 =	vld [tilespmem:s29+$0xE370];
	(pc) =	sbr.rel @p0 .LBB2_20-.Ltmp9, $4  }
0x223: {  	[tilespmem:s29+$0xE310] =	vst v9;
	v9 =	vmul.f32 v12, v7;
	v10 =	vld [tilespmem:s29+$0xE700]  }
0x224: {  	[tilespmem:s29+$0xE320] =	vst v8;
	v12 =	vmul.f32 v14, v7;
	v8 =	vld [tilespmem:s29+$0xE710]  }
0x225: {  	[tilespmem:s29+$0xE330] =	vst v9;
	v14 =	vmul.f32 v15, v7;
	v9 =	vld [tilespmem:s29+$0xE720]  }
0x226: {  	s30 =	sadd.s32 $0x80, s30;
	s31 =	sadd.s32 $0x100, s31;
	[tilespmem:s29+$0xE340] =	vst v12;
	v13 =	vmul.f32 v16, v7;
	v12 =	vld [tilespmem:s29+$0xE730]  }
0x227: {  	[tilespmem:s29+$0xE350] =	vst v14;
	v11 =	vmul.f32 v11, v7;
	v14 =	vld [tilespmem:s29+$0xE740]  }
0x228: {  	[tilespmem:s29+$0xE360] =	vst v13;
	v10 =	vmul.f32 v10, v7;
	v13 =	vld [tilespmem:s29+$0xE750]  }
0x229: {  	[tilespmem:s29+$0xE370] =	vst v11;
	v8 =	vmul.f32 v8, v7  }
0x22a: {  	[tilespmem:s29+$0xE700] =	vst v10;
	v9 =	vmul.f32 v9, v7  }
0x22b: {  	[tilespmem:s29+$0xE710] =	vst v8;
	v8 =	vmul.f32 v12, v7  }
0x22c: {  	[tilespmem:s29+$0xE720] =	vst v9;
	v9 =	vmul.f32 v14, v7  }
0x22d: {  	[tilespmem:s29+$0xE730] =	vst v8;
	v7 =	vmul.f32 v13, v7  }
0x22e: {  	[tilespmem:s29+$0xE740] =	vst v9  }
0x22f: {  	s0 =	simm.s32 $0x0;
	[tilespmem:s29+$0xE750] =	vst v7  }
0x230: {  	[hbm4b:s15+s0] =	stream.linear.scatter [tilespmem:s22], [sflag:$0x4], $0xE000, $0x38;
	[tilespmem:$0x1C300] =	vst v63  }
0x231: {  	_ =	swait.ge [sflag:s26], $0xE000  }
0x232: {  	[sflag:s26] =	ssyncset.done $0x0  }
0x233: {  	[sflag:s26] =	ssyncadd.s32 $0xFFFF2000  }
0x234: {  	v7 =	vld [tilespmem:$0x258];
	_ =	sdelay $0x4  }
0x235: {  	(v2sf) =	vpush v7, $0x0;
	_ =	sdelay $0xe  }
0x236: {  	s1 =	spop (v2sf)  }
0x237: {  	s1 =	smul.u32 $0xE000, s1;
	_ =	sdelay $0x1  }
0x238: {  	s1 =	sshrl.u32 s1, $0x3  }
0x239: {  	s1 =	sadd.s32 s4, s1  }
0x23a: {  	[tilespmem:s22], [sflag:$0x2] =	stream.linear.gather [hbm4b:s1+s0], $0xE000, $0x38;
	[tilespmem:$0x1C300] =	vst v63  }
0x23b: {  	_ =	swait.ge [sflag:s23], $0xE000  }
0x23c: {  	[sflag:s23] =	ssyncset.done $0x0  }
0x23d: {  	s1 =	sand.u32 $0xF800, s0;
	s0 =	sand.u32 $0x380, s0;
	[sflag:s23] =	ssyncadd.s32 $0xFFFF2000  }
0x23e: {  	s29 =	sor.u32 s0, s1;
	v7 =	vld.msk [tilespmem:$0x2D0 ss:$0x0], $0xffff  }
0x23f: {  	v8 =	vld [tilespmem:s29+$0x300]  }
0x240: {  	v9 =	vld [tilespmem:s29+$0x310]  }
0x241: {  	v10 =	vld [tilespmem:s29+$0x320]  }
0x242: {  	v12 =	vld [tilespmem:s29+$0x330]  }
0x243: {  	v13 =	vld [tilespmem:s29+$0x340]  }
0x244: {  	v14 =	vld [tilespmem:s29+$0x350];
	v8 =	vmul.f32 v8, v7  }
0x245: {  	v15 =	vld [tilespmem:s29+$0x360];
	v9 =	vmul.f32 v9, v7  }
0x246: {  	v11 =	vld [tilespmem:s29+$0x370];
	[tilespmem:s29+$0x300] =	vst v8;
	v8 =	vmul.f32 v10, v7  }
0x247: {  	[tilespmem:s29+$0x310] =	vst v9;
	v9 =	vmul.f32 v12, v7;
	v10 =	vld [tilespmem:s29+$0x700]  }
0x248: {  	v12 =	vmul.f32 v13, v7;
	[tilespmem:s29+$0x320] =	vst v8;
	v8 =	vld [tilespmem:s29+$0x710]  }
0x249: {  	v14 =	vmul.f32 v14, v7;
	[tilespmem:s29+$0x330] =	vst v9;
	v9 =	vld [tilespmem:s29+$0x720]  }
0x24a: {  	s30 =	simm.s32 $0x80;
	s31 =	simm.s32 $0x100;
	v13 =	vmul.f32 v15, v7;
	[tilespmem:s29+$0x340] =	vst v12;
	v12 =	vld [tilespmem:s29+$0x730]  }
.LBB2_22:
0x24b: {  	s0 =	sand.u32 $0xF800, s31;
	s1 =	sand.u32 $0x380, s30;
	p0 =	sne.s32 s31, $0xDF00;
	[tilespmem:s29+$0x350] =	vst v14;
	v11 =	vmul.f32 v11, v7;
	v14 =	vld [tilespmem:s29+$0x740]  }
0x24c: {  	s0 =	sor.u32 s1, s0;
	[tilespmem:s29+$0x360] =	vst v13;
	v10 =	vmul.f32 v10, v7;
	v13 =	vld [tilespmem:s29+$0x750]  }
0x24d: {  	v15 =	vld [tilespmem:s0+$0x300];
	[tilespmem:s29+$0x370] =	vst v11;
	v8 =	vmul.f32 v8, v7  }
0x24e: {  	v11 =	vld [tilespmem:s0+$0x310];
	[tilespmem:s29+$0x700] =	vst v10;
	v9 =	vmul.f32 v9, v7  }
0x24f: {  	v10 =	vld [tilespmem:s0+$0x320];
	[tilespmem:s29+$0x710] =	vst v8;
	v8 =	vmul.f32 v12, v7  }
0x250: {  	v12 =	vld [tilespmem:s0+$0x330];
	[tilespmem:s29+$0x720] =	vst v9;
	v9 =	vmul.f32 v14, v7  }
0x251: {  	v14 =	vld [tilespmem:s0+$0x340];
	[tilespmem:s29+$0x730] =	vst v8;
	v8 =	vmul.f32 v13, v7  }
0x252: {  	v13 =	vmul.f32 v15, v7;
	v15 =	vld [tilespmem:s0+$0x350];
	[tilespmem:s29+$0x740] =	vst v9  }
0x253: {  	v9 =	vmul.f32 v11, v7;
	v16 =	vld [tilespmem:s0+$0x360];
	[tilespmem:s29+$0x750] =	vst v8;
	s29 =	smov.u32 s0  }
.Ltmp10:
0x254: {  	[tilespmem:s29+$0x300] =	vst v13;
	v8 =	vmul.f32 v10, v7;
	v11 =	vld [tilespmem:s29+$0x370];
	(pc) =	sbr.rel @p0 .LBB2_22-.Ltmp10, $4  }
0x255: {  	[tilespmem:s29+$0x310] =	vst v9;
	v9 =	vmul.f32 v12, v7;
	v10 =	vld [tilespmem:s29+$0x700]  }
0x256: {  	[tilespmem:s29+$0x320] =	vst v8;
	v12 =	vmul.f32 v14, v7;
	v8 =	vld [tilespmem:s29+$0x710]  }
0x257: {  	[tilespmem:s29+$0x330] =	vst v9;
	v14 =	vmul.f32 v15, v7;
	v9 =	vld [tilespmem:s29+$0x720]  }
0x258: {  	s30 =	sadd.s32 $0x80, s30;
	s31 =	sadd.s32 $0x100, s31;
	[tilespmem:s29+$0x340] =	vst v12;
	v13 =	vmul.f32 v16, v7;
	v12 =	vld [tilespmem:s29+$0x730]  }
0x259: {  	[tilespmem:s29+$0x350] =	vst v14;
	v11 =	vmul.f32 v11, v7;
	v14 =	vld [tilespmem:s29+$0x740]  }
0x25a: {  	[tilespmem:s29+$0x360] =	vst v13;
	v10 =	vmul.f32 v10, v7;
	v13 =	vld [tilespmem:s29+$0x750]  }
0x25b: {  	[tilespmem:s29+$0x370] =	vst v11;
	v8 =	vmul.f32 v8, v7  }
0x25c: {  	[tilespmem:s29+$0x700] =	vst v10;
	v9 =	vmul.f32 v9, v7  }
0x25d: {  	[tilespmem:s29+$0x710] =	vst v8;
	v8 =	vmul.f32 v12, v7  }
0x25e: {  	[tilespmem:s29+$0x720] =	vst v9;
	v9 =	vmul.f32 v14, v7  }
0x25f: {  	[tilespmem:s29+$0x730] =	vst v8;
	v7 =	vmul.f32 v13, v7  }
0x260: {  	[tilespmem:s29+$0x740] =	vst v9  }
0x261: {  	s0 =	simm.s32 $0x0;
	[tilespmem:s29+$0x750] =	vst v7  }
0x262: {  	[hbm4b:s16+s0] =	stream.linear.scatter [tilespmem:s21], [sflag:$0x3], $0xE000, $0x38;
	[tilespmem:$0x1C300] =	vst v63  }
0x263: {  	_ =	swait.ge [sflag:s25], $0xE000  }
0x264: {  	[sflag:s25] =	ssyncset.done $0x0  }
0x265: {  	s1 =	sand.u32 $0xF800, s0;
	s0 =	sand.u32 $0x380, s0;
	[sflag:s25] =	ssyncadd.s32 $0xFFFF2000  }
0x266: {  	s29 =	sor.u32 s0, s1;
	v7 =	vld.msk [tilespmem:$0x2D8 ss:$0x0], $0xffff  }
0x267: {  	v8 =	vld [tilespmem:s29+$0xE300]  }
0x268: {  	v9 =	vld [tilespmem:s29+$0xE310]  }
0x269: {  	v10 =	vld [tilespmem:s29+$0xE320]  }
0x26a: {  	v12 =	vld [tilespmem:s29+$0xE330]  }
0x26b: {  	v13 =	vld [tilespmem:s29+$0xE340]  }
0x26c: {  	v14 =	vld [tilespmem:s29+$0xE350];
	v8 =	vmul.f32 v8, v7  }
0x26d: {  	v15 =	vld [tilespmem:s29+$0xE360];
	v9 =	vmul.f32 v9, v7  }
0x26e: {  	v11 =	vld [tilespmem:s29+$0xE370];
	[tilespmem:s29+$0xE300] =	vst v8;
	v8 =	vmul.f32 v10, v7  }
0x26f: {  	[tilespmem:s29+$0xE310] =	vst v9;
	v9 =	vmul.f32 v12, v7;
	v10 =	vld [tilespmem:s29+$0xE700]  }
0x270: {  	v12 =	vmul.f32 v13, v7;
	[tilespmem:s29+$0xE320] =	vst v8;
	v8 =	vld [tilespmem:s29+$0xE710]  }
0x271: {  	v14 =	vmul.f32 v14, v7;
	[tilespmem:s29+$0xE330] =	vst v9;
	v9 =	vld [tilespmem:s29+$0xE720]  }
0x272: {  	s30 =	simm.s32 $0x80;
	s31 =	simm.s32 $0x100;
	v13 =	vmul.f32 v15, v7;
	[tilespmem:s29+$0xE340] =	vst v12;
	v12 =	vld [tilespmem:s29+$0xE730]  }
.LBB2_24:
0x273: {  	s0 =	sand.u32 $0xF800, s31;
	s1 =	sand.u32 $0x380, s30;
	p0 =	sne.s32 s31, $0xDF00;
	[tilespmem:s29+$0xE350] =	vst v14;
	v11 =	vmul.f32 v11, v7;
	v14 =	vld [tilespmem:s29+$0xE740]  }
0x274: {  	s0 =	sor.u32 s1, s0;
	[tilespmem:s29+$0xE360] =	vst v13;
	v10 =	vmul.f32 v10, v7;
	v13 =	vld [tilespmem:s29+$0xE750]  }
0x275: {  	v15 =	vld [tilespmem:s0+$0xE300];
	[tilespmem:s29+$0xE370] =	vst v11;
	v8 =	vmul.f32 v8, v7  }
0x276: {  	v11 =	vld [tilespmem:s0+$0xE310];
	[tilespmem:s29+$0xE700] =	vst v10;
	v9 =	vmul.f32 v9, v7  }
0x277: {  	v10 =	vld [tilespmem:s0+$0xE320];
	[tilespmem:s29+$0xE710] =	vst v8;
	v8 =	vmul.f32 v12, v7  }
0x278: {  	v12 =	vld [tilespmem:s0+$0xE330];
	[tilespmem:s29+$0xE720] =	vst v9;
	v9 =	vmul.f32 v14, v7  }
0x279: {  	v14 =	vld [tilespmem:s0+$0xE340];
	[tilespmem:s29+$0xE730] =	vst v8;
	v8 =	vmul.f32 v13, v7  }
0x27a: {  	v13 =	vmul.f32 v15, v7;
	v15 =	vld [tilespmem:s0+$0xE350];
	[tilespmem:s29+$0xE740] =	vst v9  }
0x27b: {  	v9 =	vmul.f32 v11, v7;
	v16 =	vld [tilespmem:s0+$0xE360];
	[tilespmem:s29+$0xE750] =	vst v8;
	s29 =	smov.u32 s0  }
.Ltmp11:
0x27c: {  	[tilespmem:s29+$0xE300] =	vst v13;
	v8 =	vmul.f32 v10, v7;
	v11 =	vld [tilespmem:s29+$0xE370];
	(pc) =	sbr.rel @p0 .LBB2_24-.Ltmp11, $4  }
0x27d: {  	[tilespmem:s29+$0xE310] =	vst v9;
	v9 =	vmul.f32 v12, v7;
	v10 =	vld [tilespmem:s29+$0xE700]  }
0x27e: {  	[tilespmem:s29+$0xE320] =	vst v8;
	v12 =	vmul.f32 v14, v7;
	v8 =	vld [tilespmem:s29+$0xE710]  }
0x27f: {  	[tilespmem:s29+$0xE330] =	vst v9;
	v14 =	vmul.f32 v15, v7;
	v9 =	vld [tilespmem:s29+$0xE720]  }
0x280: {  	s30 =	sadd.s32 $0x80, s30;
	s31 =	sadd.s32 $0x100, s31;
	[tilespmem:s29+$0xE340] =	vst v12;
	v13 =	vmul.f32 v16, v7;
	v12 =	vld [tilespmem:s29+$0xE730]  }
0x281: {  	[tilespmem:s29+$0xE350] =	vst v14;
	v11 =	vmul.f32 v11, v7;
	v61 =	vld [tilespmem:s29+$0xE740]  }
0x282: {  	v62 =	vld [tilespmem:s29+$0xE750];
	[tilespmem:s29+$0xE360] =	vst v13;
	v10 =	vmul.f32 v10, v7  }
0x283: {  	[tilespmem:s29+$0xE370] =	vst v11;
	v8 =	vmul.f32 v8, v7  }
0x284: {  	[tilespmem:s29+$0xE700] =	vst v10;
	v9 =	vmul.f32 v9, v7  }
0x285: {  	[tilespmem:s29+$0xE710] =	vst v8;
	v8 =	vmul.f32 v12, v7  }
0x286: {  	[tilespmem:s29+$0xE720] =	vst v9;
	v63 =	vmul.f32 v61, v7  }
0x287: {  	v7 =	vmul.f32 v62, v7;
	[tilespmem:s29+$0xE730] =	vst v8  }
0x288: {  	[tilespmem:s29+$0xE740] =	vst v63  }
0x289: {  	s28 =	sadd.s32 $0x1, s28;
	[tilespmem:s29+$0xE750] =	vst v7  }
0x28a: {  	[hbm4b:s17+s2] =	stream.linear.scatter [tilespmem:s22], [sflag:$0x4], $0xE000, $0x38;
	[tilespmem:$0x1C300] =	vst v63  }
0x28b: {  	p0 =	sne.s32 s28, s18;
	_ =	swait.ge [sflag:s24], $0xE000  }
.Ltmp12:
0x28c: {  	[sflag:s24] =	ssyncset.done $0x0;
	(pc) =	sbr.rel @p0 .LBB2_1-.Ltmp12, $4  }
0x28d: {  	[sflag:s24] =	ssyncadd.s32 $0xFFFF2000  }
0x28e: {  	_ =	swait.ge [sflag:s26], $0xE000  }
0x28f: {  	[sflag:s26] =	ssyncset.done $0x0  }
0x290: {  	[sflag:s26] =	ssyncadd.s32 $0xFFFF2000  }
0x291: {  	_ =	sfence.sel $0x180000  }
0x292: {  	[bflag:$0x0] =	sbarrier.arrive $0xFFFF  }
0x293: {  	_ =	strace $0x90000047  }
0x294: {  	s0 =	stileid.u32;
	[bflag:$0x2] =	sbarrier.arrive $0xFFFF  }
0x295: {  	p0 =	sne.s32 s0, $0x0;
	s0 =	rddreg [dreg:$0x2]  }
0x296: {  	s0 =	sadd.s32 @!p0 $0x100000, s0  }
0x297: {  	[sflag:s0] =	ssyncadd.tile.s32 @!p0 $0x1;
	_ =	shalt  }
.Lfunc_end2:
_tile_overlayer_lowered:
.L_overlay_start_2:
0x298: {  	(tag) =	ssettag $0x2  }
0x299: {  	s0 =	rddreg [dreg:$0x0];
	s2 =	stileid.u32  }
0x29a: {  	s1 =	rddreg [dreg:$0x1];
	p0 =	sne.s32 s2, $0x0  }
0x29b: {  	s3 =	rddreg [dreg:$0x2];
	[bflag:$0x3] =	sbarrier.arrive $0xFFFF;
	s2 =	simm.s32 @!p0 $0x1C05  }
0x29c: {  	[timem:s3], [sflag:s2] =	dma.local @!p0 [hbm:s0], s1  }
0x29d: {  	s0 =	simm.s32 @!p0 $0x5  }
0x29e: {  	_ =	swait.ge @!p0 [sflag:s0], s1  }
0x29f: {  	s1 =	ssub.s32 @!p0 $0x0, s1;
	[sflag:s0] =	ssyncset.done @!p0 $0x0  }
0x2a0: {  	[sflag:s0] =	ssyncadd.s32 @!p0 s1  }
0x2a1: {  	[bflag:$0x3] =	sbarrier.arrive $0xFFFF  }
0x2a2: {  	_ =	shalt  }

</sc_bundles>
